<compile_context>
chip_gen: v7x
topology: tpu7x:2x2x1
jax: 0.10.2.dev20260603
libtpu: 0.0.44.dev20260713+nightly
codegen_flags: <defaults>
</compile_context>

<pallas_src>
import functools

import jax
import jax.numpy as jnp
from jax import lax
from jax.experimental import pallas as pl
from jax.experimental.pallas import tpu as pltpu
from jax.experimental.pallas import tpu_sc as plsc

N = 10000
D = 128
G = 128
O = 64
E = 320000

NC = 2
NS = 16
CHUNK = 96
CPT = 106
EPAD = NC * NS * CPT * CHUNK
NPAD = 10240
RPT = NPAD // NS

_mesh = plsc.VectorSubcoreMesh(core_axis_name="c", subcore_axis_name="s")


def _zero_vmem2d(ref, rows, cols):
    def body(i, _):
        for j in range(cols // 16):
            ref[i, pl.ds(j * 16, 16)] = jnp.zeros((16,), jnp.float32)
        return 0
    lax.fori_loop(0, rows, body, 0)


def _unpack(comb, j, iu, dst_only=False):
    for k in range(CHUNK // 16):
        v = comb[j, pl.ds(k * 16, 16)]
        if not dst_only:
            iu[0, pl.ds(k * 16, 16)] = v & jnp.int32(0xFFFF)
        iu[1, pl.ds(k * 16, 16)] = lax.shift_right_logical(v, 16)


@functools.partial(
    pl.kernel,
    out_type=jax.ShapeDtypeStruct((NC, NPAD), jnp.float32),
    mesh=_mesh,
    scratch_types=[
        pltpu.VMEM_SHARED((NPAD,), jnp.float32),
        pltpu.VMEM((CPT, CHUNK), jnp.int32),
        pltpu.VMEM((2, CHUNK), jnp.int32),
        pltpu.VMEM((CHUNK,), jnp.float32),
        pltpu.VMEM((RPT,), jnp.float32),
    ],
)
def _deg_kernel(comb_t, degp, deg_sh, comb_v, iu, ones_v, zv):
    c = lax.axis_index("c")
    s = lax.axis_index("s")
    pltpu.sync_copy(comb_t.at[c, s], comb_v)

    def zbody(i, _):
        zv[pl.ds(i * 16, 16)] = jnp.zeros((16,), jnp.float32)
        return 0
    lax.fori_loop(0, RPT // 16, zbody, 0)

    def obody(i, _):
        ones_v[pl.ds(i * 16, 16)] = jnp.ones((16,), jnp.float32)
        return 0
    lax.fori_loop(0, CHUNK // 16, obody, 0)

    pltpu.sync_copy(zv, deg_sh.at[pl.ds(s * RPT, RPT)])
    plsc.subcore_barrier()

    def sbody(j, _):
        _unpack(comb_v, j, iu, dst_only=True)
        pltpu.sync_copy(ones_v, deg_sh.at[iu.at[1]], add=True)
        return 0
    lax.fori_loop(0, CPT, sbody, 0)

    plsc.subcore_barrier()
    pltpu.sync_copy(deg_sh.at[pl.ds(s * RPT, RPT)], degp.at[c, pl.ds(s * RPT, RPT)])


@functools.partial(
    pl.kernel,
    out_type=jax.ShapeDtypeStruct((NC, NPAD, D), jnp.float32),
    mesh=_mesh,
    scratch_types=[
        pltpu.VMEM_SHARED((NPAD, D), jnp.float32),
        pltpu.VMEM((CPT, CHUNK), jnp.int32),
        pltpu.VMEM((2, CHUNK), jnp.int32),
        pltpu.VMEM((2, CHUNK), jnp.int32),
        pltpu.VMEM((CHUNK, D), jnp.float32),
        pltpu.VMEM((CHUNK, D), jnp.float32),
        pltpu.SemaphoreType.DMA,
        pltpu.SemaphoreType.DMA,
    ],
)
def _edge_kernel(xws, comb_t, accp,
                 acc_sh, comb_v, iu0, iu1, rows0, rows1, gsem0, gsem1):
    c = lax.axis_index("c")
    s = lax.axis_index("s")
    pltpu.sync_copy(comb_t.at[c, s], comb_v)

    _zero_vmem2d(rows0, 64, D)
    for r in range(RPT // 64):
        pltpu.sync_copy(rows0.at[pl.ds(0, 64)],
                        acc_sh.at[pl.ds(s * RPT + r * 64, 64)])
    plsc.subcore_barrier()

    def _drain(sem, buf):
        pltpu.make_async_copy(xws.at[pl.ds(0, CHUNK)], buf, sem).wait()

    _unpack(comb_v, 0, iu0)
    pltpu.async_copy(xws.at[iu0.at[0]], rows0, gsem0)

    def body(i, _):
        j0 = 2 * i
        j1 = j0 + 1
        _unpack(comb_v, j1, iu1)
        pltpu.async_copy(xws.at[iu1.at[0]], rows1, gsem1)
        _drain(gsem0, rows0)
        pltpu.sync_copy(rows0, acc_sh.at[iu0.at[1]], add=True)

        @pl.when(i < CPT // 2 - 1)
        def _():
            _unpack(comb_v, j0 + 2, iu0)
            pltpu.async_copy(xws.at[iu0.at[0]], rows0, gsem0)

        _drain(gsem1, rows1)
        pltpu.sync_copy(rows1, acc_sh.at[iu1.at[1]], add=True)
        return 0

    lax.fori_loop(0, CPT // 2, body, 0)

    plsc.subcore_barrier()
    pltpu.sync_copy(acc_sh.at[pl.ds(s * RPT, RPT)],
                    accp.at[c, pl.ds(s * RPT, RPT)])


BLK = 1024
_NBLK = NPAD // BLK


def _pre_body(x_ref, w_ref, d0_ref, d1_ref, xws_ref, dinv_ref):
    dinv = lax.rsqrt(d0_ref[...] + d1_ref[...] + 1.0)
    xw = jnp.dot(x_ref[...], w_ref[...], preferred_element_type=jnp.float32)
    xws_ref[...] = xw * dinv
    dinv_ref[...] = dinv


def _mid_body(a0_ref, a1_ref, xws_ref, dinv_ref, w_ref, out_ref):
    dinv = dinv_ref[...]
    h = jnp.maximum((a0_ref[...] + a1_ref[...] + xws_ref[...]) * dinv, 0.0)
    out_ref[...] = jnp.dot(h, w_ref[...], preferred_element_type=jnp.float32) * dinv


def _pool_body(a0_ref, a1_ref, xws_ref, dinv_ref, b_ref, out_ref, pool_acc):
    i = pl.program_id(0)
    h = jnp.maximum((a0_ref[...] + a1_ref[...] + xws_ref[...]) * dinv_ref[...], 0.0)
    oh = (b_ref[...] == lax.broadcasted_iota(jnp.int32, (1, G), 1)).astype(jnp.float32)
    p = lax.dot_general(oh, h, (((0,), (0,)), ((), ())),
                        preferred_element_type=jnp.float32, precision=lax.Precision.HIGHEST)

    @pl.when(i == 0)
    def _():
        pool_acc[...] = p

    @pl.when(i > 0)
    def _():
        pool_acc[...] = pool_acc[...] + p

    @pl.when(i == _NBLK - 1)
    def _():
        out_ref[...] = pool_acc[...]


def _mlp_body(pool_ref, b_ref, w1_ref, b1_ref, g_ref, be_ref, w2_ref, b2_ref,
              log_ref, sig_ref, last_ref):
    eq = (b_ref[...] == lax.broadcasted_iota(jnp.int32, (1, G), 1)).astype(jnp.float32)
    cnt = lax.dot_general(eq, jnp.ones((NPAD, 1), jnp.float32),
                          (((0,), (0,)), ((), ())),
                          preferred_element_type=jnp.float32, precision=lax.Precision.HIGHEST)
    g = pool_ref[...] / jnp.maximum(cnt, 1.0)
    m = jnp.dot(g, w1_ref[...], preferred_element_type=jnp.float32) + b1_ref[...]
    mu = jnp.mean(m, axis=0, keepdims=True)
    var = jnp.mean((m - mu) ** 2, axis=0, keepdims=True)
    m = (m - mu) / jnp.sqrt(var + 1e-5) * g_ref[...] + be_ref[...]
    m = jnp.maximum(m, 0.0)
    out = jnp.dot(m, w2_ref[...], preferred_element_type=jnp.float32) + b2_ref[...]
    xmax = jnp.max(out, axis=-1, keepdims=True)
    ex = jnp.exp(out - xmax)
    lse = jnp.log(jnp.sum(ex, axis=-1, keepdims=True)) + xmax
    log_ref[...] = out - lse
    sig_ref[...] = 1.0 / (1.0 + jnp.exp(-out))
    last_ref[...] = out


def _blk(i):
    return (i, 0)


def _fix(i):
    return (0, 0)


_f32 = jnp.float32


def _pre_call(x_pad, W0, d0, d1):
    return pl.pallas_call(
        _pre_body,
        grid=(_NBLK,),
        in_specs=[
            pl.BlockSpec((BLK, D), _blk),
            pl.BlockSpec((D, D), _fix),
            pl.BlockSpec((BLK, 1), _blk),
            pl.BlockSpec((BLK, 1), _blk),
        ],
        out_specs=[pl.BlockSpec((BLK, D), _blk), pl.BlockSpec((BLK, 1), _blk)],
        out_shape=[jax.ShapeDtypeStruct((NPAD, D), _f32),
                   jax.ShapeDtypeStruct((NPAD, 1), _f32)],
    )(x_pad, W0, d0, d1)


def _mid_call(a0, a1, xws, dinv, W):
    return pl.pallas_call(
        _mid_body,
        grid=(_NBLK,),
        in_specs=[
            pl.BlockSpec((BLK, D), _blk),
            pl.BlockSpec((BLK, D), _blk),
            pl.BlockSpec((BLK, D), _blk),
            pl.BlockSpec((BLK, 1), _blk),
            pl.BlockSpec((D, D), _fix),
        ],
        out_specs=pl.BlockSpec((BLK, D), _blk),
        out_shape=jax.ShapeDtypeStruct((NPAD, D), _f32),
    )(a0, a1, xws, dinv, W)


def _pool_call(a0, a1, xws, dinv, batch_pad):
    return pl.pallas_call(
        _pool_body,
        grid=(_NBLK,),
        in_specs=[
            pl.BlockSpec((BLK, D), _blk),
            pl.BlockSpec((BLK, D), _blk),
            pl.BlockSpec((BLK, D), _blk),
            pl.BlockSpec((BLK, 1), _blk),
            pl.BlockSpec((BLK, 1), _blk),
        ],
        out_specs=pl.BlockSpec((G, D), _fix),
        out_shape=jax.ShapeDtypeStruct((G, D), _f32),
        scratch_shapes=[pltpu.VMEM((G, D), _f32)],
    )(a0, a1, xws, dinv, batch_pad)


def _mlp_call(pool, batch_pad, lin1_W, lin1_b, bn_gamma, bn_beta, lin2_W, lin2_b):
    full = lambda s: pl.BlockSpec(s, _fix)
    return pl.pallas_call(
        _mlp_body,
        grid=(1,),
        in_specs=[
            full((G, D)), full((NPAD, 1)), full((D, D)), full((1, D)),
            full((1, D)), full((1, D)), full((D, O)), full((1, O)),
        ],
        out_specs=[full((G, O)), full((G, O)), full((G, O))],
        out_shape=[jax.ShapeDtypeStruct((G, O), _f32)] * 3,
    )(pool, batch_pad, lin1_W, lin1_b, bn_gamma, bn_beta, lin2_W, lin2_b)


def kernel(x, edge_index, edge_weight, batch, W0, W1, W2,
           lin1_W, lin1_b, bn_gamma, bn_beta, lin2_W, lin2_b):
    del edge_weight
    i32 = jnp.int32
    pad_e = jnp.full((EPAD - E,), N, dtype=i32)
    src_p = jnp.concatenate([edge_index[0], pad_e])
    dst_p = jnp.concatenate([edge_index[1], pad_e])
    comb_t = (src_p | (dst_p << 16)).reshape(NC, NS, CPT, CHUNK)
    x_pad = jnp.concatenate([x, jnp.zeros((NPAD - N, D), _f32)], axis=0)
    batch_pad = jnp.concatenate([batch, jnp.full((NPAD - N,), G, dtype=i32)])
    batch_pad = batch_pad.reshape(NPAD, 1)

    degp = _deg_kernel(comb_t)
    d0 = degp[0].reshape(NPAD, 1)
    d1 = degp[1].reshape(NPAD, 1)

    xws, dinv = _pre_call(x_pad, W0, d0, d1)

    accp = _edge_kernel(xws, comb_t)
    xws = _mid_call(accp[0], accp[1], xws, dinv, W1)

    accp = _edge_kernel(xws, comb_t)
    xws = _mid_call(accp[0], accp[1], xws, dinv, W2)

    accp = _edge_kernel(xws, comb_t)
    pool = _pool_call(accp[0], accp[1], xws, dinv, batch_pad)

    x_log, x_sig, last = _mlp_call(
        pool, batch_pad, lin1_W, lin1_b.reshape(1, D), bn_gamma.reshape(1, D),
        bn_beta.reshape(1, D), lin2_W, lin2_b.reshape(1, O))
    return (x_log, x_sig, last)

# --- scband reference (transcript-rebuilt; emitter-appended) ---
"""Pipeline reference for scband-gcn-30580167148117 (READ-ONLY COPY).

The authoritative reference and input builder live on the scoring server;
editing this copy changes nothing except your own understanding.
"""

import jax, jax.numpy as jnp
import numpy as np

N = 10000
E = 320000
D = 128
H = 128
O = 64
G = 128


def setup_inputs(seed: int = 0) -> dict:
    key = jax.random.key(seed)
    ks = jax.random.split(key, 16)
    x = jax.random.normal(ks[0], (N, D), dtype=jnp.float32)
    edge_index = jax.random.randint(ks[1], (2, E), 0, N, dtype=jnp.int32)
    edge_weight = jax.random.uniform(ks[2], (E,), dtype=jnp.float32)
    batch = jnp.sort(jax.random.randint(ks[3], (N,), 0, G, dtype=jnp.int32))
    # GCNConv weights (bias=False), glorot-ish init
    W0 = jax.random.normal(ks[4], (D, H), dtype=jnp.float32) * (1.0 / np.sqrt(D))
    W1 = jax.random.normal(ks[5], (H, H), dtype=jnp.float32) * (1.0 / np.sqrt(H))
    W2 = jax.random.normal(ks[6], (H, H), dtype=jnp.float32) * (1.0 / np.sqrt(H))
    # MLP([H, H, O]) params: lin1 + batchnorm + relu, then plain lin2
    lin1_W = jax.random.normal(ks[7], (H, H), dtype=jnp.float32) * (1.0 / np.sqrt(H))
    lin1_b = jnp.zeros((H,), dtype=jnp.float32)
    bn_gamma = jnp.ones((H,), dtype=jnp.float32)
    bn_beta = jnp.zeros((H,), dtype=jnp.float32)
    lin2_W = jax.random.normal(ks[8], (H, O), dtype=jnp.float32) * (1.0 / np.sqrt(H))
    lin2_b = jnp.zeros((O,), dtype=jnp.float32)
    return {"x": x, "edge_index": edge_index, "edge_weight": edge_weight, "batch": batch,
            "W0": W0, "W1": W1, "W2": W2,
            "lin1_W": lin1_W, "lin1_b": lin1_b, "bn_gamma": bn_gamma, "bn_beta": bn_beta,
            "lin2_W": lin2_W, "lin2_b": lin2_b}


def _gcn_conv(x, edge_index, W):
    # GCNConv with add_self_loops=True, symmetric normalization, bias=False,
    # edge_weight=None (the module explicitly passes edge_weight=None).
    n = x.shape[0]
    src = edge_index[0]
    dst = edge_index[1]
    loop = jnp.arange(n, dtype=src.dtype)
    src2 = jnp.concatenate([src, loop])
    dst2 = jnp.concatenate([dst, loop])
    deg = jnp.zeros((n,), dtype=x.dtype).at[dst2].add(1.0)
    dinv = jnp.where(deg > 0, deg ** -0.5, 0.0)
    norm = dinv[src2] * dinv[dst2]
    xw = x @ W
    msg = jnp.take(xw, src2, axis=0) * norm[:, None]
    out = jax.ops.segment_sum(msg, dst2, num_segments=n)
    return out


def _global_mean_pool(x, batch, num_graphs):
    sums = jax.ops.segment_sum(x, batch, num_segments=num_graphs)
    cnt = jax.ops.segment_sum(jnp.ones((x.shape[0],), dtype=x.dtype), batch, num_segments=num_graphs)
    return sums / jnp.maximum(cnt, 1.0)[:, None]


def reference(x, edge_index, edge_weight, batch, W0, W1, W2, lin1_W, lin1_b, bn_gamma, bn_beta, lin2_W, lin2_b):
    h = x
    for W in (W0, W1, W2):
        h = _gcn_conv(h, edge_index, W)
        h = jax.nn.relu(h)
    g = _global_mean_pool(h, batch, G)
    # MLP: lin1 -> batch_norm (batch stats) -> relu -> (dropout: identity) -> lin2
    m = g @ lin1_W + lin1_b
    mu = jnp.mean(m, axis=0)
    var = jnp.var(m, axis=0)
    m = (m - mu) / jnp.sqrt(var + 1e-5) * bn_gamma + bn_beta
    m = jax.nn.relu(m)
    out = m @ lin2_W + lin2_b
    last = out
    x_log = jax.nn.log_softmax(out, axis=-1)
    x_sig = jax.nn.sigmoid(out)
    return (x_log, x_sig, last)

if __name__ == "__main__":
    import jax
    _d = setup_inputs()
    print(jax.jit(kernel)(*tuple(_d.values())))

</pallas_src>

<mosaic_0001>
#map = affine_map<(d0, d1) -> (0, 0)>
#map1 = affine_map<(d0, d1) -> (0, 0, 0, 0)>
#map2 = affine_map<(d0, d1) -> (0, 0, 0)>
module attributes {stable_mosaic.version = 14 : i64} {
  func.func @_edge_kernel(%arg0: i32, %arg1: i32, %arg2: memref<10240x128xf32, #tpu.memory_space<hbm>>, %arg3: memref<2x16x106x96xi32, #tpu.memory_space<hbm>>, %arg4: memref<2x10240x128xf32, #tpu.memory_space<hbm>>, %arg5: memref<10240x128xf32, #tpu.memory_space<vmem_shared>>, %arg6: memref<106x96xi32, #tpu.memory_space<vmem>>, %arg7: memref<2x96xi32, #tpu.memory_space<vmem>>, %arg8: memref<2x96xi32, #tpu.memory_space<vmem>>, %arg9: memref<96x128xf32, #tpu.memory_space<vmem>>, %arg10: memref<96x128xf32, #tpu.memory_space<vmem>>, %arg11: memref<!tpu.dma_semaphore, #tpu.memory_space<semaphore_mem>>, %arg12: memref<!tpu.dma_semaphore, #tpu.memory_space<semaphore_mem>>) attributes {dimension_semantics = [#tpu.dimension_semantics<core_parallel>, #tpu.dimension_semantics<subcore_parallel>], iteration_bounds = array<i64: 2, 16>, scalar_prefetch = 0 : i64, scratch_operands = 8 : i64, tpu.core_type = #tpu.core_type<sc_vector_subcore>, window_params = [{transform_indices = #map}, {transform_indices = #map1}, {transform_indices = #map2}]} {
    "tpu.region"() ({
      %run_scoped3A = tpu.sem_alloc : memref<!tpu.dma_semaphore, #tpu.memory_space<semaphore_mem>>
      %dma_start3A_196 = arith.constant 0 : i32
      %dma_start3A_197 = arith.constant 0 : i32
      %dma_start3A_198 = tpu.memref_slice %arg3[%arg0, %arg1, %dma_start3A_196, %dma_start3A_197] : memref<2x16x106x96xi32, #tpu.memory_space<hbm>> -> memref<1x1x106x96xi32, #tpu.memory_space<hbm>>
      %dma_start3A_199 = tpu.memref_squeeze %dma_start3A_198 : memref<1x1x106x96xi32, #tpu.memory_space<hbm>> -> memref<106x96xi32, #tpu.memory_space<hbm>>
      %dma_start3A_200 = arith.constant 0 : i32
      %dma_start3A_201 = arith.constant 0 : i32
      %dma_start3A_202 = tpu.memref_slice %arg3[%arg0, %arg1, %dma_start3A_200, %dma_start3A_201] : memref<2x16x106x96xi32, #tpu.memory_space<hbm>> -> memref<1x1x106x96xi32, #tpu.memory_space<hbm>>
      %dma_start3A_203 = tpu.memref_squeeze %dma_start3A_202 : memref<1x1x106x96xi32, #tpu.memory_space<hbm>> -> memref<106x96xi32, #tpu.memory_space<hbm>>
      tpu.enqueue_dma source(%dma_start3A_203 : memref<106x96xi32, #tpu.memory_space<hbm>>) target(%arg6 : memref<106x96xi32, #tpu.memory_space<vmem>>) target_semaphore(%run_scoped3A : memref<!tpu.dma_semaphore, #tpu.memory_space<semaphore_mem>>)
      %dma_wait3A = arith.constant 0 : i32
      %dma_wait3A_204 = arith.constant 0 : i32
      %dma_wait3A_205 = tpu.memref_slice %arg3[%arg0, %arg1, %dma_wait3A, %dma_wait3A_204] : memref<2x16x106x96xi32, #tpu.memory_space<hbm>> -> memref<1x1x106x96xi32, #tpu.memory_space<hbm>>
      %dma_wait3A_206 = tpu.memref_squeeze %dma_wait3A_205 : memref<1x1x106x96xi32, #tpu.memory_space<hbm>> -> memref<106x96xi32, #tpu.memory_space<hbm>>
      %dma_wait3A_207 = arith.constant 0 : i32
      %dma_wait3A_208 = arith.constant 0 : i32
      %dma_wait3A_209 = tpu.memref_slice %arg3[%arg0, %arg1, %dma_wait3A_207, %dma_wait3A_208] : memref<2x16x106x96xi32, #tpu.memory_space<hbm>> -> memref<1x1x106x96xi32, #tpu.memory_space<hbm>>
      %dma_wait3A_210 = tpu.memref_squeeze %dma_wait3A_209 : memref<1x1x106x96xi32, #tpu.memory_space<hbm>> -> memref<106x96xi32, #tpu.memory_space<hbm>>
      tpu.wait_dma2 semaphore(%run_scoped3A : memref<!tpu.dma_semaphore, #tpu.memory_space<semaphore_mem>>) src(%dma_wait3A_210 : memref<106x96xi32, #tpu.memory_space<hbm>>) dst(%arg6 : memref<106x96xi32, #tpu.memory_space<vmem>>)
      tpu.yield
    }) : () -> ()
    %scan3A = arith.constant 0 : i32
    %scan3A_0 = arith.constant 0 : i32
    %scan3A_1 = arith.constant 64 : i32
    %scan3A_2 = arith.addi %scan3A_0, %scan3A_1 : i32
    %scan3A_3 = arith.constant 1 : i32
    %scan3A_4 = scf.for %scan3A_196 = %scan3A_0 to %scan3A_2 step %scan3A_3 iter_args(%scan3A_197 = %scan3A) -> (i32)  : i32 {
      %broadcast_in_dim3A = arith.constant 0.000000e+00 : f32
      %broadcast_in_dim3A_198 = vector.broadcast %broadcast_in_dim3A : f32 to vector<16xf32>
      %swap3A_199 = arith.index_cast %scan3A_196 : i32 to index
      %swap3A_200 = arith.constant 0 : index
      %swap3A_201 = tpu.vector_load %arg9[%swap3A_199, %swap3A_200] {strides = array<i32>} : memref<96x128xf32, #tpu.memory_space<vmem>>, vector<1x16xf32>,
      %swap3A_202 = vector.shape_cast %swap3A_201 : vector<1x16xf32> to vector<16xf32>
      %swap3A_203 = vector.shape_cast %broadcast_in_dim3A_198 : vector<16xf32> to vector<1x16xf32>
      tpu.vector_store %arg9[%swap3A_199, %swap3A_200], %swap3A_203 {strides = array<i32>} : memref<96x128xf32, #tpu.memory_space<vmem>>, vector<1x16xf32>,
      %broadcast_in_dim3A_204 = arith.constant 0.000000e+00 : f32
      %broadcast_in_dim3A_205 = vector.broadcast %broadcast_in_dim3A_204 : f32 to vector<16xf32>
      %swap3A_206 = arith.index_cast %scan3A_196 : i32 to index
      %swap3A_207 = arith.constant 16 : index
      %swap3A_208 = tpu.vector_load %arg9[%swap3A_206, %swap3A_207] {strides = array<i32>} : memref<96x128xf32, #tpu.memory_space<vmem>>, vector<1x16xf32>,
      %swap3A_209 = vector.shape_cast %swap3A_208 : vector<1x16xf32> to vector<16xf32>
      %swap3A_210 = vector.shape_cast %broadcast_in_dim3A_205 : vector<16xf32> to vector<1x16xf32>
      tpu.vector_store %arg9[%swap3A_206, %swap3A_207], %swap3A_210 {strides = array<i32>} : memref<96x128xf32, #tpu.memory_space<vmem>>, vector<1x16xf32>,
      %broadcast_in_dim3A_211 = arith.constant 0.000000e+00 : f32
      %broadcast_in_dim3A_212 = vector.broadcast %broadcast_in_dim3A_211 : f32 to vector<16xf32>
      %swap3A_213 = arith.index_cast %scan3A_196 : i32 to index
      %swap3A_214 = arith.constant 32 : index
      %swap3A_215 = tpu.vector_load %arg9[%swap3A_213, %swap3A_214] {strides = array<i32>} : memref<96x128xf32, #tpu.memory_space<vmem>>, vector<1x16xf32>,
      %swap3A_216 = vector.shape_cast %swap3A_215 : vector<1x16xf32> to vector<16xf32>
      %swap3A_217 = vector.shape_cast %broadcast_in_dim3A_212 : vector<16xf32> to vector<1x16xf32>
      tpu.vector_store %arg9[%swap3A_213, %swap3A_214], %swap3A_217 {strides = array<i32>} : memref<96x128xf32, #tpu.memory_space<vmem>>, vector<1x16xf32>,
      %broadcast_in_dim3A_218 = arith.constant 0.000000e+00 : f32
      %broadcast_in_dim3A_219 = vector.broadcast %broadcast_in_dim3A_218 : f32 to vector<16xf32>
      %swap3A_220 = arith.index_cast %scan3A_196 : i32 to index
      %swap3A_221 = arith.constant 48 : index
      %swap3A_222 = tpu.vector_load %arg9[%swap3A_220, %swap3A_221] {strides = array<i32>} : memref<96x128xf32, #tpu.memory_space<vmem>>, vector<1x16xf32>,
      %swap3A_223 = vector.shape_cast %swap3A_222 : vector<1x16xf32> to vector<16xf32>
      %swap3A_224 = vector.shape_cast %broadcast_in_dim3A_219 : vector<16xf32> to vector<1x16xf32>
      tpu.vector_store %arg9[%swap3A_220, %swap3A_221], %swap3A_224 {strides = array<i32>} : memref<96x128xf32, #tpu.memory_space<vmem>>, vector<1x16xf32>,
      %broadcast_in_dim3A_225 = arith.constant 0.000000e+00 : f32
      %broadcast_in_dim3A_226 = vector.broadcast %broadcast_in_dim3A_225 : f32 to vector<16xf32>
      %swap3A_227 = arith.index_cast %scan3A_196 : i32 to index
      %swap3A_228 = arith.constant 64 : index
      %swap3A_229 = tpu.vector_load %arg9[%swap3A_227, %swap3A_228] {strides = array<i32>} : memref<96x128xf32, #tpu.memory_space<vmem>>, vector<1x16xf32>,
      %swap3A_230 = vector.shape_cast %swap3A_229 : vector<1x16xf32> to vector<16xf32>
      %swap3A_231 = vector.shape_cast %broadcast_in_dim3A_226 : vector<16xf32> to vector<1x16xf32>
      tpu.vector_store %arg9[%swap3A_227, %swap3A_228], %swap3A_231 {strides = array<i32>} : memref<96x128xf32, #tpu.memory_space<vmem>>, vector<1x16xf32>,
      %broadcast_in_dim3A_232 = arith.constant 0.000000e+00 : f32
      %broadcast_in_dim3A_233 = vector.broadcast %broadcast_in_dim3A_232 : f32 to vector<16xf32>
      %swap3A_234 = arith.index_cast %scan3A_196 : i32 to index
      %swap3A_235 = arith.constant 80 : index
      %swap3A_236 = tpu.vector_load %arg9[%swap3A_234, %swap3A_235] {strides = array<i32>} : memref<96x128xf32, #tpu.memory_space<vmem>>, vector<1x16xf32>,
      %swap3A_237 = vector.shape_cast %swap3A_236 : vector<1x16xf32> to vector<16xf32>
      %swap3A_238 = vector.shape_cast %broadcast_in_dim3A_233 : vector<16xf32> to vector<1x16xf32>
      tpu.vector_store %arg9[%swap3A_234, %swap3A_235], %swap3A_238 {strides = array<i32>} : memref<96x128xf32, #tpu.memory_space<vmem>>, vector<1x16xf32>,
      %broadcast_in_dim3A_239 = arith.constant 0.000000e+00 : f32
      %broadcast_in_dim3A_240 = vector.broadcast %broadcast_in_dim3A_239 : f32 to vector<16xf32>
      %swap3A_241 = arith.index_cast %scan3A_196 : i32 to index
      %swap3A_242 = arith.constant 96 : index
      %swap3A_243 = tpu.vector_load %arg9[%swap3A_241, %swap3A_242] {strides = array<i32>} : memref<96x128xf32, #tpu.memory_space<vmem>>, vector<1x16xf32>,
      %swap3A_244 = vector.shape_cast %swap3A_243 : vector<1x16xf32> to vector<16xf32>
      %swap3A_245 = vector.shape_cast %broadcast_in_dim3A_240 : vector<16xf32> to vector<1x16xf32>
      tpu.vector_store %arg9[%swap3A_241, %swap3A_242], %swap3A_245 {strides = array<i32>} : memref<96x128xf32, #tpu.memory_space<vmem>>, vector<1x16xf32>,
      %broadcast_in_dim3A_246 = arith.constant 0.000000e+00 : f32
      %broadcast_in_dim3A_247 = vector.broadcast %broadcast_in_dim3A_246 : f32 to vector<16xf32>
      %swap3A_248 = arith.index_cast %scan3A_196 : i32 to index
      %swap3A_249 = arith.constant 112 : index
      %swap3A_250 = tpu.vector_load %arg9[%swap3A_248, %swap3A_249] {strides = array<i32>} : memref<96x128xf32, #tpu.memory_space<vmem>>, vector<1x16xf32>,
      %swap3A_251 = vector.shape_cast %swap3A_250 : vector<1x16xf32> to vector<16xf32>
      %swap3A_252 = vector.shape_cast %broadcast_in_dim3A_247 : vector<16xf32> to vector<1x16xf32>
      tpu.vector_store %arg9[%swap3A_248, %swap3A_249], %swap3A_252 {strides = array<i32>} : memref<96x128xf32, #tpu.memory_space<vmem>>, vector<1x16xf32>,
      %scan3A_253 = arith.constant 0 : i32
      scf.yield %scan3A_253 : i32
    }
    %scan3A_5 = arith.constant 64 : i32
    %mul3A = arith.constant 640 : i32
    %mul3A_6 = arith.muli %arg1, %mul3A : i32
    %add3A = arith.constant 0 : i32
    %add3A_7 = arith.addi %mul3A_6, %add3A : i32
    "tpu.region"() ({
      %run_scoped3A = tpu.sem_alloc : memref<!tpu.dma_semaphore, #tpu.memory_space<semaphore_mem>>
      %dma_start3A_196 = arith.constant 0 : i32
      %dma_start3A_197 = arith.constant 0 : i32
      %dma_start3A_198 = tpu.memref_slice %arg9[%dma_start3A_196, %dma_start3A_197] : memref<96x128xf32, #tpu.memory_space<vmem>> -> memref<64x128xf32, #tpu.memory_space<vmem>>
      %dma_start3A_199 = arith.constant 0 : i32
      %dma_start3A_200 = tpu.memref_slice %arg5[%add3A_7, %dma_start3A_199] : memref<10240x128xf32, #tpu.memory_space<vmem_shared>> -> memref<64x128xf32, #tpu.memory_space<vmem_shared>>
      %dma_start3A_201 = arith.constant 0 : i32
      %dma_start3A_202 = tpu.memref_slice %arg5[%add3A_7, %dma_start3A_201] : memref<10240x128xf32, #tpu.memory_space<vmem_shared>> -> memref<64x128xf32, #tpu.memory_space<vmem_shared>>
      %dma_start3A_203 = arith.constant 0 : i32
      %dma_start3A_204 = arith.constant 0 : i32
      %dma_start3A_205 = tpu.memref_slice %arg9[%dma_start3A_203, %dma_start3A_204] : memref<96x128xf32, #tpu.memory_space<vmem>> -> memref<64x128xf32, #tpu.memory_space<vmem>>
      tpu.enqueue_dma source(%dma_start3A_205 : memref<64x128xf32, #tpu.memory_space<vmem>>) target(%dma_start3A_202 : memref<64x128xf32, #tpu.memory_space<vmem_shared>>) target_semaphore(%run_scoped3A : memref<!tpu.dma_semaphore, #tpu.memory_space<semaphore_mem>>)
      %dma_wait3A = arith.constant 0 : i32
      %dma_wait3A_206 = arith.constant 0 : i32
      %dma_wait3A_207 = tpu.memref_slice %arg9[%dma_wait3A, %dma_wait3A_206] : memref<96x128xf32, #tpu.memory_space<vmem>> -> memref<64x128xf32, #tpu.memory_space<vmem>>
      %dma_wait3A_208 = arith.constant 0 : i32
      %dma_wait3A_209 = tpu.memref_slice %arg5[%add3A_7, %dma_wait3A_208] : memref<10240x128xf32, #tpu.memory_space<vmem_shared>> -> memref<64x128xf32, #tpu.memory_space<vmem_shared>>
      %dma_wait3A_210 = arith.constant 0 : i32
      %dma_wait3A_211 = tpu.memref_slice %arg5[%add3A_7, %dma_wait3A_210] : memref<10240x128xf32, #tpu.memory_space<vmem_shared>> -> memref<64x128xf32, #tpu.memory_space<vmem_shared>>
      %dma_wait3A_212 = arith.constant 0 : i32
      %dma_wait3A_213 = arith.constant 0 : i32
      %dma_wait3A_214 = tpu.memref_slice %arg9[%dma_wait3A_212, %dma_wait3A_213] : memref<96x128xf32, #tpu.memory_space<vmem>> -> memref<64x128xf32, #tpu.memory_space<vmem>>
      tpu.wait_dma2 semaphore(%run_scoped3A : memref<!tpu.dma_semaphore, #tpu.memory_space<semaphore_mem>>) src(%dma_wait3A_214 : memref<64x128xf32, #tpu.memory_space<vmem>>) dst(%dma_wait3A_211 : memref<64x128xf32, #tpu.memory_space<vmem_shared>>)
      tpu.yield
    }) : () -> ()
    %mul3A_8 = arith.constant 640 : i32
    %mul3A_9 = arith.muli %arg1, %mul3A_8 : i32
    %add3A_10 = arith.constant 64 : i32
    %add3A_11 = arith.addi %mul3A_9, %add3A_10 : i32
    "tpu.region"() ({
      %run_scoped3A = tpu.sem_alloc : memref<!tpu.dma_semaphore, #tpu.memory_space<semaphore_mem>>
      %dma_start3A_196 = arith.constant 0 : i32
      %dma_start3A_197 = arith.constant 0 : i32
      %dma_start3A_198 = tpu.memref_slice %arg9[%dma_start3A_196, %dma_start3A_197] : memref<96x128xf32, #tpu.memory_space<vmem>> -> memref<64x128xf32, #tpu.memory_space<vmem>>
      %dma_start3A_199 = arith.constant 0 : i32
      %dma_start3A_200 = tpu.memref_slice %arg5[%add3A_11, %dma_start3A_199] : memref<10240x128xf32, #tpu.memory_space<vmem_shared>> -> memref<64x128xf32, #tpu.memory_space<vmem_shared>>
      %dma_start3A_201 = arith.constant 0 : i32
      %dma_start3A_202 = tpu.memref_slice %arg5[%add3A_11, %dma_start3A_201] : memref<10240x128xf32, #tpu.memory_space<vmem_shared>> -> memref<64x128xf32, #tpu.memory_space<vmem_shared>>
      %dma_start3A_203 = arith.constant 0 : i32
      %dma_start3A_204 = arith.constant 0 : i32
      %dma_start3A_205 = tpu.memref_slice %arg9[%dma_start3A_203, %dma_start3A_204] : memref<96x128xf32, #tpu.memory_space<vmem>> -> memref<64x128xf32, #tpu.memory_space<vmem>>
      tpu.enqueue_dma source(%dma_start3A_205 : memref<64x128xf32, #tpu.memory_space<vmem>>) target(%dma_start3A_202 : memref<64x128xf32, #tpu.memory_space<vmem_shared>>) target_semaphore(%run_scoped3A : memref<!tpu.dma_semaphore, #tpu.memory_space<semaphore_mem>>)
      %dma_wait3A = arith.constant 0 : i32
      %dma_wait3A_206 = arith.constant 0 : i32
      %dma_wait3A_207 = tpu.memref_slice %arg9[%dma_wait3A, %dma_wait3A_206] : memref<96x128xf32, #tpu.memory_space<vmem>> -> memref<64x128xf32, #tpu.memory_space<vmem>>
      %dma_wait3A_208 = arith.constant 0 : i32
      %dma_wait3A_209 = tpu.memref_slice %arg5[%add3A_11, %dma_wait3A_208] : memref<10240x128xf32, #tpu.memory_space<vmem_shared>> -> memref<64x128xf32, #tpu.memory_space<vmem_shared>>
      %dma_wait3A_210 = arith.constant 0 : i32
      %dma_wait3A_211 = tpu.memref_slice %arg5[%add3A_11, %dma_wait3A_210] : memref<10240x128xf32, #tpu.memory_space<vmem_shared>> -> memref<64x128xf32, #tpu.memory_space<vmem_shared>>
      %dma_wait3A_212 = arith.constant 0 : i32
      %dma_wait3A_213 = arith.constant 0 : i32
      %dma_wait3A_214 = tpu.memref_slice %arg9[%dma_wait3A_212, %dma_wait3A_213] : memref<96x128xf32, #tpu.memory_space<vmem>> -> memref<64x128xf32, #tpu.memory_space<vmem>>
      tpu.wait_dma2 semaphore(%run_scoped3A : memref<!tpu.dma_semaphore, #tpu.memory_space<semaphore_mem>>) src(%dma_wait3A_214 : memref<64x128xf32, #tpu.memory_space<vmem>>) dst(%dma_wait3A_211 : memref<64x128xf32, #tpu.memory_space<vmem_shared>>)
      tpu.yield
    }) : () -> ()
    %mul3A_12 = arith.constant 640 : i32
    %mul3A_13 = arith.muli %arg1, %mul3A_12 : i32
    %add3A_14 = arith.constant 128 : i32
    %add3A_15 = arith.addi %mul3A_13, %add3A_14 : i32
    "tpu.region"() ({
      %run_scoped3A = tpu.sem_alloc : memref<!tpu.dma_semaphore, #tpu.memory_space<semaphore_mem>>
      %dma_start3A_196 = arith.constant 0 : i32
      %dma_start3A_197 = arith.constant 0 : i32
      %dma_start3A_198 = tpu.memref_slice %arg9[%dma_start3A_196, %dma_start3A_197] : memref<96x128xf32, #tpu.memory_space<vmem>> -> memref<64x128xf32, #tpu.memory_space<vmem>>
      %dma_start3A_199 = arith.constant 0 : i32
      %dma_start3A_200 = tpu.memref_slice %arg5[%add3A_15, %dma_start3A_199] : memref<10240x128xf32, #tpu.memory_space<vmem_shared>> -> memref<64x128xf32, #tpu.memory_space<vmem_shared>>
      %dma_start3A_201 = arith.constant 0 : i32
      %dma_start3A_202 = tpu.memref_slice %arg5[%add3A_15, %dma_start3A_201] : memref<10240x128xf32, #tpu.memory_space<vmem_shared>> -> memref<64x128xf32, #tpu.memory_space<vmem_shared>>
      %dma_start3A_203 = arith.constant 0 : i32
      %dma_start3A_204 = arith.constant 0 : i32
      %dma_start3A_205 = tpu.memref_slice %arg9[%dma_start3A_203, %dma_start3A_204] : memref<96x128xf32, #tpu.memory_space<vmem>> -> memref<64x128xf32, #tpu.memory_space<vmem>>
      tpu.enqueue_dma source(%dma_start3A_205 : memref<64x128xf32, #tpu.memory_space<vmem>>) target(%dma_start3A_202 : memref<64x128xf32, #tpu.memory_space<vmem_shared>>) target_semaphore(%run_scoped3A : memref<!tpu.dma_semaphore, #tpu.memory_space<semaphore_mem>>)
      %dma_wait3A = arith.constant 0 : i32
      %dma_wait3A_206 = arith.constant 0 : i32
      %dma_wait3A_207 = tpu.memref_slice %arg9[%dma_wait3A, %dma_wait3A_206] : memref<96x128xf32, #tpu.memory_space<vmem>> -> memref<64x128xf32, #tpu.memory_space<vmem>>
      %dma_wait3A_208 = arith.constant 0 : i32
      %dma_wait3A_209 = tpu.memref_slice %arg5[%add3A_15, %dma_wait3A_208] : memref<10240x128xf32, #tpu.memory_space<vmem_shared>> -> memref<64x128xf32, #tpu.memory_space<vmem_shared>>
      %dma_wait3A_210 = arith.constant 0 : i32
      %dma_wait3A_211 = tpu.memref_slice %arg5[%add3A_15, %dma_wait3A_210] : memref<10240x128xf32, #tpu.memory_space<vmem_shared>> -> memref<64x128xf32, #tpu.memory_space<vmem_shared>>
      %dma_wait3A_212 = arith.constant 0 : i32
      %dma_wait3A_213 = arith.constant 0 : i32
      %dma_wait3A_214 = tpu.memref_slice %arg9[%dma_wait3A_212, %dma_wait3A_213] : memref<96x128xf32, #tpu.memory_space<vmem>> -> memref<64x128xf32, #tpu.memory_space<vmem>>
      tpu.wait_dma2 semaphore(%run_scoped3A : memref<!tpu.dma_semaphore, #tpu.memory_space<semaphore_mem>>) src(%dma_wait3A_214 : memref<64x128xf32, #tpu.memory_space<vmem>>) dst(%dma_wait3A_211 : memref<64x128xf32, #tpu.memory_space<vmem_shared>>)
      tpu.yield
    }) : () -> ()
    %mul3A_16 = arith.constant 640 : i32
    %mul3A_17 = arith.muli %arg1, %mul3A_16 : i32
    %add3A_18 = arith.constant 192 : i32
    %add3A_19 = arith.addi %mul3A_17, %add3A_18 : i32
    "tpu.region"() ({
      %run_scoped3A = tpu.sem_alloc : memref<!tpu.dma_semaphore, #tpu.memory_space<semaphore_mem>>
      %dma_start3A_196 = arith.constant 0 : i32
      %dma_start3A_197 = arith.constant 0 : i32
      %dma_start3A_198 = tpu.memref_slice %arg9[%dma_start3A_196, %dma_start3A_197] : memref<96x128xf32, #tpu.memory_space<vmem>> -> memref<64x128xf32, #tpu.memory_space<vmem>>
      %dma_start3A_199 = arith.constant 0 : i32
      %dma_start3A_200 = tpu.memref_slice %arg5[%add3A_19, %dma_start3A_199] : memref<10240x128xf32, #tpu.memory_space<vmem_shared>> -> memref<64x128xf32, #tpu.memory_space<vmem_shared>>
      %dma_start3A_201 = arith.constant 0 : i32
      %dma_start3A_202 = tpu.memref_slice %arg5[%add3A_19, %dma_start3A_201] : memref<10240x128xf32, #tpu.memory_space<vmem_shared>> -> memref<64x128xf32, #tpu.memory_space<vmem_shared>>
      %dma_start3A_203 = arith.constant 0 : i32
      %dma_start3A_204 = arith.constant 0 : i32
      %dma_start3A_205 = tpu.memref_slice %arg9[%dma_start3A_203, %dma_start3A_204] : memref<96x128xf32, #tpu.memory_space<vmem>> -> memref<64x128xf32, #tpu.memory_space<vmem>>
      tpu.enqueue_dma source(%dma_start3A_205 : memref<64x128xf32, #tpu.memory_space<vmem>>) target(%dma_start3A_202 : memref<64x128xf32, #tpu.memory_space<vmem_shared>>) target_semaphore(%run_scoped3A : memref<!tpu.dma_semaphore, #tpu.memory_space<semaphore_mem>>)
      %dma_wait3A = arith.constant 0 : i32
      %dma_wait3A_206 = arith.constant 0 : i32
      %dma_wait3A_207 = tpu.memref_slice %arg9[%dma_wait3A, %dma_wait3A_206] : memref<96x128xf32, #tpu.memory_space<vmem>> -> memref<64x128xf32, #tpu.memory_space<vmem>>
      %dma_wait3A_208 = arith.constant 0 : i32
      %dma_wait3A_209 = tpu.memref_slice %arg5[%add3A_19, %dma_wait3A_208] : memref<10240x128xf32, #tpu.memory_space<vmem_shared>> -> memref<64x128xf32, #tpu.memory_space<vmem_shared>>
      %dma_wait3A_210 = arith.constant 0 : i32
      %dma_wait3A_211 = tpu.memref_slice %arg5[%add3A_19, %dma_wait3A_210] : memref<10240x128xf32, #tpu.memory_space<vmem_shared>> -> memref<64x128xf32, #tpu.memory_space<vmem_shared>>
      %dma_wait3A_212 = arith.constant 0 : i32
      %dma_wait3A_213 = arith.constant 0 : i32
      %dma_wait3A_214 = tpu.memref_slice %arg9[%dma_wait3A_212, %dma_wait3A_213] : memref<96x128xf32, #tpu.memory_space<vmem>> -> memref<64x128xf32, #tpu.memory_space<vmem>>
      tpu.wait_dma2 semaphore(%run_scoped3A : memref<!tpu.dma_semaphore, #tpu.memory_space<semaphore_mem>>) src(%dma_wait3A_214 : memref<64x128xf32, #tpu.memory_space<vmem>>) dst(%dma_wait3A_211 : memref<64x128xf32, #tpu.memory_space<vmem_shared>>)
      tpu.yield
    }) : () -> ()
    %mul3A_20 = arith.constant 640 : i32
    %mul3A_21 = arith.muli %arg1, %mul3A_20 : i32
    %add3A_22 = arith.constant 256 : i32
    %add3A_23 = arith.addi %mul3A_21, %add3A_22 : i32
    "tpu.region"() ({
      %run_scoped3A = tpu.sem_alloc : memref<!tpu.dma_semaphore, #tpu.memory_space<semaphore_mem>>
      %dma_start3A_196 = arith.constant 0 : i32
      %dma_start3A_197 = arith.constant 0 : i32
      %dma_start3A_198 = tpu.memref_slice %arg9[%dma_start3A_196, %dma_start3A_197] : memref<96x128xf32, #tpu.memory_space<vmem>> -> memref<64x128xf32, #tpu.memory_space<vmem>>
      %dma_start3A_199 = arith.constant 0 : i32
      %dma_start3A_200 = tpu.memref_slice %arg5[%add3A_23, %dma_start3A_199] : memref<10240x128xf32, #tpu.memory_space<vmem_shared>> -> memref<64x128xf32, #tpu.memory_space<vmem_shared>>
      %dma_start3A_201 = arith.constant 0 : i32
      %dma_start3A_202 = tpu.memref_slice %arg5[%add3A_23, %dma_start3A_201] : memref<10240x128xf32, #tpu.memory_space<vmem_shared>> -> memref<64x128xf32, #tpu.memory_space<vmem_shared>>
      %dma_start3A_203 = arith.constant 0 : i32
      %dma_start3A_204 = arith.constant 0 : i32
      %dma_start3A_205 = tpu.memref_slice %arg9[%dma_start3A_203, %dma_start3A_204] : memref<96x128xf32, #tpu.memory_space<vmem>> -> memref<64x128xf32, #tpu.memory_space<vmem>>
      tpu.enqueue_dma source(%dma_start3A_205 : memref<64x128xf32, #tpu.memory_space<vmem>>) target(%dma_start3A_202 : memref<64x128xf32, #tpu.memory_space<vmem_shared>>) target_semaphore(%run_scoped3A : memref<!tpu.dma_semaphore, #tpu.memory_space<semaphore_mem>>)
      %dma_wait3A = arith.constant 0 : i32
      %dma_wait3A_206 = arith.constant 0 : i32
      %dma_wait3A_207 = tpu.memref_slice %arg9[%dma_wait3A, %dma_wait3A_206] : memref<96x128xf32, #tpu.memory_space<vmem>> -> memref<64x128xf32, #tpu.memory_space<vmem>>
      %dma_wait3A_208 = arith.constant 0 : i32
      %dma_wait3A_209 = tpu.memref_slice %arg5[%add3A_23, %dma_wait3A_208] : memref<10240x128xf32, #tpu.memory_space<vmem_shared>> -> memref<64x128xf32, #tpu.memory_space<vmem_shared>>
      %dma_wait3A_210 = arith.constant 0 : i32
      %dma_wait3A_211 = tpu.memref_slice %arg5[%add3A_23, %dma_wait3A_210] : memref<10240x128xf32, #tpu.memory_space<vmem_shared>> -> memref<64x128xf32, #tpu.memory_space<vmem_shared>>
      %dma_wait3A_212 = arith.constant 0 : i32
      %dma_wait3A_213 = arith.constant 0 : i32
      %dma_wait3A_214 = tpu.memref_slice %arg9[%dma_wait3A_212, %dma_wait3A_213] : memref<96x128xf32, #tpu.memory_space<vmem>> -> memref<64x128xf32, #tpu.memory_space<vmem>>
      tpu.wait_dma2 semaphore(%run_scoped3A : memref<!tpu.dma_semaphore, #tpu.memory_space<semaphore_mem>>) src(%dma_wait3A_214 : memref<64x128xf32, #tpu.memory_space<vmem>>) dst(%dma_wait3A_211 : memref<64x128xf32, #tpu.memory_space<vmem_shared>>)
      tpu.yield
    }) : () -> ()
    %mul3A_24 = arith.constant 640 : i32
    %mul3A_25 = arith.muli %arg1, %mul3A_24 : i32
    %add3A_26 = arith.constant 320 : i32
    %add3A_27 = arith.addi %mul3A_25, %add3A_26 : i32
    "tpu.region"() ({
      %run_scoped3A = tpu.sem_alloc : memref<!tpu.dma_semaphore, #tpu.memory_space<semaphore_mem>>
      %dma_start3A_196 = arith.constant 0 : i32
      %dma_start3A_197 = arith.constant 0 : i32
      %dma_start3A_198 = tpu.memref_slice %arg9[%dma_start3A_196, %dma_start3A_197] : memref<96x128xf32, #tpu.memory_space<vmem>> -> memref<64x128xf32, #tpu.memory_space<vmem>>
      %dma_start3A_199 = arith.constant 0 : i32
      %dma_start3A_200 = tpu.memref_slice %arg5[%add3A_27, %dma_start3A_199] : memref<10240x128xf32, #tpu.memory_space<vmem_shared>> -> memref<64x128xf32, #tpu.memory_space<vmem_shared>>
      %dma_start3A_201 = arith.constant 0 : i32
      %dma_start3A_202 = tpu.memref_slice %arg5[%add3A_27, %dma_start3A_201] : memref<10240x128xf32, #tpu.memory_space<vmem_shared>> -> memref<64x128xf32, #tpu.memory_space<vmem_shared>>
      %dma_start3A_203 = arith.constant 0 : i32
      %dma_start3A_204 = arith.constant 0 : i32
      %dma_start3A_205 = tpu.memref_slice %arg9[%dma_start3A_203, %dma_start3A_204] : memref<96x128xf32, #tpu.memory_space<vmem>> -> memref<64x128xf32, #tpu.memory_space<vmem>>
      tpu.enqueue_dma source(%dma_start3A_205 : memref<64x128xf32, #tpu.memory_space<vmem>>) target(%dma_start3A_202 : memref<64x128xf32, #tpu.memory_space<vmem_shared>>) target_semaphore(%run_scoped3A : memref<!tpu.dma_semaphore, #tpu.memory_space<semaphore_mem>>)
      %dma_wait3A = arith.constant 0 : i32
      %dma_wait3A_206 = arith.constant 0 : i32
      %dma_wait3A_207 = tpu.memref_slice %arg9[%dma_wait3A, %dma_wait3A_206] : memref<96x128xf32, #tpu.memory_space<vmem>> -> memref<64x128xf32, #tpu.memory_space<vmem>>
      %dma_wait3A_208 = arith.constant 0 : i32
      %dma_wait3A_209 = tpu.memref_slice %arg5[%add3A_27, %dma_wait3A_208] : memref<10240x128xf32, #tpu.memory_space<vmem_shared>> -> memref<64x128xf32, #tpu.memory_space<vmem_shared>>
      %dma_wait3A_210 = arith.constant 0 : i32
      %dma_wait3A_211 = tpu.memref_slice %arg5[%add3A_27, %dma_wait3A_210] : memref<10240x128xf32, #tpu.memory_space<vmem_shared>> -> memref<64x128xf32, #tpu.memory_space<vmem_shared>>
      %dma_wait3A_212 = arith.constant 0 : i32
      %dma_wait3A_213 = arith.constant 0 : i32
      %dma_wait3A_214 = tpu.memref_slice %arg9[%dma_wait3A_212, %dma_wait3A_213] : memref<96x128xf32, #tpu.memory_space<vmem>> -> memref<64x128xf32, #tpu.memory_space<vmem>>
      tpu.wait_dma2 semaphore(%run_scoped3A : memref<!tpu.dma_semaphore, #tpu.memory_space<semaphore_mem>>) src(%dma_wait3A_214 : memref<64x128xf32, #tpu.memory_space<vmem>>) dst(%dma_wait3A_211 : memref<64x128xf32, #tpu.memory_space<vmem_shared>>)
      tpu.yield
    }) : () -> ()
    %mul3A_28 = arith.constant 640 : i32
    %mul3A_29 = arith.muli %arg1, %mul3A_28 : i32
    %add3A_30 = arith.constant 384 : i32
    %add3A_31 = arith.addi %mul3A_29, %add3A_30 : i32
    "tpu.region"() ({
      %run_scoped3A = tpu.sem_alloc : memref<!tpu.dma_semaphore, #tpu.memory_space<semaphore_mem>>
      %dma_start3A_196 = arith.constant 0 : i32
      %dma_start3A_197 = arith.constant 0 : i32
      %dma_start3A_198 = tpu.memref_slice %arg9[%dma_start3A_196, %dma_start3A_197] : memref<96x128xf32, #tpu.memory_space<vmem>> -> memref<64x128xf32, #tpu.memory_space<vmem>>
      %dma_start3A_199 = arith.constant 0 : i32
      %dma_start3A_200 = tpu.memref_slice %arg5[%add3A_31, %dma_start3A_199] : memref<10240x128xf32, #tpu.memory_space<vmem_shared>> -> memref<64x128xf32, #tpu.memory_space<vmem_shared>>
      %dma_start3A_201 = arith.constant 0 : i32
      %dma_start3A_202 = tpu.memref_slice %arg5[%add3A_31, %dma_start3A_201] : memref<10240x128xf32, #tpu.memory_space<vmem_shared>> -> memref<64x128xf32, #tpu.memory_space<vmem_shared>>
      %dma_start3A_203 = arith.constant 0 : i32
      %dma_start3A_204 = arith.constant 0 : i32
      %dma_start3A_205 = tpu.memref_slice %arg9[%dma_start3A_203, %dma_start3A_204] : memref<96x128xf32, #tpu.memory_space<vmem>> -> memref<64x128xf32, #tpu.memory_space<vmem>>
      tpu.enqueue_dma source(%dma_start3A_205 : memref<64x128xf32, #tpu.memory_space<vmem>>) target(%dma_start3A_202 : memref<64x128xf32, #tpu.memory_space<vmem_shared>>) target_semaphore(%run_scoped3A : memref<!tpu.dma_semaphore, #tpu.memory_space<semaphore_mem>>)
      %dma_wait3A = arith.constant 0 : i32
      %dma_wait3A_206 = arith.constant 0 : i32
      %dma_wait3A_207 = tpu.memref_slice %arg9[%dma_wait3A, %dma_wait3A_206] : memref<96x128xf32, #tpu.memory_space<vmem>> -> memref<64x128xf32, #tpu.memory_space<vmem>>
      %dma_wait3A_208 = arith.constant 0 : i32
      %dma_wait3A_209 = tpu.memref_slice %arg5[%add3A_31, %dma_wait3A_208] : memref<10240x128xf32, #tpu.memory_space<vmem_shared>> -> memref<64x128xf32, #tpu.memory_space<vmem_shared>>
      %dma_wait3A_210 = arith.constant 0 : i32
      %dma_wait3A_211 = tpu.memref_slice %arg5[%add3A_31, %dma_wait3A_210] : memref<10240x128xf32, #tpu.memory_space<vmem_shared>> -> memref<64x128xf32, #tpu.memory_space<vmem_shared>>
      %dma_wait3A_212 = arith.constant 0 : i32
      %dma_wait3A_213 = arith.constant 0 : i32
      %dma_wait3A_214 = tpu.memref_slice %arg9[%dma_wait3A_212, %dma_wait3A_213] : memref<96x128xf32, #tpu.memory_space<vmem>> -> memref<64x128xf32, #tpu.memory_space<vmem>>
      tpu.wait_dma2 semaphore(%run_scoped3A : memref<!tpu.dma_semaphore, #tpu.memory_space<semaphore_mem>>) src(%dma_wait3A_214 : memref<64x128xf32, #tpu.memory_space<vmem>>) dst(%dma_wait3A_211 : memref<64x128xf32, #tpu.memory_space<vmem_shared>>)
      tpu.yield
    }) : () -> ()
    %mul3A_32 = arith.constant 640 : i32
    %mul3A_33 = arith.muli %arg1, %mul3A_32 : i32
    %add3A_34 = arith.constant 448 : i32
    %add3A_35 = arith.addi %mul3A_33, %add3A_34 : i32
    "tpu.region"() ({
      %run_scoped3A = tpu.sem_alloc : memref<!tpu.dma_semaphore, #tpu.memory_space<semaphore_mem>>
      %dma_start3A_196 = arith.constant 0 : i32
      %dma_start3A_197 = arith.constant 0 : i32
      %dma_start3A_198 = tpu.memref_slice %arg9[%dma_start3A_196, %dma_start3A_197] : memref<96x128xf32, #tpu.memory_space<vmem>> -> memref<64x128xf32, #tpu.memory_space<vmem>>
      %dma_start3A_199 = arith.constant 0 : i32
      %dma_start3A_200 = tpu.memref_slice %arg5[%add3A_35, %dma_start3A_199] : memref<10240x128xf32, #tpu.memory_space<vmem_shared>> -> memref<64x128xf32, #tpu.memory_space<vmem_shared>>
      %dma_start3A_201 = arith.constant 0 : i32
      %dma_start3A_202 = tpu.memref_slice %arg5[%add3A_35, %dma_start3A_201] : memref<10240x128xf32, #tpu.memory_space<vmem_shared>> -> memref<64x128xf32, #tpu.memory_space<vmem_shared>>
      %dma_start3A_203 = arith.constant 0 : i32
      %dma_start3A_204 = arith.constant 0 : i32
      %dma_start3A_205 = tpu.memref_slice %arg9[%dma_start3A_203, %dma_start3A_204] : memref<96x128xf32, #tpu.memory_space<vmem>> -> memref<64x128xf32, #tpu.memory_space<vmem>>
      tpu.enqueue_dma source(%dma_start3A_205 : memref<64x128xf32, #tpu.memory_space<vmem>>) target(%dma_start3A_202 : memref<64x128xf32, #tpu.memory_space<vmem_shared>>) target_semaphore(%run_scoped3A : memref<!tpu.dma_semaphore, #tpu.memory_space<semaphore_mem>>)
      %dma_wait3A = arith.constant 0 : i32
      %dma_wait3A_206 = arith.constant 0 : i32
      %dma_wait3A_207 = tpu.memref_slice %arg9[%dma_wait3A, %dma_wait3A_206] : memref<96x128xf32, #tpu.memory_space<vmem>> -> memref<64x128xf32, #tpu.memory_space<vmem>>
      %dma_wait3A_208 = arith.constant 0 : i32
      %dma_wait3A_209 = tpu.memref_slice %arg5[%add3A_35, %dma_wait3A_208] : memref<10240x128xf32, #tpu.memory_space<vmem_shared>> -> memref<64x128xf32, #tpu.memory_space<vmem_shared>>
      %dma_wait3A_210 = arith.constant 0 : i32
      %dma_wait3A_211 = tpu.memref_slice %arg5[%add3A_35, %dma_wait3A_210] : memref<10240x128xf32, #tpu.memory_space<vmem_shared>> -> memref<64x128xf32, #tpu.memory_space<vmem_shared>>
      %dma_wait3A_212 = arith.constant 0 : i32
      %dma_wait3A_213 = arith.constant 0 : i32
      %dma_wait3A_214 = tpu.memref_slice %arg9[%dma_wait3A_212, %dma_wait3A_213] : memref<96x128xf32, #tpu.memory_space<vmem>> -> memref<64x128xf32, #tpu.memory_space<vmem>>
      tpu.wait_dma2 semaphore(%run_scoped3A : memref<!tpu.dma_semaphore, #tpu.memory_space<semaphore_mem>>) src(%dma_wait3A_214 : memref<64x128xf32, #tpu.memory_space<vmem>>) dst(%dma_wait3A_211 : memref<64x128xf32, #tpu.memory_space<vmem_shared>>)
      tpu.yield
    }) : () -> ()
    %mul3A_36 = arith.constant 640 : i32
    %mul3A_37 = arith.muli %arg1, %mul3A_36 : i32
    %add3A_38 = arith.constant 512 : i32
    %add3A_39 = arith.addi %mul3A_37, %add3A_38 : i32
    "tpu.region"() ({
      %run_scoped3A = tpu.sem_alloc : memref<!tpu.dma_semaphore, #tpu.memory_space<semaphore_mem>>
      %dma_start3A_196 = arith.constant 0 : i32
      %dma_start3A_197 = arith.constant 0 : i32
      %dma_start3A_198 = tpu.memref_slice %arg9[%dma_start3A_196, %dma_start3A_197] : memref<96x128xf32, #tpu.memory_space<vmem>> -> memref<64x128xf32, #tpu.memory_space<vmem>>
      %dma_start3A_199 = arith.constant 0 : i32
      %dma_start3A_200 = tpu.memref_slice %arg5[%add3A_39, %dma_start3A_199] : memref<10240x128xf32, #tpu.memory_space<vmem_shared>> -> memref<64x128xf32, #tpu.memory_space<vmem_shared>>
      %dma_start3A_201 = arith.constant 0 : i32
      %dma_start3A_202 = tpu.memref_slice %arg5[%add3A_39, %dma_start3A_201] : memref<10240x128xf32, #tpu.memory_space<vmem_shared>> -> memref<64x128xf32, #tpu.memory_space<vmem_shared>>
      %dma_start3A_203 = arith.constant 0 : i32
      %dma_start3A_204 = arith.constant 0 : i32
      %dma_start3A_205 = tpu.memref_slice %arg9[%dma_start3A_203, %dma_start3A_204] : memref<96x128xf32, #tpu.memory_space<vmem>> -> memref<64x128xf32, #tpu.memory_space<vmem>>
      tpu.enqueue_dma source(%dma_start3A_205 : memref<64x128xf32, #tpu.memory_space<vmem>>) target(%dma_start3A_202 : memref<64x128xf32, #tpu.memory_space<vmem_shared>>) target_semaphore(%run_scoped3A : memref<!tpu.dma_semaphore, #tpu.memory_space<semaphore_mem>>)
      %dma_wait3A = arith.constant 0 : i32
      %dma_wait3A_206 = arith.constant 0 : i32
      %dma_wait3A_207 = tpu.memref_slice %arg9[%dma_wait3A, %dma_wait3A_206] : memref<96x128xf32, #tpu.memory_space<vmem>> -> memref<64x128xf32, #tpu.memory_space<vmem>>
      %dma_wait3A_208 = arith.constant 0 : i32
      %dma_wait3A_209 = tpu.memref_slice %arg5[%add3A_39, %dma_wait3A_208] : memref<10240x128xf32, #tpu.memory_space<vmem_shared>> -> memref<64x128xf32, #tpu.memory_space<vmem_shared>>
      %dma_wait3A_210 = arith.constant 0 : i32
      %dma_wait3A_211 = tpu.memref_slice %arg5[%add3A_39, %dma_wait3A_210] : memref<10240x128xf32, #tpu.memory_space<vmem_shared>> -> memref<64x128xf32, #tpu.memory_space<vmem_shared>>
      %dma_wait3A_212 = arith.constant 0 : i32
      %dma_wait3A_213 = arith.constant 0 : i32
      %dma_wait3A_214 = tpu.memref_slice %arg9[%dma_wait3A_212, %dma_wait3A_213] : memref<96x128xf32, #tpu.memory_space<vmem>> -> memref<64x128xf32, #tpu.memory_space<vmem>>
      tpu.wait_dma2 semaphore(%run_scoped3A : memref<!tpu.dma_semaphore, #tpu.memory_space<semaphore_mem>>) src(%dma_wait3A_214 : memref<64x128xf32, #tpu.memory_space<vmem>>) dst(%dma_wait3A_211 : memref<64x128xf32, #tpu.memory_space<vmem_shared>>)
      tpu.yield
    }) : () -> ()
    %mul3A_40 = arith.constant 640 : i32
    %mul3A_41 = arith.muli %arg1, %mul3A_40 : i32
    %add3A_42 = arith.constant 576 : i32
    %add3A_43 = arith.addi %mul3A_41, %add3A_42 : i32
    "tpu.region"() ({
      %run_scoped3A = tpu.sem_alloc : memref<!tpu.dma_semaphore, #tpu.memory_space<semaphore_mem>>
      %dma_start3A_196 = arith.constant 0 : i32
      %dma_start3A_197 = arith.constant 0 : i32
      %dma_start3A_198 = tpu.memref_slice %arg9[%dma_start3A_196, %dma_start3A_197] : memref<96x128xf32, #tpu.memory_space<vmem>> -> memref<64x128xf32, #tpu.memory_space<vmem>>
      %dma_start3A_199 = arith.constant 0 : i32
      %dma_start3A_200 = tpu.memref_slice %arg5[%add3A_43, %dma_start3A_199] : memref<10240x128xf32, #tpu.memory_space<vmem_shared>> -> memref<64x128xf32, #tpu.memory_space<vmem_shared>>
      %dma_start3A_201 = arith.constant 0 : i32
      %dma_start3A_202 = tpu.memref_slice %arg5[%add3A_43, %dma_start3A_201] : memref<10240x128xf32, #tpu.memory_space<vmem_shared>> -> memref<64x128xf32, #tpu.memory_space<vmem_shared>>
      %dma_start3A_203 = arith.constant 0 : i32
      %dma_start3A_204 = arith.constant 0 : i32
      %dma_start3A_205 = tpu.memref_slice %arg9[%dma_start3A_203, %dma_start3A_204] : memref<96x128xf32, #tpu.memory_space<vmem>> -> memref<64x128xf32, #tpu.memory_space<vmem>>
      tpu.enqueue_dma source(%dma_start3A_205 : memref<64x128xf32, #tpu.memory_space<vmem>>) target(%dma_start3A_202 : memref<64x128xf32, #tpu.memory_space<vmem_shared>>) target_semaphore(%run_scoped3A : memref<!tpu.dma_semaphore, #tpu.memory_space<semaphore_mem>>)
      %dma_wait3A = arith.constant 0 : i32
      %dma_wait3A_206 = arith.constant 0 : i32
      %dma_wait3A_207 = tpu.memref_slice %arg9[%dma_wait3A, %dma_wait3A_206] : memref<96x128xf32, #tpu.memory_space<vmem>> -> memref<64x128xf32, #tpu.memory_space<vmem>>
      %dma_wait3A_208 = arith.constant 0 : i32
      %dma_wait3A_209 = tpu.memref_slice %arg5[%add3A_43, %dma_wait3A_208] : memref<10240x128xf32, #tpu.memory_space<vmem_shared>> -> memref<64x128xf32, #tpu.memory_space<vmem_shared>>
      %dma_wait3A_210 = arith.constant 0 : i32
      %dma_wait3A_211 = tpu.memref_slice %arg5[%add3A_43, %dma_wait3A_210] : memref<10240x128xf32, #tpu.memory_space<vmem_shared>> -> memref<64x128xf32, #tpu.memory_space<vmem_shared>>
      %dma_wait3A_212 = arith.constant 0 : i32
      %dma_wait3A_213 = arith.constant 0 : i32
      %dma_wait3A_214 = tpu.memref_slice %arg9[%dma_wait3A_212, %dma_wait3A_213] : memref<96x128xf32, #tpu.memory_space<vmem>> -> memref<64x128xf32, #tpu.memory_space<vmem>>
      tpu.wait_dma2 semaphore(%run_scoped3A : memref<!tpu.dma_semaphore, #tpu.memory_space<semaphore_mem>>) src(%dma_wait3A_214 : memref<64x128xf32, #tpu.memory_space<vmem>>) dst(%dma_wait3A_211 : memref<64x128xf32, #tpu.memory_space<vmem_shared>>)
      tpu.yield
    }) : () -> ()
    %barrier3A = arith.constant 0 : index
    tpu.barrier barrier_id(%barrier3A)
    %get3A = arith.constant 0 : i32
    %get3A_44 = arith.index_cast %get3A : i32 to index
    %get3A_45 = arith.constant 0 : index
    %get3A_46 = tpu.vector_load %arg6[%get3A_44, %get3A_45] {strides = array<i32>} : memref<106x96xi32, #tpu.memory_space<vmem>>, vector<1x16xi32>,
    %get3A_47 = vector.shape_cast %get3A_46 : vector<1x16xi32> to vector<16xi32>
    %and3A = arith.constant 65535 : i32
    %and3A_48 = vector.broadcast %and3A : i32 to vector<16xi32>
    %and3A_49 = arith.andi %get3A_47, %and3A_48 : vector<16xi32>
    %swap3A = arith.constant 0 : i32
    %swap3A_50 = arith.index_cast %swap3A : i32 to index
    %swap3A_51 = arith.constant 0 : index
    %swap3A_52 = tpu.vector_load %arg7[%swap3A_50, %swap3A_51] {strides = array<i32>} : memref<2x96xi32, #tpu.memory_space<vmem>>, vector<1x16xi32>,
    %swap3A_53 = vector.shape_cast %swap3A_52 : vector<1x16xi32> to vector<16xi32>
    %swap3A_54 = vector.shape_cast %and3A_49 : vector<16xi32> to vector<1x16xi32>
    tpu.vector_store %arg7[%swap3A_50, %swap3A_51], %swap3A_54 {strides = array<i32>} : memref<2x96xi32, #tpu.memory_space<vmem>>, vector<1x16xi32>,
    %shift_right_logical3A = arith.constant 16 : i32
    %shift_right_logical3A_55 = vector.broadcast %shift_right_logical3A : i32 to vector<16xi32>
    %shift_right_logical3A_56 = arith.shrui %get3A_47, %shift_right_logical3A_55 : vector<16xi32>
    %swap3A_57 = arith.constant 1 : i32
    %swap3A_58 = arith.index_cast %swap3A_57 : i32 to index
    %swap3A_59 = arith.constant 0 : index
    %swap3A_60 = tpu.vector_load %arg7[%swap3A_58, %swap3A_59] {strides = array<i32>} : memref<2x96xi32, #tpu.memory_space<vmem>>, vector<1x16xi32>,
    %swap3A_61 = vector.shape_cast %swap3A_60 : vector<1x16xi32> to vector<16xi32>
    %swap3A_62 = vector.shape_cast %shift_right_logical3A_56 : vector<16xi32> to vector<1x16xi32>
    tpu.vector_store %arg7[%swap3A_58, %swap3A_59], %swap3A_62 {strides = array<i32>} : memref<2x96xi32, #tpu.memory_space<vmem>>, vector<1x16xi32>,
    %get3A_63 = arith.constant 0 : i32
    %get3A_64 = arith.index_cast %get3A_63 : i32 to index
    %get3A_65 = arith.constant 16 : index
    %get3A_66 = tpu.vector_load %arg6[%get3A_64, %get3A_65] {strides = array<i32>} : memref<106x96xi32, #tpu.memory_space<vmem>>, vector<1x16xi32>,
    %get3A_67 = vector.shape_cast %get3A_66 : vector<1x16xi32> to vector<16xi32>
    %and3A_68 = arith.constant 65535 : i32
    %and3A_69 = vector.broadcast %and3A_68 : i32 to vector<16xi32>
    %and3A_70 = arith.andi %get3A_67, %and3A_69 : vector<16xi32>
    %swap3A_71 = arith.constant 0 : i32
    %swap3A_72 = arith.index_cast %swap3A_71 : i32 to index
    %swap3A_73 = arith.constant 16 : index
    %swap3A_74 = tpu.vector_load %arg7[%swap3A_72, %swap3A_73] {strides = array<i32>} : memref<2x96xi32, #tpu.memory_space<vmem>>, vector<1x16xi32>,
    %swap3A_75 = vector.shape_cast %swap3A_74 : vector<1x16xi32> to vector<16xi32>
    %swap3A_76 = vector.shape_cast %and3A_70 : vector<16xi32> to vector<1x16xi32>
    tpu.vector_store %arg7[%swap3A_72, %swap3A_73], %swap3A_76 {strides = array<i32>} : memref<2x96xi32, #tpu.memory_space<vmem>>, vector<1x16xi32>,
    %shift_right_logical3A_77 = arith.constant 16 : i32
    %shift_right_logical3A_78 = vector.broadcast %shift_right_logical3A_77 : i32 to vector<16xi32>
    %shift_right_logical3A_79 = arith.shrui %get3A_67, %shift_right_logical3A_78 : vector<16xi32>
    %swap3A_80 = arith.constant 1 : i32
    %swap3A_81 = arith.index_cast %swap3A_80 : i32 to index
    %swap3A_82 = arith.constant 16 : index
    %swap3A_83 = tpu.vector_load %arg7[%swap3A_81, %swap3A_82] {strides = array<i32>} : memref<2x96xi32, #tpu.memory_space<vmem>>, vector<1x16xi32>,
    %swap3A_84 = vector.shape_cast %swap3A_83 : vector<1x16xi32> to vector<16xi32>
    %swap3A_85 = vector.shape_cast %shift_right_logical3A_79 : vector<16xi32> to vector<1x16xi32>
    tpu.vector_store %arg7[%swap3A_81, %swap3A_82], %swap3A_85 {strides = array<i32>} : memref<2x96xi32, #tpu.memory_space<vmem>>, vector<1x16xi32>,
    %get3A_86 = arith.constant 0 : i32
    %get3A_87 = arith.index_cast %get3A_86 : i32 to index
    %get3A_88 = arith.constant 32 : index
    %get3A_89 = tpu.vector_load %arg6[%get3A_87, %get3A_88] {strides = array<i32>} : memref<106x96xi32, #tpu.memory_space<vmem>>, vector<1x16xi32>,
    %get3A_90 = vector.shape_cast %get3A_89 : vector<1x16xi32> to vector<16xi32>
    %and3A_91 = arith.constant 65535 : i32
    %and3A_92 = vector.broadcast %and3A_91 : i32 to vector<16xi32>
    %and3A_93 = arith.andi %get3A_90, %and3A_92 : vector<16xi32>
    %swap3A_94 = arith.constant 0 : i32
    %swap3A_95 = arith.index_cast %swap3A_94 : i32 to index
    %swap3A_96 = arith.constant 32 : index
    %swap3A_97 = tpu.vector_load %arg7[%swap3A_95, %swap3A_96] {strides = array<i32>} : memref<2x96xi32, #tpu.memory_space<vmem>>, vector<1x16xi32>,
    %swap3A_98 = vector.shape_cast %swap3A_97 : vector<1x16xi32> to vector<16xi32>
    %swap3A_99 = vector.shape_cast %and3A_93 : vector<16xi32> to vector<1x16xi32>
    tpu.vector_store %arg7[%swap3A_95, %swap3A_96], %swap3A_99 {strides = array<i32>} : memref<2x96xi32, #tpu.memory_space<vmem>>, vector<1x16xi32>,
    %shift_right_logical3A_100 = arith.constant 16 : i32
    %shift_right_logical3A_101 = vector.broadcast %shift_right_logical3A_100 : i32 to vector<16xi32>
    %shift_right_logical3A_102 = arith.shrui %get3A_90, %shift_right_logical3A_101 : vector<16xi32>
    %swap3A_103 = arith.constant 1 : i32
    %swap3A_104 = arith.index_cast %swap3A_103 : i32 to index
    %swap3A_105 = arith.constant 32 : index
    %swap3A_106 = tpu.vector_load %arg7[%swap3A_104, %swap3A_105] {strides = array<i32>} : memref<2x96xi32, #tpu.memory_space<vmem>>, vector<1x16xi32>,
    %swap3A_107 = vector.shape_cast %swap3A_106 : vector<1x16xi32> to vector<16xi32>
    %swap3A_108 = vector.shape_cast %shift_right_logical3A_102 : vector<16xi32> to vector<1x16xi32>
    tpu.vector_store %arg7[%swap3A_104, %swap3A_105], %swap3A_108 {strides = array<i32>} : memref<2x96xi32, #tpu.memory_space<vmem>>, vector<1x16xi32>,
    %get3A_109 = arith.constant 0 : i32
    %get3A_110 = arith.index_cast %get3A_109 : i32 to index
    %get3A_111 = arith.constant 48 : index
    %get3A_112 = tpu.vector_load %arg6[%get3A_110, %get3A_111] {strides = array<i32>} : memref<106x96xi32, #tpu.memory_space<vmem>>, vector<1x16xi32>,
    %get3A_113 = vector.shape_cast %get3A_112 : vector<1x16xi32> to vector<16xi32>
    %and3A_114 = arith.constant 65535 : i32
    %and3A_115 = vector.broadcast %and3A_114 : i32 to vector<16xi32>
    %and3A_116 = arith.andi %get3A_113, %and3A_115 : vector<16xi32>
    %swap3A_117 = arith.constant 0 : i32
    %swap3A_118 = arith.index_cast %swap3A_117 : i32 to index
    %swap3A_119 = arith.constant 48 : index
    %swap3A_120 = tpu.vector_load %arg7[%swap3A_118, %swap3A_119] {strides = array<i32>} : memref<2x96xi32, #tpu.memory_space<vmem>>, vector<1x16xi32>,
    %swap3A_121 = vector.shape_cast %swap3A_120 : vector<1x16xi32> to vector<16xi32>
    %swap3A_122 = vector.shape_cast %and3A_116 : vector<16xi32> to vector<1x16xi32>
    tpu.vector_store %arg7[%swap3A_118, %swap3A_119], %swap3A_122 {strides = array<i32>} : memref<2x96xi32, #tpu.memory_space<vmem>>, vector<1x16xi32>,
    %shift_right_logical3A_123 = arith.constant 16 : i32
    %shift_right_logical3A_124 = vector.broadcast %shift_right_logical3A_123 : i32 to vector<16xi32>
    %shift_right_logical3A_125 = arith.shrui %get3A_113, %shift_right_logical3A_124 : vector<16xi32>
    %swap3A_126 = arith.constant 1 : i32
    %swap3A_127 = arith.index_cast %swap3A_126 : i32 to index
    %swap3A_128 = arith.constant 48 : index
    %swap3A_129 = tpu.vector_load %arg7[%swap3A_127, %swap3A_128] {strides = array<i32>} : memref<2x96xi32, #tpu.memory_space<vmem>>, vector<1x16xi32>,
    %swap3A_130 = vector.shape_cast %swap3A_129 : vector<1x16xi32> to vector<16xi32>
    %swap3A_131 = vector.shape_cast %shift_right_logical3A_125 : vector<16xi32> to vector<1x16xi32>
    tpu.vector_store %arg7[%swap3A_127, %swap3A_128], %swap3A_131 {strides = array<i32>} : memref<2x96xi32, #tpu.memory_space<vmem>>, vector<1x16xi32>,
    %get3A_132 = arith.constant 0 : i32
    %get3A_133 = arith.index_cast %get3A_132 : i32 to index
    %get3A_134 = arith.constant 64 : index
    %get3A_135 = tpu.vector_load %arg6[%get3A_133, %get3A_134] {strides = array<i32>} : memref<106x96xi32, #tpu.memory_space<vmem>>, vector<1x16xi32>,
    %get3A_136 = vector.shape_cast %get3A_135 : vector<1x16xi32> to vector<16xi32>
    %and3A_137 = arith.constant 65535 : i32
    %and3A_138 = vector.broadcast %and3A_137 : i32 to vector<16xi32>
    %and3A_139 = arith.andi %get3A_136, %and3A_138 : vector<16xi32>
    %swap3A_140 = arith.constant 0 : i32
    %swap3A_141 = arith.index_cast %swap3A_140 : i32 to index
    %swap3A_142 = arith.constant 64 : index
    %swap3A_143 = tpu.vector_load %arg7[%swap3A_141, %swap3A_142] {strides = array<i32>} : memref<2x96xi32, #tpu.memory_space<vmem>>, vector<1x16xi32>,
    %swap3A_144 = vector.shape_cast %swap3A_143 : vector<1x16xi32> to vector<16xi32>
    %swap3A_145 = vector.shape_cast %and3A_139 : vector<16xi32> to vector<1x16xi32>
    tpu.vector_store %arg7[%swap3A_141, %swap3A_142], %swap3A_145 {strides = array<i32>} : memref<2x96xi32, #tpu.memory_space<vmem>>, vector<1x16xi32>,
    %shift_right_logical3A_146 = arith.constant 16 : i32
    %shift_right_logical3A_147 = vector.broadcast %shift_right_logical3A_146 : i32 to vector<16xi32>
    %shift_right_logical3A_148 = arith.shrui %get3A_136, %shift_right_logical3A_147 : vector<16xi32>
    %swap3A_149 = arith.constant 1 : i32
    %swap3A_150 = arith.index_cast %swap3A_149 : i32 to index
    %swap3A_151 = arith.constant 64 : index
    %swap3A_152 = tpu.vector_load %arg7[%swap3A_150, %swap3A_151] {strides = array<i32>} : memref<2x96xi32, #tpu.memory_space<vmem>>, vector<1x16xi32>,
    %swap3A_153 = vector.shape_cast %swap3A_152 : vector<1x16xi32> to vector<16xi32>
    %swap3A_154 = vector.shape_cast %shift_right_logical3A_148 : vector<16xi32> to vector<1x16xi32>
    tpu.vector_store %arg7[%swap3A_150, %swap3A_151], %swap3A_154 {strides = array<i32>} : memref<2x96xi32, #tpu.memory_space<vmem>>, vector<1x16xi32>,
    %get3A_155 = arith.constant 0 : i32
    %get3A_156 = arith.index_cast %get3A_155 : i32 to index
    %get3A_157 = arith.constant 80 : index
    %get3A_158 = tpu.vector_load %arg6[%get3A_156, %get3A_157] {strides = array<i32>} : memref<106x96xi32, #tpu.memory_space<vmem>>, vector<1x16xi32>,
    %get3A_159 = vector.shape_cast %get3A_158 : vector<1x16xi32> to vector<16xi32>
    %and3A_160 = arith.constant 65535 : i32
    %and3A_161 = vector.broadcast %and3A_160 : i32 to vector<16xi32>
    %and3A_162 = arith.andi %get3A_159, %and3A_161 : vector<16xi32>
    %swap3A_163 = arith.constant 0 : i32
    %swap3A_164 = arith.index_cast %swap3A_163 : i32 to index
    %swap3A_165 = arith.constant 80 : index
    %swap3A_166 = tpu.vector_load %arg7[%swap3A_164, %swap3A_165] {strides = array<i32>} : memref<2x96xi32, #tpu.memory_space<vmem>>, vector<1x16xi32>,
    %swap3A_167 = vector.shape_cast %swap3A_166 : vector<1x16xi32> to vector<16xi32>
    %swap3A_168 = vector.shape_cast %and3A_162 : vector<16xi32> to vector<1x16xi32>
    tpu.vector_store %arg7[%swap3A_164, %swap3A_165], %swap3A_168 {strides = array<i32>} : memref<2x96xi32, #tpu.memory_space<vmem>>, vector<1x16xi32>,
    %shift_right_logical3A_169 = arith.constant 16 : i32
    %shift_right_logical3A_170 = vector.broadcast %shift_right_logical3A_169 : i32 to vector<16xi32>
    %shift_right_logical3A_171 = arith.shrui %get3A_159, %shift_right_logical3A_170 : vector<16xi32>
    %swap3A_172 = arith.constant 1 : i32
    %swap3A_173 = arith.index_cast %swap3A_172 : i32 to index
    %swap3A_174 = arith.constant 80 : index
    %swap3A_175 = tpu.vector_load %arg7[%swap3A_173, %swap3A_174] {strides = array<i32>} : memref<2x96xi32, #tpu.memory_space<vmem>>, vector<1x16xi32>,
    %swap3A_176 = vector.shape_cast %swap3A_175 : vector<1x16xi32> to vector<16xi32>
    %swap3A_177 = vector.shape_cast %shift_right_logical3A_171 : vector<16xi32> to vector<1x16xi32>
    tpu.vector_store %arg7[%swap3A_173, %swap3A_174], %swap3A_177 {strides = array<i32>} : memref<2x96xi32, #tpu.memory_space<vmem>>, vector<1x16xi32>,
    %dma_start3A = arith.constant 0 : i32
    %dma_start3A_178 = arith.constant 0 : i32
    %dma_start3A_179 = tpu.memref_slice %arg7[%dma_start3A, %dma_start3A_178] : memref<2x96xi32, #tpu.memory_space<vmem>> -> memref<1x96xi32, #tpu.memory_space<vmem>>
    %dma_start3A_180 = tpu.memref_squeeze %dma_start3A_179 : memref<1x96xi32, #tpu.memory_space<vmem>> -> memref<96xi32, #tpu.memory_space<vmem>>
    %dma_start3A_181 = arith.constant 0 : i32
    %dma_start3A_182 = arith.constant 0 : i32
    %dma_start3A_183 = tpu.memref_slice %arg2[%dma_start3A_181, %dma_start3A_182] : memref<10240x128xf32, #tpu.memory_space<hbm>> -> memref<10240x128xf32, #tpu.memory_space<hbm>>
    tpu.enqueue_indirect_dma source(%dma_start3A_183 : memref<10240x128xf32, #tpu.memory_space<hbm>>) target(%arg9 : memref<96x128xf32, #tpu.memory_space<vmem>>) offsets(%dma_start3A_180 : memref<96xi32, #tpu.memory_space<vmem>>) semaphore(%arg11 : memref<!tpu.dma_semaphore, #tpu.memory_space<semaphore_mem>>)
    %scan3A_184 = arith.constant 0 : i32
    %scan3A_185 = arith.constant 0 : i32
    %scan3A_186 = arith.constant 53 : i32
    %scan3A_187 = arith.addi %scan3A_185, %scan3A_186 : i32
    %scan3A_188 = arith.constant 1 : i32
    %scan3A_189 = scf.for %scan3A_196 = %scan3A_185 to %scan3A_187 step %scan3A_188 iter_args(%scan3A_197 = %scan3A_184) -> (i32)  : i32 {
      %mul3A_198 = arith.constant 2 : i32
      %mul3A_199 = arith.muli %mul3A_198, %scan3A_196 : i32
      %add3A_200 = arith.constant 1 : i32
      %add3A_201 = arith.addi %mul3A_199, %add3A_200 : i32
      %get3A_202 = arith.index_cast %add3A_201 : i32 to index
      %get3A_203 = arith.constant 0 : index
      %get3A_204 = tpu.vector_load %arg6[%get3A_202, %get3A_203] {strides = array<i32>} : memref<106x96xi32, #tpu.memory_space<vmem>>, vector<1x16xi32>,
      %get3A_205 = vector.shape_cast %get3A_204 : vector<1x16xi32> to vector<16xi32>
      %and3A_206 = arith.constant 65535 : i32
      %and3A_207 = vector.broadcast %and3A_206 : i32 to vector<16xi32>
      %and3A_208 = arith.andi %get3A_205, %and3A_207 : vector<16xi32>
      %swap3A_209 = arith.constant 0 : i32
      %swap3A_210 = arith.index_cast %swap3A_209 : i32 to index
      %swap3A_211 = arith.constant 0 : index
      %swap3A_212 = tpu.vector_load %arg8[%swap3A_210, %swap3A_211] {strides = array<i32>} : memref<2x96xi32, #tpu.memory_space<vmem>>, vector<1x16xi32>,
      %swap3A_213 = vector.shape_cast %swap3A_212 : vector<1x16xi32> to vector<16xi32>
      %swap3A_214 = vector.shape_cast %and3A_208 : vector<16xi32> to vector<1x16xi32>
      tpu.vector_store %arg8[%swap3A_210, %swap3A_211], %swap3A_214 {strides = array<i32>} : memref<2x96xi32, #tpu.memory_space<vmem>>, vector<1x16xi32>,
      %shift_right_logical3A_215 = arith.constant 16 : i32
      %shift_right_logical3A_216 = vector.broadcast %shift_right_logical3A_215 : i32 to vector<16xi32>
      %shift_right_logical3A_217 = arith.shrui %get3A_205, %shift_right_logical3A_216 : vector<16xi32>
      %swap3A_218 = arith.constant 1 : i32
      %swap3A_219 = arith.index_cast %swap3A_218 : i32 to index
      %swap3A_220 = arith.constant 0 : index
      %swap3A_221 = tpu.vector_load %arg8[%swap3A_219, %swap3A_220] {strides = array<i32>} : memref<2x96xi32, #tpu.memory_space<vmem>>, vector<1x16xi32>,
      %swap3A_222 = vector.shape_cast %swap3A_221 : vector<1x16xi32> to vector<16xi32>
      %swap3A_223 = vector.shape_cast %shift_right_logical3A_217 : vector<16xi32> to vector<1x16xi32>
      tpu.vector_store %arg8[%swap3A_219, %swap3A_220], %swap3A_223 {strides = array<i32>} : memref<2x96xi32, #tpu.memory_space<vmem>>, vector<1x16xi32>,
      %get3A_224 = arith.index_cast %add3A_201 : i32 to index
      %get3A_225 = arith.constant 16 : index
      %get3A_226 = tpu.vector_load %arg6[%get3A_224, %get3A_225] {strides = array<i32>} : memref<106x96xi32, #tpu.memory_space<vmem>>, vector<1x16xi32>,
      %get3A_227 = vector.shape_cast %get3A_226 : vector<1x16xi32> to vector<16xi32>
      %and3A_228 = arith.constant 65535 : i32
      %and3A_229 = vector.broadcast %and3A_228 : i32 to vector<16xi32>
      %and3A_230 = arith.andi %get3A_227, %and3A_229 : vector<16xi32>
      %swap3A_231 = arith.constant 0 : i32
      %swap3A_232 = arith.index_cast %swap3A_231 : i32 to index
      %swap3A_233 = arith.constant 16 : index
      %swap3A_234 = tpu.vector_load %arg8[%swap3A_232, %swap3A_233] {strides = array<i32>} : memref<2x96xi32, #tpu.memory_space<vmem>>, vector<1x16xi32>,
      %swap3A_235 = vector.shape_cast %swap3A_234 : vector<1x16xi32> to vector<16xi32>
      %swap3A_236 = vector.shape_cast %and3A_230 : vector<16xi32> to vector<1x16xi32>
      tpu.vector_store %arg8[%swap3A_232, %swap3A_233], %swap3A_236 {strides = array<i32>} : memref<2x96xi32, #tpu.memory_space<vmem>>, vector<1x16xi32>,
      %shift_right_logical3A_237 = arith.constant 16 : i32
      %shift_right_logical3A_238 = vector.broadcast %shift_right_logical3A_237 : i32 to vector<16xi32>
      %shift_right_logical3A_239 = arith.shrui %get3A_227, %shift_right_logical3A_238 : vector<16xi32>
      %swap3A_240 = arith.constant 1 : i32
      %swap3A_241 = arith.index_cast %swap3A_240 : i32 to index
      %swap3A_242 = arith.constant 16 : index
      %swap3A_243 = tpu.vector_load %arg8[%swap3A_241, %swap3A_242] {strides = array<i32>} : memref<2x96xi32, #tpu.memory_space<vmem>>, vector<1x16xi32>,
      %swap3A_244 = vector.shape_cast %swap3A_243 : vector<1x16xi32> to vector<16xi32>
      %swap3A_245 = vector.shape_cast %shift_right_logical3A_239 : vector<16xi32> to vector<1x16xi32>
      tpu.vector_store %arg8[%swap3A_241, %swap3A_242], %swap3A_245 {strides = array<i32>} : memref<2x96xi32, #tpu.memory_space<vmem>>, vector<1x16xi32>,
      %get3A_246 = arith.index_cast %add3A_201 : i32 to index
      %get3A_247 = arith.constant 32 : index
      %get3A_248 = tpu.vector_load %arg6[%get3A_246, %get3A_247] {strides = array<i32>} : memref<106x96xi32, #tpu.memory_space<vmem>>, vector<1x16xi32>,
      %get3A_249 = vector.shape_cast %get3A_248 : vector<1x16xi32> to vector<16xi32>
      %and3A_250 = arith.constant 65535 : i32
      %and3A_251 = vector.broadcast %and3A_250 : i32 to vector<16xi32>
      %and3A_252 = arith.andi %get3A_249, %and3A_251 : vector<16xi32>
      %swap3A_253 = arith.constant 0 : i32
      %swap3A_254 = arith.index_cast %swap3A_253 : i32 to index
      %swap3A_255 = arith.constant 32 : index
      %swap3A_256 = tpu.vector_load %arg8[%swap3A_254, %swap3A_255] {strides = array<i32>} : memref<2x96xi32, #tpu.memory_space<vmem>>, vector<1x16xi32>,
      %swap3A_257 = vector.shape_cast %swap3A_256 : vector<1x16xi32> to vector<16xi32>
      %swap3A_258 = vector.shape_cast %and3A_252 : vector<16xi32> to vector<1x16xi32>
      tpu.vector_store %arg8[%swap3A_254, %swap3A_255], %swap3A_258 {strides = array<i32>} : memref<2x96xi32, #tpu.memory_space<vmem>>, vector<1x16xi32>,
      %shift_right_logical3A_259 = arith.constant 16 : i32
      %shift_right_logical3A_260 = vector.broadcast %shift_right_logical3A_259 : i32 to vector<16xi32>
      %shift_right_logical3A_261 = arith.shrui %get3A_249, %shift_right_logical3A_260 : vector<16xi32>
      %swap3A_262 = arith.constant 1 : i32
      %swap3A_263 = arith.index_cast %swap3A_262 : i32 to index
      %swap3A_264 = arith.constant 32 : index
      %swap3A_265 = tpu.vector_load %arg8[%swap3A_263, %swap3A_264] {strides = array<i32>} : memref<2x96xi32, #tpu.memory_space<vmem>>, vector<1x16xi32>,
      %swap3A_266 = vector.shape_cast %swap3A_265 : vector<1x16xi32> to vector<16xi32>
      %swap3A_267 = vector.shape_cast %shift_right_logical3A_261 : vector<16xi32> to vector<1x16xi32>
      tpu.vector_store %arg8[%swap3A_263, %swap3A_264], %swap3A_267 {strides = array<i32>} : memref<2x96xi32, #tpu.memory_space<vmem>>, vector<1x16xi32>,
      %get3A_268 = arith.index_cast %add3A_201 : i32 to index
      %get3A_269 = arith.constant 48 : index
      %get3A_270 = tpu.vector_load %arg6[%get3A_268, %get3A_269] {strides = array<i32>} : memref<106x96xi32, #tpu.memory_space<vmem>>, vector<1x16xi32>,
      %get3A_271 = vector.shape_cast %get3A_270 : vector<1x16xi32> to vector<16xi32>
      %and3A_272 = arith.constant 65535 : i32
      %and3A_273 = vector.broadcast %and3A_272 : i32 to vector<16xi32>
      %and3A_274 = arith.andi %get3A_271, %and3A_273 : vector<16xi32>
      %swap3A_275 = arith.constant 0 : i32
      %swap3A_276 = arith.index_cast %swap3A_275 : i32 to index
      %swap3A_277 = arith.constant 48 : index
      %swap3A_278 = tpu.vector_load %arg8[%swap3A_276, %swap3A_277] {strides = array<i32>} : memref<2x96xi32, #tpu.memory_space<vmem>>, vector<1x16xi32>,
      %swap3A_279 = vector.shape_cast %swap3A_278 : vector<1x16xi32> to vector<16xi32>
      %swap3A_280 = vector.shape_cast %and3A_274 : vector<16xi32> to vector<1x16xi32>
      tpu.vector_store %arg8[%swap3A_276, %swap3A_277], %swap3A_280 {strides = array<i32>} : memref<2x96xi32, #tpu.memory_space<vmem>>, vector<1x16xi32>,
      %shift_right_logical3A_281 = arith.constant 16 : i32
      %shift_right_logical3A_282 = vector.broadcast %shift_right_logical3A_281 : i32 to vector<16xi32>
      %shift_right_logical3A_283 = arith.shrui %get3A_271, %shift_right_logical3A_282 : vector<16xi32>
      %swap3A_284 = arith.constant 1 : i32
      %swap3A_285 = arith.index_cast %swap3A_284 : i32 to index
      %swap3A_286 = arith.constant 48 : index
      %swap3A_287 = tpu.vector_load %arg8[%swap3A_285, %swap3A_286] {strides = array<i32>} : memref<2x96xi32, #tpu.memory_space<vmem>>, vector<1x16xi32>,
      %swap3A_288 = vector.shape_cast %swap3A_287 : vector<1x16xi32> to vector<16xi32>
      %swap3A_289 = vector.shape_cast %shift_right_logical3A_283 : vector<16xi32> to vector<1x16xi32>
      tpu.vector_store %arg8[%swap3A_285, %swap3A_286], %swap3A_289 {strides = array<i32>} : memref<2x96xi32, #tpu.memory_space<vmem>>, vector<1x16xi32>,
      %get3A_290 = arith.index_cast %add3A_201 : i32 to index
      %get3A_291 = arith.constant 64 : index
      %get3A_292 = tpu.vector_load %arg6[%get3A_290, %get3A_291] {strides = array<i32>} : memref<106x96xi32, #tpu.memory_space<vmem>>, vector<1x16xi32>,
      %get3A_293 = vector.shape_cast %get3A_292 : vector<1x16xi32> to vector<16xi32>
      %and3A_294 = arith.constant 65535 : i32
      %and3A_295 = vector.broadcast %and3A_294 : i32 to vector<16xi32>
      %and3A_296 = arith.andi %get3A_293, %and3A_295 : vector<16xi32>
      %swap3A_297 = arith.constant 0 : i32
      %swap3A_298 = arith.index_cast %swap3A_297 : i32 to index
      %swap3A_299 = arith.constant 64 : index
      %swap3A_300 = tpu.vector_load %arg8[%swap3A_298, %swap3A_299] {strides = array<i32>} : memref<2x96xi32, #tpu.memory_space<vmem>>, vector<1x16xi32>,
      %swap3A_301 = vector.shape_cast %swap3A_300 : vector<1x16xi32> to vector<16xi32>
      %swap3A_302 = vector.shape_cast %and3A_296 : vector<16xi32> to vector<1x16xi32>
      tpu.vector_store %arg8[%swap3A_298, %swap3A_299], %swap3A_302 {strides = array<i32>} : memref<2x96xi32, #tpu.memory_space<vmem>>, vector<1x16xi32>,
      %shift_right_logical3A_303 = arith.constant 16 : i32
      %shift_right_logical3A_304 = vector.broadcast %shift_right_logical3A_303 : i32 to vector<16xi32>
      %shift_right_logical3A_305 = arith.shrui %get3A_293, %shift_right_logical3A_304 : vector<16xi32>
      %swap3A_306 = arith.constant 1 : i32
      %swap3A_307 = arith.index_cast %swap3A_306 : i32 to index
      %swap3A_308 = arith.constant 64 : index
      %swap3A_309 = tpu.vector_load %arg8[%swap3A_307, %swap3A_308] {strides = array<i32>} : memref<2x96xi32, #tpu.memory_space<vmem>>, vector<1x16xi32>,
      %swap3A_310 = vector.shape_cast %swap3A_309 : vector<1x16xi32> to vector<16xi32>
      %swap3A_311 = vector.shape_cast %shift_right_logical3A_305 : vector<16xi32> to vector<1x16xi32>
      tpu.vector_store %arg8[%swap3A_307, %swap3A_308], %swap3A_311 {strides = array<i32>} : memref<2x96xi32, #tpu.memory_space<vmem>>, vector<1x16xi32>,
      %get3A_312 = arith.index_cast %add3A_201 : i32 to index
      %get3A_313 = arith.constant 80 : index
      %get3A_314 = tpu.vector_load %arg6[%get3A_312, %get3A_313] {strides = array<i32>} : memref<106x96xi32, #tpu.memory_space<vmem>>, vector<1x16xi32>,
      %get3A_315 = vector.shape_cast %get3A_314 : vector<1x16xi32> to vector<16xi32>
      %and3A_316 = arith.constant 65535 : i32
      %and3A_317 = vector.broadcast %and3A_316 : i32 to vector<16xi32>
      %and3A_318 = arith.andi %get3A_315, %and3A_317 : vector<16xi32>
      %swap3A_319 = arith.constant 0 : i32
      %swap3A_320 = arith.index_cast %swap3A_319 : i32 to index
      %swap3A_321 = arith.constant 80 : index
      %swap3A_322 = tpu.vector_load %arg8[%swap3A_320, %swap3A_321] {strides = array<i32>} : memref<2x96xi32, #tpu.memory_space<vmem>>, vector<1x16xi32>,
      %swap3A_323 = vector.shape_cast %swap3A_322 : vector<1x16xi32> to vector<16xi32>
      %swap3A_324 = vector.shape_cast %and3A_318 : vector<16xi32> to vector<1x16xi32>
      tpu.vector_store %arg8[%swap3A_320, %swap3A_321], %swap3A_324 {strides = array<i32>} : memref<2x96xi32, #tpu.memory_space<vmem>>, vector<1x16xi32>,
      %shift_right_logical3A_325 = arith.constant 16 : i32
      %shift_right_logical3A_326 = vector.broadcast %shift_right_logical3A_325 : i32 to vector<16xi32>
      %shift_right_logical3A_327 = arith.shrui %get3A_315, %shift_right_logical3A_326 : vector<16xi32>
      %swap3A_328 = arith.constant 1 : i32
      %swap3A_329 = arith.index_cast %swap3A_328 : i32 to index
      %swap3A_330 = arith.constant 80 : index
      %swap3A_331 = tpu.vector_load %arg8[%swap3A_329, %swap3A_330] {strides = array<i32>} : memref<2x96xi32, #tpu.memory_space<vmem>>, vector<1x16xi32>,
      %swap3A_332 = vector.shape_cast %swap3A_331 : vector<1x16xi32> to vector<16xi32>
      %swap3A_333 = vector.shape_cast %shift_right_logical3A_327 : vector<16xi32> to vector<1x16xi32>
      tpu.vector_store %arg8[%swap3A_329, %swap3A_330], %swap3A_333 {strides = array<i32>} : memref<2x96xi32, #tpu.memory_space<vmem>>, vector<1x16xi32>,
      %dma_start3A_334 = arith.constant 0 : i32
      %dma_start3A_335 = arith.constant 0 : i32
      %dma_start3A_336 = tpu.memref_slice %arg8[%dma_start3A_334, %dma_start3A_335] : memref<2x96xi32, #tpu.memory_space<vmem>> -> memref<1x96xi32, #tpu.memory_space<vmem>>
      %dma_start3A_337 = tpu.memref_squeeze %dma_start3A_336 : memref<1x96xi32, #tpu.memory_space<vmem>> -> memref<96xi32, #tpu.memory_space<vmem>>
      %dma_start3A_338 = arith.constant 0 : i32
      %dma_start3A_339 = arith.constant 0 : i32
      %dma_start3A_340 = tpu.memref_slice %arg2[%dma_start3A_338, %dma_start3A_339] : memref<10240x128xf32, #tpu.memory_space<hbm>> -> memref<10240x128xf32, #tpu.memory_space<hbm>>
      tpu.enqueue_indirect_dma source(%dma_start3A_340 : memref<10240x128xf32, #tpu.memory_space<hbm>>) target(%arg10 : memref<96x128xf32, #tpu.memory_space<vmem>>) offsets(%dma_start3A_337 : memref<96xi32, #tpu.memory_space<vmem>>) semaphore(%arg12 : memref<!tpu.dma_semaphore, #tpu.memory_space<semaphore_mem>>)
      %dma_wait3A = arith.constant 0 : i32
      %dma_wait3A_341 = arith.constant 0 : i32
      %dma_wait3A_342 = tpu.memref_slice %arg2[%dma_wait3A, %dma_wait3A_341] : memref<10240x128xf32, #tpu.memory_space<hbm>> -> memref<96x128xf32, #tpu.memory_space<hbm>>
      %dma_wait3A_343 = arith.constant 0 : i32
      %dma_wait3A_344 = arith.constant 0 : i32
      %dma_wait3A_345 = tpu.memref_slice %arg2[%dma_wait3A_343, %dma_wait3A_344] : memref<10240x128xf32, #tpu.memory_space<hbm>> -> memref<96x128xf32, #tpu.memory_space<hbm>>
      tpu.wait_dma2 semaphore(%arg11 : memref<!tpu.dma_semaphore, #tpu.memory_space<semaphore_mem>>) src(%dma_wait3A_345 : memref<96x128xf32, #tpu.memory_space<hbm>>) dst(%arg9 : memref<96x128xf32, #tpu.memory_space<vmem>>)
      %run_scoped3A = arith.constant 1 : i32
      "tpu.region"() ({
        %run_scoped3A_356 = tpu.sem_alloc : memref<!tpu.dma_semaphore, #tpu.memory_space<semaphore_mem>>
        %dma_start3A_357 = arith.constant 0 : i32
        %dma_start3A_358 = tpu.memref_slice %arg7[%run_scoped3A, %dma_start3A_357] : memref<2x96xi32, #tpu.memory_space<vmem>> -> memref<1x96xi32, #tpu.memory_space<vmem>>
        %dma_start3A_359 = tpu.memref_squeeze %dma_start3A_358 : memref<1x96xi32, #tpu.memory_space<vmem>> -> memref<96xi32, #tpu.memory_space<vmem>>
        %dma_start3A_360 = arith.constant 0 : i32
        %dma_start3A_361 = arith.constant 0 : i32
        %dma_start3A_362 = tpu.memref_slice %arg5[%dma_start3A_360, %dma_start3A_361] : memref<10240x128xf32, #tpu.memory_space<vmem_shared>> -> memref<10240x128xf32, #tpu.memory_space<vmem_shared>>
        tpu.enqueue_indirect_dma source(%arg9 : memref<96x128xf32, #tpu.memory_space<vmem>>) target(%dma_start3A_362 : memref<10240x128xf32, #tpu.memory_space<vmem_shared>>) offsets(%dma_start3A_359 : memref<96xi32, #tpu.memory_space<vmem>>) semaphore(%run_scoped3A_356 : memref<!tpu.dma_semaphore, #tpu.memory_space<semaphore_mem>>) {add = true}
        %dma_wait3A_363 = arith.constant 0 : i32
        %dma_wait3A_364 = tpu.memref_slice %arg7[%run_scoped3A, %dma_wait3A_363] : memref<2x96xi32, #tpu.memory_space<vmem>> -> memref<1x96xi32, #tpu.memory_space<vmem>>
        %dma_wait3A_365 = tpu.memref_squeeze %dma_wait3A_364 : memref<1x96xi32, #tpu.memory_space<vmem>> -> memref<96xi32, #tpu.memory_space<vmem>>
        %dma_wait3A_366 = arith.constant 0 : i32
        %dma_wait3A_367 = arith.constant 0 : i32
        %dma_wait3A_368 = tpu.memref_slice %arg5[%dma_wait3A_366, %dma_wait3A_367] : memref<10240x128xf32, #tpu.memory_space<vmem_shared>> -> memref<10240x128xf32, #tpu.memory_space<vmem_shared>>
        tpu.wait_indirect_dma semaphore(%run_scoped3A_356 : memref<!tpu.dma_semaphore, #tpu.memory_space<semaphore_mem>>) src(%arg9 : memref<96x128xf32, #tpu.memory_space<vmem>>) dst(%dma_wait3A_368 : memref<10240x128xf32, #tpu.memory_space<vmem_shared>>)
        tpu.yield
      }) : () -> ()
      %lt3A = arith.constant 52 : i32
      %lt3A_346 = arith.cmpi slt, %scan3A_196, %lt3A : i32
      %convert_element_type3A = arith.extui %lt3A_346 : i1 to i32
      %cond3A = arith.constant 0 : i32
      %cond3A_347 = arith.cmpi ne, %convert_element_type3A, %cond3A : i32
      scf.if %cond3A_347 {
        %add3A_356 = arith.constant 2 : i32
        %add3A_357 = arith.addi %mul3A_199, %add3A_356 : i32
        %get3A_358 = arith.index_cast %add3A_357 : i32 to index
        %get3A_359 = arith.constant 0 : index
        %get3A_360 = tpu.vector_load %arg6[%get3A_358, %get3A_359] {strides = array<i32>} : memref<106x96xi32, #tpu.memory_space<vmem>>, vector<1x16xi32>,
        %get3A_361 = vector.shape_cast %get3A_360 : vector<1x16xi32> to vector<16xi32>
        %and3A_362 = arith.constant 65535 : i32
        %and3A_363 = vector.broadcast %and3A_362 : i32 to vector<16xi32>
        %and3A_364 = arith.andi %get3A_361, %and3A_363 : vector<16xi32>
        %swap3A_365 = arith.constant 0 : i32
        %swap3A_366 = arith.index_cast %swap3A_365 : i32 to index
        %swap3A_367 = arith.constant 0 : index
        %swap3A_368 = tpu.vector_load %arg7[%swap3A_366, %swap3A_367] {strides = array<i32>} : memref<2x96xi32, #tpu.memory_space<vmem>>, vector<1x16xi32>,
        %swap3A_369 = vector.shape_cast %swap3A_368 : vector<1x16xi32> to vector<16xi32>
        %swap3A_370 = vector.shape_cast %and3A_364 : vector<16xi32> to vector<1x16xi32>
        tpu.vector_store %arg7[%swap3A_366, %swap3A_367], %swap3A_370 {strides = array<i32>} : memref<2x96xi32, #tpu.memory_space<vmem>>, vector<1x16xi32>,
        %shift_right_logical3A_371 = arith.constant 16 : i32
        %shift_right_logical3A_372 = vector.broadcast %shift_right_logical3A_371 : i32 to vector<16xi32>
        %shift_right_logical3A_373 = arith.shrui %get3A_361, %shift_right_logical3A_372 : vector<16xi32>
        %swap3A_374 = arith.constant 1 : i32
        %swap3A_375 = arith.index_cast %swap3A_374 : i32 to index
        %swap3A_376 = arith.constant 0 : index
        %swap3A_377 = tpu.vector_load %arg7[%swap3A_375, %swap3A_376] {strides = array<i32>} : memref<2x96xi32, #tpu.memory_space<vmem>>, vector<1x16xi32>,
        %swap3A_378 = vector.shape_cast %swap3A_377 : vector<1x16xi32> to vector<16xi32>
        %swap3A_379 = vector.shape_cast %shift_right_logical3A_373 : vector<16xi32> to vector<1x16xi32>
        tpu.vector_store %arg7[%swap3A_375, %swap3A_376], %swap3A_379 {strides = array<i32>} : memref<2x96xi32, #tpu.memory_space<vmem>>, vector<1x16xi32>,
        %get3A_380 = arith.index_cast %add3A_357 : i32 to index
        %get3A_381 = arith.constant 16 : index
        %get3A_382 = tpu.vector_load %arg6[%get3A_380, %get3A_381] {strides = array<i32>} : memref<106x96xi32, #tpu.memory_space<vmem>>, vector<1x16xi32>,
        %get3A_383 = vector.shape_cast %get3A_382 : vector<1x16xi32> to vector<16xi32>
        %and3A_384 = arith.constant 65535 : i32
        %and3A_385 = vector.broadcast %and3A_384 : i32 to vector<16xi32>
        %and3A_386 = arith.andi %get3A_383, %and3A_385 : vector<16xi32>
        %swap3A_387 = arith.constant 0 : i32
        %swap3A_388 = arith.index_cast %swap3A_387 : i32 to index
        %swap3A_389 = arith.constant 16 : index
        %swap3A_390 = tpu.vector_load %arg7[%swap3A_388, %swap3A_389] {strides = array<i32>} : memref<2x96xi32, #tpu.memory_space<vmem>>, vector<1x16xi32>,
        %swap3A_391 = vector.shape_cast %swap3A_390 : vector<1x16xi32> to vector<16xi32>
        %swap3A_392 = vector.shape_cast %and3A_386 : vector<16xi32> to vector<1x16xi32>
        tpu.vector_store %arg7[%swap3A_388, %swap3A_389], %swap3A_392 {strides = array<i32>} : memref<2x96xi32, #tpu.memory_space<vmem>>, vector<1x16xi32>,
        %shift_right_logical3A_393 = arith.constant 16 : i32
        %shift_right_logical3A_394 = vector.broadcast %shift_right_logical3A_393 : i32 to vector<16xi32>
        %shift_right_logical3A_395 = arith.shrui %get3A_383, %shift_right_logical3A_394 : vector<16xi32>
        %swap3A_396 = arith.constant 1 : i32
        %swap3A_397 = arith.index_cast %swap3A_396 : i32 to index
        %swap3A_398 = arith.constant 16 : index
        %swap3A_399 = tpu.vector_load %arg7[%swap3A_397, %swap3A_398] {strides = array<i32>} : memref<2x96xi32, #tpu.memory_space<vmem>>, vector<1x16xi32>,
        %swap3A_400 = vector.shape_cast %swap3A_399 : vector<1x16xi32> to vector<16xi32>
        %swap3A_401 = vector.shape_cast %shift_right_logical3A_395 : vector<16xi32> to vector<1x16xi32>
        tpu.vector_store %arg7[%swap3A_397, %swap3A_398], %swap3A_401 {strides = array<i32>} : memref<2x96xi32, #tpu.memory_space<vmem>>, vector<1x16xi32>,
        %get3A_402 = arith.index_cast %add3A_357 : i32 to index
        %get3A_403 = arith.constant 32 : index
        %get3A_404 = tpu.vector_load %arg6[%get3A_402, %get3A_403] {strides = array<i32>} : memref<106x96xi32, #tpu.memory_space<vmem>>, vector<1x16xi32>,
        %get3A_405 = vector.shape_cast %get3A_404 : vector<1x16xi32> to vector<16xi32>
        %and3A_406 = arith.constant 65535 : i32
        %and3A_407 = vector.broadcast %and3A_406 : i32 to vector<16xi32>
        %and3A_408 = arith.andi %get3A_405, %and3A_407 : vector<16xi32>
        %swap3A_409 = arith.constant 0 : i32
        %swap3A_410 = arith.index_cast %swap3A_409 : i32 to index
        %swap3A_411 = arith.constant 32 : index
        %swap3A_412 = tpu.vector_load %arg7[%swap3A_410, %swap3A_411] {strides = array<i32>} : memref<2x96xi32, #tpu.memory_space<vmem>>, vector<1x16xi32>,
        %swap3A_413 = vector.shape_cast %swap3A_412 : vector<1x16xi32> to vector<16xi32>
        %swap3A_414 = vector.shape_cast %and3A_408 : vector<16xi32> to vector<1x16xi32>
        tpu.vector_store %arg7[%swap3A_410, %swap3A_411], %swap3A_414 {strides = array<i32>} : memref<2x96xi32, #tpu.memory_space<vmem>>, vector<1x16xi32>,
        %shift_right_logical3A_415 = arith.constant 16 : i32
        %shift_right_logical3A_416 = vector.broadcast %shift_right_logical3A_415 : i32 to vector<16xi32>
        %shift_right_logical3A_417 = arith.shrui %get3A_405, %shift_right_logical3A_416 : vector<16xi32>
        %swap3A_418 = arith.constant 1 : i32
        %swap3A_419 = arith.index_cast %swap3A_418 : i32 to index
        %swap3A_420 = arith.constant 32 : index
        %swap3A_421 = tpu.vector_load %arg7[%swap3A_419, %swap3A_420] {strides = array<i32>} : memref<2x96xi32, #tpu.memory_space<vmem>>, vector<1x16xi32>,
        %swap3A_422 = vector.shape_cast %swap3A_421 : vector<1x16xi32> to vector<16xi32>
        %swap3A_423 = vector.shape_cast %shift_right_logical3A_417 : vector<16xi32> to vector<1x16xi32>
        tpu.vector_store %arg7[%swap3A_419, %swap3A_420], %swap3A_423 {strides = array<i32>} : memref<2x96xi32, #tpu.memory_space<vmem>>, vector<1x16xi32>,
        %get3A_424 = arith.index_cast %add3A_357 : i32 to index
        %get3A_425 = arith.constant 48 : index
        %get3A_426 = tpu.vector_load %arg6[%get3A_424, %get3A_425] {strides = array<i32>} : memref<106x96xi32, #tpu.memory_space<vmem>>, vector<1x16xi32>,
        %get3A_427 = vector.shape_cast %get3A_426 : vector<1x16xi32> to vector<16xi32>
        %and3A_428 = arith.constant 65535 : i32
        %and3A_429 = vector.broadcast %and3A_428 : i32 to vector<16xi32>
        %and3A_430 = arith.andi %get3A_427, %and3A_429 : vector<16xi32>
        %swap3A_431 = arith.constant 0 : i32
        %swap3A_432 = arith.index_cast %swap3A_431 : i32 to index
        %swap3A_433 = arith.constant 48 : index
        %swap3A_434 = tpu.vector_load %arg7[%swap3A_432, %swap3A_433] {strides = array<i32>} : memref<2x96xi32, #tpu.memory_space<vmem>>, vector<1x16xi32>,
        %swap3A_435 = vector.shape_cast %swap3A_434 : vector<1x16xi32> to vector<16xi32>
        %swap3A_436 = vector.shape_cast %and3A_430 : vector<16xi32> to vector<1x16xi32>
        tpu.vector_store %arg7[%swap3A_432, %swap3A_433], %swap3A_436 {strides = array<i32>} : memref<2x96xi32, #tpu.memory_space<vmem>>, vector<1x16xi32>,
        %shift_right_logical3A_437 = arith.constant 16 : i32
        %shift_right_logical3A_438 = vector.broadcast %shift_right_logical3A_437 : i32 to vector<16xi32>
        %shift_right_logical3A_439 = arith.shrui %get3A_427, %shift_right_logical3A_438 : vector<16xi32>
        %swap3A_440 = arith.constant 1 : i32
        %swap3A_441 = arith.index_cast %swap3A_440 : i32 to index
        %swap3A_442 = arith.constant 48 : index
        %swap3A_443 = tpu.vector_load %arg7[%swap3A_441, %swap3A_442] {strides = array<i32>} : memref<2x96xi32, #tpu.memory_space<vmem>>, vector<1x16xi32>,
        %swap3A_444 = vector.shape_cast %swap3A_443 : vector<1x16xi32> to vector<16xi32>
        %swap3A_445 = vector.shape_cast %shift_right_logical3A_439 : vector<16xi32> to vector<1x16xi32>
        tpu.vector_store %arg7[%swap3A_441, %swap3A_442], %swap3A_445 {strides = array<i32>} : memref<2x96xi32, #tpu.memory_space<vmem>>, vector<1x16xi32>,
        %get3A_446 = arith.index_cast %add3A_357 : i32 to index
        %get3A_447 = arith.constant 64 : index
        %get3A_448 = tpu.vector_load %arg6[%get3A_446, %get3A_447] {strides = array<i32>} : memref<106x96xi32, #tpu.memory_space<vmem>>, vector<1x16xi32>,
        %get3A_449 = vector.shape_cast %get3A_448 : vector<1x16xi32> to vector<16xi32>
        %and3A_450 = arith.constant 65535 : i32
        %and3A_451 = vector.broadcast %and3A_450 : i32 to vector<16xi32>
        %and3A_452 = arith.andi %get3A_449, %and3A_451 : vector<16xi32>
        %swap3A_453 = arith.constant 0 : i32
        %swap3A_454 = arith.index_cast %swap3A_453 : i32 to index
        %swap3A_455 = arith.constant 64 : index
        %swap3A_456 = tpu.vector_load %arg7[%swap3A_454, %swap3A_455] {strides = array<i32>} : memref<2x96xi32, #tpu.memory_space<vmem>>, vector<1x16xi32>,
        %swap3A_457 = vector.shape_cast %swap3A_456 : vector<1x16xi32> to vector<16xi32>
        %swap3A_458 = vector.shape_cast %and3A_452 : vector<16xi32> to vector<1x16xi32>
        tpu.vector_store %arg7[%swap3A_454, %swap3A_455], %swap3A_458 {strides = array<i32>} : memref<2x96xi32, #tpu.memory_space<vmem>>, vector<1x16xi32>,
        %shift_right_logical3A_459 = arith.constant 16 : i32
        %shift_right_logical3A_460 = vector.broadcast %shift_right_logical3A_459 : i32 to vector<16xi32>
        %shift_right_logical3A_461 = arith.shrui %get3A_449, %shift_right_logical3A_460 : vector<16xi32>
        %swap3A_462 = arith.constant 1 : i32
        %swap3A_463 = arith.index_cast %swap3A_462 : i32 to index
        %swap3A_464 = arith.constant 64 : index
        %swap3A_465 = tpu.vector_load %arg7[%swap3A_463, %swap3A_464] {strides = array<i32>} : memref<2x96xi32, #tpu.memory_space<vmem>>, vector<1x16xi32>,
        %swap3A_466 = vector.shape_cast %swap3A_465 : vector<1x16xi32> to vector<16xi32>
        %swap3A_467 = vector.shape_cast %shift_right_logical3A_461 : vector<16xi32> to vector<1x16xi32>
        tpu.vector_store %arg7[%swap3A_463, %swap3A_464], %swap3A_467 {strides = array<i32>} : memref<2x96xi32, #tpu.memory_space<vmem>>, vector<1x16xi32>,
        %get3A_468 = arith.index_cast %add3A_357 : i32 to index
        %get3A_469 = arith.constant 80 : index
        %get3A_470 = tpu.vector_load %arg6[%get3A_468, %get3A_469] {strides = array<i32>} : memref<106x96xi32, #tpu.memory_space<vmem>>, vector<1x16xi32>,
        %get3A_471 = vector.shape_cast %get3A_470 : vector<1x16xi32> to vector<16xi32>
        %and3A_472 = arith.constant 65535 : i32
        %and3A_473 = vector.broadcast %and3A_472 : i32 to vector<16xi32>
        %and3A_474 = arith.andi %get3A_471, %and3A_473 : vector<16xi32>
        %swap3A_475 = arith.constant 0 : i32
        %swap3A_476 = arith.index_cast %swap3A_475 : i32 to index
        %swap3A_477 = arith.constant 80 : index
        %swap3A_478 = tpu.vector_load %arg7[%swap3A_476, %swap3A_477] {strides = array<i32>} : memref<2x96xi32, #tpu.memory_space<vmem>>, vector<1x16xi32>,
        %swap3A_479 = vector.shape_cast %swap3A_478 : vector<1x16xi32> to vector<16xi32>
        %swap3A_480 = vector.shape_cast %and3A_474 : vector<16xi32> to vector<1x16xi32>
        tpu.vector_store %arg7[%swap3A_476, %swap3A_477], %swap3A_480 {strides = array<i32>} : memref<2x96xi32, #tpu.memory_space<vmem>>, vector<1x16xi32>,
        %shift_right_logical3A_481 = arith.constant 16 : i32
        %shift_right_logical3A_482 = vector.broadcast %shift_right_logical3A_481 : i32 to vector<16xi32>
        %shift_right_logical3A_483 = arith.shrui %get3A_471, %shift_right_logical3A_482 : vector<16xi32>
        %swap3A_484 = arith.constant 1 : i32
        %swap3A_485 = arith.index_cast %swap3A_484 : i32 to index
        %swap3A_486 = arith.constant 80 : index
        %swap3A_487 = tpu.vector_load %arg7[%swap3A_485, %swap3A_486] {strides = array<i32>} : memref<2x96xi32, #tpu.memory_space<vmem>>, vector<1x16xi32>,
        %swap3A_488 = vector.shape_cast %swap3A_487 : vector<1x16xi32> to vector<16xi32>
        %swap3A_489 = vector.shape_cast %shift_right_logical3A_483 : vector<16xi32> to vector<1x16xi32>
        tpu.vector_store %arg7[%swap3A_485, %swap3A_486], %swap3A_489 {strides = array<i32>} : memref<2x96xi32, #tpu.memory_space<vmem>>, vector<1x16xi32>,
        %dma_start3A_490 = arith.constant 0 : i32
        %dma_start3A_491 = arith.constant 0 : i32
        %dma_start3A_492 = tpu.memref_slice %arg7[%dma_start3A_490, %dma_start3A_491] : memref<2x96xi32, #tpu.memory_space<vmem>> -> memref<1x96xi32, #tpu.memory_space<vmem>>
        %dma_start3A_493 = tpu.memref_squeeze %dma_start3A_492 : memref<1x96xi32, #tpu.memory_space<vmem>> -> memref<96xi32, #tpu.memory_space<vmem>>
        %dma_start3A_494 = arith.constant 0 : i32
        %dma_start3A_495 = arith.constant 0 : i32
        %dma_start3A_496 = tpu.memref_slice %arg2[%dma_start3A_494, %dma_start3A_495] : memref<10240x128xf32, #tpu.memory_space<hbm>> -> memref<10240x128xf32, #tpu.memory_space<hbm>>
        tpu.enqueue_indirect_dma source(%dma_start3A_496 : memref<10240x128xf32, #tpu.memory_space<hbm>>) target(%arg9 : memref<96x128xf32, #tpu.memory_space<vmem>>) offsets(%dma_start3A_493 : memref<96xi32, #tpu.memory_space<vmem>>) semaphore(%arg11 : memref<!tpu.dma_semaphore, #tpu.memory_space<semaphore_mem>>)
      } else {
      }
      %dma_wait3A_348 = arith.constant 0 : i32
      %dma_wait3A_349 = arith.constant 0 : i32
      %dma_wait3A_350 = tpu.memref_slice %arg2[%dma_wait3A_348, %dma_wait3A_349] : memref<10240x128xf32, #tpu.memory_space<hbm>> -> memref<96x128xf32, #tpu.memory_space<hbm>>
      %dma_wait3A_351 = arith.constant 0 : i32
      %dma_wait3A_352 = arith.constant 0 : i32
      %dma_wait3A_353 = tpu.memref_slice %arg2[%dma_wait3A_351, %dma_wait3A_352] : memref<10240x128xf32, #tpu.memory_space<hbm>> -> memref<96x128xf32, #tpu.memory_space<hbm>>
      tpu.wait_dma2 semaphore(%arg12 : memref<!tpu.dma_semaphore, #tpu.memory_space<semaphore_mem>>) src(%dma_wait3A_353 : memref<96x128xf32, #tpu.memory_space<hbm>>) dst(%arg10 : memref<96x128xf32, #tpu.memory_space<vmem>>)
      %run_scoped3A_354 = arith.constant 1 : i32
      "tpu.region"() ({
        %run_scoped3A_356 = tpu.sem_alloc : memref<!tpu.dma_semaphore, #tpu.memory_space<semaphore_mem>>
        %dma_start3A_357 = arith.constant 0 : i32
        %dma_start3A_358 = tpu.memref_slice %arg8[%run_scoped3A_354, %dma_start3A_357] : memref<2x96xi32, #tpu.memory_space<vmem>> -> memref<1x96xi32, #tpu.memory_space<vmem>>
        %dma_start3A_359 = tpu.memref_squeeze %dma_start3A_358 : memref<1x96xi32, #tpu.memory_space<vmem>> -> memref<96xi32, #tpu.memory_space<vmem>>
        %dma_start3A_360 = arith.constant 0 : i32
        %dma_start3A_361 = arith.constant 0 : i32
        %dma_start3A_362 = tpu.memref_slice %arg5[%dma_start3A_360, %dma_start3A_361] : memref<10240x128xf32, #tpu.memory_space<vmem_shared>> -> memref<10240x128xf32, #tpu.memory_space<vmem_shared>>
        tpu.enqueue_indirect_dma source(%arg10 : memref<96x128xf32, #tpu.memory_space<vmem>>) target(%dma_start3A_362 : memref<10240x128xf32, #tpu.memory_space<vmem_shared>>) offsets(%dma_start3A_359 : memref<96xi32, #tpu.memory_space<vmem>>) semaphore(%run_scoped3A_356 : memref<!tpu.dma_semaphore, #tpu.memory_space<semaphore_mem>>) {add = true}
        %dma_wait3A_363 = arith.constant 0 : i32
        %dma_wait3A_364 = tpu.memref_slice %arg8[%run_scoped3A_354, %dma_wait3A_363] : memref<2x96xi32, #tpu.memory_space<vmem>> -> memref<1x96xi32, #tpu.memory_space<vmem>>
        %dma_wait3A_365 = tpu.memref_squeeze %dma_wait3A_364 : memref<1x96xi32, #tpu.memory_space<vmem>> -> memref<96xi32, #tpu.memory_space<vmem>>
        %dma_wait3A_366 = arith.constant 0 : i32
        %dma_wait3A_367 = arith.constant 0 : i32
        %dma_wait3A_368 = tpu.memref_slice %arg5[%dma_wait3A_366, %dma_wait3A_367] : memref<10240x128xf32, #tpu.memory_space<vmem_shared>> -> memref<10240x128xf32, #tpu.memory_space<vmem_shared>>
        tpu.wait_indirect_dma semaphore(%run_scoped3A_356 : memref<!tpu.dma_semaphore, #tpu.memory_space<semaphore_mem>>) src(%arg10 : memref<96x128xf32, #tpu.memory_space<vmem>>) dst(%dma_wait3A_368 : memref<10240x128xf32, #tpu.memory_space<vmem_shared>>)
        tpu.yield
      }) : () -> ()
      %scan3A_355 = arith.constant 0 : i32
      scf.yield %scan3A_355 : i32
    }
    %scan3A_190 = arith.constant 53 : i32
    %barrier3A_191 = arith.constant 0 : index
    tpu.barrier barrier_id(%barrier3A_191)
    %mul3A_192 = arith.constant 640 : i32
    %mul3A_193 = arith.muli %arg1, %mul3A_192 : i32
    %mul3A_194 = arith.constant 640 : i32
    %mul3A_195 = arith.muli %arg1, %mul3A_194 : i32
    "tpu.region"() ({
      %run_scoped3A = tpu.sem_alloc : memref<!tpu.dma_semaphore, #tpu.memory_space<semaphore_mem>>
      %dma_start3A_196 = arith.constant 0 : i32
      %dma_start3A_197 = tpu.memref_slice %arg4[%arg0, %mul3A_195, %dma_start3A_196] : memref<2x10240x128xf32, #tpu.memory_space<hbm>> -> memref<1x640x128xf32, #tpu.memory_space<hbm>>
      %dma_start3A_198 = tpu.memref_squeeze %dma_start3A_197 : memref<1x640x128xf32, #tpu.memory_space<hbm>> -> memref<640x128xf32, #tpu.memory_space<hbm>>
      %dma_start3A_199 = arith.constant 0 : i32
      %dma_start3A_200 = tpu.memref_slice %arg5[%mul3A_193, %dma_start3A_199] : memref<10240x128xf32, #tpu.memory_space<vmem_shared>> -> memref<640x128xf32, #tpu.memory_space<vmem_shared>>
      tpu.enqueue_dma source(%dma_start3A_200 : memref<640x128xf32, #tpu.memory_space<vmem_shared>>) target(%dma_start3A_198 : memref<640x128xf32, #tpu.memory_space<hbm>>) target_semaphore(%run_scoped3A : memref<!tpu.dma_semaphore, #tpu.memory_space<semaphore_mem>>)
      %dma_wait3A = arith.constant 0 : i32
      %dma_wait3A_201 = tpu.memref_slice %arg4[%arg0, %mul3A_195, %dma_wait3A] : memref<2x10240x128xf32, #tpu.memory_space<hbm>> -> memref<1x640x128xf32, #tpu.memory_space<hbm>>
      %dma_wait3A_202 = tpu.memref_squeeze %dma_wait3A_201 : memref<1x640x128xf32, #tpu.memory_space<hbm>> -> memref<640x128xf32, #tpu.memory_space<hbm>>
      %dma_wait3A_203 = arith.constant 0 : i32
      %dma_wait3A_204 = tpu.memref_slice %arg5[%mul3A_193, %dma_wait3A_203] : memref<10240x128xf32, #tpu.memory_space<vmem_shared>> -> memref<640x128xf32, #tpu.memory_space<vmem_shared>>
      tpu.wait_dma2 semaphore(%run_scoped3A : memref<!tpu.dma_semaphore, #tpu.memory_space<semaphore_mem>>) src(%dma_wait3A_204 : memref<640x128xf32, #tpu.memory_space<vmem_shared>>) dst(%dma_wait3A_202 : memref<640x128xf32, #tpu.memory_space<hbm>>)
      tpu.yield
    }) : () -> ()
    return
  }
}

#map = affine_map<(d0, d1) -> (0, 0, 0, 0)>
#map1 = affine_map<(d0, d1) -> (0, 0)>
module attributes {stable_mosaic.version = 14 : i64} {
  func.func @_deg_kernel(%arg0: i32, %arg1: i32, %arg2: memref<2x16x106x96xi32, #tpu.memory_space<hbm>>, %arg3: memref<2x10240xf32, #tpu.memory_space<hbm>>, %arg4: memref<10240xf32, #tpu.memory_space<vmem_shared>>, %arg5: memref<106x96xi32, #tpu.memory_space<vmem>>, %arg6: memref<2x96xi32, #tpu.memory_space<vmem>>, %arg7: memref<96xf32, #tpu.memory_space<vmem>>, %arg8: memref<640xf32, #tpu.memory_space<vmem>>) attributes {dimension_semantics = [#tpu.dimension_semantics<core_parallel>, #tpu.dimension_semantics<subcore_parallel>], iteration_bounds = array<i64: 2, 16>, scalar_prefetch = 0 : i64, scratch_operands = 5 : i64, tpu.core_type = #tpu.core_type<sc_vector_subcore>, window_params = [{transform_indices = #map}, {transform_indices = #map1}]} {
    "tpu.region"() ({
      %run_scoped3A = tpu.sem_alloc : memref<!tpu.dma_semaphore, #tpu.memory_space<semaphore_mem>>
      %dma_start3A = arith.constant 0 : i32
      %dma_start3A_26 = arith.constant 0 : i32
      %dma_start3A_27 = tpu.memref_slice %arg2[%arg0, %arg1, %dma_start3A, %dma_start3A_26] : memref<2x16x106x96xi32, #tpu.memory_space<hbm>> -> memref<1x1x106x96xi32, #tpu.memory_space<hbm>>
      %dma_start3A_28 = tpu.memref_squeeze %dma_start3A_27 : memref<1x1x106x96xi32, #tpu.memory_space<hbm>> -> memref<106x96xi32, #tpu.memory_space<hbm>>
      %dma_start3A_29 = arith.constant 0 : i32
      %dma_start3A_30 = arith.constant 0 : i32
      %dma_start3A_31 = tpu.memref_slice %arg2[%arg0, %arg1, %dma_start3A_29, %dma_start3A_30] : memref<2x16x106x96xi32, #tpu.memory_space<hbm>> -> memref<1x1x106x96xi32, #tpu.memory_space<hbm>>
      %dma_start3A_32 = tpu.memref_squeeze %dma_start3A_31 : memref<1x1x106x96xi32, #tpu.memory_space<hbm>> -> memref<106x96xi32, #tpu.memory_space<hbm>>
      tpu.enqueue_dma source(%dma_start3A_32 : memref<106x96xi32, #tpu.memory_space<hbm>>) target(%arg5 : memref<106x96xi32, #tpu.memory_space<vmem>>) target_semaphore(%run_scoped3A : memref<!tpu.dma_semaphore, #tpu.memory_space<semaphore_mem>>)
      %dma_wait3A = arith.constant 0 : i32
      %dma_wait3A_33 = arith.constant 0 : i32
      %dma_wait3A_34 = tpu.memref_slice %arg2[%arg0, %arg1, %dma_wait3A, %dma_wait3A_33] : memref<2x16x106x96xi32, #tpu.memory_space<hbm>> -> memref<1x1x106x96xi32, #tpu.memory_space<hbm>>
      %dma_wait3A_35 = tpu.memref_squeeze %dma_wait3A_34 : memref<1x1x106x96xi32, #tpu.memory_space<hbm>> -> memref<106x96xi32, #tpu.memory_space<hbm>>
      %dma_wait3A_36 = arith.constant 0 : i32
      %dma_wait3A_37 = arith.constant 0 : i32
      %dma_wait3A_38 = tpu.memref_slice %arg2[%arg0, %arg1, %dma_wait3A_36, %dma_wait3A_37] : memref<2x16x106x96xi32, #tpu.memory_space<hbm>> -> memref<1x1x106x96xi32, #tpu.memory_space<hbm>>
      %dma_wait3A_39 = tpu.memref_squeeze %dma_wait3A_38 : memref<1x1x106x96xi32, #tpu.memory_space<hbm>> -> memref<106x96xi32, #tpu.memory_space<hbm>>
      tpu.wait_dma2 semaphore(%run_scoped3A : memref<!tpu.dma_semaphore, #tpu.memory_space<semaphore_mem>>) src(%dma_wait3A_39 : memref<106x96xi32, #tpu.memory_space<hbm>>) dst(%arg5 : memref<106x96xi32, #tpu.memory_space<vmem>>)
      tpu.yield
    }) : () -> ()
    %scan3A = arith.constant 0 : i32
    %scan3A_0 = arith.constant 0 : i32
    %scan3A_1 = arith.constant 40 : i32
    %scan3A_2 = arith.addi %scan3A_0, %scan3A_1 : i32
    %scan3A_3 = arith.constant 1 : i32
    %scan3A_4 = scf.for %scan3A_26 = %scan3A_0 to %scan3A_2 step %scan3A_3 iter_args(%scan3A_27 = %scan3A) -> (i32)  : i32 {
      %broadcast_in_dim3A = arith.constant 0.000000e+00 : f32
      %broadcast_in_dim3A_28 = vector.broadcast %broadcast_in_dim3A : f32 to vector<16xf32>
      %mul3A_29 = arith.constant 16 : i32
      %mul3A_30 = arith.muli %scan3A_26, %mul3A_29 : i32
      %swap3A = arith.index_cast %mul3A_30 : i32 to index
      %swap3A_31 = tpu.vector_load %arg8[%swap3A] {strides = array<i32>} : memref<640xf32, #tpu.memory_space<vmem>>, vector<16xf32>,
      %swap3A_32 = vector.shape_cast %swap3A_31 : vector<16xf32> to vector<16xf32>
      %swap3A_33 = vector.shape_cast %broadcast_in_dim3A_28 : vector<16xf32> to vector<16xf32>
      tpu.vector_store %arg8[%swap3A], %swap3A_33 {strides = array<i32>} : memref<640xf32, #tpu.memory_space<vmem>>, vector<16xf32>,
      %scan3A_34 = arith.constant 0 : i32
      scf.yield %scan3A_34 : i32
    }
    %scan3A_5 = arith.constant 40 : i32
    %scan3A_6 = arith.constant 0 : i32
    %scan3A_7 = arith.constant 0 : i32
    %scan3A_8 = arith.constant 6 : i32
    %scan3A_9 = arith.addi %scan3A_7, %scan3A_8 : i32
    %scan3A_10 = arith.constant 1 : i32
    %scan3A_11 = scf.for %scan3A_26 = %scan3A_7 to %scan3A_9 step %scan3A_10 iter_args(%scan3A_27 = %scan3A_6) -> (i32)  : i32 {
      %broadcast_in_dim3A = arith.constant 1.000000e+00 : f32
      %broadcast_in_dim3A_28 = vector.broadcast %broadcast_in_dim3A : f32 to vector<16xf32>
      %mul3A_29 = arith.constant 16 : i32
      %mul3A_30 = arith.muli %scan3A_26, %mul3A_29 : i32
      %swap3A = arith.index_cast %mul3A_30 : i32 to index
      %swap3A_31 = tpu.vector_load %arg7[%swap3A] {strides = array<i32>} : memref<96xf32, #tpu.memory_space<vmem>>, vector<16xf32>,
      %swap3A_32 = vector.shape_cast %swap3A_31 : vector<16xf32> to vector<16xf32>
      %swap3A_33 = vector.shape_cast %broadcast_in_dim3A_28 : vector<16xf32> to vector<16xf32>
      tpu.vector_store %arg7[%swap3A], %swap3A_33 {strides = array<i32>} : memref<96xf32, #tpu.memory_space<vmem>>, vector<16xf32>,
      %scan3A_34 = arith.constant 0 : i32
      scf.yield %scan3A_34 : i32
    }
    %scan3A_12 = arith.constant 6 : i32
    %mul3A = arith.constant 640 : i32
    %mul3A_13 = arith.muli %arg1, %mul3A : i32
    "tpu.region"() ({
      %run_scoped3A = tpu.sem_alloc : memref<!tpu.dma_semaphore, #tpu.memory_space<semaphore_mem>>
      %dma_start3A = tpu.memref_slice %arg4[%mul3A_13] : memref<10240xf32, #tpu.memory_space<vmem_shared>> -> memref<640xf32, #tpu.memory_space<vmem_shared>>
      %dma_start3A_26 = tpu.memref_slice %arg4[%mul3A_13] : memref<10240xf32, #tpu.memory_space<vmem_shared>> -> memref<640xf32, #tpu.memory_space<vmem_shared>>
      tpu.enqueue_dma source(%arg8 : memref<640xf32, #tpu.memory_space<vmem>>) target(%dma_start3A_26 : memref<640xf32, #tpu.memory_space<vmem_shared>>) target_semaphore(%run_scoped3A : memref<!tpu.dma_semaphore, #tpu.memory_space<semaphore_mem>>)
      %dma_wait3A = tpu.memref_slice %arg4[%mul3A_13] : memref<10240xf32, #tpu.memory_space<vmem_shared>> -> memref<640xf32, #tpu.memory_space<vmem_shared>>
      %dma_wait3A_27 = tpu.memref_slice %arg4[%mul3A_13] : memref<10240xf32, #tpu.memory_space<vmem_shared>> -> memref<640xf32, #tpu.memory_space<vmem_shared>>
      tpu.wait_dma2 semaphore(%run_scoped3A : memref<!tpu.dma_semaphore, #tpu.memory_space<semaphore_mem>>) src(%arg8 : memref<640xf32, #tpu.memory_space<vmem>>) dst(%dma_wait3A_27 : memref<640xf32, #tpu.memory_space<vmem_shared>>)
      tpu.yield
    }) : () -> ()
    %barrier3A = arith.constant 0 : index
    tpu.barrier barrier_id(%barrier3A)
    %scan3A_14 = arith.constant 0 : i32
    %scan3A_15 = arith.constant 0 : i32
    %scan3A_16 = arith.constant 106 : i32
    %scan3A_17 = arith.addi %scan3A_15, %scan3A_16 : i32
    %scan3A_18 = arith.constant 1 : i32
    %scan3A_19 = scf.for %scan3A_26 = %scan3A_15 to %scan3A_17 step %scan3A_18 iter_args(%scan3A_27 = %scan3A_14) -> (i32)  : i32 {
      %get3A = arith.index_cast %scan3A_26 : i32 to index
      %get3A_28 = arith.constant 0 : index
      %get3A_29 = tpu.vector_load %arg5[%get3A, %get3A_28] {strides = array<i32>} : memref<106x96xi32, #tpu.memory_space<vmem>>, vector<1x16xi32>,
      %get3A_30 = vector.shape_cast %get3A_29 : vector<1x16xi32> to vector<16xi32>
      %shift_right_logical3A = arith.constant 16 : i32
      %shift_right_logical3A_31 = vector.broadcast %shift_right_logical3A : i32 to vector<16xi32>
      %shift_right_logical3A_32 = arith.shrui %get3A_30, %shift_right_logical3A_31 : vector<16xi32>
      %swap3A = arith.constant 1 : i32
      %swap3A_33 = arith.index_cast %swap3A : i32 to index
      %swap3A_34 = arith.constant 0 : index
      %swap3A_35 = tpu.vector_load %arg6[%swap3A_33, %swap3A_34] {strides = array<i32>} : memref<2x96xi32, #tpu.memory_space<vmem>>, vector<1x16xi32>,
      %swap3A_36 = vector.shape_cast %swap3A_35 : vector<1x16xi32> to vector<16xi32>
      %swap3A_37 = vector.shape_cast %shift_right_logical3A_32 : vector<16xi32> to vector<1x16xi32>
      tpu.vector_store %arg6[%swap3A_33, %swap3A_34], %swap3A_37 {strides = array<i32>} : memref<2x96xi32, #tpu.memory_space<vmem>>, vector<1x16xi32>,
      %get3A_38 = arith.index_cast %scan3A_26 : i32 to index
      %get3A_39 = arith.constant 16 : index
      %get3A_40 = tpu.vector_load %arg5[%get3A_38, %get3A_39] {strides = array<i32>} : memref<106x96xi32, #tpu.memory_space<vmem>>, vector<1x16xi32>,
      %get3A_41 = vector.shape_cast %get3A_40 : vector<1x16xi32> to vector<16xi32>
      %shift_right_logical3A_42 = arith.constant 16 : i32
      %shift_right_logical3A_43 = vector.broadcast %shift_right_logical3A_42 : i32 to vector<16xi32>
      %shift_right_logical3A_44 = arith.shrui %get3A_41, %shift_right_logical3A_43 : vector<16xi32>
      %swap3A_45 = arith.constant 1 : i32
      %swap3A_46 = arith.index_cast %swap3A_45 : i32 to index
      %swap3A_47 = arith.constant 16 : index
      %swap3A_48 = tpu.vector_load %arg6[%swap3A_46, %swap3A_47] {strides = array<i32>} : memref<2x96xi32, #tpu.memory_space<vmem>>, vector<1x16xi32>,
      %swap3A_49 = vector.shape_cast %swap3A_48 : vector<1x16xi32> to vector<16xi32>
      %swap3A_50 = vector.shape_cast %shift_right_logical3A_44 : vector<16xi32> to vector<1x16xi32>
      tpu.vector_store %arg6[%swap3A_46, %swap3A_47], %swap3A_50 {strides = array<i32>} : memref<2x96xi32, #tpu.memory_space<vmem>>, vector<1x16xi32>,
      %get3A_51 = arith.index_cast %scan3A_26 : i32 to index
      %get3A_52 = arith.constant 32 : index
      %get3A_53 = tpu.vector_load %arg5[%get3A_51, %get3A_52] {strides = array<i32>} : memref<106x96xi32, #tpu.memory_space<vmem>>, vector<1x16xi32>,
      %get3A_54 = vector.shape_cast %get3A_53 : vector<1x16xi32> to vector<16xi32>
      %shift_right_logical3A_55 = arith.constant 16 : i32
      %shift_right_logical3A_56 = vector.broadcast %shift_right_logical3A_55 : i32 to vector<16xi32>
      %shift_right_logical3A_57 = arith.shrui %get3A_54, %shift_right_logical3A_56 : vector<16xi32>
      %swap3A_58 = arith.constant 1 : i32
      %swap3A_59 = arith.index_cast %swap3A_58 : i32 to index
      %swap3A_60 = arith.constant 32 : index
      %swap3A_61 = tpu.vector_load %arg6[%swap3A_59, %swap3A_60] {strides = array<i32>} : memref<2x96xi32, #tpu.memory_space<vmem>>, vector<1x16xi32>,
      %swap3A_62 = vector.shape_cast %swap3A_61 : vector<1x16xi32> to vector<16xi32>
      %swap3A_63 = vector.shape_cast %shift_right_logical3A_57 : vector<16xi32> to vector<1x16xi32>
      tpu.vector_store %arg6[%swap3A_59, %swap3A_60], %swap3A_63 {strides = array<i32>} : memref<2x96xi32, #tpu.memory_space<vmem>>, vector<1x16xi32>,
      %get3A_64 = arith.index_cast %scan3A_26 : i32 to index
      %get3A_65 = arith.constant 48 : index
      %get3A_66 = tpu.vector_load %arg5[%get3A_64, %get3A_65] {strides = array<i32>} : memref<106x96xi32, #tpu.memory_space<vmem>>, vector<1x16xi32>,
      %get3A_67 = vector.shape_cast %get3A_66 : vector<1x16xi32> to vector<16xi32>
      %shift_right_logical3A_68 = arith.constant 16 : i32
      %shift_right_logical3A_69 = vector.broadcast %shift_right_logical3A_68 : i32 to vector<16xi32>
      %shift_right_logical3A_70 = arith.shrui %get3A_67, %shift_right_logical3A_69 : vector<16xi32>
      %swap3A_71 = arith.constant 1 : i32
      %swap3A_72 = arith.index_cast %swap3A_71 : i32 to index
      %swap3A_73 = arith.constant 48 : index
      %swap3A_74 = tpu.vector_load %arg6[%swap3A_72, %swap3A_73] {strides = array<i32>} : memref<2x96xi32, #tpu.memory_space<vmem>>, vector<1x16xi32>,
      %swap3A_75 = vector.shape_cast %swap3A_74 : vector<1x16xi32> to vector<16xi32>
      %swap3A_76 = vector.shape_cast %shift_right_logical3A_70 : vector<16xi32> to vector<1x16xi32>
      tpu.vector_store %arg6[%swap3A_72, %swap3A_73], %swap3A_76 {strides = array<i32>} : memref<2x96xi32, #tpu.memory_space<vmem>>, vector<1x16xi32>,
      %get3A_77 = arith.index_cast %scan3A_26 : i32 to index
      %get3A_78 = arith.constant 64 : index
      %get3A_79 = tpu.vector_load %arg5[%get3A_77, %get3A_78] {strides = array<i32>} : memref<106x96xi32, #tpu.memory_space<vmem>>, vector<1x16xi32>,
      %get3A_80 = vector.shape_cast %get3A_79 : vector<1x16xi32> to vector<16xi32>
      %shift_right_logical3A_81 = arith.constant 16 : i32
      %shift_right_logical3A_82 = vector.broadcast %shift_right_logical3A_81 : i32 to vector<16xi32>
      %shift_right_logical3A_83 = arith.shrui %get3A_80, %shift_right_logical3A_82 : vector<16xi32>
      %swap3A_84 = arith.constant 1 : i32
      %swap3A_85 = arith.index_cast %swap3A_84 : i32 to index
      %swap3A_86 = arith.constant 64 : index
      %swap3A_87 = tpu.vector_load %arg6[%swap3A_85, %swap3A_86] {strides = array<i32>} : memref<2x96xi32, #tpu.memory_space<vmem>>, vector<1x16xi32>,
      %swap3A_88 = vector.shape_cast %swap3A_87 : vector<1x16xi32> to vector<16xi32>
      %swap3A_89 = vector.shape_cast %shift_right_logical3A_83 : vector<16xi32> to vector<1x16xi32>
      tpu.vector_store %arg6[%swap3A_85, %swap3A_86], %swap3A_89 {strides = array<i32>} : memref<2x96xi32, #tpu.memory_space<vmem>>, vector<1x16xi32>,
      %get3A_90 = arith.index_cast %scan3A_26 : i32 to index
      %get3A_91 = arith.constant 80 : index
      %get3A_92 = tpu.vector_load %arg5[%get3A_90, %get3A_91] {strides = array<i32>} : memref<106x96xi32, #tpu.memory_space<vmem>>, vector<1x16xi32>,
      %get3A_93 = vector.shape_cast %get3A_92 : vector<1x16xi32> to vector<16xi32>
      %shift_right_logical3A_94 = arith.constant 16 : i32
      %shift_right_logical3A_95 = vector.broadcast %shift_right_logical3A_94 : i32 to vector<16xi32>
      %shift_right_logical3A_96 = arith.shrui %get3A_93, %shift_right_logical3A_95 : vector<16xi32>
      %swap3A_97 = arith.constant 1 : i32
      %swap3A_98 = arith.index_cast %swap3A_97 : i32 to index
      %swap3A_99 = arith.constant 80 : index
      %swap3A_100 = tpu.vector_load %arg6[%swap3A_98, %swap3A_99] {strides = array<i32>} : memref<2x96xi32, #tpu.memory_space<vmem>>, vector<1x16xi32>,
      %swap3A_101 = vector.shape_cast %swap3A_100 : vector<1x16xi32> to vector<16xi32>
      %swap3A_102 = vector.shape_cast %shift_right_logical3A_96 : vector<16xi32> to vector<1x16xi32>
      tpu.vector_store %arg6[%swap3A_98, %swap3A_99], %swap3A_102 {strides = array<i32>} : memref<2x96xi32, #tpu.memory_space<vmem>>, vector<1x16xi32>,
      %run_scoped3A = arith.constant 1 : i32
      "tpu.region"() ({
        %run_scoped3A_104 = tpu.sem_alloc : memref<!tpu.dma_semaphore, #tpu.memory_space<semaphore_mem>>
        %dma_start3A = arith.constant 0 : i32
        %dma_start3A_105 = tpu.memref_slice %arg6[%run_scoped3A, %dma_start3A] : memref<2x96xi32, #tpu.memory_space<vmem>> -> memref<1x96xi32, #tpu.memory_space<vmem>>
        %dma_start3A_106 = tpu.memref_squeeze %dma_start3A_105 : memref<1x96xi32, #tpu.memory_space<vmem>> -> memref<96xi32, #tpu.memory_space<vmem>>
        %dma_start3A_107 = arith.constant 0 : i32
        %dma_start3A_108 = tpu.memref_slice %arg4[%dma_start3A_107] : memref<10240xf32, #tpu.memory_space<vmem_shared>> -> memref<10240xf32, #tpu.memory_space<vmem_shared>>
        tpu.enqueue_indirect_dma source(%arg7 : memref<96xf32, #tpu.memory_space<vmem>>) target(%dma_start3A_108 : memref<10240xf32, #tpu.memory_space<vmem_shared>>) offsets(%dma_start3A_106 : memref<96xi32, #tpu.memory_space<vmem>>) semaphore(%run_scoped3A_104 : memref<!tpu.dma_semaphore, #tpu.memory_space<semaphore_mem>>) {add = true}
        %dma_wait3A = arith.constant 0 : i32
        %dma_wait3A_109 = tpu.memref_slice %arg6[%run_scoped3A, %dma_wait3A] : memref<2x96xi32, #tpu.memory_space<vmem>> -> memref<1x96xi32, #tpu.memory_space<vmem>>
        %dma_wait3A_110 = tpu.memref_squeeze %dma_wait3A_109 : memref<1x96xi32, #tpu.memory_space<vmem>> -> memref<96xi32, #tpu.memory_space<vmem>>
        %dma_wait3A_111 = arith.constant 0 : i32
        %dma_wait3A_112 = tpu.memref_slice %arg4[%dma_wait3A_111] : memref<10240xf32, #tpu.memory_space<vmem_shared>> -> memref<10240xf32, #tpu.memory_space<vmem_shared>>
        tpu.wait_indirect_dma semaphore(%run_scoped3A_104 : memref<!tpu.dma_semaphore, #tpu.memory_space<semaphore_mem>>) src(%arg7 : memref<96xf32, #tpu.memory_space<vmem>>) dst(%dma_wait3A_112 : memref<10240xf32, #tpu.memory_space<vmem_shared>>)
        tpu.yield
      }) : () -> ()
      %scan3A_103 = arith.constant 0 : i32
      scf.yield %scan3A_103 : i32
    }
    %scan3A_20 = arith.constant 106 : i32
    %barrier3A_21 = arith.constant 0 : index
    tpu.barrier barrier_id(%barrier3A_21)
    %mul3A_22 = arith.constant 640 : i32
    %mul3A_23 = arith.muli %arg1, %mul3A_22 : i32
    %mul3A_24 = arith.constant 640 : i32
    %mul3A_25 = arith.muli %arg1, %mul3A_24 : i32
    "tpu.region"() ({
      %run_scoped3A = tpu.sem_alloc : memref<!tpu.dma_semaphore, #tpu.memory_space<semaphore_mem>>
      %dma_start3A = tpu.memref_slice %arg3[%arg0, %mul3A_25] : memref<2x10240xf32, #tpu.memory_space<hbm>> -> memref<1x640xf32, #tpu.memory_space<hbm>>
      %dma_start3A_26 = tpu.memref_squeeze %dma_start3A : memref<1x640xf32, #tpu.memory_space<hbm>> -> memref<640xf32, #tpu.memory_space<hbm>>
      %dma_start3A_27 = tpu.memref_slice %arg4[%mul3A_23] : memref<10240xf32, #tpu.memory_space<vmem_shared>> -> memref<640xf32, #tpu.memory_space<vmem_shared>>
      tpu.enqueue_dma source(%dma_start3A_27 : memref<640xf32, #tpu.memory_space<vmem_shared>>) target(%dma_start3A_26 : memref<640xf32, #tpu.memory_space<hbm>>) target_semaphore(%run_scoped3A : memref<!tpu.dma_semaphore, #tpu.memory_space<semaphore_mem>>)
      %dma_wait3A = tpu.memref_slice %arg3[%arg0, %mul3A_25] : memref<2x10240xf32, #tpu.memory_space<hbm>> -> memref<1x640xf32, #tpu.memory_space<hbm>>
      %dma_wait3A_28 = tpu.memref_squeeze %dma_wait3A : memref<1x640xf32, #tpu.memory_space<hbm>> -> memref<640xf32, #tpu.memory_space<hbm>>
      %dma_wait3A_29 = tpu.memref_slice %arg4[%mul3A_23] : memref<10240xf32, #tpu.memory_space<vmem_shared>> -> memref<640xf32, #tpu.memory_space<vmem_shared>>
      tpu.wait_dma2 semaphore(%run_scoped3A : memref<!tpu.dma_semaphore, #tpu.memory_space<semaphore_mem>>) src(%dma_wait3A_29 : memref<640xf32, #tpu.memory_space<vmem_shared>>) dst(%dma_wait3A_28 : memref<640xf32, #tpu.memory_space<hbm>>)
      tpu.yield
    }) : () -> ()
    return
  }
}

#map = affine_map<(d0, d1) -> (0, 0)>
#map1 = affine_map<(d0, d1) -> (0, 0, 0, 0)>
#map2 = affine_map<(d0, d1) -> (0, 0, 0)>
module attributes {stable_mosaic.version = 14 : i64} {
  func.func @_edge_kernel(%arg0: i32, %arg1: i32, %arg2: memref<10240x128xf32, #tpu.memory_space<hbm>>, %arg3: memref<2x16x106x96xi32, #tpu.memory_space<hbm>>, %arg4: memref<2x10240x128xf32, #tpu.memory_space<hbm>>, %arg5: memref<10240x128xf32, #tpu.memory_space<vmem_shared>>, %arg6: memref<106x96xi32, #tpu.memory_space<vmem>>, %arg7: memref<2x96xi32, #tpu.memory_space<vmem>>, %arg8: memref<2x96xi32, #tpu.memory_space<vmem>>, %arg9: memref<96x128xf32, #tpu.memory_space<vmem>>, %arg10: memref<96x128xf32, #tpu.memory_space<vmem>>, %arg11: memref<!tpu.dma_semaphore, #tpu.memory_space<semaphore_mem>>, %arg12: memref<!tpu.dma_semaphore, #tpu.memory_space<semaphore_mem>>) attributes {dimension_semantics = [#tpu.dimension_semantics<core_parallel>, #tpu.dimension_semantics<subcore_parallel>], iteration_bounds = array<i64: 2, 16>, scalar_prefetch = 0 : i64, scratch_operands = 8 : i64, tpu.core_type = #tpu.core_type<sc_vector_subcore>, window_params = [{transform_indices = #map}, {transform_indices = #map1}, {transform_indices = #map2}]} {
    "tpu.region"() ({
      %run_scoped3A = tpu.sem_alloc : memref<!tpu.dma_semaphore, #tpu.memory_space<semaphore_mem>>
      %dma_start3A_196 = arith.constant 0 : i32
      %dma_start3A_197 = arith.constant 0 : i32
      %dma_start3A_198 = tpu.memref_slice %arg3[%arg0, %arg1, %dma_start3A_196, %dma_start3A_197] : memref<2x16x106x96xi32, #tpu.memory_space<hbm>> -> memref<1x1x106x96xi32, #tpu.memory_space<hbm>>
      %dma_start3A_199 = tpu.memref_squeeze %dma_start3A_198 : memref<1x1x106x96xi32, #tpu.memory_space<hbm>> -> memref<106x96xi32, #tpu.memory_space<hbm>>
      %dma_start3A_200 = arith.constant 0 : i32
      %dma_start3A_201 = arith.constant 0 : i32
      %dma_start3A_202 = tpu.memref_slice %arg3[%arg0, %arg1, %dma_start3A_200, %dma_start3A_201] : memref<2x16x106x96xi32, #tpu.memory_space<hbm>> -> memref<1x1x106x96xi32, #tpu.memory_space<hbm>>
      %dma_start3A_203 = tpu.memref_squeeze %dma_start3A_202 : memref<1x1x106x96xi32, #tpu.memory_space<hbm>> -> memref<106x96xi32, #tpu.memory_space<hbm>>
      tpu.enqueue_dma source(%dma_start3A_203 : memref<106x96xi32, #tpu.memory_space<hbm>>) target(%arg6 : memref<106x96xi32, #tpu.memory_space<vmem>>) target_semaphore(%run_scoped3A : memref<!tpu.dma_semaphore, #tpu.memory_space<semaphore_mem>>)
      %dma_wait3A = arith.constant 0 : i32
      %dma_wait3A_204 = arith.constant 0 : i32
      %dma_wait3A_205 = tpu.memref_slice %arg3[%arg0, %arg1, %dma_wait3A, %dma_wait3A_204] : memref<2x16x106x96xi32, #tpu.memory_space<hbm>> -> memref<1x1x106x96xi32, #tpu.memory_space<hbm>>
      %dma_wait3A_206 = tpu.memref_squeeze %dma_wait3A_205 : memref<1x1x106x96xi32, #tpu.memory_space<hbm>> -> memref<106x96xi32, #tpu.memory_space<hbm>>
      %dma_wait3A_207 = arith.constant 0 : i32
      %dma_wait3A_208 = arith.constant 0 : i32
      %dma_wait3A_209 = tpu.memref_slice %arg3[%arg0, %arg1, %dma_wait3A_207, %dma_wait3A_208] : memref<2x16x106x96xi32, #tpu.memory_space<hbm>> -> memref<1x1x106x96xi32, #tpu.memory_space<hbm>>
      %dma_wait3A_210 = tpu.memref_squeeze %dma_wait3A_209 : memref<1x1x106x96xi32, #tpu.memory_space<hbm>> -> memref<106x96xi32, #tpu.memory_space<hbm>>
      tpu.wait_dma2 semaphore(%run_scoped3A : memref<!tpu.dma_semaphore, #tpu.memory_space<semaphore_mem>>) src(%dma_wait3A_210 : memref<106x96xi32, #tpu.memory_space<hbm>>) dst(%arg6 : memref<106x96xi32, #tpu.memory_space<vmem>>)
      tpu.yield
    }) : () -> ()
    %scan3A = arith.constant 0 : i32
    %scan3A_0 = arith.constant 0 : i32
    %scan3A_1 = arith.constant 64 : i32
    %scan3A_2 = arith.addi %scan3A_0, %scan3A_1 : i32
    %scan3A_3 = arith.constant 1 : i32
    %scan3A_4 = scf.for %scan3A_196 = %scan3A_0 to %scan3A_2 step %scan3A_3 iter_args(%scan3A_197 = %scan3A) -> (i32)  : i32 {
      %broadcast_in_dim3A = arith.constant 0.000000e+00 : f32
      %broadcast_in_dim3A_198 = vector.broadcast %broadcast_in_dim3A : f32 to vector<16xf32>
      %swap3A_199 = arith.index_cast %scan3A_196 : i32 to index
      %swap3A_200 = arith.constant 0 : index
      %swap3A_201 = tpu.vector_load %arg9[%swap3A_199, %swap3A_200] {strides = array<i32>} : memref<96x128xf32, #tpu.memory_space<vmem>>, vector<1x16xf32>,
      %swap3A_202 = vector.shape_cast %swap3A_201 : vector<1x16xf32> to vector<16xf32>
      %swap3A_203 = vector.shape_cast %broadcast_in_dim3A_198 : vector<16xf32> to vector<1x16xf32>
      tpu.vector_store %arg9[%swap3A_199, %swap3A_200], %swap3A_203 {strides = array<i32>} : memref<96x128xf32, #tpu.memory_space<vmem>>, vector<1x16xf32>,
      %broadcast_in_dim3A_204 = arith.constant 0.000000e+00 : f32
      %broadcast_in_dim3A_205 = vector.broadcast %broadcast_in_dim3A_204 : f32 to vector<16xf32>
      %swap3A_206 = arith.index_cast %scan3A_196 : i32 to index
      %swap3A_207 = arith.constant 16 : index
      %swap3A_208 = tpu.vector_load %arg9[%swap3A_206, %swap3A_207] {strides = array<i32>} : memref<96x128xf32, #tpu.memory_space<vmem>>, vector<1x16xf32>,
      %swap3A_209 = vector.shape_cast %swap3A_208 : vector<1x16xf32> to vector<16xf32>
      %swap3A_210 = vector.shape_cast %broadcast_in_dim3A_205 : vector<16xf32> to vector<1x16xf32>
      tpu.vector_store %arg9[%swap3A_206, %swap3A_207], %swap3A_210 {strides = array<i32>} : memref<96x128xf32, #tpu.memory_space<vmem>>, vector<1x16xf32>,
      %broadcast_in_dim3A_211 = arith.constant 0.000000e+00 : f32
      %broadcast_in_dim3A_212 = vector.broadcast %broadcast_in_dim3A_211 : f32 to vector<16xf32>
      %swap3A_213 = arith.index_cast %scan3A_196 : i32 to index
      %swap3A_214 = arith.constant 32 : index
      %swap3A_215 = tpu.vector_load %arg9[%swap3A_213, %swap3A_214] {strides = array<i32>} : memref<96x128xf32, #tpu.memory_space<vmem>>, vector<1x16xf32>,
      %swap3A_216 = vector.shape_cast %swap3A_215 : vector<1x16xf32> to vector<16xf32>
      %swap3A_217 = vector.shape_cast %broadcast_in_dim3A_212 : vector<16xf32> to vector<1x16xf32>
      tpu.vector_store %arg9[%swap3A_213, %swap3A_214], %swap3A_217 {strides = array<i32>} : memref<96x128xf32, #tpu.memory_space<vmem>>, vector<1x16xf32>,
      %broadcast_in_dim3A_218 = arith.constant 0.000000e+00 : f32
      %broadcast_in_dim3A_219 = vector.broadcast %broadcast_in_dim3A_218 : f32 to vector<16xf32>
      %swap3A_220 = arith.index_cast %scan3A_196 : i32 to index
      %swap3A_221 = arith.constant 48 : index
      %swap3A_222 = tpu.vector_load %arg9[%swap3A_220, %swap3A_221] {strides = array<i32>} : memref<96x128xf32, #tpu.memory_space<vmem>>, vector<1x16xf32>,
      %swap3A_223 = vector.shape_cast %swap3A_222 : vector<1x16xf32> to vector<16xf32>
      %swap3A_224 = vector.shape_cast %broadcast_in_dim3A_219 : vector<16xf32> to vector<1x16xf32>
      tpu.vector_store %arg9[%swap3A_220, %swap3A_221], %swap3A_224 {strides = array<i32>} : memref<96x128xf32, #tpu.memory_space<vmem>>, vector<1x16xf32>,
      %broadcast_in_dim3A_225 = arith.constant 0.000000e+00 : f32
      %broadcast_in_dim3A_226 = vector.broadcast %broadcast_in_dim3A_225 : f32 to vector<16xf32>
      %swap3A_227 = arith.index_cast %scan3A_196 : i32 to index
      %swap3A_228 = arith.constant 64 : index
      %swap3A_229 = tpu.vector_load %arg9[%swap3A_227, %swap3A_228] {strides = array<i32>} : memref<96x128xf32, #tpu.memory_space<vmem>>, vector<1x16xf32>,
      %swap3A_230 = vector.shape_cast %swap3A_229 : vector<1x16xf32> to vector<16xf32>
      %swap3A_231 = vector.shape_cast %broadcast_in_dim3A_226 : vector<16xf32> to vector<1x16xf32>
      tpu.vector_store %arg9[%swap3A_227, %swap3A_228], %swap3A_231 {strides = array<i32>} : memref<96x128xf32, #tpu.memory_space<vmem>>, vector<1x16xf32>,
      %broadcast_in_dim3A_232 = arith.constant 0.000000e+00 : f32
      %broadcast_in_dim3A_233 = vector.broadcast %broadcast_in_dim3A_232 : f32 to vector<16xf32>
      %swap3A_234 = arith.index_cast %scan3A_196 : i32 to index
      %swap3A_235 = arith.constant 80 : index
      %swap3A_236 = tpu.vector_load %arg9[%swap3A_234, %swap3A_235] {strides = array<i32>} : memref<96x128xf32, #tpu.memory_space<vmem>>, vector<1x16xf32>,
      %swap3A_237 = vector.shape_cast %swap3A_236 : vector<1x16xf32> to vector<16xf32>
      %swap3A_238 = vector.shape_cast %broadcast_in_dim3A_233 : vector<16xf32> to vector<1x16xf32>
      tpu.vector_store %arg9[%swap3A_234, %swap3A_235], %swap3A_238 {strides = array<i32>} : memref<96x128xf32, #tpu.memory_space<vmem>>, vector<1x16xf32>,
      %broadcast_in_dim3A_239 = arith.constant 0.000000e+00 : f32
      %broadcast_in_dim3A_240 = vector.broadcast %broadcast_in_dim3A_239 : f32 to vector<16xf32>
      %swap3A_241 = arith.index_cast %scan3A_196 : i32 to index
      %swap3A_242 = arith.constant 96 : index
      %swap3A_243 = tpu.vector_load %arg9[%swap3A_241, %swap3A_242] {strides = array<i32>} : memref<96x128xf32, #tpu.memory_space<vmem>>, vector<1x16xf32>,
      %swap3A_244 = vector.shape_cast %swap3A_243 : vector<1x16xf32> to vector<16xf32>
      %swap3A_245 = vector.shape_cast %broadcast_in_dim3A_240 : vector<16xf32> to vector<1x16xf32>
      tpu.vector_store %arg9[%swap3A_241, %swap3A_242], %swap3A_245 {strides = array<i32>} : memref<96x128xf32, #tpu.memory_space<vmem>>, vector<1x16xf32>,
      %broadcast_in_dim3A_246 = arith.constant 0.000000e+00 : f32
      %broadcast_in_dim3A_247 = vector.broadcast %broadcast_in_dim3A_246 : f32 to vector<16xf32>
      %swap3A_248 = arith.index_cast %scan3A_196 : i32 to index
      %swap3A_249 = arith.constant 112 : index
      %swap3A_250 = tpu.vector_load %arg9[%swap3A_248, %swap3A_249] {strides = array<i32>} : memref<96x128xf32, #tpu.memory_space<vmem>>, vector<1x16xf32>,
      %swap3A_251 = vector.shape_cast %swap3A_250 : vector<1x16xf32> to vector<16xf32>
      %swap3A_252 = vector.shape_cast %broadcast_in_dim3A_247 : vector<16xf32> to vector<1x16xf32>
      tpu.vector_store %arg9[%swap3A_248, %swap3A_249], %swap3A_252 {strides = array<i32>} : memref<96x128xf32, #tpu.memory_space<vmem>>, vector<1x16xf32>,
      %scan3A_253 = arith.constant 0 : i32
      scf.yield %scan3A_253 : i32
    }
    %scan3A_5 = arith.constant 64 : i32
    %mul3A = arith.constant 640 : i32
    %mul3A_6 = arith.muli %arg1, %mul3A : i32
    %add3A = arith.constant 0 : i32
    %add3A_7 = arith.addi %mul3A_6, %add3A : i32
    "tpu.region"() ({
      %run_scoped3A = tpu.sem_alloc : memref<!tpu.dma_semaphore, #tpu.memory_space<semaphore_mem>>
      %dma_start3A_196 = arith.constant 0 : i32
      %dma_start3A_197 = arith.constant 0 : i32
      %dma_start3A_198 = tpu.memref_slice %arg9[%dma_start3A_196, %dma_start3A_197] : memref<96x128xf32, #tpu.memory_space<vmem>> -> memref<64x128xf32, #tpu.memory_space<vmem>>
      %dma_start3A_199 = arith.constant 0 : i32
      %dma_start3A_200 = tpu.memref_slice %arg5[%add3A_7, %dma_start3A_199] : memref<10240x128xf32, #tpu.memory_space<vmem_shared>> -> memref<64x128xf32, #tpu.memory_space<vmem_shared>>
      %dma_start3A_201 = arith.constant 0 : i32
      %dma_start3A_202 = tpu.memref_slice %arg5[%add3A_7, %dma_start3A_201] : memref<10240x128xf32, #tpu.memory_space<vmem_shared>> -> memref<64x128xf32, #tpu.memory_space<vmem_shared>>
      %dma_start3A_203 = arith.constant 0 : i32
      %dma_start3A_204 = arith.constant 0 : i32
      %dma_start3A_205 = tpu.memref_slice %arg9[%dma_start3A_203, %dma_start3A_204] : memref<96x128xf32, #tpu.memory_space<vmem>> -> memref<64x128xf32, #tpu.memory_space<vmem>>
      tpu.enqueue_dma source(%dma_start3A_205 : memref<64x128xf32, #tpu.memory_space<vmem>>) target(%dma_start3A_202 : memref<64x128xf32, #tpu.memory_space<vmem_shared>>) target_semaphore(%run_scoped3A : memref<!tpu.dma_semaphore, #tpu.memory_space<semaphore_mem>>)
      %dma_wait3A = arith.constant 0 : i32
      %dma_wait3A_206 = arith.constant 0 : i32
      %dma_wait3A_207 = tpu.memref_slice %arg9[%dma_wait3A, %dma_wait3A_206] : memref<96x128xf32, #tpu.memory_space<vmem>> -> memref<64x128xf32, #tpu.memory_space<vmem>>
      %dma_wait3A_208 = arith.constant 0 : i32
      %dma_wait3A_209 = tpu.memref_slice %arg5[%add3A_7, %dma_wait3A_208] : memref<10240x128xf32, #tpu.memory_space<vmem_shared>> -> memref<64x128xf32, #tpu.memory_space<vmem_shared>>
      %dma_wait3A_210 = arith.constant 0 : i32
      %dma_wait3A_211 = tpu.memref_slice %arg5[%add3A_7, %dma_wait3A_210] : memref<10240x128xf32, #tpu.memory_space<vmem_shared>> -> memref<64x128xf32, #tpu.memory_space<vmem_shared>>
      %dma_wait3A_212 = arith.constant 0 : i32
      %dma_wait3A_213 = arith.constant 0 : i32
      %dma_wait3A_214 = tpu.memref_slice %arg9[%dma_wait3A_212, %dma_wait3A_213] : memref<96x128xf32, #tpu.memory_space<vmem>> -> memref<64x128xf32, #tpu.memory_space<vmem>>
      tpu.wait_dma2 semaphore(%run_scoped3A : memref<!tpu.dma_semaphore, #tpu.memory_space<semaphore_mem>>) src(%dma_wait3A_214 : memref<64x128xf32, #tpu.memory_space<vmem>>) dst(%dma_wait3A_211 : memref<64x128xf32, #tpu.memory_space<vmem_shared>>)
      tpu.yield
    }) : () -> ()
    %mul3A_8 = arith.constant 640 : i32
    %mul3A_9 = arith.muli %arg1, %mul3A_8 : i32
    %add3A_10 = arith.constant 64 : i32
    %add3A_11 = arith.addi %mul3A_9, %add3A_10 : i32
    "tpu.region"() ({
      %run_scoped3A = tpu.sem_alloc : memref<!tpu.dma_semaphore, #tpu.memory_space<semaphore_mem>>
      %dma_start3A_196 = arith.constant 0 : i32
      %dma_start3A_197 = arith.constant 0 : i32
      %dma_start3A_198 = tpu.memref_slice %arg9[%dma_start3A_196, %dma_start3A_197] : memref<96x128xf32, #tpu.memory_space<vmem>> -> memref<64x128xf32, #tpu.memory_space<vmem>>
      %dma_start3A_199 = arith.constant 0 : i32
      %dma_start3A_200 = tpu.memref_slice %arg5[%add3A_11, %dma_start3A_199] : memref<10240x128xf32, #tpu.memory_space<vmem_shared>> -> memref<64x128xf32, #tpu.memory_space<vmem_shared>>
      %dma_start3A_201 = arith.constant 0 : i32
      %dma_start3A_202 = tpu.memref_slice %arg5[%add3A_11, %dma_start3A_201] : memref<10240x128xf32, #tpu.memory_space<vmem_shared>> -> memref<64x128xf32, #tpu.memory_space<vmem_shared>>
      %dma_start3A_203 = arith.constant 0 : i32
      %dma_start3A_204 = arith.constant 0 : i32
      %dma_start3A_205 = tpu.memref_slice %arg9[%dma_start3A_203, %dma_start3A_204] : memref<96x128xf32, #tpu.memory_space<vmem>> -> memref<64x128xf32, #tpu.memory_space<vmem>>
      tpu.enqueue_dma source(%dma_start3A_205 : memref<64x128xf32, #tpu.memory_space<vmem>>) target(%dma_start3A_202 : memref<64x128xf32, #tpu.memory_space<vmem_shared>>) target_semaphore(%run_scoped3A : memref<!tpu.dma_semaphore, #tpu.memory_space<semaphore_mem>>)
      %dma_wait3A = arith.constant 0 : i32
      %dma_wait3A_206 = arith.constant 0 : i32
      %dma_wait3A_207 = tpu.memref_slice %arg9[%dma_wait3A, %dma_wait3A_206] : memref<96x128xf32, #tpu.memory_space<vmem>> -> memref<64x128xf32, #tpu.memory_space<vmem>>
      %dma_wait3A_208 = arith.constant 0 : i32
      %dma_wait3A_209 = tpu.memref_slice %arg5[%add3A_11, %dma_wait3A_208] : memref<10240x128xf32, #tpu.memory_space<vmem_shared>> -> memref<64x128xf32, #tpu.memory_space<vmem_shared>>
      %dma_wait3A_210 = arith.constant 0 : i32
      %dma_wait3A_211 = tpu.memref_slice %arg5[%add3A_11, %dma_wait3A_210] : memref<10240x128xf32, #tpu.memory_space<vmem_shared>> -> memref<64x128xf32, #tpu.memory_space<vmem_shared>>
      %dma_wait3A_212 = arith.constant 0 : i32
      %dma_wait3A_213 = arith.constant 0 : i32
      %dma_wait3A_214 = tpu.memref_slice %arg9[%dma_wait3A_212, %dma_wait3A_213] : memref<96x128xf32, #tpu.memory_space<vmem>> -> memref<64x128xf32, #tpu.memory_space<vmem>>
      tpu.wait_dma2 semaphore(%run_scoped3A : memref<!tpu.dma_semaphore, #tpu.memory_space<semaphore_mem>>) src(%dma_wait3A_214 : memref<64x128xf32, #tpu.memory_space<vmem>>) dst(%dma_wait3A_211 : memref<64x128xf32, #tpu.memory_space<vmem_shared>>)
      tpu.yield
    }) : () -> ()
    %mul3A_12 = arith.constant 640 : i32
    %mul3A_13 = arith.muli %arg1, %mul3A_12 : i32
    %add3A_14 = arith.constant 128 : i32
    %add3A_15 = arith.addi %mul3A_13, %add3A_14 : i32
    "tpu.region"() ({
      %run_scoped3A = tpu.sem_alloc : memref<!tpu.dma_semaphore, #tpu.memory_space<semaphore_mem>>
      %dma_start3A_196 = arith.constant 0 : i32
      %dma_start3A_197 = arith.constant 0 : i32
      %dma_start3A_198 = tpu.memref_slice %arg9[%dma_start3A_196, %dma_start3A_197] : memref<96x128xf32, #tpu.memory_space<vmem>> -> memref<64x128xf32, #tpu.memory_space<vmem>>
      %dma_start3A_199 = arith.constant 0 : i32
      %dma_start3A_200 = tpu.memref_slice %arg5[%add3A_15, %dma_start3A_199] : memref<10240x128xf32, #tpu.memory_space<vmem_shared>> -> memref<64x128xf32, #tpu.memory_space<vmem_shared>>
      %dma_start3A_201 = arith.constant 0 : i32
      %dma_start3A_202 = tpu.memref_slice %arg5[%add3A_15, %dma_start3A_201] : memref<10240x128xf32, #tpu.memory_space<vmem_shared>> -> memref<64x128xf32, #tpu.memory_space<vmem_shared>>
      %dma_start3A_203 = arith.constant 0 : i32
      %dma_start3A_204 = arith.constant 0 : i32
      %dma_start3A_205 = tpu.memref_slice %arg9[%dma_start3A_203, %dma_start3A_204] : memref<96x128xf32, #tpu.memory_space<vmem>> -> memref<64x128xf32, #tpu.memory_space<vmem>>
      tpu.enqueue_dma source(%dma_start3A_205 : memref<64x128xf32, #tpu.memory_space<vmem>>) target(%dma_start3A_202 : memref<64x128xf32, #tpu.memory_space<vmem_shared>>) target_semaphore(%run_scoped3A : memref<!tpu.dma_semaphore, #tpu.memory_space<semaphore_mem>>)
      %dma_wait3A = arith.constant 0 : i32
      %dma_wait3A_206 = arith.constant 0 : i32
      %dma_wait3A_207 = tpu.memref_slice %arg9[%dma_wait3A, %dma_wait3A_206] : memref<96x128xf32, #tpu.memory_space<vmem>> -> memref<64x128xf32, #tpu.memory_space<vmem>>
      %dma_wait3A_208 = arith.constant 0 : i32
      %dma_wait3A_209 = tpu.memref_slice %arg5[%add3A_15, %dma_wait3A_208] : memref<10240x128xf32, #tpu.memory_space<vmem_shared>> -> memref<64x128xf32, #tpu.memory_space<vmem_shared>>
      %dma_wait3A_210 = arith.constant 0 : i32
      %dma_wait3A_211 = tpu.memref_slice %arg5[%add3A_15, %dma_wait3A_210] : memref<10240x128xf32, #tpu.memory_space<vmem_shared>> -> memref<64x128xf32, #tpu.memory_space<vmem_shared>>
      %dma_wait3A_212 = arith.constant 0 : i32
      %dma_wait3A_213 = arith.constant 0 : i32
      %dma_wait3A_214 = tpu.memref_slice %arg9[%dma_wait3A_212, %dma_wait3A_213] : memref<96x128xf32, #tpu.memory_space<vmem>> -> memref<64x128xf32, #tpu.memory_space<vmem>>
      tpu.wait_dma2 semaphore(%run_scoped3A : memref<!tpu.dma_semaphore, #tpu.memory_space<semaphore_mem>>) src(%dma_wait3A_214 : memref<64x128xf32, #tpu.memory_space<vmem>>) dst(%dma_wait3A_211 : memref<64x128xf32, #tpu.memory_space<vmem_shared>>)
      tpu.yield
    }) : () -> ()
    %mul3A_16 = arith.constant 640 : i32
    %mul3A_17 = arith.muli %arg1, %mul3A_16 : i32
    %add3A_18 = arith.constant 192 : i32
    %add3A_19 = arith.addi %mul3A_17, %add3A_18 : i32
    "tpu.region"() ({
      %run_scoped3A = tpu.sem_alloc : memref<!tpu.dma_semaphore, #tpu.memory_space<semaphore_mem>>
      %dma_start3A_196 = arith.constant 0 : i32
      %dma_start3A_197 = arith.constant 0 : i32
      %dma_start3A_198 = tpu.memref_slice %arg9[%dma_start3A_196, %dma_start3A_197] : memref<96x128xf32, #tpu.memory_space<vmem>> -> memref<64x128xf32, #tpu.memory_space<vmem>>
      %dma_start3A_199 = arith.constant 0 : i32
      %dma_start3A_200 = tpu.memref_slice %arg5[%add3A_19, %dma_start3A_199] : memref<10240x128xf32, #tpu.memory_space<vmem_shared>> -> memref<64x128xf32, #tpu.memory_space<vmem_shared>>
      %dma_start3A_201 = arith.constant 0 : i32
      %dma_start3A_202 = tpu.memref_slice %arg5[%add3A_19, %dma_start3A_201] : memref<10240x128xf32, #tpu.memory_space<vmem_shared>> -> memref<64x128xf32, #tpu.memory_space<vmem_shared>>
      %dma_start3A_203 = arith.constant 0 : i32
      %dma_start3A_204 = arith.constant 0 : i32
      %dma_start3A_205 = tpu.memref_slice %arg9[%dma_start3A_203, %dma_start3A_204] : memref<96x128xf32, #tpu.memory_space<vmem>> -> memref<64x128xf32, #tpu.memory_space<vmem>>
      tpu.enqueue_dma source(%dma_start3A_205 : memref<64x128xf32, #tpu.memory_space<vmem>>) target(%dma_start3A_202 : memref<64x128xf32, #tpu.memory_space<vmem_shared>>) target_semaphore(%run_scoped3A : memref<!tpu.dma_semaphore, #tpu.memory_space<semaphore_mem>>)
      %dma_wait3A = arith.constant 0 : i32
      %dma_wait3A_206 = arith.constant 0 : i32
      %dma_wait3A_207 = tpu.memref_slice %arg9[%dma_wait3A, %dma_wait3A_206] : memref<96x128xf32, #tpu.memory_space<vmem>> -> memref<64x128xf32, #tpu.memory_space<vmem>>
      %dma_wait3A_208 = arith.constant 0 : i32
      %dma_wait3A_209 = tpu.memref_slice %arg5[%add3A_19, %dma_wait3A_208] : memref<10240x128xf32, #tpu.memory_space<vmem_shared>> -> memref<64x128xf32, #tpu.memory_space<vmem_shared>>
      %dma_wait3A_210 = arith.constant 0 : i32
      %dma_wait3A_211 = tpu.memref_slice %arg5[%add3A_19, %dma_wait3A_210] : memref<10240x128xf32, #tpu.memory_space<vmem_shared>> -> memref<64x128xf32, #tpu.memory_space<vmem_shared>>
      %dma_wait3A_212 = arith.constant 0 : i32
      %dma_wait3A_213 = arith.constant 0 : i32
      %dma_wait3A_214 = tpu.memref_slice %arg9[%dma_wait3A_212, %dma_wait3A_213] : memref<96x128xf32, #tpu.memory_space<vmem>> -> memref<64x128xf32, #tpu.memory_space<vmem>>
      tpu.wait_dma2 semaphore(%run_scoped3A : memref<!tpu.dma_semaphore, #tpu.memory_space<semaphore_mem>>) src(%dma_wait3A_214 : memref<64x128xf32, #tpu.memory_space<vmem>>) dst(%dma_wait3A_211 : memref<64x128xf32, #tpu.memory_space<vmem_shared>>)
      tpu.yield
    }) : () -> ()
    %mul3A_20 = arith.constant 640 : i32
    %mul3A_21 = arith.muli %arg1, %mul3A_20 : i32
    %add3A_22 = arith.constant 256 : i32
    %add3A_23 = arith.addi %mul3A_21, %add3A_22 : i32
    "tpu.region"() ({
      %run_scoped3A = tpu.sem_alloc : memref<!tpu.dma_semaphore, #tpu.memory_space<semaphore_mem>>
      %dma_start3A_196 = arith.constant 0 : i32
      %dma_start3A_197 = arith.constant 0 : i32
      %dma_start3A_198 = tpu.memref_slice %arg9[%dma_start3A_196, %dma_start3A_197] : memref<96x128xf32, #tpu.memory_space<vmem>> -> memref<64x128xf32, #tpu.memory_space<vmem>>
      %dma_start3A_199 = arith.constant 0 : i32
      %dma_start3A_200 = tpu.memref_slice %arg5[%add3A_23, %dma_start3A_199] : memref<10240x128xf32, #tpu.memory_space<vmem_shared>> -> memref<64x128xf32, #tpu.memory_space<vmem_shared>>
      %dma_start3A_201 = arith.constant 0 : i32
      %dma_start3A_202 = tpu.memref_slice %arg5[%add3A_23, %dma_start3A_201] : memref<10240x128xf32, #tpu.memory_space<vmem_shared>> -> memref<64x128xf32, #tpu.memory_space<vmem_shared>>
      %dma_start3A_203 = arith.constant 0 : i32
      %dma_start3A_204 = arith.constant 0 : i32
      %dma_start3A_205 = tpu.memref_slice %arg9[%dma_start3A_203, %dma_start3A_204] : memref<96x128xf32, #tpu.memory_space<vmem>> -> memref<64x128xf32, #tpu.memory_space<vmem>>
      tpu.enqueue_dma source(%dma_start3A_205 : memref<64x128xf32, #tpu.memory_space<vmem>>) target(%dma_start3A_202 : memref<64x128xf32, #tpu.memory_space<vmem_shared>>) target_semaphore(%run_scoped3A : memref<!tpu.dma_semaphore, #tpu.memory_space<semaphore_mem>>)
      %dma_wait3A = arith.constant 0 : i32
      %dma_wait3A_206 = arith.constant 0 : i32
      %dma_wait3A_207 = tpu.memref_slice %arg9[%dma_wait3A, %dma_wait3A_206] : memref<96x128xf32, #tpu.memory_space<vmem>> -> memref<64x128xf32, #tpu.memory_space<vmem>>
      %dma_wait3A_208 = arith.constant 0 : i32
      %dma_wait3A_209 = tpu.memref_slice %arg5[%add3A_23, %dma_wait3A_208] : memref<10240x128xf32, #tpu.memory_space<vmem_shared>> -> memref<64x128xf32, #tpu.memory_space<vmem_shared>>
      %dma_wait3A_210 = arith.constant 0 : i32
      %dma_wait3A_211 = tpu.memref_slice %arg5[%add3A_23, %dma_wait3A_210] : memref<10240x128xf32, #tpu.memory_space<vmem_shared>> -> memref<64x128xf32, #tpu.memory_space<vmem_shared>>
      %dma_wait3A_212 = arith.constant 0 : i32
      %dma_wait3A_213 = arith.constant 0 : i32
      %dma_wait3A_214 = tpu.memref_slice %arg9[%dma_wait3A_212, %dma_wait3A_213] : memref<96x128xf32, #tpu.memory_space<vmem>> -> memref<64x128xf32, #tpu.memory_space<vmem>>
      tpu.wait_dma2 semaphore(%run_scoped3A : memref<!tpu.dma_semaphore, #tpu.memory_space<semaphore_mem>>) src(%dma_wait3A_214 : memref<64x128xf32, #tpu.memory_space<vmem>>) dst(%dma_wait3A_211 : memref<64x128xf32, #tpu.memory_space<vmem_shared>>)
      tpu.yield
    }) : () -> ()
    %mul3A_24 = arith.constant 640 : i32
    %mul3A_25 = arith.muli %arg1, %mul3A_24 : i32
    %add3A_26 = arith.constant 320 : i32
    %add3A_27 = arith.addi %mul3A_25, %add3A_26 : i32
    "tpu.region"() ({
      %run_scoped3A = tpu.sem_alloc : memref<!tpu.dma_semaphore, #tpu.memory_space<semaphore_mem>>
      %dma_start3A_196 = arith.constant 0 : i32
      %dma_start3A_197 = arith.constant 0 : i32
      %dma_start3A_198 = tpu.memref_slice %arg9[%dma_start3A_196, %dma_start3A_197] : memref<96x128xf32, #tpu.memory_space<vmem>> -> memref<64x128xf32, #tpu.memory_space<vmem>>
      %dma_start3A_199 = arith.constant 0 : i32
      %dma_start3A_200 = tpu.memref_slice %arg5[%add3A_27, %dma_start3A_199] : memref<10240x128xf32, #tpu.memory_space<vmem_shared>> -> memref<64x128xf32, #tpu.memory_space<vmem_shared>>
      %dma_start3A_201 = arith.constant 0 : i32
      %dma_start3A_202 = tpu.memref_slice %arg5[%add3A_27, %dma_start3A_201] : memref<10240x128xf32, #tpu.memory_space<vmem_shared>> -> memref<64x128xf32, #tpu.memory_space<vmem_shared>>
      %dma_start3A_203 = arith.constant 0 : i32
      %dma_start3A_204 = arith.constant 0 : i32
      %dma_start3A_205 = tpu.memref_slice %arg9[%dma_start3A_203, %dma_start3A_204] : memref<96x128xf32, #tpu.memory_space<vmem>> -> memref<64x128xf32, #tpu.memory_space<vmem>>
      tpu.enqueue_dma source(%dma_start3A_205 : memref<64x128xf32, #tpu.memory_space<vmem>>) target(%dma_start3A_202 : memref<64x128xf32, #tpu.memory_space<vmem_shared>>) target_semaphore(%run_scoped3A : memref<!tpu.dma_semaphore, #tpu.memory_space<semaphore_mem>>)
      %dma_wait3A = arith.constant 0 : i32
      %dma_wait3A_206 = arith.constant 0 : i32
      %dma_wait3A_207 = tpu.memref_slice %arg9[%dma_wait3A, %dma_wait3A_206] : memref<96x128xf32, #tpu.memory_space<vmem>> -> memref<64x128xf32, #tpu.memory_space<vmem>>
      %dma_wait3A_208 = arith.constant 0 : i32
      %dma_wait3A_209 = tpu.memref_slice %arg5[%add3A_27, %dma_wait3A_208] : memref<10240x128xf32, #tpu.memory_space<vmem_shared>> -> memref<64x128xf32, #tpu.memory_space<vmem_shared>>
      %dma_wait3A_210 = arith.constant 0 : i32
      %dma_wait3A_211 = tpu.memref_slice %arg5[%add3A_27, %dma_wait3A_210] : memref<10240x128xf32, #tpu.memory_space<vmem_shared>> -> memref<64x128xf32, #tpu.memory_space<vmem_shared>>
      %dma_wait3A_212 = arith.constant 0 : i32
      %dma_wait3A_213 = arith.constant 0 : i32
      %dma_wait3A_214 = tpu.memref_slice %arg9[%dma_wait3A_212, %dma_wait3A_213] : memref<96x128xf32, #tpu.memory_space<vmem>> -> memref<64x128xf32, #tpu.memory_space<vmem>>
      tpu.wait_dma2 semaphore(%run_scoped3A : memref<!tpu.dma_semaphore, #tpu.memory_space<semaphore_mem>>) src(%dma_wait3A_214 : memref<64x128xf32, #tpu.memory_space<vmem>>) dst(%dma_wait3A_211 : memref<64x128xf32, #tpu.memory_space<vmem_shared>>)
      tpu.yield
    }) : () -> ()
    %mul3A_28 = arith.constant 640 : i32
    %mul3A_29 = arith.muli %arg1, %mul3A_28 : i32
    %add3A_30 = arith.constant 384 : i32
    %add3A_31 = arith.addi %mul3A_29, %add3A_30 : i32
    "tpu.region"() ({
      %run_scoped3A = tpu.sem_alloc : memref<!tpu.dma_semaphore, #tpu.memory_space<semaphore_mem>>
      %dma_start3A_196 = arith.constant 0 : i32
      %dma_start3A_197 = arith.constant 0 : i32
      %dma_start3A_198 = tpu.memref_slice %arg9[%dma_start3A_196, %dma_start3A_197] : memref<96x128xf32, #tpu.memory_space<vmem>> -> memref<64x128xf32, #tpu.memory_space<vmem>>
      %dma_start3A_199 = arith.constant 0 : i32
      %dma_start3A_200 = tpu.memref_slice %arg5[%add3A_31, %dma_start3A_199] : memref<10240x128xf32, #tpu.memory_space<vmem_shared>> -> memref<64x128xf32, #tpu.memory_space<vmem_shared>>
      %dma_start3A_201 = arith.constant 0 : i32
      %dma_start3A_202 = tpu.memref_slice %arg5[%add3A_31, %dma_start3A_201] : memref<10240x128xf32, #tpu.memory_space<vmem_shared>> -> memref<64x128xf32, #tpu.memory_space<vmem_shared>>
      %dma_start3A_203 = arith.constant 0 : i32
      %dma_start3A_204 = arith.constant 0 : i32
      %dma_start3A_205 = tpu.memref_slice %arg9[%dma_start3A_203, %dma_start3A_204] : memref<96x128xf32, #tpu.memory_space<vmem>> -> memref<64x128xf32, #tpu.memory_space<vmem>>
      tpu.enqueue_dma source(%dma_start3A_205 : memref<64x128xf32, #tpu.memory_space<vmem>>) target(%dma_start3A_202 : memref<64x128xf32, #tpu.memory_space<vmem_shared>>) target_semaphore(%run_scoped3A : memref<!tpu.dma_semaphore, #tpu.memory_space<semaphore_mem>>)
      %dma_wait3A = arith.constant 0 : i32
      %dma_wait3A_206 = arith.constant 0 : i32
      %dma_wait3A_207 = tpu.memref_slice %arg9[%dma_wait3A, %dma_wait3A_206] : memref<96x128xf32, #tpu.memory_space<vmem>> -> memref<64x128xf32, #tpu.memory_space<vmem>>
      %dma_wait3A_208 = arith.constant 0 : i32
      %dma_wait3A_209 = tpu.memref_slice %arg5[%add3A_31, %dma_wait3A_208] : memref<10240x128xf32, #tpu.memory_space<vmem_shared>> -> memref<64x128xf32, #tpu.memory_space<vmem_shared>>
      %dma_wait3A_210 = arith.constant 0 : i32
      %dma_wait3A_211 = tpu.memref_slice %arg5[%add3A_31, %dma_wait3A_210] : memref<10240x128xf32, #tpu.memory_space<vmem_shared>> -> memref<64x128xf32, #tpu.memory_space<vmem_shared>>
      %dma_wait3A_212 = arith.constant 0 : i32
      %dma_wait3A_213 = arith.constant 0 : i32
      %dma_wait3A_214 = tpu.memref_slice %arg9[%dma_wait3A_212, %dma_wait3A_213] : memref<96x128xf32, #tpu.memory_space<vmem>> -> memref<64x128xf32, #tpu.memory_space<vmem>>
      tpu.wait_dma2 semaphore(%run_scoped3A : memref<!tpu.dma_semaphore, #tpu.memory_space<semaphore_mem>>) src(%dma_wait3A_214 : memref<64x128xf32, #tpu.memory_space<vmem>>) dst(%dma_wait3A_211 : memref<64x128xf32, #tpu.memory_space<vmem_shared>>)
      tpu.yield
    }) : () -> ()
    %mul3A_32 = arith.constant 640 : i32
    %mul3A_33 = arith.muli %arg1, %mul3A_32 : i32
    %add3A_34 = arith.constant 448 : i32
    %add3A_35 = arith.addi %mul3A_33, %add3A_34 : i32
    "tpu.region"() ({
      %run_scoped3A = tpu.sem_alloc : memref<!tpu.dma_semaphore, #tpu.memory_space<semaphore_mem>>
      %dma_start3A_196 = arith.constant 0 : i32
      %dma_start3A_197 = arith.constant 0 : i32
      %dma_start3A_198 = tpu.memref_slice %arg9[%dma_start3A_196, %dma_start3A_197] : memref<96x128xf32, #tpu.memory_space<vmem>> -> memref<64x128xf32, #tpu.memory_space<vmem>>
      %dma_start3A_199 = arith.constant 0 : i32
      %dma_start3A_200 = tpu.memref_slice %arg5[%add3A_35, %dma_start3A_199] : memref<10240x128xf32, #tpu.memory_space<vmem_shared>> -> memref<64x128xf32, #tpu.memory_space<vmem_shared>>
      %dma_start3A_201 = arith.constant 0 : i32
      %dma_start3A_202 = tpu.memref_slice %arg5[%add3A_35, %dma_start3A_201] : memref<10240x128xf32, #tpu.memory_space<vmem_shared>> -> memref<64x128xf32, #tpu.memory_space<vmem_shared>>
      %dma_start3A_203 = arith.constant 0 : i32
      %dma_start3A_204 = arith.constant 0 : i32
      %dma_start3A_205 = tpu.memref_slice %arg9[%dma_start3A_203, %dma_start3A_204] : memref<96x128xf32, #tpu.memory_space<vmem>> -> memref<64x128xf32, #tpu.memory_space<vmem>>
      tpu.enqueue_dma source(%dma_start3A_205 : memref<64x128xf32, #tpu.memory_space<vmem>>) target(%dma_start3A_202 : memref<64x128xf32, #tpu.memory_space<vmem_shared>>) target_semaphore(%run_scoped3A : memref<!tpu.dma_semaphore, #tpu.memory_space<semaphore_mem>>)
      %dma_wait3A = arith.constant 0 : i32
      %dma_wait3A_206 = arith.constant 0 : i32
      %dma_wait3A_207 = tpu.memref_slice %arg9[%dma_wait3A, %dma_wait3A_206] : memref<96x128xf32, #tpu.memory_space<vmem>> -> memref<64x128xf32, #tpu.memory_space<vmem>>
      %dma_wait3A_208 = arith.constant 0 : i32
      %dma_wait3A_209 = tpu.memref_slice %arg5[%add3A_35, %dma_wait3A_208] : memref<10240x128xf32, #tpu.memory_space<vmem_shared>> -> memref<64x128xf32, #tpu.memory_space<vmem_shared>>
      %dma_wait3A_210 = arith.constant 0 : i32
      %dma_wait3A_211 = tpu.memref_slice %arg5[%add3A_35, %dma_wait3A_210] : memref<10240x128xf32, #tpu.memory_space<vmem_shared>> -> memref<64x128xf32, #tpu.memory_space<vmem_shared>>
      %dma_wait3A_212 = arith.constant 0 : i32
      %dma_wait3A_213 = arith.constant 0 : i32
      %dma_wait3A_214 = tpu.memref_slice %arg9[%dma_wait3A_212, %dma_wait3A_213] : memref<96x128xf32, #tpu.memory_space<vmem>> -> memref<64x128xf32, #tpu.memory_space<vmem>>
      tpu.wait_dma2 semaphore(%run_scoped3A : memref<!tpu.dma_semaphore, #tpu.memory_space<semaphore_mem>>) src(%dma_wait3A_214 : memref<64x128xf32, #tpu.memory_space<vmem>>) dst(%dma_wait3A_211 : memref<64x128xf32, #tpu.memory_space<vmem_shared>>)
      tpu.yield
    }) : () -> ()
    %mul3A_36 = arith.constant 640 : i32
    %mul3A_37 = arith.muli %arg1, %mul3A_36 : i32
    %add3A_38 = arith.constant 512 : i32
    %add3A_39 = arith.addi %mul3A_37, %add3A_38 : i32
    "tpu.region"() ({
      %run_scoped3A = tpu.sem_alloc : memref<!tpu.dma_semaphore, #tpu.memory_space<semaphore_mem>>
      %dma_start3A_196 = arith.constant 0 : i32
      %dma_start3A_197 = arith.constant 0 : i32
      %dma_start3A_198 = tpu.memref_slice %arg9[%dma_start3A_196, %dma_start3A_197] : memref<96x128xf32, #tpu.memory_space<vmem>> -> memref<64x128xf32, #tpu.memory_space<vmem>>
      %dma_start3A_199 = arith.constant 0 : i32
      %dma_start3A_200 = tpu.memref_slice %arg5[%add3A_39, %dma_start3A_199] : memref<10240x128xf32, #tpu.memory_space<vmem_shared>> -> memref<64x128xf32, #tpu.memory_space<vmem_shared>>
      %dma_start3A_201 = arith.constant 0 : i32
      %dma_start3A_202 = tpu.memref_slice %arg5[%add3A_39, %dma_start3A_201] : memref<10240x128xf32, #tpu.memory_space<vmem_shared>> -> memref<64x128xf32, #tpu.memory_space<vmem_shared>>
      %dma_start3A_203 = arith.constant 0 : i32
      %dma_start3A_204 = arith.constant 0 : i32
      %dma_start3A_205 = tpu.memref_slice %arg9[%dma_start3A_203, %dma_start3A_204] : memref<96x128xf32, #tpu.memory_space<vmem>> -> memref<64x128xf32, #tpu.memory_space<vmem>>
      tpu.enqueue_dma source(%dma_start3A_205 : memref<64x128xf32, #tpu.memory_space<vmem>>) target(%dma_start3A_202 : memref<64x128xf32, #tpu.memory_space<vmem_shared>>) target_semaphore(%run_scoped3A : memref<!tpu.dma_semaphore, #tpu.memory_space<semaphore_mem>>)
      %dma_wait3A = arith.constant 0 : i32
      %dma_wait3A_206 = arith.constant 0 : i32
      %dma_wait3A_207 = tpu.memref_slice %arg9[%dma_wait3A, %dma_wait3A_206] : memref<96x128xf32, #tpu.memory_space<vmem>> -> memref<64x128xf32, #tpu.memory_space<vmem>>
      %dma_wait3A_208 = arith.constant 0 : i32
      %dma_wait3A_209 = tpu.memref_slice %arg5[%add3A_39, %dma_wait3A_208] : memref<10240x128xf32, #tpu.memory_space<vmem_shared>> -> memref<64x128xf32, #tpu.memory_space<vmem_shared>>
      %dma_wait3A_210 = arith.constant 0 : i32
      %dma_wait3A_211 = tpu.memref_slice %arg5[%add3A_39, %dma_wait3A_210] : memref<10240x128xf32, #tpu.memory_space<vmem_shared>> -> memref<64x128xf32, #tpu.memory_space<vmem_shared>>
      %dma_wait3A_212 = arith.constant 0 : i32
      %dma_wait3A_213 = arith.constant 0 : i32
      %dma_wait3A_214 = tpu.memref_slice %arg9[%dma_wait3A_212, %dma_wait3A_213] : memref<96x128xf32, #tpu.memory_space<vmem>> -> memref<64x128xf32, #tpu.memory_space<vmem>>
      tpu.wait_dma2 semaphore(%run_scoped3A : memref<!tpu.dma_semaphore, #tpu.memory_space<semaphore_mem>>) src(%dma_wait3A_214 : memref<64x128xf32, #tpu.memory_space<vmem>>) dst(%dma_wait3A_211 : memref<64x128xf32, #tpu.memory_space<vmem_shared>>)
      tpu.yield
    }) : () -> ()
    %mul3A_40 = arith.constant 640 : i32
    %mul3A_41 = arith.muli %arg1, %mul3A_40 : i32
    %add3A_42 = arith.constant 576 : i32
    %add3A_43 = arith.addi %mul3A_41, %add3A_42 : i32
    "tpu.region"() ({
      %run_scoped3A = tpu.sem_alloc : memref<!tpu.dma_semaphore, #tpu.memory_space<semaphore_mem>>
      %dma_start3A_196 = arith.constant 0 : i32
      %dma_start3A_197 = arith.constant 0 : i32
      %dma_start3A_198 = tpu.memref_slice %arg9[%dma_start3A_196, %dma_start3A_197] : memref<96x128xf32, #tpu.memory_space<vmem>> -> memref<64x128xf32, #tpu.memory_space<vmem>>
      %dma_start3A_199 = arith.constant 0 : i32
      %dma_start3A_200 = tpu.memref_slice %arg5[%add3A_43, %dma_start3A_199] : memref<10240x128xf32, #tpu.memory_space<vmem_shared>> -> memref<64x128xf32, #tpu.memory_space<vmem_shared>>
      %dma_start3A_201 = arith.constant 0 : i32
      %dma_start3A_202 = tpu.memref_slice %arg5[%add3A_43, %dma_start3A_201] : memref<10240x128xf32, #tpu.memory_space<vmem_shared>> -> memref<64x128xf32, #tpu.memory_space<vmem_shared>>
      %dma_start3A_203 = arith.constant 0 : i32
      %dma_start3A_204 = arith.constant 0 : i32
      %dma_start3A_205 = tpu.memref_slice %arg9[%dma_start3A_203, %dma_start3A_204] : memref<96x128xf32, #tpu.memory_space<vmem>> -> memref<64x128xf32, #tpu.memory_space<vmem>>
      tpu.enqueue_dma source(%dma_start3A_205 : memref<64x128xf32, #tpu.memory_space<vmem>>) target(%dma_start3A_202 : memref<64x128xf32, #tpu.memory_space<vmem_shared>>) target_semaphore(%run_scoped3A : memref<!tpu.dma_semaphore, #tpu.memory_space<semaphore_mem>>)
      %dma_wait3A = arith.constant 0 : i32
      %dma_wait3A_206 = arith.constant 0 : i32
      %dma_wait3A_207 = tpu.memref_slice %arg9[%dma_wait3A, %dma_wait3A_206] : memref<96x128xf32, #tpu.memory_space<vmem>> -> memref<64x128xf32, #tpu.memory_space<vmem>>
      %dma_wait3A_208 = arith.constant 0 : i32
      %dma_wait3A_209 = tpu.memref_slice %arg5[%add3A_43, %dma_wait3A_208] : memref<10240x128xf32, #tpu.memory_space<vmem_shared>> -> memref<64x128xf32, #tpu.memory_space<vmem_shared>>
      %dma_wait3A_210 = arith.constant 0 : i32
      %dma_wait3A_211 = tpu.memref_slice %arg5[%add3A_43, %dma_wait3A_210] : memref<10240x128xf32, #tpu.memory_space<vmem_shared>> -> memref<64x128xf32, #tpu.memory_space<vmem_shared>>
      %dma_wait3A_212 = arith.constant 0 : i32
      %dma_wait3A_213 = arith.constant 0 : i32
      %dma_wait3A_214 = tpu.memref_slice %arg9[%dma_wait3A_212, %dma_wait3A_213] : memref<96x128xf32, #tpu.memory_space<vmem>> -> memref<64x128xf32, #tpu.memory_space<vmem>>
      tpu.wait_dma2 semaphore(%run_scoped3A : memref<!tpu.dma_semaphore, #tpu.memory_space<semaphore_mem>>) src(%dma_wait3A_214 : memref<64x128xf32, #tpu.memory_space<vmem>>) dst(%dma_wait3A_211 : memref<64x128xf32, #tpu.memory_space<vmem_shared>>)
      tpu.yield
    }) : () -> ()
    %barrier3A = arith.constant 0 : index
    tpu.barrier barrier_id(%barrier3A)
    %get3A = arith.constant 0 : i32
    %get3A_44 = arith.index_cast %get3A : i32 to index
    %get3A_45 = arith.constant 0 : index
    %get3A_46 = tpu.vector_load %arg6[%get3A_44, %get3A_45] {strides = array<i32>} : memref<106x96xi32, #tpu.memory_space<vmem>>, vector<1x16xi32>,
    %get3A_47 = vector.shape_cast %get3A_46 : vector<1x16xi32> to vector<16xi32>
    %and3A = arith.constant 65535 : i32
    %and3A_48 = vector.broadcast %and3A : i32 to vector<16xi32>
    %and3A_49 = arith.andi %get3A_47, %and3A_48 : vector<16xi32>
    %swap3A = arith.constant 0 : i32
    %swap3A_50 = arith.index_cast %swap3A : i32 to index
    %swap3A_51 = arith.constant 0 : index
    %swap3A_52 = tpu.vector_load %arg7[%swap3A_50, %swap3A_51] {strides = array<i32>} : memref<2x96xi32, #tpu.memory_space<vmem>>, vector<1x16xi32>,
    %swap3A_53 = vector.shape_cast %swap3A_52 : vector<1x16xi32> to vector<16xi32>
    %swap3A_54 = vector.shape_cast %and3A_49 : vector<16xi32> to vector<1x16xi32>
    tpu.vector_store %arg7[%swap3A_50, %swap3A_51], %swap3A_54 {strides = array<i32>} : memref<2x96xi32, #tpu.memory_space<vmem>>, vector<1x16xi32>,
    %shift_right_logical3A = arith.constant 16 : i32
    %shift_right_logical3A_55 = vector.broadcast %shift_right_logical3A : i32 to vector<16xi32>
    %shift_right_logical3A_56 = arith.shrui %get3A_47, %shift_right_logical3A_55 : vector<16xi32>
    %swap3A_57 = arith.constant 1 : i32
    %swap3A_58 = arith.index_cast %swap3A_57 : i32 to index
    %swap3A_59 = arith.constant 0 : index
    %swap3A_60 = tpu.vector_load %arg7[%swap3A_58, %swap3A_59] {strides = array<i32>} : memref<2x96xi32, #tpu.memory_space<vmem>>, vector<1x16xi32>,
    %swap3A_61 = vector.shape_cast %swap3A_60 : vector<1x16xi32> to vector<16xi32>
    %swap3A_62 = vector.shape_cast %shift_right_logical3A_56 : vector<16xi32> to vector<1x16xi32>
    tpu.vector_store %arg7[%swap3A_58, %swap3A_59], %swap3A_62 {strides = array<i32>} : memref<2x96xi32, #tpu.memory_space<vmem>>, vector<1x16xi32>,
    %get3A_63 = arith.constant 0 : i32
    %get3A_64 = arith.index_cast %get3A_63 : i32 to index
    %get3A_65 = arith.constant 16 : index
    %get3A_66 = tpu.vector_load %arg6[%get3A_64, %get3A_65] {strides = array<i32>} : memref<106x96xi32, #tpu.memory_space<vmem>>, vector<1x16xi32>,
    %get3A_67 = vector.shape_cast %get3A_66 : vector<1x16xi32> to vector<16xi32>
    %and3A_68 = arith.constant 65535 : i32
    %and3A_69 = vector.broadcast %and3A_68 : i32 to vector<16xi32>
    %and3A_70 = arith.andi %get3A_67, %and3A_69 : vector<16xi32>
    %swap3A_71 = arith.constant 0 : i32
    %swap3A_72 = arith.index_cast %swap3A_71 : i32 to index
    %swap3A_73 = arith.constant 16 : index
    %swap3A_74 = tpu.vector_load %arg7[%swap3A_72, %swap3A_73] {strides = array<i32>} : memref<2x96xi32, #tpu.memory_space<vmem>>, vector<1x16xi32>,
    %swap3A_75 = vector.shape_cast %swap3A_74 : vector<1x16xi32> to vector<16xi32>
    %swap3A_76 = vector.shape_cast %and3A_70 : vector<16xi32> to vector<1x16xi32>
    tpu.vector_store %arg7[%swap3A_72, %swap3A_73], %swap3A_76 {strides = array<i32>} : memref<2x96xi32, #tpu.memory_space<vmem>>, vector<1x16xi32>,
    %shift_right_logical3A_77 = arith.constant 16 : i32
    %shift_right_logical3A_78 = vector.broadcast %shift_right_logical3A_77 : i32 to vector<16xi32>
    %shift_right_logical3A_79 = arith.shrui %get3A_67, %shift_right_logical3A_78 : vector<16xi32>
    %swap3A_80 = arith.constant 1 : i32
    %swap3A_81 = arith.index_cast %swap3A_80 : i32 to index
    %swap3A_82 = arith.constant 16 : index
    %swap3A_83 = tpu.vector_load %arg7[%swap3A_81, %swap3A_82] {strides = array<i32>} : memref<2x96xi32, #tpu.memory_space<vmem>>, vector<1x16xi32>,
    %swap3A_84 = vector.shape_cast %swap3A_83 : vector<1x16xi32> to vector<16xi32>
    %swap3A_85 = vector.shape_cast %shift_right_logical3A_79 : vector<16xi32> to vector<1x16xi32>
    tpu.vector_store %arg7[%swap3A_81, %swap3A_82], %swap3A_85 {strides = array<i32>} : memref<2x96xi32, #tpu.memory_space<vmem>>, vector<1x16xi32>,
    %get3A_86 = arith.constant 0 : i32
    %get3A_87 = arith.index_cast %get3A_86 : i32 to index
    %get3A_88 = arith.constant 32 : index
    %get3A_89 = tpu.vector_load %arg6[%get3A_87, %get3A_88] {strides = array<i32>} : memref<106x96xi32, #tpu.memory_space<vmem>>, vector<1x16xi32>,
    %get3A_90 = vector.shape_cast %get3A_89 : vector<1x16xi32> to vector<16xi32>
    %and3A_91 = arith.constant 65535 : i32
    %and3A_92 = vector.broadcast %and3A_91 : i32 to vector<16xi32>
    %and3A_93 = arith.andi %get3A_90, %and3A_92 : vector<16xi32>
    %swap3A_94 = arith.constant 0 : i32
    %swap3A_95 = arith.index_cast %swap3A_94 : i32 to index
    %swap3A_96 = arith.constant 32 : index
    %swap3A_97 = tpu.vector_load %arg7[%swap3A_95, %swap3A_96] {strides = array<i32>} : memref<2x96xi32, #tpu.memory_space<vmem>>, vector<1x16xi32>,
    %swap3A_98 = vector.shape_cast %swap3A_97 : vector<1x16xi32> to vector<16xi32>
    %swap3A_99 = vector.shape_cast %and3A_93 : vector<16xi32> to vector<1x16xi32>
    tpu.vector_store %arg7[%swap3A_95, %swap3A_96], %swap3A_99 {strides = array<i32>} : memref<2x96xi32, #tpu.memory_space<vmem>>, vector<1x16xi32>,
    %shift_right_logical3A_100 = arith.constant 16 : i32
    %shift_right_logical3A_101 = vector.broadcast %shift_right_logical3A_100 : i32 to vector<16xi32>
    %shift_right_logical3A_102 = arith.shrui %get3A_90, %shift_right_logical3A_101 : vector<16xi32>
    %swap3A_103 = arith.constant 1 : i32
    %swap3A_104 = arith.index_cast %swap3A_103 : i32 to index
    %swap3A_105 = arith.constant 32 : index
    %swap3A_106 = tpu.vector_load %arg7[%swap3A_104, %swap3A_105] {strides = array<i32>} : memref<2x96xi32, #tpu.memory_space<vmem>>, vector<1x16xi32>,
    %swap3A_107 = vector.shape_cast %swap3A_106 : vector<1x16xi32> to vector<16xi32>
    %swap3A_108 = vector.shape_cast %shift_right_logical3A_102 : vector<16xi32> to vector<1x16xi32>
    tpu.vector_store %arg7[%swap3A_104, %swap3A_105], %swap3A_108 {strides = array<i32>} : memref<2x96xi32, #tpu.memory_space<vmem>>, vector<1x16xi32>,
    %get3A_109 = arith.constant 0 : i32
    %get3A_110 = arith.index_cast %get3A_109 : i32 to index
    %get3A_111 = arith.constant 48 : index
    %get3A_112 = tpu.vector_load %arg6[%get3A_110, %get3A_111] {strides = array<i32>} : memref<106x96xi32, #tpu.memory_space<vmem>>, vector<1x16xi32>,
    %get3A_113 = vector.shape_cast %get3A_112 : vector<1x16xi32> to vector<16xi32>
    %and3A_114 = arith.constant 65535 : i32
    %and3A_115 = vector.broadcast %and3A_114 : i32 to vector<16xi32>
    %and3A_116 = arith.andi %get3A_113, %and3A_115 : vector<16xi32>
    %swap3A_117 = arith.constant 0 : i32
    %swap3A_118 = arith.index_cast %swap3A_117 : i32 to index
    %swap3A_119 = arith.constant 48 : index
    %swap3A_120 = tpu.vector_load %arg7[%swap3A_118, %swap3A_119] {strides = array<i32>} : memref<2x96xi32, #tpu.memory_space<vmem>>, vector<1x16xi32>,
    %swap3A_121 = vector.shape_cast %swap3A_120 : vector<1x16xi32> to vector<16xi32>
    %swap3A_122 = vector.shape_cast %and3A_116 : vector<16xi32> to vector<1x16xi32>
    tpu.vector_store %arg7[%swap3A_118, %swap3A_119], %swap3A_122 {strides = array<i32>} : memref<2x96xi32, #tpu.memory_space<vmem>>, vector<1x16xi32>,
    %shift_right_logical3A_123 = arith.constant 16 : i32
    %shift_right_logical3A_124 = vector.broadcast %shift_right_logical3A_123 : i32 to vector<16xi32>
    %shift_right_logical3A_125 = arith.shrui %get3A_113, %shift_right_logical3A_124 : vector<16xi32>
    %swap3A_126 = arith.constant 1 : i32
    %swap3A_127 = arith.index_cast %swap3A_126 : i32 to index
    %swap3A_128 = arith.constant 48 : index
    %swap3A_129 = tpu.vector_load %arg7[%swap3A_127, %swap3A_128] {strides = array<i32>} : memref<2x96xi32, #tpu.memory_space<vmem>>, vector<1x16xi32>,
    %swap3A_130 = vector.shape_cast %swap3A_129 : vector<1x16xi32> to vector<16xi32>
    %swap3A_131 = vector.shape_cast %shift_right_logical3A_125 : vector<16xi32> to vector<1x16xi32>
    tpu.vector_store %arg7[%swap3A_127, %swap3A_128], %swap3A_131 {strides = array<i32>} : memref<2x96xi32, #tpu.memory_space<vmem>>, vector<1x16xi32>,
    %get3A_132 = arith.constant 0 : i32
    %get3A_133 = arith.index_cast %get3A_132 : i32 to index
    %get3A_134 = arith.constant 64 : index
    %get3A_135 = tpu.vector_load %arg6[%get3A_133, %get3A_134] {strides = array<i32>} : memref<106x96xi32, #tpu.memory_space<vmem>>, vector<1x16xi32>,
    %get3A_136 = vector.shape_cast %get3A_135 : vector<1x16xi32> to vector<16xi32>
    %and3A_137 = arith.constant 65535 : i32
    %and3A_138 = vector.broadcast %and3A_137 : i32 to vector<16xi32>
    %and3A_139 = arith.andi %get3A_136, %and3A_138 : vector<16xi32>
    %swap3A_140 = arith.constant 0 : i32
    %swap3A_141 = arith.index_cast %swap3A_140 : i32 to index
    %swap3A_142 = arith.constant 64 : index
    %swap3A_143 = tpu.vector_load %arg7[%swap3A_141, %swap3A_142] {strides = array<i32>} : memref<2x96xi32, #tpu.memory_space<vmem>>, vector<1x16xi32>,
    %swap3A_144 = vector.shape_cast %swap3A_143 : vector<1x16xi32> to vector<16xi32>
    %swap3A_145 = vector.shape_cast %and3A_139 : vector<16xi32> to vector<1x16xi32>
    tpu.vector_store %arg7[%swap3A_141, %swap3A_142], %swap3A_145 {strides = array<i32>} : memref<2x96xi32, #tpu.memory_space<vmem>>, vector<1x16xi32>,
    %shift_right_logical3A_146 = arith.constant 16 : i32
    %shift_right_logical3A_147 = vector.broadcast %shift_right_logical3A_146 : i32 to vector<16xi32>
    %shift_right_logical3A_148 = arith.shrui %get3A_136, %shift_right_logical3A_147 : vector<16xi32>
    %swap3A_149 = arith.constant 1 : i32
    %swap3A_150 = arith.index_cast %swap3A_149 : i32 to index
    %swap3A_151 = arith.constant 64 : index
    %swap3A_152 = tpu.vector_load %arg7[%swap3A_150, %swap3A_151] {strides = array<i32>} : memref<2x96xi32, #tpu.memory_space<vmem>>, vector<1x16xi32>,
    %swap3A_153 = vector.shape_cast %swap3A_152 : vector<1x16xi32> to vector<16xi32>
    %swap3A_154 = vector.shape_cast %shift_right_logical3A_148 : vector<16xi32> to vector<1x16xi32>
    tpu.vector_store %arg7[%swap3A_150, %swap3A_151], %swap3A_154 {strides = array<i32>} : memref<2x96xi32, #tpu.memory_space<vmem>>, vector<1x16xi32>,
    %get3A_155 = arith.constant 0 : i32
    %get3A_156 = arith.index_cast %get3A_155 : i32 to index
    %get3A_157 = arith.constant 80 : index
    %get3A_158 = tpu.vector_load %arg6[%get3A_156, %get3A_157] {strides = array<i32>} : memref<106x96xi32, #tpu.memory_space<vmem>>, vector<1x16xi32>,
    %get3A_159 = vector.shape_cast %get3A_158 : vector<1x16xi32> to vector<16xi32>
    %and3A_160 = arith.constant 65535 : i32
    %and3A_161 = vector.broadcast %and3A_160 : i32 to vector<16xi32>
    %and3A_162 = arith.andi %get3A_159, %and3A_161 : vector<16xi32>
    %swap3A_163 = arith.constant 0 : i32
    %swap3A_164 = arith.index_cast %swap3A_163 : i32 to index
    %swap3A_165 = arith.constant 80 : index
    %swap3A_166 = tpu.vector_load %arg7[%swap3A_164, %swap3A_165] {strides = array<i32>} : memref<2x96xi32, #tpu.memory_space<vmem>>, vector<1x16xi32>,
    %swap3A_167 = vector.shape_cast %swap3A_166 : vector<1x16xi32> to vector<16xi32>
    %swap3A_168 = vector.shape_cast %and3A_162 : vector<16xi32> to vector<1x16xi32>
    tpu.vector_store %arg7[%swap3A_164, %swap3A_165], %swap3A_168 {strides = array<i32>} : memref<2x96xi32, #tpu.memory_space<vmem>>, vector<1x16xi32>,
    %shift_right_logical3A_169 = arith.constant 16 : i32
    %shift_right_logical3A_170 = vector.broadcast %shift_right_logical3A_169 : i32 to vector<16xi32>
    %shift_right_logical3A_171 = arith.shrui %get3A_159, %shift_right_logical3A_170 : vector<16xi32>
    %swap3A_172 = arith.constant 1 : i32
    %swap3A_173 = arith.index_cast %swap3A_172 : i32 to index
    %swap3A_174 = arith.constant 80 : index
    %swap3A_175 = tpu.vector_load %arg7[%swap3A_173, %swap3A_174] {strides = array<i32>} : memref<2x96xi32, #tpu.memory_space<vmem>>, vector<1x16xi32>,
    %swap3A_176 = vector.shape_cast %swap3A_175 : vector<1x16xi32> to vector<16xi32>
    %swap3A_177 = vector.shape_cast %shift_right_logical3A_171 : vector<16xi32> to vector<1x16xi32>
    tpu.vector_store %arg7[%swap3A_173, %swap3A_174], %swap3A_177 {strides = array<i32>} : memref<2x96xi32, #tpu.memory_space<vmem>>, vector<1x16xi32>,
    %dma_start3A = arith.constant 0 : i32
    %dma_start3A_178 = arith.constant 0 : i32
    %dma_start3A_179 = tpu.memref_slice %arg7[%dma_start3A, %dma_start3A_178] : memref<2x96xi32, #tpu.memory_space<vmem>> -> memref<1x96xi32, #tpu.memory_space<vmem>>
    %dma_start3A_180 = tpu.memref_squeeze %dma_start3A_179 : memref<1x96xi32, #tpu.memory_space<vmem>> -> memref<96xi32, #tpu.memory_space<vmem>>
    %dma_start3A_181 = arith.constant 0 : i32
    %dma_start3A_182 = arith.constant 0 : i32
    %dma_start3A_183 = tpu.memref_slice %arg2[%dma_start3A_181, %dma_start3A_182] : memref<10240x128xf32, #tpu.memory_space<hbm>> -> memref<10240x128xf32, #tpu.memory_space<hbm>>
    tpu.enqueue_indirect_dma source(%dma_start3A_183 : memref<10240x128xf32, #tpu.memory_space<hbm>>) target(%arg9 : memref<96x128xf32, #tpu.memory_space<vmem>>) offsets(%dma_start3A_180 : memref<96xi32, #tpu.memory_space<vmem>>) semaphore(%arg11 : memref<!tpu.dma_semaphore, #tpu.memory_space<semaphore_mem>>)
    %scan3A_184 = arith.constant 0 : i32
    %scan3A_185 = arith.constant 0 : i32
    %scan3A_186 = arith.constant 53 : i32
    %scan3A_187 = arith.addi %scan3A_185, %scan3A_186 : i32
    %scan3A_188 = arith.constant 1 : i32
    %scan3A_189 = scf.for %scan3A_196 = %scan3A_185 to %scan3A_187 step %scan3A_188 iter_args(%scan3A_197 = %scan3A_184) -> (i32)  : i32 {
      %mul3A_198 = arith.constant 2 : i32
      %mul3A_199 = arith.muli %mul3A_198, %scan3A_196 : i32
      %add3A_200 = arith.constant 1 : i32
      %add3A_201 = arith.addi %mul3A_199, %add3A_200 : i32
      %get3A_202 = arith.index_cast %add3A_201 : i32 to index
      %get3A_203 = arith.constant 0 : index
      %get3A_204 = tpu.vector_load %arg6[%get3A_202, %get3A_203] {strides = array<i32>} : memref<106x96xi32, #tpu.memory_space<vmem>>, vector<1x16xi32>,
      %get3A_205 = vector.shape_cast %get3A_204 : vector<1x16xi32> to vector<16xi32>
      %and3A_206 = arith.constant 65535 : i32
      %and3A_207 = vector.broadcast %and3A_206 : i32 to vector<16xi32>
      %and3A_208 = arith.andi %get3A_205, %and3A_207 : vector<16xi32>
      %swap3A_209 = arith.constant 0 : i32
      %swap3A_210 = arith.index_cast %swap3A_209 : i32 to index
      %swap3A_211 = arith.constant 0 : index
      %swap3A_212 = tpu.vector_load %arg8[%swap3A_210, %swap3A_211] {strides = array<i32>} : memref<2x96xi32, #tpu.memory_space<vmem>>, vector<1x16xi32>,
      %swap3A_213 = vector.shape_cast %swap3A_212 : vector<1x16xi32> to vector<16xi32>
      %swap3A_214 = vector.shape_cast %and3A_208 : vector<16xi32> to vector<1x16xi32>
      tpu.vector_store %arg8[%swap3A_210, %swap3A_211], %swap3A_214 {strides = array<i32>} : memref<2x96xi32, #tpu.memory_space<vmem>>, vector<1x16xi32>,
      %shift_right_logical3A_215 = arith.constant 16 : i32
      %shift_right_logical3A_216 = vector.broadcast %shift_right_logical3A_215 : i32 to vector<16xi32>
      %shift_right_logical3A_217 = arith.shrui %get3A_205, %shift_right_logical3A_216 : vector<16xi32>
      %swap3A_218 = arith.constant 1 : i32
      %swap3A_219 = arith.index_cast %swap3A_218 : i32 to index
      %swap3A_220 = arith.constant 0 : index
      %swap3A_221 = tpu.vector_load %arg8[%swap3A_219, %swap3A_220] {strides = array<i32>} : memref<2x96xi32, #tpu.memory_space<vmem>>, vector<1x16xi32>,
      %swap3A_222 = vector.shape_cast %swap3A_221 : vector<1x16xi32> to vector<16xi32>
      %swap3A_223 = vector.shape_cast %shift_right_logical3A_217 : vector<16xi32> to vector<1x16xi32>
      tpu.vector_store %arg8[%swap3A_219, %swap3A_220], %swap3A_223 {strides = array<i32>} : memref<2x96xi32, #tpu.memory_space<vmem>>, vector<1x16xi32>,
      %get3A_224 = arith.index_cast %add3A_201 : i32 to index
      %get3A_225 = arith.constant 16 : index
      %get3A_226 = tpu.vector_load %arg6[%get3A_224, %get3A_225] {strides = array<i32>} : memref<106x96xi32, #tpu.memory_space<vmem>>, vector<1x16xi32>,
      %get3A_227 = vector.shape_cast %get3A_226 : vector<1x16xi32> to vector<16xi32>
      %and3A_228 = arith.constant 65535 : i32
      %and3A_229 = vector.broadcast %and3A_228 : i32 to vector<16xi32>
      %and3A_230 = arith.andi %get3A_227, %and3A_229 : vector<16xi32>
      %swap3A_231 = arith.constant 0 : i32
      %swap3A_232 = arith.index_cast %swap3A_231 : i32 to index
      %swap3A_233 = arith.constant 16 : index
      %swap3A_234 = tpu.vector_load %arg8[%swap3A_232, %swap3A_233] {strides = array<i32>} : memref<2x96xi32, #tpu.memory_space<vmem>>, vector<1x16xi32>,
      %swap3A_235 = vector.shape_cast %swap3A_234 : vector<1x16xi32> to vector<16xi32>
      %swap3A_236 = vector.shape_cast %and3A_230 : vector<16xi32> to vector<1x16xi32>
      tpu.vector_store %arg8[%swap3A_232, %swap3A_233], %swap3A_236 {strides = array<i32>} : memref<2x96xi32, #tpu.memory_space<vmem>>, vector<1x16xi32>,
      %shift_right_logical3A_237 = arith.constant 16 : i32
      %shift_right_logical3A_238 = vector.broadcast %shift_right_logical3A_237 : i32 to vector<16xi32>
      %shift_right_logical3A_239 = arith.shrui %get3A_227, %shift_right_logical3A_238 : vector<16xi32>
      %swap3A_240 = arith.constant 1 : i32
      %swap3A_241 = arith.index_cast %swap3A_240 : i32 to index
      %swap3A_242 = arith.constant 16 : index
      %swap3A_243 = tpu.vector_load %arg8[%swap3A_241, %swap3A_242] {strides = array<i32>} : memref<2x96xi32, #tpu.memory_space<vmem>>, vector<1x16xi32>,
      %swap3A_244 = vector.shape_cast %swap3A_243 : vector<1x16xi32> to vector<16xi32>
      %swap3A_245 = vector.shape_cast %shift_right_logical3A_239 : vector<16xi32> to vector<1x16xi32>
      tpu.vector_store %arg8[%swap3A_241, %swap3A_242], %swap3A_245 {strides = array<i32>} : memref<2x96xi32, #tpu.memory_space<vmem>>, vector<1x16xi32>,
      %get3A_246 = arith.index_cast %add3A_201 : i32 to index
      %get3A_247 = arith.constant 32 : index
      %get3A_248 = tpu.vector_load %arg6[%get3A_246, %get3A_247] {strides = array<i32>} : memref<106x96xi32, #tpu.memory_space<vmem>>, vector<1x16xi32>,
      %get3A_249 = vector.shape_cast %get3A_248 : vector<1x16xi32> to vector<16xi32>
      %and3A_250 = arith.constant 65535 : i32
      %and3A_251 = vector.broadcast %and3A_250 : i32 to vector<16xi32>
      %and3A_252 = arith.andi %get3A_249, %and3A_251 : vector<16xi32>
      %swap3A_253 = arith.constant 0 : i32
      %swap3A_254 = arith.index_cast %swap3A_253 : i32 to index
      %swap3A_255 = arith.constant 32 : index
      %swap3A_256 = tpu.vector_load %arg8[%swap3A_254, %swap3A_255] {strides = array<i32>} : memref<2x96xi32, #tpu.memory_space<vmem>>, vector<1x16xi32>,
      %swap3A_257 = vector.shape_cast %swap3A_256 : vector<1x16xi32> to vector<16xi32>
      %swap3A_258 = vector.shape_cast %and3A_252 : vector<16xi32> to vector<1x16xi32>
      tpu.vector_store %arg8[%swap3A_254, %swap3A_255], %swap3A_258 {strides = array<i32>} : memref<2x96xi32, #tpu.memory_space<vmem>>, vector<1x16xi32>,
      %shift_right_logical3A_259 = arith.constant 16 : i32
      %shift_right_logical3A_260 = vector.broadcast %shift_right_logical3A_259 : i32 to vector<16xi32>
      %shift_right_logical3A_261 = arith.shrui %get3A_249, %shift_right_logical3A_260 : vector<16xi32>
      %swap3A_262 = arith.constant 1 : i32
      %swap3A_263 = arith.index_cast %swap3A_262 : i32 to index
      %swap3A_264 = arith.constant 32 : index
      %swap3A_265 = tpu.vector_load %arg8[%swap3A_263, %swap3A_264] {strides = array<i32>} : memref<2x96xi32, #tpu.memory_space<vmem>>, vector<1x16xi32>,
      %swap3A_266 = vector.shape_cast %swap3A_265 : vector<1x16xi32> to vector<16xi32>
      %swap3A_267 = vector.shape_cast %shift_right_logical3A_261 : vector<16xi32> to vector<1x16xi32>
      tpu.vector_store %arg8[%swap3A_263, %swap3A_264], %swap3A_267 {strides = array<i32>} : memref<2x96xi32, #tpu.memory_space<vmem>>, vector<1x16xi32>,
      %get3A_268 = arith.index_cast %add3A_201 : i32 to index
      %get3A_269 = arith.constant 48 : index
      %get3A_270 = tpu.vector_load %arg6[%get3A_268, %get3A_269] {strides = array<i32>} : memref<106x96xi32, #tpu.memory_space<vmem>>, vector<1x16xi32>,
      %get3A_271 = vector.shape_cast %get3A_270 : vector<1x16xi32> to vector<16xi32>
      %and3A_272 = arith.constant 65535 : i32
      %and3A_273 = vector.broadcast %and3A_272 : i32 to vector<16xi32>
      %and3A_274 = arith.andi %get3A_271, %and3A_273 : vector<16xi32>
      %swap3A_275 = arith.constant 0 : i32
      %swap3A_276 = arith.index_cast %swap3A_275 : i32 to index
      %swap3A_277 = arith.constant 48 : index
      %swap3A_278 = tpu.vector_load %arg8[%swap3A_276, %swap3A_277] {strides = array<i32>} : memref<2x96xi32, #tpu.memory_space<vmem>>, vector<1x16xi32>,
      %swap3A_279 = vector.shape_cast %swap3A_278 : vector<1x16xi32> to vector<16xi32>
      %swap3A_280 = vector.shape_cast %and3A_274 : vector<16xi32> to vector<1x16xi32>
      tpu.vector_store %arg8[%swap3A_276, %swap3A_277], %swap3A_280 {strides = array<i32>} : memref<2x96xi32, #tpu.memory_space<vmem>>, vector<1x16xi32>,
      %shift_right_logical3A_281 = arith.constant 16 : i32
      %shift_right_logical3A_282 = vector.broadcast %shift_right_logical3A_281 : i32 to vector<16xi32>
      %shift_right_logical3A_283 = arith.shrui %get3A_271, %shift_right_logical3A_282 : vector<16xi32>
      %swap3A_284 = arith.constant 1 : i32
      %swap3A_285 = arith.index_cast %swap3A_284 : i32 to index
      %swap3A_286 = arith.constant 48 : index
      %swap3A_287 = tpu.vector_load %arg8[%swap3A_285, %swap3A_286] {strides = array<i32>} : memref<2x96xi32, #tpu.memory_space<vmem>>, vector<1x16xi32>,
      %swap3A_288 = vector.shape_cast %swap3A_287 : vector<1x16xi32> to vector<16xi32>
      %swap3A_289 = vector.shape_cast %shift_right_logical3A_283 : vector<16xi32> to vector<1x16xi32>
      tpu.vector_store %arg8[%swap3A_285, %swap3A_286], %swap3A_289 {strides = array<i32>} : memref<2x96xi32, #tpu.memory_space<vmem>>, vector<1x16xi32>,
      %get3A_290 = arith.index_cast %add3A_201 : i32 to index
      %get3A_291 = arith.constant 64 : index
      %get3A_292 = tpu.vector_load %arg6[%get3A_290, %get3A_291] {strides = array<i32>} : memref<106x96xi32, #tpu.memory_space<vmem>>, vector<1x16xi32>,
      %get3A_293 = vector.shape_cast %get3A_292 : vector<1x16xi32> to vector<16xi32>
      %and3A_294 = arith.constant 65535 : i32
      %and3A_295 = vector.broadcast %and3A_294 : i32 to vector<16xi32>
      %and3A_296 = arith.andi %get3A_293, %and3A_295 : vector<16xi32>
      %swap3A_297 = arith.constant 0 : i32
      %swap3A_298 = arith.index_cast %swap3A_297 : i32 to index
      %swap3A_299 = arith.constant 64 : index
      %swap3A_300 = tpu.vector_load %arg8[%swap3A_298, %swap3A_299] {strides = array<i32>} : memref<2x96xi32, #tpu.memory_space<vmem>>, vector<1x16xi32>,
      %swap3A_301 = vector.shape_cast %swap3A_300 : vector<1x16xi32> to vector<16xi32>
      %swap3A_302 = vector.shape_cast %and3A_296 : vector<16xi32> to vector<1x16xi32>
      tpu.vector_store %arg8[%swap3A_298, %swap3A_299], %swap3A_302 {strides = array<i32>} : memref<2x96xi32, #tpu.memory_space<vmem>>, vector<1x16xi32>,
      %shift_right_logical3A_303 = arith.constant 16 : i32
      %shift_right_logical3A_304 = vector.broadcast %shift_right_logical3A_303 : i32 to vector<16xi32>
      %shift_right_logical3A_305 = arith.shrui %get3A_293, %shift_right_logical3A_304 : vector<16xi32>
      %swap3A_306 = arith.constant 1 : i32
      %swap3A_307 = arith.index_cast %swap3A_306 : i32 to index
      %swap3A_308 = arith.constant 64 : index
      %swap3A_309 = tpu.vector_load %arg8[%swap3A_307, %swap3A_308] {strides = array<i32>} : memref<2x96xi32, #tpu.memory_space<vmem>>, vector<1x16xi32>,
      %swap3A_310 = vector.shape_cast %swap3A_309 : vector<1x16xi32> to vector<16xi32>
      %swap3A_311 = vector.shape_cast %shift_right_logical3A_305 : vector<16xi32> to vector<1x16xi32>
      tpu.vector_store %arg8[%swap3A_307, %swap3A_308], %swap3A_311 {strides = array<i32>} : memref<2x96xi32, #tpu.memory_space<vmem>>, vector<1x16xi32>,
      %get3A_312 = arith.index_cast %add3A_201 : i32 to index
      %get3A_313 = arith.constant 80 : index
      %get3A_314 = tpu.vector_load %arg6[%get3A_312, %get3A_313] {strides = array<i32>} : memref<106x96xi32, #tpu.memory_space<vmem>>, vector<1x16xi32>,
      %get3A_315 = vector.shape_cast %get3A_314 : vector<1x16xi32> to vector<16xi32>
      %and3A_316 = arith.constant 65535 : i32
      %and3A_317 = vector.broadcast %and3A_316 : i32 to vector<16xi32>
      %and3A_318 = arith.andi %get3A_315, %and3A_317 : vector<16xi32>
      %swap3A_319 = arith.constant 0 : i32
      %swap3A_320 = arith.index_cast %swap3A_319 : i32 to index
      %swap3A_321 = arith.constant 80 : index
      %swap3A_322 = tpu.vector_load %arg8[%swap3A_320, %swap3A_321] {strides = array<i32>} : memref<2x96xi32, #tpu.memory_space<vmem>>, vector<1x16xi32>,
      %swap3A_323 = vector.shape_cast %swap3A_322 : vector<1x16xi32> to vector<16xi32>
      %swap3A_324 = vector.shape_cast %and3A_318 : vector<16xi32> to vector<1x16xi32>
      tpu.vector_store %arg8[%swap3A_320, %swap3A_321], %swap3A_324 {strides = array<i32>} : memref<2x96xi32, #tpu.memory_space<vmem>>, vector<1x16xi32>,
      %shift_right_logical3A_325 = arith.constant 16 : i32
      %shift_right_logical3A_326 = vector.broadcast %shift_right_logical3A_325 : i32 to vector<16xi32>
      %shift_right_logical3A_327 = arith.shrui %get3A_315, %shift_right_logical3A_326 : vector<16xi32>
      %swap3A_328 = arith.constant 1 : i32
      %swap3A_329 = arith.index_cast %swap3A_328 : i32 to index
      %swap3A_330 = arith.constant 80 : index
      %swap3A_331 = tpu.vector_load %arg8[%swap3A_329, %swap3A_330] {strides = array<i32>} : memref<2x96xi32, #tpu.memory_space<vmem>>, vector<1x16xi32>,
      %swap3A_332 = vector.shape_cast %swap3A_331 : vector<1x16xi32> to vector<16xi32>
      %swap3A_333 = vector.shape_cast %shift_right_logical3A_327 : vector<16xi32> to vector<1x16xi32>
      tpu.vector_store %arg8[%swap3A_329, %swap3A_330], %swap3A_333 {strides = array<i32>} : memref<2x96xi32, #tpu.memory_space<vmem>>, vector<1x16xi32>,
      %dma_start3A_334 = arith.constant 0 : i32
      %dma_start3A_335 = arith.constant 0 : i32
      %dma_start3A_336 = tpu.memref_slice %arg8[%dma_start3A_334, %dma_start3A_335] : memref<2x96xi32, #tpu.memory_space<vmem>> -> memref<1x96xi32, #tpu.memory_space<vmem>>
      %dma_start3A_337 = tpu.memref_squeeze %dma_start3A_336 : memref<1x96xi32, #tpu.memory_space<vmem>> -> memref<96xi32, #tpu.memory_space<vmem>>
      %dma_start3A_338 = arith.constant 0 : i32
      %dma_start3A_339 = arith.constant 0 : i32
      %dma_start3A_340 = tpu.memref_slice %arg2[%dma_start3A_338, %dma_start3A_339] : memref<10240x128xf32, #tpu.memory_space<hbm>> -> memref<10240x128xf32, #tpu.memory_space<hbm>>
      tpu.enqueue_indirect_dma source(%dma_start3A_340 : memref<10240x128xf32, #tpu.memory_space<hbm>>) target(%arg10 : memref<96x128xf32, #tpu.memory_space<vmem>>) offsets(%dma_start3A_337 : memref<96xi32, #tpu.memory_space<vmem>>) semaphore(%arg12 : memref<!tpu.dma_semaphore, #tpu.memory_space<semaphore_mem>>)
      %dma_wait3A = arith.constant 0 : i32
      %dma_wait3A_341 = arith.constant 0 : i32
      %dma_wait3A_342 = tpu.memref_slice %arg2[%dma_wait3A, %dma_wait3A_341] : memref<10240x128xf32, #tpu.memory_space<hbm>> -> memref<96x128xf32, #tpu.memory_space<hbm>>
      %dma_wait3A_343 = arith.constant 0 : i32
      %dma_wait3A_344 = arith.constant 0 : i32
      %dma_wait3A_345 = tpu.memref_slice %arg2[%dma_wait3A_343, %dma_wait3A_344] : memref<10240x128xf32, #tpu.memory_space<hbm>> -> memref<96x128xf32, #tpu.memory_space<hbm>>
      tpu.wait_dma2 semaphore(%arg11 : memref<!tpu.dma_semaphore, #tpu.memory_space<semaphore_mem>>) src(%dma_wait3A_345 : memref<96x128xf32, #tpu.memory_space<hbm>>) dst(%arg9 : memref<96x128xf32, #tpu.memory_space<vmem>>)
      %run_scoped3A = arith.constant 1 : i32
      "tpu.region"() ({
        %run_scoped3A_356 = tpu.sem_alloc : memref<!tpu.dma_semaphore, #tpu.memory_space<semaphore_mem>>
        %dma_start3A_357 = arith.constant 0 : i32
        %dma_start3A_358 = tpu.memref_slice %arg7[%run_scoped3A, %dma_start3A_357] : memref<2x96xi32, #tpu.memory_space<vmem>> -> memref<1x96xi32, #tpu.memory_space<vmem>>
        %dma_start3A_359 = tpu.memref_squeeze %dma_start3A_358 : memref<1x96xi32, #tpu.memory_space<vmem>> -> memref<96xi32, #tpu.memory_space<vmem>>
        %dma_start3A_360 = arith.constant 0 : i32
        %dma_start3A_361 = arith.constant 0 : i32
        %dma_start3A_362 = tpu.memref_slice %arg5[%dma_start3A_360, %dma_start3A_361] : memref<10240x128xf32, #tpu.memory_space<vmem_shared>> -> memref<10240x128xf32, #tpu.memory_space<vmem_shared>>
        tpu.enqueue_indirect_dma source(%arg9 : memref<96x128xf32, #tpu.memory_space<vmem>>) target(%dma_start3A_362 : memref<10240x128xf32, #tpu.memory_space<vmem_shared>>) offsets(%dma_start3A_359 : memref<96xi32, #tpu.memory_space<vmem>>) semaphore(%run_scoped3A_356 : memref<!tpu.dma_semaphore, #tpu.memory_space<semaphore_mem>>) {add = true}
        %dma_wait3A_363 = arith.constant 0 : i32
        %dma_wait3A_364 = tpu.memref_slice %arg7[%run_scoped3A, %dma_wait3A_363] : memref<2x96xi32, #tpu.memory_space<vmem>> -> memref<1x96xi32, #tpu.memory_space<vmem>>
        %dma_wait3A_365 = tpu.memref_squeeze %dma_wait3A_364 : memref<1x96xi32, #tpu.memory_space<vmem>> -> memref<96xi32, #tpu.memory_space<vmem>>
        %dma_wait3A_366 = arith.constant 0 : i32
        %dma_wait3A_367 = arith.constant 0 : i32
        %dma_wait3A_368 = tpu.memref_slice %arg5[%dma_wait3A_366, %dma_wait3A_367] : memref<10240x128xf32, #tpu.memory_space<vmem_shared>> -> memref<10240x128xf32, #tpu.memory_space<vmem_shared>>
        tpu.wait_indirect_dma semaphore(%run_scoped3A_356 : memref<!tpu.dma_semaphore, #tpu.memory_space<semaphore_mem>>) src(%arg9 : memref<96x128xf32, #tpu.memory_space<vmem>>) dst(%dma_wait3A_368 : memref<10240x128xf32, #tpu.memory_space<vmem_shared>>)
        tpu.yield
      }) : () -> ()
      %lt3A = arith.constant 52 : i32
      %lt3A_346 = arith.cmpi slt, %scan3A_196, %lt3A : i32
      %convert_element_type3A = arith.extui %lt3A_346 : i1 to i32
      %cond3A = arith.constant 0 : i32
      %cond3A_347 = arith.cmpi ne, %convert_element_type3A, %cond3A : i32
      scf.if %cond3A_347 {
        %add3A_356 = arith.constant 2 : i32
        %add3A_357 = arith.addi %mul3A_199, %add3A_356 : i32
        %get3A_358 = arith.index_cast %add3A_357 : i32 to index
        %get3A_359 = arith.constant 0 : index
        %get3A_360 = tpu.vector_load %arg6[%get3A_358, %get3A_359] {strides = array<i32>} : memref<106x96xi32, #tpu.memory_space<vmem>>, vector<1x16xi32>,
        %get3A_361 = vector.shape_cast %get3A_360 : vector<1x16xi32> to vector<16xi32>
        %and3A_362 = arith.constant 65535 : i32
        %and3A_363 = vector.broadcast %and3A_362 : i32 to vector<16xi32>
        %and3A_364 = arith.andi %get3A_361, %and3A_363 : vector<16xi32>
        %swap3A_365 = arith.constant 0 : i32
        %swap3A_366 = arith.index_cast %swap3A_365 : i32 to index
        %swap3A_367 = arith.constant 0 : index
        %swap3A_368 = tpu.vector_load %arg7[%swap3A_366, %swap3A_367] {strides = array<i32>} : memref<2x96xi32, #tpu.memory_space<vmem>>, vector<1x16xi32>,
        %swap3A_369 = vector.shape_cast %swap3A_368 : vector<1x16xi32> to vector<16xi32>
        %swap3A_370 = vector.shape_cast %and3A_364 : vector<16xi32> to vector<1x16xi32>
        tpu.vector_store %arg7[%swap3A_366, %swap3A_367], %swap3A_370 {strides = array<i32>} : memref<2x96xi32, #tpu.memory_space<vmem>>, vector<1x16xi32>,
        %shift_right_logical3A_371 = arith.constant 16 : i32
        %shift_right_logical3A_372 = vector.broadcast %shift_right_logical3A_371 : i32 to vector<16xi32>
        %shift_right_logical3A_373 = arith.shrui %get3A_361, %shift_right_logical3A_372 : vector<16xi32>
        %swap3A_374 = arith.constant 1 : i32
        %swap3A_375 = arith.index_cast %swap3A_374 : i32 to index
        %swap3A_376 = arith.constant 0 : index
        %swap3A_377 = tpu.vector_load %arg7[%swap3A_375, %swap3A_376] {strides = array<i32>} : memref<2x96xi32, #tpu.memory_space<vmem>>, vector<1x16xi32>,
        %swap3A_378 = vector.shape_cast %swap3A_377 : vector<1x16xi32> to vector<16xi32>
        %swap3A_379 = vector.shape_cast %shift_right_logical3A_373 : vector<16xi32> to vector<1x16xi32>
        tpu.vector_store %arg7[%swap3A_375, %swap3A_376], %swap3A_379 {strides = array<i32>} : memref<2x96xi32, #tpu.memory_space<vmem>>, vector<1x16xi32>,
        %get3A_380 = arith.index_cast %add3A_357 : i32 to index
        %get3A_381 = arith.constant 16 : index
        %get3A_382 = tpu.vector_load %arg6[%get3A_380, %get3A_381] {strides = array<i32>} : memref<106x96xi32, #tpu.memory_space<vmem>>, vector<1x16xi32>,
        %get3A_383 = vector.shape_cast %get3A_382 : vector<1x16xi32> to vector<16xi32>
        %and3A_384 = arith.constant 65535 : i32
        %and3A_385 = vector.broadcast %and3A_384 : i32 to vector<16xi32>
        %and3A_386 = arith.andi %get3A_383, %and3A_385 : vector<16xi32>
        %swap3A_387 = arith.constant 0 : i32
        %swap3A_388 = arith.index_cast %swap3A_387 : i32 to index
        %swap3A_389 = arith.constant 16 : index
        %swap3A_390 = tpu.vector_load %arg7[%swap3A_388, %swap3A_389] {strides = array<i32>} : memref<2x96xi32, #tpu.memory_space<vmem>>, vector<1x16xi32>,
        %swap3A_391 = vector.shape_cast %swap3A_390 : vector<1x16xi32> to vector<16xi32>
        %swap3A_392 = vector.shape_cast %and3A_386 : vector<16xi32> to vector<1x16xi32>
        tpu.vector_store %arg7[%swap3A_388, %swap3A_389], %swap3A_392 {strides = array<i32>} : memref<2x96xi32, #tpu.memory_space<vmem>>, vector<1x16xi32>,
        %shift_right_logical3A_393 = arith.constant 16 : i32
        %shift_right_logical3A_394 = vector.broadcast %shift_right_logical3A_393 : i32 to vector<16xi32>
        %shift_right_logical3A_395 = arith.shrui %get3A_383, %shift_right_logical3A_394 : vector<16xi32>
        %swap3A_396 = arith.constant 1 : i32
        %swap3A_397 = arith.index_cast %swap3A_396 : i32 to index
        %swap3A_398 = arith.constant 16 : index
        %swap3A_399 = tpu.vector_load %arg7[%swap3A_397, %swap3A_398] {strides = array<i32>} : memref<2x96xi32, #tpu.memory_space<vmem>>, vector<1x16xi32>,
        %swap3A_400 = vector.shape_cast %swap3A_399 : vector<1x16xi32> to vector<16xi32>
        %swap3A_401 = vector.shape_cast %shift_right_logical3A_395 : vector<16xi32> to vector<1x16xi32>
        tpu.vector_store %arg7[%swap3A_397, %swap3A_398], %swap3A_401 {strides = array<i32>} : memref<2x96xi32, #tpu.memory_space<vmem>>, vector<1x16xi32>,
        %get3A_402 = arith.index_cast %add3A_357 : i32 to index
        %get3A_403 = arith.constant 32 : index
        %get3A_404 = tpu.vector_load %arg6[%get3A_402, %get3A_403] {strides = array<i32>} : memref<106x96xi32, #tpu.memory_space<vmem>>, vector<1x16xi32>,
        %get3A_405 = vector.shape_cast %get3A_404 : vector<1x16xi32> to vector<16xi32>
        %and3A_406 = arith.constant 65535 : i32
        %and3A_407 = vector.broadcast %and3A_406 : i32 to vector<16xi32>
        %and3A_408 = arith.andi %get3A_405, %and3A_407 : vector<16xi32>
        %swap3A_409 = arith.constant 0 : i32
        %swap3A_410 = arith.index_cast %swap3A_409 : i32 to index
        %swap3A_411 = arith.constant 32 : index
        %swap3A_412 = tpu.vector_load %arg7[%swap3A_410, %swap3A_411] {strides = array<i32>} : memref<2x96xi32, #tpu.memory_space<vmem>>, vector<1x16xi32>,
        %swap3A_413 = vector.shape_cast %swap3A_412 : vector<1x16xi32> to vector<16xi32>
        %swap3A_414 = vector.shape_cast %and3A_408 : vector<16xi32> to vector<1x16xi32>
        tpu.vector_store %arg7[%swap3A_410, %swap3A_411], %swap3A_414 {strides = array<i32>} : memref<2x96xi32, #tpu.memory_space<vmem>>, vector<1x16xi32>,
        %shift_right_logical3A_415 = arith.constant 16 : i32
        %shift_right_logical3A_416 = vector.broadcast %shift_right_logical3A_415 : i32 to vector<16xi32>
        %shift_right_logical3A_417 = arith.shrui %get3A_405, %shift_right_logical3A_416 : vector<16xi32>
        %swap3A_418 = arith.constant 1 : i32
        %swap3A_419 = arith.index_cast %swap3A_418 : i32 to index
        %swap3A_420 = arith.constant 32 : index
        %swap3A_421 = tpu.vector_load %arg7[%swap3A_419, %swap3A_420] {strides = array<i32>} : memref<2x96xi32, #tpu.memory_space<vmem>>, vector<1x16xi32>,
        %swap3A_422 = vector.shape_cast %swap3A_421 : vector<1x16xi32> to vector<16xi32>
        %swap3A_423 = vector.shape_cast %shift_right_logical3A_417 : vector<16xi32> to vector<1x16xi32>
        tpu.vector_store %arg7[%swap3A_419, %swap3A_420], %swap3A_423 {strides = array<i32>} : memref<2x96xi32, #tpu.memory_space<vmem>>, vector<1x16xi32>,
        %get3A_424 = arith.index_cast %add3A_357 : i32 to index
        %get3A_425 = arith.constant 48 : index
        %get3A_426 = tpu.vector_load %arg6[%get3A_424, %get3A_425] {strides = array<i32>} : memref<106x96xi32, #tpu.memory_space<vmem>>, vector<1x16xi32>,
        %get3A_427 = vector.shape_cast %get3A_426 : vector<1x16xi32> to vector<16xi32>
        %and3A_428 = arith.constant 65535 : i32
        %and3A_429 = vector.broadcast %and3A_428 : i32 to vector<16xi32>
        %and3A_430 = arith.andi %get3A_427, %and3A_429 : vector<16xi32>
        %swap3A_431 = arith.constant 0 : i32
        %swap3A_432 = arith.index_cast %swap3A_431 : i32 to index
        %swap3A_433 = arith.constant 48 : index
        %swap3A_434 = tpu.vector_load %arg7[%swap3A_432, %swap3A_433] {strides = array<i32>} : memref<2x96xi32, #tpu.memory_space<vmem>>, vector<1x16xi32>,
        %swap3A_435 = vector.shape_cast %swap3A_434 : vector<1x16xi32> to vector<16xi32>
        %swap3A_436 = vector.shape_cast %and3A_430 : vector<16xi32> to vector<1x16xi32>
        tpu.vector_store %arg7[%swap3A_432, %swap3A_433], %swap3A_436 {strides = array<i32>} : memref<2x96xi32, #tpu.memory_space<vmem>>, vector<1x16xi32>,
        %shift_right_logical3A_437 = arith.constant 16 : i32
        %shift_right_logical3A_438 = vector.broadcast %shift_right_logical3A_437 : i32 to vector<16xi32>
        %shift_right_logical3A_439 = arith.shrui %get3A_427, %shift_right_logical3A_438 : vector<16xi32>
        %swap3A_440 = arith.constant 1 : i32
        %swap3A_441 = arith.index_cast %swap3A_440 : i32 to index
        %swap3A_442 = arith.constant 48 : index
        %swap3A_443 = tpu.vector_load %arg7[%swap3A_441, %swap3A_442] {strides = array<i32>} : memref<2x96xi32, #tpu.memory_space<vmem>>, vector<1x16xi32>,
        %swap3A_444 = vector.shape_cast %swap3A_443 : vector<1x16xi32> to vector<16xi32>
        %swap3A_445 = vector.shape_cast %shift_right_logical3A_439 : vector<16xi32> to vector<1x16xi32>
        tpu.vector_store %arg7[%swap3A_441, %swap3A_442], %swap3A_445 {strides = array<i32>} : memref<2x96xi32, #tpu.memory_space<vmem>>, vector<1x16xi32>,
        %get3A_446 = arith.index_cast %add3A_357 : i32 to index
        %get3A_447 = arith.constant 64 : index
        %get3A_448 = tpu.vector_load %arg6[%get3A_446, %get3A_447] {strides = array<i32>} : memref<106x96xi32, #tpu.memory_space<vmem>>, vector<1x16xi32>,
        %get3A_449 = vector.shape_cast %get3A_448 : vector<1x16xi32> to vector<16xi32>
        %and3A_450 = arith.constant 65535 : i32
        %and3A_451 = vector.broadcast %and3A_450 : i32 to vector<16xi32>
        %and3A_452 = arith.andi %get3A_449, %and3A_451 : vector<16xi32>
        %swap3A_453 = arith.constant 0 : i32
        %swap3A_454 = arith.index_cast %swap3A_453 : i32 to index
        %swap3A_455 = arith.constant 64 : index
        %swap3A_456 = tpu.vector_load %arg7[%swap3A_454, %swap3A_455] {strides = array<i32>} : memref<2x96xi32, #tpu.memory_space<vmem>>, vector<1x16xi32>,
        %swap3A_457 = vector.shape_cast %swap3A_456 : vector<1x16xi32> to vector<16xi32>
        %swap3A_458 = vector.shape_cast %and3A_452 : vector<16xi32> to vector<1x16xi32>
        tpu.vector_store %arg7[%swap3A_454, %swap3A_455], %swap3A_458 {strides = array<i32>} : memref<2x96xi32, #tpu.memory_space<vmem>>, vector<1x16xi32>,
        %shift_right_logical3A_459 = arith.constant 16 : i32
        %shift_right_logical3A_460 = vector.broadcast %shift_right_logical3A_459 : i32 to vector<16xi32>
        %shift_right_logical3A_461 = arith.shrui %get3A_449, %shift_right_logical3A_460 : vector<16xi32>
        %swap3A_462 = arith.constant 1 : i32
        %swap3A_463 = arith.index_cast %swap3A_462 : i32 to index
        %swap3A_464 = arith.constant 64 : index
        %swap3A_465 = tpu.vector_load %arg7[%swap3A_463, %swap3A_464] {strides = array<i32>} : memref<2x96xi32, #tpu.memory_space<vmem>>, vector<1x16xi32>,
        %swap3A_466 = vector.shape_cast %swap3A_465 : vector<1x16xi32> to vector<16xi32>
        %swap3A_467 = vector.shape_cast %shift_right_logical3A_461 : vector<16xi32> to vector<1x16xi32>
        tpu.vector_store %arg7[%swap3A_463, %swap3A_464], %swap3A_467 {strides = array<i32>} : memref<2x96xi32, #tpu.memory_space<vmem>>, vector<1x16xi32>,
        %get3A_468 = arith.index_cast %add3A_357 : i32 to index
        %get3A_469 = arith.constant 80 : index
        %get3A_470 = tpu.vector_load %arg6[%get3A_468, %get3A_469] {strides = array<i32>} : memref<106x96xi32, #tpu.memory_space<vmem>>, vector<1x16xi32>,
        %get3A_471 = vector.shape_cast %get3A_470 : vector<1x16xi32> to vector<16xi32>
        %and3A_472 = arith.constant 65535 : i32
        %and3A_473 = vector.broadcast %and3A_472 : i32 to vector<16xi32>
        %and3A_474 = arith.andi %get3A_471, %and3A_473 : vector<16xi32>
        %swap3A_475 = arith.constant 0 : i32
        %swap3A_476 = arith.index_cast %swap3A_475 : i32 to index
        %swap3A_477 = arith.constant 80 : index
        %swap3A_478 = tpu.vector_load %arg7[%swap3A_476, %swap3A_477] {strides = array<i32>} : memref<2x96xi32, #tpu.memory_space<vmem>>, vector<1x16xi32>,
        %swap3A_479 = vector.shape_cast %swap3A_478 : vector<1x16xi32> to vector<16xi32>
        %swap3A_480 = vector.shape_cast %and3A_474 : vector<16xi32> to vector<1x16xi32>
        tpu.vector_store %arg7[%swap3A_476, %swap3A_477], %swap3A_480 {strides = array<i32>} : memref<2x96xi32, #tpu.memory_space<vmem>>, vector<1x16xi32>,
        %shift_right_logical3A_481 = arith.constant 16 : i32
        %shift_right_logical3A_482 = vector.broadcast %shift_right_logical3A_481 : i32 to vector<16xi32>
        %shift_right_logical3A_483 = arith.shrui %get3A_471, %shift_right_logical3A_482 : vector<16xi32>
        %swap3A_484 = arith.constant 1 : i32
        %swap3A_485 = arith.index_cast %swap3A_484 : i32 to index
        %swap3A_486 = arith.constant 80 : index
        %swap3A_487 = tpu.vector_load %arg7[%swap3A_485, %swap3A_486] {strides = array<i32>} : memref<2x96xi32, #tpu.memory_space<vmem>>, vector<1x16xi32>,
        %swap3A_488 = vector.shape_cast %swap3A_487 : vector<1x16xi32> to vector<16xi32>
        %swap3A_489 = vector.shape_cast %shift_right_logical3A_483 : vector<16xi32> to vector<1x16xi32>
        tpu.vector_store %arg7[%swap3A_485, %swap3A_486], %swap3A_489 {strides = array<i32>} : memref<2x96xi32, #tpu.memory_space<vmem>>, vector<1x16xi32>,
        %dma_start3A_490 = arith.constant 0 : i32
        %dma_start3A_491 = arith.constant 0 : i32
        %dma_start3A_492 = tpu.memref_slice %arg7[%dma_start3A_490, %dma_start3A_491] : memref<2x96xi32, #tpu.memory_space<vmem>> -> memref<1x96xi32, #tpu.memory_space<vmem>>
        %dma_start3A_493 = tpu.memref_squeeze %dma_start3A_492 : memref<1x96xi32, #tpu.memory_space<vmem>> -> memref<96xi32, #tpu.memory_space<vmem>>
        %dma_start3A_494 = arith.constant 0 : i32
        %dma_start3A_495 = arith.constant 0 : i32
        %dma_start3A_496 = tpu.memref_slice %arg2[%dma_start3A_494, %dma_start3A_495] : memref<10240x128xf32, #tpu.memory_space<hbm>> -> memref<10240x128xf32, #tpu.memory_space<hbm>>
        tpu.enqueue_indirect_dma source(%dma_start3A_496 : memref<10240x128xf32, #tpu.memory_space<hbm>>) target(%arg9 : memref<96x128xf32, #tpu.memory_space<vmem>>) offsets(%dma_start3A_493 : memref<96xi32, #tpu.memory_space<vmem>>) semaphore(%arg11 : memref<!tpu.dma_semaphore, #tpu.memory_space<semaphore_mem>>)
      } else {
      }
      %dma_wait3A_348 = arith.constant 0 : i32
      %dma_wait3A_349 = arith.constant 0 : i32
      %dma_wait3A_350 = tpu.memref_slice %arg2[%dma_wait3A_348, %dma_wait3A_349] : memref<10240x128xf32, #tpu.memory_space<hbm>> -> memref<96x128xf32, #tpu.memory_space<hbm>>
      %dma_wait3A_351 = arith.constant 0 : i32
      %dma_wait3A_352 = arith.constant 0 : i32
      %dma_wait3A_353 = tpu.memref_slice %arg2[%dma_wait3A_351, %dma_wait3A_352] : memref<10240x128xf32, #tpu.memory_space<hbm>> -> memref<96x128xf32, #tpu.memory_space<hbm>>
      tpu.wait_dma2 semaphore(%arg12 : memref<!tpu.dma_semaphore, #tpu.memory_space<semaphore_mem>>) src(%dma_wait3A_353 : memref<96x128xf32, #tpu.memory_space<hbm>>) dst(%arg10 : memref<96x128xf32, #tpu.memory_space<vmem>>)
      %run_scoped3A_354 = arith.constant 1 : i32
      "tpu.region"() ({
        %run_scoped3A_356 = tpu.sem_alloc : memref<!tpu.dma_semaphore, #tpu.memory_space<semaphore_mem>>
        %dma_start3A_357 = arith.constant 0 : i32
        %dma_start3A_358 = tpu.memref_slice %arg8[%run_scoped3A_354, %dma_start3A_357] : memref<2x96xi32, #tpu.memory_space<vmem>> -> memref<1x96xi32, #tpu.memory_space<vmem>>
        %dma_start3A_359 = tpu.memref_squeeze %dma_start3A_358 : memref<1x96xi32, #tpu.memory_space<vmem>> -> memref<96xi32, #tpu.memory_space<vmem>>
        %dma_start3A_360 = arith.constant 0 : i32
        %dma_start3A_361 = arith.constant 0 : i32
        %dma_start3A_362 = tpu.memref_slice %arg5[%dma_start3A_360, %dma_start3A_361] : memref<10240x128xf32, #tpu.memory_space<vmem_shared>> -> memref<10240x128xf32, #tpu.memory_space<vmem_shared>>
        tpu.enqueue_indirect_dma source(%arg10 : memref<96x128xf32, #tpu.memory_space<vmem>>) target(%dma_start3A_362 : memref<10240x128xf32, #tpu.memory_space<vmem_shared>>) offsets(%dma_start3A_359 : memref<96xi32, #tpu.memory_space<vmem>>) semaphore(%run_scoped3A_356 : memref<!tpu.dma_semaphore, #tpu.memory_space<semaphore_mem>>) {add = true}
        %dma_wait3A_363 = arith.constant 0 : i32
        %dma_wait3A_364 = tpu.memref_slice %arg8[%run_scoped3A_354, %dma_wait3A_363] : memref<2x96xi32, #tpu.memory_space<vmem>> -> memref<1x96xi32, #tpu.memory_space<vmem>>
        %dma_wait3A_365 = tpu.memref_squeeze %dma_wait3A_364 : memref<1x96xi32, #tpu.memory_space<vmem>> -> memref<96xi32, #tpu.memory_space<vmem>>
        %dma_wait3A_366 = arith.constant 0 : i32
        %dma_wait3A_367 = arith.constant 0 : i32
        %dma_wait3A_368 = tpu.memref_slice %arg5[%dma_wait3A_366, %dma_wait3A_367] : memref<10240x128xf32, #tpu.memory_space<vmem_shared>> -> memref<10240x128xf32, #tpu.memory_space<vmem_shared>>
        tpu.wait_indirect_dma semaphore(%run_scoped3A_356 : memref<!tpu.dma_semaphore, #tpu.memory_space<semaphore_mem>>) src(%arg10 : memref<96x128xf32, #tpu.memory_space<vmem>>) dst(%dma_wait3A_368 : memref<10240x128xf32, #tpu.memory_space<vmem_shared>>)
        tpu.yield
      }) : () -> ()
      %scan3A_355 = arith.constant 0 : i32
      scf.yield %scan3A_355 : i32
    }
    %scan3A_190 = arith.constant 53 : i32
    %barrier3A_191 = arith.constant 0 : index
    tpu.barrier barrier_id(%barrier3A_191)
    %mul3A_192 = arith.constant 640 : i32
    %mul3A_193 = arith.muli %arg1, %mul3A_192 : i32
    %mul3A_194 = arith.constant 640 : i32
    %mul3A_195 = arith.muli %arg1, %mul3A_194 : i32
    "tpu.region"() ({
      %run_scoped3A = tpu.sem_alloc : memref<!tpu.dma_semaphore, #tpu.memory_space<semaphore_mem>>
      %dma_start3A_196 = arith.constant 0 : i32
      %dma_start3A_197 = tpu.memref_slice %arg4[%arg0, %mul3A_195, %dma_start3A_196] : memref<2x10240x128xf32, #tpu.memory_space<hbm>> -> memref<1x640x128xf32, #tpu.memory_space<hbm>>
      %dma_start3A_198 = tpu.memref_squeeze %dma_start3A_197 : memref<1x640x128xf32, #tpu.memory_space<hbm>> -> memref<640x128xf32, #tpu.memory_space<hbm>>
      %dma_start3A_199 = arith.constant 0 : i32
      %dma_start3A_200 = tpu.memref_slice %arg5[%mul3A_193, %dma_start3A_199] : memref<10240x128xf32, #tpu.memory_space<vmem_shared>> -> memref<640x128xf32, #tpu.memory_space<vmem_shared>>
      tpu.enqueue_dma source(%dma_start3A_200 : memref<640x128xf32, #tpu.memory_space<vmem_shared>>) target(%dma_start3A_198 : memref<640x128xf32, #tpu.memory_space<hbm>>) target_semaphore(%run_scoped3A : memref<!tpu.dma_semaphore, #tpu.memory_space<semaphore_mem>>)
      %dma_wait3A = arith.constant 0 : i32
      %dma_wait3A_201 = tpu.memref_slice %arg4[%arg0, %mul3A_195, %dma_wait3A] : memref<2x10240x128xf32, #tpu.memory_space<hbm>> -> memref<1x640x128xf32, #tpu.memory_space<hbm>>
      %dma_wait3A_202 = tpu.memref_squeeze %dma_wait3A_201 : memref<1x640x128xf32, #tpu.memory_space<hbm>> -> memref<640x128xf32, #tpu.memory_space<hbm>>
      %dma_wait3A_203 = arith.constant 0 : i32
      %dma_wait3A_204 = tpu.memref_slice %arg5[%mul3A_193, %dma_wait3A_203] : memref<10240x128xf32, #tpu.memory_space<vmem_shared>> -> memref<640x128xf32, #tpu.memory_space<vmem_shared>>
      tpu.wait_dma2 semaphore(%run_scoped3A : memref<!tpu.dma_semaphore, #tpu.memory_space<semaphore_mem>>) src(%dma_wait3A_204 : memref<640x128xf32, #tpu.memory_space<vmem_shared>>) dst(%dma_wait3A_202 : memref<640x128xf32, #tpu.memory_space<hbm>>)
      tpu.yield
    }) : () -> ()
    return
  }
}

#map = affine_map<(d0, d1) -> (0, 0)>
#map1 = affine_map<(d0, d1) -> (0, 0, 0, 0)>
#map2 = affine_map<(d0, d1) -> (0, 0, 0)>
module attributes {stable_mosaic.version = 14 : i64} {
  func.func @_edge_kernel(%arg0: i32, %arg1: i32, %arg2: memref<10240x128xf32, #tpu.memory_space<hbm>>, %arg3: memref<2x16x106x96xi32, #tpu.memory_space<hbm>>, %arg4: memref<2x10240x128xf32, #tpu.memory_space<hbm>>, %arg5: memref<10240x128xf32, #tpu.memory_space<vmem_shared>>, %arg6: memref<106x96xi32, #tpu.memory_space<vmem>>, %arg7: memref<2x96xi32, #tpu.memory_space<vmem>>, %arg8: memref<2x96xi32, #tpu.memory_space<vmem>>, %arg9: memref<96x128xf32, #tpu.memory_space<vmem>>, %arg10: memref<96x128xf32, #tpu.memory_space<vmem>>, %arg11: memref<!tpu.dma_semaphore, #tpu.memory_space<semaphore_mem>>, %arg12: memref<!tpu.dma_semaphore, #tpu.memory_space<semaphore_mem>>) attributes {dimension_semantics = [#tpu.dimension_semantics<core_parallel>, #tpu.dimension_semantics<subcore_parallel>], iteration_bounds = array<i64: 2, 16>, scalar_prefetch = 0 : i64, scratch_operands = 8 : i64, tpu.core_type = #tpu.core_type<sc_vector_subcore>, window_params = [{transform_indices = #map}, {transform_indices = #map1}, {transform_indices = #map2}]} {
    "tpu.region"() ({
      %run_scoped3A = tpu.sem_alloc : memref<!tpu.dma_semaphore, #tpu.memory_space<semaphore_mem>>
      %dma_start3A_196 = arith.constant 0 : i32
      %dma_start3A_197 = arith.constant 0 : i32
      %dma_start3A_198 = tpu.memref_slice %arg3[%arg0, %arg1, %dma_start3A_196, %dma_start3A_197] : memref<2x16x106x96xi32, #tpu.memory_space<hbm>> -> memref<1x1x106x96xi32, #tpu.memory_space<hbm>>
      %dma_start3A_199 = tpu.memref_squeeze %dma_start3A_198 : memref<1x1x106x96xi32, #tpu.memory_space<hbm>> -> memref<106x96xi32, #tpu.memory_space<hbm>>
      %dma_start3A_200 = arith.constant 0 : i32
      %dma_start3A_201 = arith.constant 0 : i32
      %dma_start3A_202 = tpu.memref_slice %arg3[%arg0, %arg1, %dma_start3A_200, %dma_start3A_201] : memref<2x16x106x96xi32, #tpu.memory_space<hbm>> -> memref<1x1x106x96xi32, #tpu.memory_space<hbm>>
      %dma_start3A_203 = tpu.memref_squeeze %dma_start3A_202 : memref<1x1x106x96xi32, #tpu.memory_space<hbm>> -> memref<106x96xi32, #tpu.memory_space<hbm>>
      tpu.enqueue_dma source(%dma_start3A_203 : memref<106x96xi32, #tpu.memory_space<hbm>>) target(%arg6 : memref<106x96xi32, #tpu.memory_space<vmem>>) target_semaphore(%run_scoped3A : memref<!tpu.dma_semaphore, #tpu.memory_space<semaphore_mem>>)
      %dma_wait3A = arith.constant 0 : i32
      %dma_wait3A_204 = arith.constant 0 : i32
      %dma_wait3A_205 = tpu.memref_slice %arg3[%arg0, %arg1, %dma_wait3A, %dma_wait3A_204] : memref<2x16x106x96xi32, #tpu.memory_space<hbm>> -> memref<1x1x106x96xi32, #tpu.memory_space<hbm>>
      %dma_wait3A_206 = tpu.memref_squeeze %dma_wait3A_205 : memref<1x1x106x96xi32, #tpu.memory_space<hbm>> -> memref<106x96xi32, #tpu.memory_space<hbm>>
      %dma_wait3A_207 = arith.constant 0 : i32
      %dma_wait3A_208 = arith.constant 0 : i32
      %dma_wait3A_209 = tpu.memref_slice %arg3[%arg0, %arg1, %dma_wait3A_207, %dma_wait3A_208] : memref<2x16x106x96xi32, #tpu.memory_space<hbm>> -> memref<1x1x106x96xi32, #tpu.memory_space<hbm>>
      %dma_wait3A_210 = tpu.memref_squeeze %dma_wait3A_209 : memref<1x1x106x96xi32, #tpu.memory_space<hbm>> -> memref<106x96xi32, #tpu.memory_space<hbm>>
      tpu.wait_dma2 semaphore(%run_scoped3A : memref<!tpu.dma_semaphore, #tpu.memory_space<semaphore_mem>>) src(%dma_wait3A_210 : memref<106x96xi32, #tpu.memory_space<hbm>>) dst(%arg6 : memref<106x96xi32, #tpu.memory_space<vmem>>)
      tpu.yield
    }) : () -> ()
    %scan3A = arith.constant 0 : i32
    %scan3A_0 = arith.constant 0 : i32
    %scan3A_1 = arith.constant 64 : i32
    %scan3A_2 = arith.addi %scan3A_0, %scan3A_1 : i32
    %scan3A_3 = arith.constant 1 : i32
    %scan3A_4 = scf.for %scan3A_196 = %scan3A_0 to %scan3A_2 step %scan3A_3 iter_args(%scan3A_197 = %scan3A) -> (i32)  : i32 {
      %broadcast_in_dim3A = arith.constant 0.000000e+00 : f32
      %broadcast_in_dim3A_198 = vector.broadcast %broadcast_in_dim3A : f32 to vector<16xf32>
      %swap3A_199 = arith.index_cast %scan3A_196 : i32 to index
      %swap3A_200 = arith.constant 0 : index
      %swap3A_201 = tpu.vector_load %arg9[%swap3A_199, %swap3A_200] {strides = array<i32>} : memref<96x128xf32, #tpu.memory_space<vmem>>, vector<1x16xf32>,
      %swap3A_202 = vector.shape_cast %swap3A_201 : vector<1x16xf32> to vector<16xf32>
      %swap3A_203 = vector.shape_cast %broadcast_in_dim3A_198 : vector<16xf32> to vector<1x16xf32>
      tpu.vector_store %arg9[%swap3A_199, %swap3A_200], %swap3A_203 {strides = array<i32>} : memref<96x128xf32, #tpu.memory_space<vmem>>, vector<1x16xf32>,
      %broadcast_in_dim3A_204 = arith.constant 0.000000e+00 : f32
      %broadcast_in_dim3A_205 = vector.broadcast %broadcast_in_dim3A_204 : f32 to vector<16xf32>
      %swap3A_206 = arith.index_cast %scan3A_196 : i32 to index
      %swap3A_207 = arith.constant 16 : index
      %swap3A_208 = tpu.vector_load %arg9[%swap3A_206, %swap3A_207] {strides = array<i32>} : memref<96x128xf32, #tpu.memory_space<vmem>>, vector<1x16xf32>,
      %swap3A_209 = vector.shape_cast %swap3A_208 : vector<1x16xf32> to vector<16xf32>
      %swap3A_210 = vector.shape_cast %broadcast_in_dim3A_205 : vector<16xf32> to vector<1x16xf32>
      tpu.vector_store %arg9[%swap3A_206, %swap3A_207], %swap3A_210 {strides = array<i32>} : memref<96x128xf32, #tpu.memory_space<vmem>>, vector<1x16xf32>,
      %broadcast_in_dim3A_211 = arith.constant 0.000000e+00 : f32
      %broadcast_in_dim3A_212 = vector.broadcast %broadcast_in_dim3A_211 : f32 to vector<16xf32>
      %swap3A_213 = arith.index_cast %scan3A_196 : i32 to index
      %swap3A_214 = arith.constant 32 : index
      %swap3A_215 = tpu.vector_load %arg9[%swap3A_213, %swap3A_214] {strides = array<i32>} : memref<96x128xf32, #tpu.memory_space<vmem>>, vector<1x16xf32>,
      %swap3A_216 = vector.shape_cast %swap3A_215 : vector<1x16xf32> to vector<16xf32>
      %swap3A_217 = vector.shape_cast %broadcast_in_dim3A_212 : vector<16xf32> to vector<1x16xf32>
      tpu.vector_store %arg9[%swap3A_213, %swap3A_214], %swap3A_217 {strides = array<i32>} : memref<96x128xf32, #tpu.memory_space<vmem>>, vector<1x16xf32>,
      %broadcast_in_dim3A_218 = arith.constant 0.000000e+00 : f32
      %broadcast_in_dim3A_219 = vector.broadcast %broadcast_in_dim3A_218 : f32 to vector<16xf32>
      %swap3A_220 = arith.index_cast %scan3A_196 : i32 to index
      %swap3A_221 = arith.constant 48 : index
      %swap3A_222 = tpu.vector_load %arg9[%swap3A_220, %swap3A_221] {strides = array<i32>} : memref<96x128xf32, #tpu.memory_space<vmem>>, vector<1x16xf32>,
      %swap3A_223 = vector.shape_cast %swap3A_222 : vector<1x16xf32> to vector<16xf32>
      %swap3A_224 = vector.shape_cast %broadcast_in_dim3A_219 : vector<16xf32> to vector<1x16xf32>
      tpu.vector_store %arg9[%swap3A_220, %swap3A_221], %swap3A_224 {strides = array<i32>} : memref<96x128xf32, #tpu.memory_space<vmem>>, vector<1x16xf32>,
      %broadcast_in_dim3A_225 = arith.constant 0.000000e+00 : f32
      %broadcast_in_dim3A_226 = vector.broadcast %broadcast_in_dim3A_225 : f32 to vector<16xf32>
      %swap3A_227 = arith.index_cast %scan3A_196 : i32 to index
      %swap3A_228 = arith.constant 64 : index
      %swap3A_229 = tpu.vector_load %arg9[%swap3A_227, %swap3A_228] {strides = array<i32>} : memref<96x128xf32, #tpu.memory_space<vmem>>, vector<1x16xf32>,
      %swap3A_230 = vector.shape_cast %swap3A_229 : vector<1x16xf32> to vector<16xf32>
      %swap3A_231 = vector.shape_cast %broadcast_in_dim3A_226 : vector<16xf32> to vector<1x16xf32>
      tpu.vector_store %arg9[%swap3A_227, %swap3A_228], %swap3A_231 {strides = array<i32>} : memref<96x128xf32, #tpu.memory_space<vmem>>, vector<1x16xf32>,
      %broadcast_in_dim3A_232 = arith.constant 0.000000e+00 : f32
      %broadcast_in_dim3A_233 = vector.broadcast %broadcast_in_dim3A_232 : f32 to vector<16xf32>
      %swap3A_234 = arith.index_cast %scan3A_196 : i32 to index
      %swap3A_235 = arith.constant 80 : index
      %swap3A_236 = tpu.vector_load %arg9[%swap3A_234, %swap3A_235] {strides = array<i32>} : memref<96x128xf32, #tpu.memory_space<vmem>>, vector<1x16xf32>,
      %swap3A_237 = vector.shape_cast %swap3A_236 : vector<1x16xf32> to vector<16xf32>
      %swap3A_238 = vector.shape_cast %broadcast_in_dim3A_233 : vector<16xf32> to vector<1x16xf32>
      tpu.vector_store %arg9[%swap3A_234, %swap3A_235], %swap3A_238 {strides = array<i32>} : memref<96x128xf32, #tpu.memory_space<vmem>>, vector<1x16xf32>,
      %broadcast_in_dim3A_239 = arith.constant 0.000000e+00 : f32
      %broadcast_in_dim3A_240 = vector.broadcast %broadcast_in_dim3A_239 : f32 to vector<16xf32>
      %swap3A_241 = arith.index_cast %scan3A_196 : i32 to index
      %swap3A_242 = arith.constant 96 : index
      %swap3A_243 = tpu.vector_load %arg9[%swap3A_241, %swap3A_242] {strides = array<i32>} : memref<96x128xf32, #tpu.memory_space<vmem>>, vector<1x16xf32>,
      %swap3A_244 = vector.shape_cast %swap3A_243 : vector<1x16xf32> to vector<16xf32>
      %swap3A_245 = vector.shape_cast %broadcast_in_dim3A_240 : vector<16xf32> to vector<1x16xf32>
      tpu.vector_store %arg9[%swap3A_241, %swap3A_242], %swap3A_245 {strides = array<i32>} : memref<96x128xf32, #tpu.memory_space<vmem>>, vector<1x16xf32>,
      %broadcast_in_dim3A_246 = arith.constant 0.000000e+00 : f32
      %broadcast_in_dim3A_247 = vector.broadcast %broadcast_in_dim3A_246 : f32 to vector<16xf32>
      %swap3A_248 = arith.index_cast %scan3A_196 : i32 to index
      %swap3A_249 = arith.constant 112 : index
      %swap3A_250 = tpu.vector_load %arg9[%swap3A_248, %swap3A_249] {strides = array<i32>} : memref<96x128xf32, #tpu.memory_space<vmem>>, vector<1x16xf32>,
      %swap3A_251 = vector.shape_cast %swap3A_250 : vector<1x16xf32> to vector<16xf32>
      %swap3A_252 = vector.shape_cast %broadcast_in_dim3A_247 : vector<16xf32> to vector<1x16xf32>
      tpu.vector_store %arg9[%swap3A_248, %swap3A_249], %swap3A_252 {strides = array<i32>} : memref<96x128xf32, #tpu.memory_space<vmem>>, vector<1x16xf32>,
      %scan3A_253 = arith.constant 0 : i32
      scf.yield %scan3A_253 : i32
    }
    %scan3A_5 = arith.constant 64 : i32
    %mul3A = arith.constant 640 : i32
    %mul3A_6 = arith.muli %arg1, %mul3A : i32
    %add3A = arith.constant 0 : i32
    %add3A_7 = arith.addi %mul3A_6, %add3A : i32
    "tpu.region"() ({
      %run_scoped3A = tpu.sem_alloc : memref<!tpu.dma_semaphore, #tpu.memory_space<semaphore_mem>>
      %dma_start3A_196 = arith.constant 0 : i32
      %dma_start3A_197 = arith.constant 0 : i32
      %dma_start3A_198 = tpu.memref_slice %arg9[%dma_start3A_196, %dma_start3A_197] : memref<96x128xf32, #tpu.memory_space<vmem>> -> memref<64x128xf32, #tpu.memory_space<vmem>>
      %dma_start3A_199 = arith.constant 0 : i32
      %dma_start3A_200 = tpu.memref_slice %arg5[%add3A_7, %dma_start3A_199] : memref<10240x128xf32, #tpu.memory_space<vmem_shared>> -> memref<64x128xf32, #tpu.memory_space<vmem_shared>>
      %dma_start3A_201 = arith.constant 0 : i32
      %dma_start3A_202 = tpu.memref_slice %arg5[%add3A_7, %dma_start3A_201] : memref<10240x128xf32, #tpu.memory_space<vmem_shared>> -> memref<64x128xf32, #tpu.memory_space<vmem_shared>>
      %dma_start3A_203 = arith.constant 0 : i32
      %dma_start3A_204 = arith.constant 0 : i32
      %dma_start3A_205 = tpu.memref_slice %arg9[%dma_start3A_203, %dma_start3A_204] : memref<96x128xf32, #tpu.memory_space<vmem>> -> memref<64x128xf32, #tpu.memory_space<vmem>>
      tpu.enqueue_dma source(%dma_start3A_205 : memref<64x128xf32, #tpu.memory_space<vmem>>) target(%dma_start3A_202 : memref<64x128xf32, #tpu.memory_space<vmem_shared>>) target_semaphore(%run_scoped3A : memref<!tpu.dma_semaphore, #tpu.memory_space<semaphore_mem>>)
      %dma_wait3A = arith.constant 0 : i32
      %dma_wait3A_206 = arith.constant 0 : i32
      %dma_wait3A_207 = tpu.memref_slice %arg9[%dma_wait3A, %dma_wait3A_206] : memref<96x128xf32, #tpu.memory_space<vmem>> -> memref<64x128xf32, #tpu.memory_space<vmem>>
      %dma_wait3A_208 = arith.constant 0 : i32
      %dma_wait3A_209 = tpu.memref_slice %arg5[%add3A_7, %dma_wait3A_208] : memref<10240x128xf32, #tpu.memory_space<vmem_shared>> -> memref<64x128xf32, #tpu.memory_space<vmem_shared>>
      %dma_wait3A_210 = arith.constant 0 : i32
      %dma_wait3A_211 = tpu.memref_slice %arg5[%add3A_7, %dma_wait3A_210] : memref<10240x128xf32, #tpu.memory_space<vmem_shared>> -> memref<64x128xf32, #tpu.memory_space<vmem_shared>>
      %dma_wait3A_212 = arith.constant 0 : i32
      %dma_wait3A_213 = arith.constant 0 : i32
      %dma_wait3A_214 = tpu.memref_slice %arg9[%dma_wait3A_212, %dma_wait3A_213] : memref<96x128xf32, #tpu.memory_space<vmem>> -> memref<64x128xf32, #tpu.memory_space<vmem>>
      tpu.wait_dma2 semaphore(%run_scoped3A : memref<!tpu.dma_semaphore, #tpu.memory_space<semaphore_mem>>) src(%dma_wait3A_214 : memref<64x128xf32, #tpu.memory_space<vmem>>) dst(%dma_wait3A_211 : memref<64x128xf32, #tpu.memory_space<vmem_shared>>)
      tpu.yield
    }) : () -> ()
    %mul3A_8 = arith.constant 640 : i32
    %mul3A_9 = arith.muli %arg1, %mul3A_8 : i32
    %add3A_10 = arith.constant 64 : i32
    %add3A_11 = arith.addi %mul3A_9, %add3A_10 : i32
    "tpu.region"() ({
      %run_scoped3A = tpu.sem_alloc : memref<!tpu.dma_semaphore, #tpu.memory_space<semaphore_mem>>
      %dma_start3A_196 = arith.constant 0 : i32
      %dma_start3A_197 = arith.constant 0 : i32
      %dma_start3A_198 = tpu.memref_slice %arg9[%dma_start3A_196, %dma_start3A_197] : memref<96x128xf32, #tpu.memory_space<vmem>> -> memref<64x128xf32, #tpu.memory_space<vmem>>
      %dma_start3A_199 = arith.constant 0 : i32
      %dma_start3A_200 = tpu.memref_slice %arg5[%add3A_11, %dma_start3A_199] : memref<10240x128xf32, #tpu.memory_space<vmem_shared>> -> memref<64x128xf32, #tpu.memory_space<vmem_shared>>
      %dma_start3A_201 = arith.constant 0 : i32
      %dma_start3A_202 = tpu.memref_slice %arg5[%add3A_11, %dma_start3A_201] : memref<10240x128xf32, #tpu.memory_space<vmem_shared>> -> memref<64x128xf32, #tpu.memory_space<vmem_shared>>
      %dma_start3A_203 = arith.constant 0 : i32
      %dma_start3A_204 = arith.constant 0 : i32
      %dma_start3A_205 = tpu.memref_slice %arg9[%dma_start3A_203, %dma_start3A_204] : memref<96x128xf32, #tpu.memory_space<vmem>> -> memref<64x128xf32, #tpu.memory_space<vmem>>
      tpu.enqueue_dma source(%dma_start3A_205 : memref<64x128xf32, #tpu.memory_space<vmem>>) target(%dma_start3A_202 : memref<64x128xf32, #tpu.memory_space<vmem_shared>>) target_semaphore(%run_scoped3A : memref<!tpu.dma_semaphore, #tpu.memory_space<semaphore_mem>>)
      %dma_wait3A = arith.constant 0 : i32
      %dma_wait3A_206 = arith.constant 0 : i32
      %dma_wait3A_207 = tpu.memref_slice %arg9[%dma_wait3A, %dma_wait3A_206] : memref<96x128xf32, #tpu.memory_space<vmem>> -> memref<64x128xf32, #tpu.memory_space<vmem>>
      %dma_wait3A_208 = arith.constant 0 : i32
      %dma_wait3A_209 = tpu.memref_slice %arg5[%add3A_11, %dma_wait3A_208] : memref<10240x128xf32, #tpu.memory_space<vmem_shared>> -> memref<64x128xf32, #tpu.memory_space<vmem_shared>>
      %dma_wait3A_210 = arith.constant 0 : i32
      %dma_wait3A_211 = tpu.memref_slice %arg5[%add3A_11, %dma_wait3A_210] : memref<10240x128xf32, #tpu.memory_space<vmem_shared>> -> memref<64x128xf32, #tpu.memory_space<vmem_shared>>
      %dma_wait3A_212 = arith.constant 0 : i32
      %dma_wait3A_213 = arith.constant 0 : i32
      %dma_wait3A_214 = tpu.memref_slice %arg9[%dma_wait3A_212, %dma_wait3A_213] : memref<96x128xf32, #tpu.memory_space<vmem>> -> memref<64x128xf32, #tpu.memory_space<vmem>>
      tpu.wait_dma2 semaphore(%run_scoped3A : memref<!tpu.dma_semaphore, #tpu.memory_space<semaphore_mem>>) src(%dma_wait3A_214 : memref<64x128xf32, #tpu.memory_space<vmem>>) dst(%dma_wait3A_211 : memref<64x128xf32, #tpu.memory_space<vmem_shared>>)
      tpu.yield
    }) : () -> ()
    %mul3A_12 = arith.constant 640 : i32
    %mul3A_13 = arith.muli %arg1, %mul3A_12 : i32
    %add3A_14 = arith.constant 128 : i32
    %add3A_15 = arith.addi %mul3A_13, %add3A_14 : i32
    "tpu.region"() ({
      %run_scoped3A = tpu.sem_alloc : memref<!tpu.dma_semaphore, #tpu.memory_space<semaphore_mem>>
      %dma_start3A_196 = arith.constant 0 : i32
      %dma_start3A_197 = arith.constant 0 : i32
      %dma_start3A_198 = tpu.memref_slice %arg9[%dma_start3A_196, %dma_start3A_197] : memref<96x128xf32, #tpu.memory_space<vmem>> -> memref<64x128xf32, #tpu.memory_space<vmem>>
      %dma_start3A_199 = arith.constant 0 : i32
      %dma_start3A_200 = tpu.memref_slice %arg5[%add3A_15, %dma_start3A_199] : memref<10240x128xf32, #tpu.memory_space<vmem_shared>> -> memref<64x128xf32, #tpu.memory_space<vmem_shared>>
      %dma_start3A_201 = arith.constant 0 : i32
      %dma_start3A_202 = tpu.memref_slice %arg5[%add3A_15, %dma_start3A_201] : memref<10240x128xf32, #tpu.memory_space<vmem_shared>> -> memref<64x128xf32, #tpu.memory_space<vmem_shared>>
      %dma_start3A_203 = arith.constant 0 : i32
      %dma_start3A_204 = arith.constant 0 : i32
      %dma_start3A_205 = tpu.memref_slice %arg9[%dma_start3A_203, %dma_start3A_204] : memref<96x128xf32, #tpu.memory_space<vmem>> -> memref<64x128xf32, #tpu.memory_space<vmem>>
      tpu.enqueue_dma source(%dma_start3A_205 : memref<64x128xf32, #tpu.memory_space<vmem>>) target(%dma_start3A_202 : memref<64x128xf32, #tpu.memory_space<vmem_shared>>) target_semaphore(%run_scoped3A : memref<!tpu.dma_semaphore, #tpu.memory_space<semaphore_mem>>)
      %dma_wait3A = arith.constant 0 : i32
      %dma_wait3A_206 = arith.constant 0 : i32
      %dma_wait3A_207 = tpu.memref_slice %arg9[%dma_wait3A, %dma_wait3A_206] : memref<96x128xf32, #tpu.memory_space<vmem>> -> memref<64x128xf32, #tpu.memory_space<vmem>>
      %dma_wait3A_208 = arith.constant 0 : i32
      %dma_wait3A_209 = tpu.memref_slice %arg5[%add3A_15, %dma_wait3A_208] : memref<10240x128xf32, #tpu.memory_space<vmem_shared>> -> memref<64x128xf32, #tpu.memory_space<vmem_shared>>
      %dma_wait3A_210 = arith.constant 0 : i32
      %dma_wait3A_211 = tpu.memref_slice %arg5[%add3A_15, %dma_wait3A_210] : memref<10240x128xf32, #tpu.memory_space<vmem_shared>> -> memref<64x128xf32, #tpu.memory_space<vmem_shared>>
      %dma_wait3A_212 = arith.constant 0 : i32
      %dma_wait3A_213 = arith.constant 0 : i32
      %dma_wait3A_214 = tpu.memref_slice %arg9[%dma_wait3A_212, %dma_wait3A_213] : memref<96x128xf32, #tpu.memory_space<vmem>> -> memref<64x128xf32, #tpu.memory_space<vmem>>
      tpu.wait_dma2 semaphore(%run_scoped3A : memref<!tpu.dma_semaphore, #tpu.memory_space<semaphore_mem>>) src(%dma_wait3A_214 : memref<64x128xf32, #tpu.memory_space<vmem>>) dst(%dma_wait3A_211 : memref<64x128xf32, #tpu.memory_space<vmem_shared>>)
      tpu.yield
    }) : () -> ()
    %mul3A_16 = arith.constant 640 : i32
    %mul3A_17 = arith.muli %arg1, %mul3A_16 : i32
    %add3A_18 = arith.constant 192 : i32
    %add3A_19 = arith.addi %mul3A_17, %add3A_18 : i32
    "tpu.region"() ({
      %run_scoped3A = tpu.sem_alloc : memref<!tpu.dma_semaphore, #tpu.memory_space<semaphore_mem>>
      %dma_start3A_196 = arith.constant 0 : i32
      %dma_start3A_197 = arith.constant 0 : i32
      %dma_start3A_198 = tpu.memref_slice %arg9[%dma_start3A_196, %dma_start3A_197] : memref<96x128xf32, #tpu.memory_space<vmem>> -> memref<64x128xf32, #tpu.memory_space<vmem>>
      %dma_start3A_199 = arith.constant 0 : i32
      %dma_start3A_200 = tpu.memref_slice %arg5[%add3A_19, %dma_start3A_199] : memref<10240x128xf32, #tpu.memory_space<vmem_shared>> -> memref<64x128xf32, #tpu.memory_space<vmem_shared>>
      %dma_start3A_201 = arith.constant 0 : i32
      %dma_start3A_202 = tpu.memref_slice %arg5[%add3A_19, %dma_start3A_201] : memref<10240x128xf32, #tpu.memory_space<vmem_shared>> -> memref<64x128xf32, #tpu.memory_space<vmem_shared>>
      %dma_start3A_203 = arith.constant 0 : i32
      %dma_start3A_204 = arith.constant 0 : i32
      %dma_start3A_205 = tpu.memref_slice %arg9[%dma_start3A_203, %dma_start3A_204] : memref<96x128xf32, #tpu.memory_space<vmem>> -> memref<64x128xf32, #tpu.memory_space<vmem>>
      tpu.enqueue_dma source(%dma_start3A_205 : memref<64x128xf32, #tpu.memory_space<vmem>>) target(%dma_start3A_202 : memref<64x128xf32, #tpu.memory_space<vmem_shared>>) target_semaphore(%run_scoped3A : memref<!tpu.dma_semaphore, #tpu.memory_space<semaphore_mem>>)
      %dma_wait3A = arith.constant 0 : i32
      %dma_wait3A_206 = arith.constant 0 : i32
      %dma_wait3A_207 = tpu.memref_slice %arg9[%dma_wait3A, %dma_wait3A_206] : memref<96x128xf32, #tpu.memory_space<vmem>> -> memref<64x128xf32, #tpu.memory_space<vmem>>
      %dma_wait3A_208 = arith.constant 0 : i32
      %dma_wait3A_209 = tpu.memref_slice %arg5[%add3A_19, %dma_wait3A_208] : memref<10240x128xf32, #tpu.memory_space<vmem_shared>> -> memref<64x128xf32, #tpu.memory_space<vmem_shared>>
      %dma_wait3A_210 = arith.constant 0 : i32
      %dma_wait3A_211 = tpu.memref_slice %arg5[%add3A_19, %dma_wait3A_210] : memref<10240x128xf32, #tpu.memory_space<vmem_shared>> -> memref<64x128xf32, #tpu.memory_space<vmem_shared>>
      %dma_wait3A_212 = arith.constant 0 : i32
      %dma_wait3A_213 = arith.constant 0 : i32
      %dma_wait3A_214 = tpu.memref_slice %arg9[%dma_wait3A_212, %dma_wait3A_213] : memref<96x128xf32, #tpu.memory_space<vmem>> -> memref<64x128xf32, #tpu.memory_space<vmem>>
      tpu.wait_dma2 semaphore(%run_scoped3A : memref<!tpu.dma_semaphore, #tpu.memory_space<semaphore_mem>>) src(%dma_wait3A_214 : memref<64x128xf32, #tpu.memory_space<vmem>>) dst(%dma_wait3A_211 : memref<64x128xf32, #tpu.memory_space<vmem_shared>>)
      tpu.yield
    }) : () -> ()
    %mul3A_20 = arith.constant 640 : i32
    %mul3A_21 = arith.muli %arg1, %mul3A_20 : i32
    %add3A_22 = arith.constant 256 : i32
    %add3A_23 = arith.addi %mul3A_21, %add3A_22 : i32
    "tpu.region"() ({
      %run_scoped3A = tpu.sem_alloc : memref<!tpu.dma_semaphore, #tpu.memory_space<semaphore_mem>>
      %dma_start3A_196 = arith.constant 0 : i32
      %dma_start3A_197 = arith.constant 0 : i32
      %dma_start3A_198 = tpu.memref_slice %arg9[%dma_start3A_196, %dma_start3A_197] : memref<96x128xf32, #tpu.memory_space<vmem>> -> memref<64x128xf32, #tpu.memory_space<vmem>>
      %dma_start3A_199 = arith.constant 0 : i32
      %dma_start3A_200 = tpu.memref_slice %arg5[%add3A_23, %dma_start3A_199] : memref<10240x128xf32, #tpu.memory_space<vmem_shared>> -> memref<64x128xf32, #tpu.memory_space<vmem_shared>>
      %dma_start3A_201 = arith.constant 0 : i32
      %dma_start3A_202 = tpu.memref_slice %arg5[%add3A_23, %dma_start3A_201] : memref<10240x128xf32, #tpu.memory_space<vmem_shared>> -> memref<64x128xf32, #tpu.memory_space<vmem_shared>>
      %dma_start3A_203 = arith.constant 0 : i32
      %dma_start3A_204 = arith.constant 0 : i32
      %dma_start3A_205 = tpu.memref_slice %arg9[%dma_start3A_203, %dma_start3A_204] : memref<96x128xf32, #tpu.memory_space<vmem>> -> memref<64x128xf32, #tpu.memory_space<vmem>>
      tpu.enqueue_dma source(%dma_start3A_205 : memref<64x128xf32, #tpu.memory_space<vmem>>) target(%dma_start3A_202 : memref<64x128xf32, #tpu.memory_space<vmem_shared>>) target_semaphore(%run_scoped3A : memref<!tpu.dma_semaphore, #tpu.memory_space<semaphore_mem>>)
      %dma_wait3A = arith.constant 0 : i32
      %dma_wait3A_206 = arith.constant 0 : i32
      %dma_wait3A_207 = tpu.memref_slice %arg9[%dma_wait3A, %dma_wait3A_206] : memref<96x128xf32, #tpu.memory_space<vmem>> -> memref<64x128xf32, #tpu.memory_space<vmem>>
      %dma_wait3A_208 = arith.constant 0 : i32
      %dma_wait3A_209 = tpu.memref_slice %arg5[%add3A_23, %dma_wait3A_208] : memref<10240x128xf32, #tpu.memory_space<vmem_shared>> -> memref<64x128xf32, #tpu.memory_space<vmem_shared>>
      %dma_wait3A_210 = arith.constant 0 : i32
      %dma_wait3A_211 = tpu.memref_slice %arg5[%add3A_23, %dma_wait3A_210] : memref<10240x128xf32, #tpu.memory_space<vmem_shared>> -> memref<64x128xf32, #tpu.memory_space<vmem_shared>>
      %dma_wait3A_212 = arith.constant 0 : i32
      %dma_wait3A_213 = arith.constant 0 : i32
      %dma_wait3A_214 = tpu.memref_slice %arg9[%dma_wait3A_212, %dma_wait3A_213] : memref<96x128xf32, #tpu.memory_space<vmem>> -> memref<64x128xf32, #tpu.memory_space<vmem>>
      tpu.wait_dma2 semaphore(%run_scoped3A : memref<!tpu.dma_semaphore, #tpu.memory_space<semaphore_mem>>) src(%dma_wait3A_214 : memref<64x128xf32, #tpu.memory_space<vmem>>) dst(%dma_wait3A_211 : memref<64x128xf32, #tpu.memory_space<vmem_shared>>)
      tpu.yield
    }) : () -> ()
    %mul3A_24 = arith.constant 640 : i32
    %mul3A_25 = arith.muli %arg1, %mul3A_24 : i32
    %add3A_26 = arith.constant 320 : i32
    %add3A_27 = arith.addi %mul3A_25, %add3A_26 : i32
    "tpu.region"() ({
      %run_scoped3A = tpu.sem_alloc : memref<!tpu.dma_semaphore, #tpu.memory_space<semaphore_mem>>
      %dma_start3A_196 = arith.constant 0 : i32
      %dma_start3A_197 = arith.constant 0 : i32
      %dma_start3A_198 = tpu.memref_slice %arg9[%dma_start3A_196, %dma_start3A_197] : memref<96x128xf32, #tpu.memory_space<vmem>> -> memref<64x128xf32, #tpu.memory_space<vmem>>
      %dma_start3A_199 = arith.constant 0 : i32
      %dma_start3A_200 = tpu.memref_slice %arg5[%add3A_27, %dma_start3A_199] : memref<10240x128xf32, #tpu.memory_space<vmem_shared>> -> memref<64x128xf32, #tpu.memory_space<vmem_shared>>
      %dma_start3A_201 = arith.constant 0 : i32
      %dma_start3A_202 = tpu.memref_slice %arg5[%add3A_27, %dma_start3A_201] : memref<10240x128xf32, #tpu.memory_space<vmem_shared>> -> memref<64x128xf32, #tpu.memory_space<vmem_shared>>
      %dma_start3A_203 = arith.constant 0 : i32
      %dma_start3A_204 = arith.constant 0 : i32
      %dma_start3A_205 = tpu.memref_slice %arg9[%dma_start3A_203, %dma_start3A_204] : memref<96x128xf32, #tpu.memory_space<vmem>> -> memref<64x128xf32, #tpu.memory_space<vmem>>
      tpu.enqueue_dma source(%dma_start3A_205 : memref<64x128xf32, #tpu.memory_space<vmem>>) target(%dma_start3A_202 : memref<64x128xf32, #tpu.memory_space<vmem_shared>>) target_semaphore(%run_scoped3A : memref<!tpu.dma_semaphore, #tpu.memory_space<semaphore_mem>>)
      %dma_wait3A = arith.constant 0 : i32
      %dma_wait3A_206 = arith.constant 0 : i32
      %dma_wait3A_207 = tpu.memref_slice %arg9[%dma_wait3A, %dma_wait3A_206] : memref<96x128xf32, #tpu.memory_space<vmem>> -> memref<64x128xf32, #tpu.memory_space<vmem>>
      %dma_wait3A_208 = arith.constant 0 : i32
      %dma_wait3A_209 = tpu.memref_slice %arg5[%add3A_27, %dma_wait3A_208] : memref<10240x128xf32, #tpu.memory_space<vmem_shared>> -> memref<64x128xf32, #tpu.memory_space<vmem_shared>>
      %dma_wait3A_210 = arith.constant 0 : i32
      %dma_wait3A_211 = tpu.memref_slice %arg5[%add3A_27, %dma_wait3A_210] : memref<10240x128xf32, #tpu.memory_space<vmem_shared>> -> memref<64x128xf32, #tpu.memory_space<vmem_shared>>
      %dma_wait3A_212 = arith.constant 0 : i32
      %dma_wait3A_213 = arith.constant 0 : i32
      %dma_wait3A_214 = tpu.memref_slice %arg9[%dma_wait3A_212, %dma_wait3A_213] : memref<96x128xf32, #tpu.memory_space<vmem>> -> memref<64x128xf32, #tpu.memory_space<vmem>>
      tpu.wait_dma2 semaphore(%run_scoped3A : memref<!tpu.dma_semaphore, #tpu.memory_space<semaphore_mem>>) src(%dma_wait3A_214 : memref<64x128xf32, #tpu.memory_space<vmem>>) dst(%dma_wait3A_211 : memref<64x128xf32, #tpu.memory_space<vmem_shared>>)
      tpu.yield
    }) : () -> ()
    %mul3A_28 = arith.constant 640 : i32
    %mul3A_29 = arith.muli %arg1, %mul3A_28 : i32
    %add3A_30 = arith.constant 384 : i32
    %add3A_31 = arith.addi %mul3A_29, %add3A_30 : i32
    "tpu.region"() ({
      %run_scoped3A = tpu.sem_alloc : memref<!tpu.dma_semaphore, #tpu.memory_space<semaphore_mem>>
      %dma_start3A_196 = arith.constant 0 : i32
      %dma_start3A_197 = arith.constant 0 : i32
      %dma_start3A_198 = tpu.memref_slice %arg9[%dma_start3A_196, %dma_start3A_197] : memref<96x128xf32, #tpu.memory_space<vmem>> -> memref<64x128xf32, #tpu.memory_space<vmem>>
      %dma_start3A_199 = arith.constant 0 : i32
      %dma_start3A_200 = tpu.memref_slice %arg5[%add3A_31, %dma_start3A_199] : memref<10240x128xf32, #tpu.memory_space<vmem_shared>> -> memref<64x128xf32, #tpu.memory_space<vmem_shared>>
      %dma_start3A_201 = arith.constant 0 : i32
      %dma_start3A_202 = tpu.memref_slice %arg5[%add3A_31, %dma_start3A_201] : memref<10240x128xf32, #tpu.memory_space<vmem_shared>> -> memref<64x128xf32, #tpu.memory_space<vmem_shared>>
      %dma_start3A_203 = arith.constant 0 : i32
      %dma_start3A_204 = arith.constant 0 : i32
      %dma_start3A_205 = tpu.memref_slice %arg9[%dma_start3A_203, %dma_start3A_204] : memref<96x128xf32, #tpu.memory_space<vmem>> -> memref<64x128xf32, #tpu.memory_space<vmem>>
      tpu.enqueue_dma source(%dma_start3A_205 : memref<64x128xf32, #tpu.memory_space<vmem>>) target(%dma_start3A_202 : memref<64x128xf32, #tpu.memory_space<vmem_shared>>) target_semaphore(%run_scoped3A : memref<!tpu.dma_semaphore, #tpu.memory_space<semaphore_mem>>)
      %dma_wait3A = arith.constant 0 : i32
      %dma_wait3A_206 = arith.constant 0 : i32
      %dma_wait3A_207 = tpu.memref_slice %arg9[%dma_wait3A, %dma_wait3A_206] : memref<96x128xf32, #tpu.memory_space<vmem>> -> memref<64x128xf32, #tpu.memory_space<vmem>>
      %dma_wait3A_208 = arith.constant 0 : i32
      %dma_wait3A_209 = tpu.memref_slice %arg5[%add3A_31, %dma_wait3A_208] : memref<10240x128xf32, #tpu.memory_space<vmem_shared>> -> memref<64x128xf32, #tpu.memory_space<vmem_shared>>
      %dma_wait3A_210 = arith.constant 0 : i32
      %dma_wait3A_211 = tpu.memref_slice %arg5[%add3A_31, %dma_wait3A_210] : memref<10240x128xf32, #tpu.memory_space<vmem_shared>> -> memref<64x128xf32, #tpu.memory_space<vmem_shared>>
      %dma_wait3A_212 = arith.constant 0 : i32
      %dma_wait3A_213 = arith.constant 0 : i32
      %dma_wait3A_214 = tpu.memref_slice %arg9[%dma_wait3A_212, %dma_wait3A_213] : memref<96x128xf32, #tpu.memory_space<vmem>> -> memref<64x128xf32, #tpu.memory_space<vmem>>
      tpu.wait_dma2 semaphore(%run_scoped3A : memref<!tpu.dma_semaphore, #tpu.memory_space<semaphore_mem>>) src(%dma_wait3A_214 : memref<64x128xf32, #tpu.memory_space<vmem>>) dst(%dma_wait3A_211 : memref<64x128xf32, #tpu.memory_space<vmem_shared>>)
      tpu.yield
    }) : () -> ()
    %mul3A_32 = arith.constant 640 : i32
    %mul3A_33 = arith.muli %arg1, %mul3A_32 : i32
    %add3A_34 = arith.constant 448 : i32
    %add3A_35 = arith.addi %mul3A_33, %add3A_34 : i32
    "tpu.region"() ({
      %run_scoped3A = tpu.sem_alloc : memref<!tpu.dma_semaphore, #tpu.memory_space<semaphore_mem>>
      %dma_start3A_196 = arith.constant 0 : i32
      %dma_start3A_197 = arith.constant 0 : i32
      %dma_start3A_198 = tpu.memref_slice %arg9[%dma_start3A_196, %dma_start3A_197] : memref<96x128xf32, #tpu.memory_space<vmem>> -> memref<64x128xf32, #tpu.memory_space<vmem>>
      %dma_start3A_199 = arith.constant 0 : i32
      %dma_start3A_200 = tpu.memref_slice %arg5[%add3A_35, %dma_start3A_199] : memref<10240x128xf32, #tpu.memory_space<vmem_shared>> -> memref<64x128xf32, #tpu.memory_space<vmem_shared>>
      %dma_start3A_201 = arith.constant 0 : i32
      %dma_start3A_202 = tpu.memref_slice %arg5[%add3A_35, %dma_start3A_201] : memref<10240x128xf32, #tpu.memory_space<vmem_shared>> -> memref<64x128xf32, #tpu.memory_space<vmem_shared>>
      %dma_start3A_203 = arith.constant 0 : i32
      %dma_start3A_204 = arith.constant 0 : i32
      %dma_start3A_205 = tpu.memref_slice %arg9[%dma_start3A_203, %dma_start3A_204] : memref<96x128xf32, #tpu.memory_space<vmem>> -> memref<64x128xf32, #tpu.memory_space<vmem>>
      tpu.enqueue_dma source(%dma_start3A_205 : memref<64x128xf32, #tpu.memory_space<vmem>>) target(%dma_start3A_202 : memref<64x128xf32, #tpu.memory_space<vmem_shared>>) target_semaphore(%run_scoped3A : memref<!tpu.dma_semaphore, #tpu.memory_space<semaphore_mem>>)
      %dma_wait3A = arith.constant 0 : i32
      %dma_wait3A_206 = arith.constant 0 : i32
      %dma_wait3A_207 = tpu.memref_slice %arg9[%dma_wait3A, %dma_wait3A_206] : memref<96x128xf32, #tpu.memory_space<vmem>> -> memref<64x128xf32, #tpu.memory_space<vmem>>
      %dma_wait3A_208 = arith.constant 0 : i32
      %dma_wait3A_209 = tpu.memref_slice %arg5[%add3A_35, %dma_wait3A_208] : memref<10240x128xf32, #tpu.memory_space<vmem_shared>> -> memref<64x128xf32, #tpu.memory_space<vmem_shared>>
      %dma_wait3A_210 = arith.constant 0 : i32
      %dma_wait3A_211 = tpu.memref_slice %arg5[%add3A_35, %dma_wait3A_210] : memref<10240x128xf32, #tpu.memory_space<vmem_shared>> -> memref<64x128xf32, #tpu.memory_space<vmem_shared>>
      %dma_wait3A_212 = arith.constant 0 : i32
      %dma_wait3A_213 = arith.constant 0 : i32
      %dma_wait3A_214 = tpu.memref_slice %arg9[%dma_wait3A_212, %dma_wait3A_213] : memref<96x128xf32, #tpu.memory_space<vmem>> -> memref<64x128xf32, #tpu.memory_space<vmem>>
      tpu.wait_dma2 semaphore(%run_scoped3A : memref<!tpu.dma_semaphore, #tpu.memory_space<semaphore_mem>>) src(%dma_wait3A_214 : memref<64x128xf32, #tpu.memory_space<vmem>>) dst(%dma_wait3A_211 : memref<64x128xf32, #tpu.memory_space<vmem_shared>>)
      tpu.yield
    }) : () -> ()
    %mul3A_36 = arith.constant 640 : i32
    %mul3A_37 = arith.muli %arg1, %mul3A_36 : i32
    %add3A_38 = arith.constant 512 : i32
    %add3A_39 = arith.addi %mul3A_37, %add3A_38 : i32
    "tpu.region"() ({
      %run_scoped3A = tpu.sem_alloc : memref<!tpu.dma_semaphore, #tpu.memory_space<semaphore_mem>>
      %dma_start3A_196 = arith.constant 0 : i32
      %dma_start3A_197 = arith.constant 0 : i32
      %dma_start3A_198 = tpu.memref_slice %arg9[%dma_start3A_196, %dma_start3A_197] : memref<96x128xf32, #tpu.memory_space<vmem>> -> memref<64x128xf32, #tpu.memory_space<vmem>>
      %dma_start3A_199 = arith.constant 0 : i32
      %dma_start3A_200 = tpu.memref_slice %arg5[%add3A_39, %dma_start3A_199] : memref<10240x128xf32, #tpu.memory_space<vmem_shared>> -> memref<64x128xf32, #tpu.memory_space<vmem_shared>>
      %dma_start3A_201 = arith.constant 0 : i32
      %dma_start3A_202 = tpu.memref_slice %arg5[%add3A_39, %dma_start3A_201] : memref<10240x128xf32, #tpu.memory_space<vmem_shared>> -> memref<64x128xf32, #tpu.memory_space<vmem_shared>>
      %dma_start3A_203 = arith.constant 0 : i32
      %dma_start3A_204 = arith.constant 0 : i32
      %dma_start3A_205 = tpu.memref_slice %arg9[%dma_start3A_203, %dma_start3A_204] : memref<96x128xf32, #tpu.memory_space<vmem>> -> memref<64x128xf32, #tpu.memory_space<vmem>>
      tpu.enqueue_dma source(%dma_start3A_205 : memref<64x128xf32, #tpu.memory_space<vmem>>) target(%dma_start3A_202 : memref<64x128xf32, #tpu.memory_space<vmem_shared>>) target_semaphore(%run_scoped3A : memref<!tpu.dma_semaphore, #tpu.memory_space<semaphore_mem>>)
      %dma_wait3A = arith.constant 0 : i32
      %dma_wait3A_206 = arith.constant 0 : i32
      %dma_wait3A_207 = tpu.memref_slice %arg9[%dma_wait3A, %dma_wait3A_206] : memref<96x128xf32, #tpu.memory_space<vmem>> -> memref<64x128xf32, #tpu.memory_space<vmem>>
      %dma_wait3A_208 = arith.constant 0 : i32
      %dma_wait3A_209 = tpu.memref_slice %arg5[%add3A_39, %dma_wait3A_208] : memref<10240x128xf32, #tpu.memory_space<vmem_shared>> -> memref<64x128xf32, #tpu.memory_space<vmem_shared>>
      %dma_wait3A_210 = arith.constant 0 : i32
      %dma_wait3A_211 = tpu.memref_slice %arg5[%add3A_39, %dma_wait3A_210] : memref<10240x128xf32, #tpu.memory_space<vmem_shared>> -> memref<64x128xf32, #tpu.memory_space<vmem_shared>>
      %dma_wait3A_212 = arith.constant 0 : i32
      %dma_wait3A_213 = arith.constant 0 : i32
      %dma_wait3A_214 = tpu.memref_slice %arg9[%dma_wait3A_212, %dma_wait3A_213] : memref<96x128xf32, #tpu.memory_space<vmem>> -> memref<64x128xf32, #tpu.memory_space<vmem>>
      tpu.wait_dma2 semaphore(%run_scoped3A : memref<!tpu.dma_semaphore, #tpu.memory_space<semaphore_mem>>) src(%dma_wait3A_214 : memref<64x128xf32, #tpu.memory_space<vmem>>) dst(%dma_wait3A_211 : memref<64x128xf32, #tpu.memory_space<vmem_shared>>)
      tpu.yield
    }) : () -> ()
    %mul3A_40 = arith.constant 640 : i32
    %mul3A_41 = arith.muli %arg1, %mul3A_40 : i32
    %add3A_42 = arith.constant 576 : i32
    %add3A_43 = arith.addi %mul3A_41, %add3A_42 : i32
    "tpu.region"() ({
      %run_scoped3A = tpu.sem_alloc : memref<!tpu.dma_semaphore, #tpu.memory_space<semaphore_mem>>
      %dma_start3A_196 = arith.constant 0 : i32
      %dma_start3A_197 = arith.constant 0 : i32
      %dma_start3A_198 = tpu.memref_slice %arg9[%dma_start3A_196, %dma_start3A_197] : memref<96x128xf32, #tpu.memory_space<vmem>> -> memref<64x128xf32, #tpu.memory_space<vmem>>
      %dma_start3A_199 = arith.constant 0 : i32
      %dma_start3A_200 = tpu.memref_slice %arg5[%add3A_43, %dma_start3A_199] : memref<10240x128xf32, #tpu.memory_space<vmem_shared>> -> memref<64x128xf32, #tpu.memory_space<vmem_shared>>
      %dma_start3A_201 = arith.constant 0 : i32
      %dma_start3A_202 = tpu.memref_slice %arg5[%add3A_43, %dma_start3A_201] : memref<10240x128xf32, #tpu.memory_space<vmem_shared>> -> memref<64x128xf32, #tpu.memory_space<vmem_shared>>
      %dma_start3A_203 = arith.constant 0 : i32
      %dma_start3A_204 = arith.constant 0 : i32
      %dma_start3A_205 = tpu.memref_slice %arg9[%dma_start3A_203, %dma_start3A_204] : memref<96x128xf32, #tpu.memory_space<vmem>> -> memref<64x128xf32, #tpu.memory_space<vmem>>
      tpu.enqueue_dma source(%dma_start3A_205 : memref<64x128xf32, #tpu.memory_space<vmem>>) target(%dma_start3A_202 : memref<64x128xf32, #tpu.memory_space<vmem_shared>>) target_semaphore(%run_scoped3A : memref<!tpu.dma_semaphore, #tpu.memory_space<semaphore_mem>>)
      %dma_wait3A = arith.constant 0 : i32
      %dma_wait3A_206 = arith.constant 0 : i32
      %dma_wait3A_207 = tpu.memref_slice %arg9[%dma_wait3A, %dma_wait3A_206] : memref<96x128xf32, #tpu.memory_space<vmem>> -> memref<64x128xf32, #tpu.memory_space<vmem>>
      %dma_wait3A_208 = arith.constant 0 : i32
      %dma_wait3A_209 = tpu.memref_slice %arg5[%add3A_43, %dma_wait3A_208] : memref<10240x128xf32, #tpu.memory_space<vmem_shared>> -> memref<64x128xf32, #tpu.memory_space<vmem_shared>>
      %dma_wait3A_210 = arith.constant 0 : i32
      %dma_wait3A_211 = tpu.memref_slice %arg5[%add3A_43, %dma_wait3A_210] : memref<10240x128xf32, #tpu.memory_space<vmem_shared>> -> memref<64x128xf32, #tpu.memory_space<vmem_shared>>
      %dma_wait3A_212 = arith.constant 0 : i32
      %dma_wait3A_213 = arith.constant 0 : i32
      %dma_wait3A_214 = tpu.memref_slice %arg9[%dma_wait3A_212, %dma_wait3A_213] : memref<96x128xf32, #tpu.memory_space<vmem>> -> memref<64x128xf32, #tpu.memory_space<vmem>>
      tpu.wait_dma2 semaphore(%run_scoped3A : memref<!tpu.dma_semaphore, #tpu.memory_space<semaphore_mem>>) src(%dma_wait3A_214 : memref<64x128xf32, #tpu.memory_space<vmem>>) dst(%dma_wait3A_211 : memref<64x128xf32, #tpu.memory_space<vmem_shared>>)
      tpu.yield
    }) : () -> ()
    %barrier3A = arith.constant 0 : index
    tpu.barrier barrier_id(%barrier3A)
    %get3A = arith.constant 0 : i32
    %get3A_44 = arith.index_cast %get3A : i32 to index
    %get3A_45 = arith.constant 0 : index
    %get3A_46 = tpu.vector_load %arg6[%get3A_44, %get3A_45] {strides = array<i32>} : memref<106x96xi32, #tpu.memory_space<vmem>>, vector<1x16xi32>,
    %get3A_47 = vector.shape_cast %get3A_46 : vector<1x16xi32> to vector<16xi32>
    %and3A = arith.constant 65535 : i32
    %and3A_48 = vector.broadcast %and3A : i32 to vector<16xi32>
    %and3A_49 = arith.andi %get3A_47, %and3A_48 : vector<16xi32>
    %swap3A = arith.constant 0 : i32
    %swap3A_50 = arith.index_cast %swap3A : i32 to index
    %swap3A_51 = arith.constant 0 : index
    %swap3A_52 = tpu.vector_load %arg7[%swap3A_50, %swap3A_51] {strides = array<i32>} : memref<2x96xi32, #tpu.memory_space<vmem>>, vector<1x16xi32>,
    %swap3A_53 = vector.shape_cast %swap3A_52 : vector<1x16xi32> to vector<16xi32>
    %swap3A_54 = vector.shape_cast %and3A_49 : vector<16xi32> to vector<1x16xi32>
    tpu.vector_store %arg7[%swap3A_50, %swap3A_51], %swap3A_54 {strides = array<i32>} : memref<2x96xi32, #tpu.memory_space<vmem>>, vector<1x16xi32>,
    %shift_right_logical3A = arith.constant 16 : i32
    %shift_right_logical3A_55 = vector.broadcast %shift_right_logical3A : i32 to vector<16xi32>
    %shift_right_logical3A_56 = arith.shrui %get3A_47, %shift_right_logical3A_55 : vector<16xi32>
    %swap3A_57 = arith.constant 1 : i32
    %swap3A_58 = arith.index_cast %swap3A_57 : i32 to index
    %swap3A_59 = arith.constant 0 : index
    %swap3A_60 = tpu.vector_load %arg7[%swap3A_58, %swap3A_59] {strides = array<i32>} : memref<2x96xi32, #tpu.memory_space<vmem>>, vector<1x16xi32>,
    %swap3A_61 = vector.shape_cast %swap3A_60 : vector<1x16xi32> to vector<16xi32>
    %swap3A_62 = vector.shape_cast %shift_right_logical3A_56 : vector<16xi32> to vector<1x16xi32>
    tpu.vector_store %arg7[%swap3A_58, %swap3A_59], %swap3A_62 {strides = array<i32>} : memref<2x96xi32, #tpu.memory_space<vmem>>, vector<1x16xi32>,
    %get3A_63 = arith.constant 0 : i32
    %get3A_64 = arith.index_cast %get3A_63 : i32 to index
    %get3A_65 = arith.constant 16 : index
    %get3A_66 = tpu.vector_load %arg6[%get3A_64, %get3A_65] {strides = array<i32>} : memref<106x96xi32, #tpu.memory_space<vmem>>, vector<1x16xi32>,
    %get3A_67 = vector.shape_cast %get3A_66 : vector<1x16xi32> to vector<16xi32>
    %and3A_68 = arith.constant 65535 : i32
    %and3A_69 = vector.broadcast %and3A_68 : i32 to vector<16xi32>
    %and3A_70 = arith.andi %get3A_67, %and3A_69 : vector<16xi32>
    %swap3A_71 = arith.constant 0 : i32
    %swap3A_72 = arith.index_cast %swap3A_71 : i32 to index
    %swap3A_73 = arith.constant 16 : index
    %swap3A_74 = tpu.vector_load %arg7[%swap3A_72, %swap3A_73] {strides = array<i32>} : memref<2x96xi32, #tpu.memory_space<vmem>>, vector<1x16xi32>,
    %swap3A_75 = vector.shape_cast %swap3A_74 : vector<1x16xi32> to vector<16xi32>
    %swap3A_76 = vector.shape_cast %and3A_70 : vector<16xi32> to vector<1x16xi32>
    tpu.vector_store %arg7[%swap3A_72, %swap3A_73], %swap3A_76 {strides = array<i32>} : memref<2x96xi32, #tpu.memory_space<vmem>>, vector<1x16xi32>,
    %shift_right_logical3A_77 = arith.constant 16 : i32
    %shift_right_logical3A_78 = vector.broadcast %shift_right_logical3A_77 : i32 to vector<16xi32>
    %shift_right_logical3A_79 = arith.shrui %get3A_67, %shift_right_logical3A_78 : vector<16xi32>
    %swap3A_80 = arith.constant 1 : i32
    %swap3A_81 = arith.index_cast %swap3A_80 : i32 to index
    %swap3A_82 = arith.constant 16 : index
    %swap3A_83 = tpu.vector_load %arg7[%swap3A_81, %swap3A_82] {strides = array<i32>} : memref<2x96xi32, #tpu.memory_space<vmem>>, vector<1x16xi32>,
    %swap3A_84 = vector.shape_cast %swap3A_83 : vector<1x16xi32> to vector<16xi32>
    %swap3A_85 = vector.shape_cast %shift_right_logical3A_79 : vector<16xi32> to vector<1x16xi32>
    tpu.vector_store %arg7[%swap3A_81, %swap3A_82], %swap3A_85 {strides = array<i32>} : memref<2x96xi32, #tpu.memory_space<vmem>>, vector<1x16xi32>,
    %get3A_86 = arith.constant 0 : i32
    %get3A_87 = arith.index_cast %get3A_86 : i32 to index
    %get3A_88 = arith.constant 32 : index
    %get3A_89 = tpu.vector_load %arg6[%get3A_87, %get3A_88] {strides = array<i32>} : memref<106x96xi32, #tpu.memory_space<vmem>>, vector<1x16xi32>,
    %get3A_90 = vector.shape_cast %get3A_89 : vector<1x16xi32> to vector<16xi32>
    %and3A_91 = arith.constant 65535 : i32
    %and3A_92 = vector.broadcast %and3A_91 : i32 to vector<16xi32>
    %and3A_93 = arith.andi %get3A_90, %and3A_92 : vector<16xi32>
    %swap3A_94 = arith.constant 0 : i32
    %swap3A_95 = arith.index_cast %swap3A_94 : i32 to index
    %swap3A_96 = arith.constant 32 : index
    %swap3A_97 = tpu.vector_load %arg7[%swap3A_95, %swap3A_96] {strides = array<i32>} : memref<2x96xi32, #tpu.memory_space<vmem>>, vector<1x16xi32>,
    %swap3A_98 = vector.shape_cast %swap3A_97 : vector<1x16xi32> to vector<16xi32>
    %swap3A_99 = vector.shape_cast %and3A_93 : vector<16xi32> to vector<1x16xi32>
    tpu.vector_store %arg7[%swap3A_95, %swap3A_96], %swap3A_99 {strides = array<i32>} : memref<2x96xi32, #tpu.memory_space<vmem>>, vector<1x16xi32>,
    %shift_right_logical3A_100 = arith.constant 16 : i32
    %shift_right_logical3A_101 = vector.broadcast %shift_right_logical3A_100 : i32 to vector<16xi32>
    %shift_right_logical3A_102 = arith.shrui %get3A_90, %shift_right_logical3A_101 : vector<16xi32>
    %swap3A_103 = arith.constant 1 : i32
    %swap3A_104 = arith.index_cast %swap3A_103 : i32 to index
    %swap3A_105 = arith.constant 32 : index
    %swap3A_106 = tpu.vector_load %arg7[%swap3A_104, %swap3A_105] {strides = array<i32>} : memref<2x96xi32, #tpu.memory_space<vmem>>, vector<1x16xi32>,
    %swap3A_107 = vector.shape_cast %swap3A_106 : vector<1x16xi32> to vector<16xi32>
    %swap3A_108 = vector.shape_cast %shift_right_logical3A_102 : vector<16xi32> to vector<1x16xi32>
    tpu.vector_store %arg7[%swap3A_104, %swap3A_105], %swap3A_108 {strides = array<i32>} : memref<2x96xi32, #tpu.memory_space<vmem>>, vector<1x16xi32>,
    %get3A_109 = arith.constant 0 : i32
    %get3A_110 = arith.index_cast %get3A_109 : i32 to index
    %get3A_111 = arith.constant 48 : index
    %get3A_112 = tpu.vector_load %arg6[%get3A_110, %get3A_111] {strides = array<i32>} : memref<106x96xi32, #tpu.memory_space<vmem>>, vector<1x16xi32>,
    %get3A_113 = vector.shape_cast %get3A_112 : vector<1x16xi32> to vector<16xi32>
    %and3A_114 = arith.constant 65535 : i32
    %and3A_115 = vector.broadcast %and3A_114 : i32 to vector<16xi32>
    %and3A_116 = arith.andi %get3A_113, %and3A_115 : vector<16xi32>
    %swap3A_117 = arith.constant 0 : i32
    %swap3A_118 = arith.index_cast %swap3A_117 : i32 to index
    %swap3A_119 = arith.constant 48 : index
    %swap3A_120 = tpu.vector_load %arg7[%swap3A_118, %swap3A_119] {strides = array<i32>} : memref<2x96xi32, #tpu.memory_space<vmem>>, vector<1x16xi32>,
    %swap3A_121 = vector.shape_cast %swap3A_120 : vector<1x16xi32> to vector<16xi32>
    %swap3A_122 = vector.shape_cast %and3A_116 : vector<16xi32> to vector<1x16xi32>
    tpu.vector_store %arg7[%swap3A_118, %swap3A_119], %swap3A_122 {strides = array<i32>} : memref<2x96xi32, #tpu.memory_space<vmem>>, vector<1x16xi32>,
    %shift_right_logical3A_123 = arith.constant 16 : i32
    %shift_right_logical3A_124 = vector.broadcast %shift_right_logical3A_123 : i32 to vector<16xi32>
    %shift_right_logical3A_125 = arith.shrui %get3A_113, %shift_right_logical3A_124 : vector<16xi32>
    %swap3A_126 = arith.constant 1 : i32
    %swap3A_127 = arith.index_cast %swap3A_126 : i32 to index
    %swap3A_128 = arith.constant 48 : index
    %swap3A_129 = tpu.vector_load %arg7[%swap3A_127, %swap3A_128] {strides = array<i32>} : memref<2x96xi32, #tpu.memory_space<vmem>>, vector<1x16xi32>,
    %swap3A_130 = vector.shape_cast %swap3A_129 : vector<1x16xi32> to vector<16xi32>
    %swap3A_131 = vector.shape_cast %shift_right_logical3A_125 : vector<16xi32> to vector<1x16xi32>
    tpu.vector_store %arg7[%swap3A_127, %swap3A_128], %swap3A_131 {strides = array<i32>} : memref<2x96xi32, #tpu.memory_space<vmem>>, vector<1x16xi32>,
    %get3A_132 = arith.constant 0 : i32
    %get3A_133 = arith.index_cast %get3A_132 : i32 to index
    %get3A_134 = arith.constant 64 : index
    %get3A_135 = tpu.vector_load %arg6[%get3A_133, %get3A_134] {strides = array<i32>} : memref<106x96xi32, #tpu.memory_space<vmem>>, vector<1x16xi32>,
    %get3A_136 = vector.shape_cast %get3A_135 : vector<1x16xi32> to vector<16xi32>
    %and3A_137 = arith.constant 65535 : i32
    %and3A_138 = vector.broadcast %and3A_137 : i32 to vector<16xi32>
    %and3A_139 = arith.andi %get3A_136, %and3A_138 : vector<16xi32>
    %swap3A_140 = arith.constant 0 : i32
    %swap3A_141 = arith.index_cast %swap3A_140 : i32 to index
    %swap3A_142 = arith.constant 64 : index
    %swap3A_143 = tpu.vector_load %arg7[%swap3A_141, %swap3A_142] {strides = array<i32>} : memref<2x96xi32, #tpu.memory_space<vmem>>, vector<1x16xi32>,
    %swap3A_144 = vector.shape_cast %swap3A_143 : vector<1x16xi32> to vector<16xi32>
    %swap3A_145 = vector.shape_cast %and3A_139 : vector<16xi32> to vector<1x16xi32>
    tpu.vector_store %arg7[%swap3A_141, %swap3A_142], %swap3A_145 {strides = array<i32>} : memref<2x96xi32, #tpu.memory_space<vmem>>, vector<1x16xi32>,
    %shift_right_logical3A_146 = arith.constant 16 : i32
    %shift_right_logical3A_147 = vector.broadcast %shift_right_logical3A_146 : i32 to vector<16xi32>
    %shift_right_logical3A_148 = arith.shrui %get3A_136, %shift_right_logical3A_147 : vector<16xi32>
    %swap3A_149 = arith.constant 1 : i32
    %swap3A_150 = arith.index_cast %swap3A_149 : i32 to index
    %swap3A_151 = arith.constant 64 : index
    %swap3A_152 = tpu.vector_load %arg7[%swap3A_150, %swap3A_151] {strides = array<i32>} : memref<2x96xi32, #tpu.memory_space<vmem>>, vector<1x16xi32>,
    %swap3A_153 = vector.shape_cast %swap3A_152 : vector<1x16xi32> to vector<16xi32>
    %swap3A_154 = vector.shape_cast %shift_right_logical3A_148 : vector<16xi32> to vector<1x16xi32>
    tpu.vector_store %arg7[%swap3A_150, %swap3A_151], %swap3A_154 {strides = array<i32>} : memref<2x96xi32, #tpu.memory_space<vmem>>, vector<1x16xi32>,
    %get3A_155 = arith.constant 0 : i32
    %get3A_156 = arith.index_cast %get3A_155 : i32 to index
    %get3A_157 = arith.constant 80 : index
    %get3A_158 = tpu.vector_load %arg6[%get3A_156, %get3A_157] {strides = array<i32>} : memref<106x96xi32, #tpu.memory_space<vmem>>, vector<1x16xi32>,
    %get3A_159 = vector.shape_cast %get3A_158 : vector<1x16xi32> to vector<16xi32>
    %and3A_160 = arith.constant 65535 : i32
    %and3A_161 = vector.broadcast %and3A_160 : i32 to vector<16xi32>
    %and3A_162 = arith.andi %get3A_159, %and3A_161 : vector<16xi32>
    %swap3A_163 = arith.constant 0 : i32
    %swap3A_164 = arith.index_cast %swap3A_163 : i32 to index
    %swap3A_165 = arith.constant 80 : index
    %swap3A_166 = tpu.vector_load %arg7[%swap3A_164, %swap3A_165] {strides = array<i32>} : memref<2x96xi32, #tpu.memory_space<vmem>>, vector<1x16xi32>,
    %swap3A_167 = vector.shape_cast %swap3A_166 : vector<1x16xi32> to vector<16xi32>
    %swap3A_168 = vector.shape_cast %and3A_162 : vector<16xi32> to vector<1x16xi32>
    tpu.vector_store %arg7[%swap3A_164, %swap3A_165], %swap3A_168 {strides = array<i32>} : memref<2x96xi32, #tpu.memory_space<vmem>>, vector<1x16xi32>,
    %shift_right_logical3A_169 = arith.constant 16 : i32
    %shift_right_logical3A_170 = vector.broadcast %shift_right_logical3A_169 : i32 to vector<16xi32>
    %shift_right_logical3A_171 = arith.shrui %get3A_159, %shift_right_logical3A_170 : vector<16xi32>
    %swap3A_172 = arith.constant 1 : i32
    %swap3A_173 = arith.index_cast %swap3A_172 : i32 to index
    %swap3A_174 = arith.constant 80 : index
    %swap3A_175 = tpu.vector_load %arg7[%swap3A_173, %swap3A_174] {strides = array<i32>} : memref<2x96xi32, #tpu.memory_space<vmem>>, vector<1x16xi32>,
    %swap3A_176 = vector.shape_cast %swap3A_175 : vector<1x16xi32> to vector<16xi32>
    %swap3A_177 = vector.shape_cast %shift_right_logical3A_171 : vector<16xi32> to vector<1x16xi32>
    tpu.vector_store %arg7[%swap3A_173, %swap3A_174], %swap3A_177 {strides = array<i32>} : memref<2x96xi32, #tpu.memory_space<vmem>>, vector<1x16xi32>,
    %dma_start3A = arith.constant 0 : i32
    %dma_start3A_178 = arith.constant 0 : i32
    %dma_start3A_179 = tpu.memref_slice %arg7[%dma_start3A, %dma_start3A_178] : memref<2x96xi32, #tpu.memory_space<vmem>> -> memref<1x96xi32, #tpu.memory_space<vmem>>
    %dma_start3A_180 = tpu.memref_squeeze %dma_start3A_179 : memref<1x96xi32, #tpu.memory_space<vmem>> -> memref<96xi32, #tpu.memory_space<vmem>>
    %dma_start3A_181 = arith.constant 0 : i32
    %dma_start3A_182 = arith.constant 0 : i32
    %dma_start3A_183 = tpu.memref_slice %arg2[%dma_start3A_181, %dma_start3A_182] : memref<10240x128xf32, #tpu.memory_space<hbm>> -> memref<10240x128xf32, #tpu.memory_space<hbm>>
    tpu.enqueue_indirect_dma source(%dma_start3A_183 : memref<10240x128xf32, #tpu.memory_space<hbm>>) target(%arg9 : memref<96x128xf32, #tpu.memory_space<vmem>>) offsets(%dma_start3A_180 : memref<96xi32, #tpu.memory_space<vmem>>) semaphore(%arg11 : memref<!tpu.dma_semaphore, #tpu.memory_space<semaphore_mem>>)
    %scan3A_184 = arith.constant 0 : i32
    %scan3A_185 = arith.constant 0 : i32
    %scan3A_186 = arith.constant 53 : i32
    %scan3A_187 = arith.addi %scan3A_185, %scan3A_186 : i32
    %scan3A_188 = arith.constant 1 : i32
    %scan3A_189 = scf.for %scan3A_196 = %scan3A_185 to %scan3A_187 step %scan3A_188 iter_args(%scan3A_197 = %scan3A_184) -> (i32)  : i32 {
      %mul3A_198 = arith.constant 2 : i32
      %mul3A_199 = arith.muli %mul3A_198, %scan3A_196 : i32
      %add3A_200 = arith.constant 1 : i32
      %add3A_201 = arith.addi %mul3A_199, %add3A_200 : i32
      %get3A_202 = arith.index_cast %add3A_201 : i32 to index
      %get3A_203 = arith.constant 0 : index
      %get3A_204 = tpu.vector_load %arg6[%get3A_202, %get3A_203] {strides = array<i32>} : memref<106x96xi32, #tpu.memory_space<vmem>>, vector<1x16xi32>,
      %get3A_205 = vector.shape_cast %get3A_204 : vector<1x16xi32> to vector<16xi32>
      %and3A_206 = arith.constant 65535 : i32
      %and3A_207 = vector.broadcast %and3A_206 : i32 to vector<16xi32>
      %and3A_208 = arith.andi %get3A_205, %and3A_207 : vector<16xi32>
      %swap3A_209 = arith.constant 0 : i32
      %swap3A_210 = arith.index_cast %swap3A_209 : i32 to index
      %swap3A_211 = arith.constant 0 : index
      %swap3A_212 = tpu.vector_load %arg8[%swap3A_210, %swap3A_211] {strides = array<i32>} : memref<2x96xi32, #tpu.memory_space<vmem>>, vector<1x16xi32>,
      %swap3A_213 = vector.shape_cast %swap3A_212 : vector<1x16xi32> to vector<16xi32>
      %swap3A_214 = vector.shape_cast %and3A_208 : vector<16xi32> to vector<1x16xi32>
      tpu.vector_store %arg8[%swap3A_210, %swap3A_211], %swap3A_214 {strides = array<i32>} : memref<2x96xi32, #tpu.memory_space<vmem>>, vector<1x16xi32>,
      %shift_right_logical3A_215 = arith.constant 16 : i32
      %shift_right_logical3A_216 = vector.broadcast %shift_right_logical3A_215 : i32 to vector<16xi32>
      %shift_right_logical3A_217 = arith.shrui %get3A_205, %shift_right_logical3A_216 : vector<16xi32>
      %swap3A_218 = arith.constant 1 : i32
      %swap3A_219 = arith.index_cast %swap3A_218 : i32 to index
      %swap3A_220 = arith.constant 0 : index
      %swap3A_221 = tpu.vector_load %arg8[%swap3A_219, %swap3A_220] {strides = array<i32>} : memref<2x96xi32, #tpu.memory_space<vmem>>, vector<1x16xi32>,
      %swap3A_222 = vector.shape_cast %swap3A_221 : vector<1x16xi32> to vector<16xi32>
      %swap3A_223 = vector.shape_cast %shift_right_logical3A_217 : vector<16xi32> to vector<1x16xi32>
      tpu.vector_store %arg8[%swap3A_219, %swap3A_220], %swap3A_223 {strides = array<i32>} : memref<2x96xi32, #tpu.memory_space<vmem>>, vector<1x16xi32>,
      %get3A_224 = arith.index_cast %add3A_201 : i32 to index
      %get3A_225 = arith.constant 16 : index
      %get3A_226 = tpu.vector_load %arg6[%get3A_224, %get3A_225] {strides = array<i32>} : memref<106x96xi32, #tpu.memory_space<vmem>>, vector<1x16xi32>,
      %get3A_227 = vector.shape_cast %get3A_226 : vector<1x16xi32> to vector<16xi32>
      %and3A_228 = arith.constant 65535 : i32
      %and3A_229 = vector.broadcast %and3A_228 : i32 to vector<16xi32>
      %and3A_230 = arith.andi %get3A_227, %and3A_229 : vector<16xi32>
      %swap3A_231 = arith.constant 0 : i32
      %swap3A_232 = arith.index_cast %swap3A_231 : i32 to index
      %swap3A_233 = arith.constant 16 : index
      %swap3A_234 = tpu.vector_load %arg8[%swap3A_232, %swap3A_233] {strides = array<i32>} : memref<2x96xi32, #tpu.memory_space<vmem>>, vector<1x16xi32>,
      %swap3A_235 = vector.shape_cast %swap3A_234 : vector<1x16xi32> to vector<16xi32>
      %swap3A_236 = vector.shape_cast %and3A_230 : vector<16xi32> to vector<1x16xi32>
      tpu.vector_store %arg8[%swap3A_232, %swap3A_233], %swap3A_236 {strides = array<i32>} : memref<2x96xi32, #tpu.memory_space<vmem>>, vector<1x16xi32>,
      %shift_right_logical3A_237 = arith.constant 16 : i32
      %shift_right_logical3A_238 = vector.broadcast %shift_right_logical3A_237 : i32 to vector<16xi32>
      %shift_right_logical3A_239 = arith.shrui %get3A_227, %shift_right_logical3A_238 : vector<16xi32>
      %swap3A_240 = arith.constant 1 : i32
      %swap3A_241 = arith.index_cast %swap3A_240 : i32 to index
      %swap3A_242 = arith.constant 16 : index
      %swap3A_243 = tpu.vector_load %arg8[%swap3A_241, %swap3A_242] {strides = array<i32>} : memref<2x96xi32, #tpu.memory_space<vmem>>, vector<1x16xi32>,
      %swap3A_244 = vector.shape_cast %swap3A_243 : vector<1x16xi32> to vector<16xi32>
      %swap3A_245 = vector.shape_cast %shift_right_logical3A_239 : vector<16xi32> to vector<1x16xi32>
      tpu.vector_store %arg8[%swap3A_241, %swap3A_242], %swap3A_245 {strides = array<i32>} : memref<2x96xi32, #tpu.memory_space<vmem>>, vector<1x16xi32>,
      %get3A_246 = arith.index_cast %add3A_201 : i32 to index
      %get3A_247 = arith.constant 32 : index
      %get3A_248 = tpu.vector_load %arg6[%get3A_246, %get3A_247] {strides = array<i32>} : memref<106x96xi32, #tpu.memory_space<vmem>>, vector<1x16xi32>,
      %get3A_249 = vector.shape_cast %get3A_248 : vector<1x16xi32> to vector<16xi32>
      %and3A_250 = arith.constant 65535 : i32
      %and3A_251 = vector.broadcast %and3A_250 : i32 to vector<16xi32>
      %and3A_252 = arith.andi %get3A_249, %and3A_251 : vector<16xi32>
      %swap3A_253 = arith.constant 0 : i32
      %swap3A_254 = arith.index_cast %swap3A_253 : i32 to index
      %swap3A_255 = arith.constant 32 : index
      %swap3A_256 = tpu.vector_load %arg8[%swap3A_254, %swap3A_255] {strides = array<i32>} : memref<2x96xi32, #tpu.memory_space<vmem>>, vector<1x16xi32>,
      %swap3A_257 = vector.shape_cast %swap3A_256 : vector<1x16xi32> to vector<16xi32>
      %swap3A_258 = vector.shape_cast %and3A_252 : vector<16xi32> to vector<1x16xi32>
      tpu.vector_store %arg8[%swap3A_254, %swap3A_255], %swap3A_258 {strides = array<i32>} : memref<2x96xi32, #tpu.memory_space<vmem>>, vector<1x16xi32>,
      %shift_right_logical3A_259 = arith.constant 16 : i32
      %shift_right_logical3A_260 = vector.broadcast %shift_right_logical3A_259 : i32 to vector<16xi32>
      %shift_right_logical3A_261 = arith.shrui %get3A_249, %shift_right_logical3A_260 : vector<16xi32>
      %swap3A_262 = arith.constant 1 : i32
      %swap3A_263 = arith.index_cast %swap3A_262 : i32 to index
      %swap3A_264 = arith.constant 32 : index
      %swap3A_265 = tpu.vector_load %arg8[%swap3A_263, %swap3A_264] {strides = array<i32>} : memref<2x96xi32, #tpu.memory_space<vmem>>, vector<1x16xi32>,
      %swap3A_266 = vector.shape_cast %swap3A_265 : vector<1x16xi32> to vector<16xi32>
      %swap3A_267 = vector.shape_cast %shift_right_logical3A_261 : vector<16xi32> to vector<1x16xi32>
      tpu.vector_store %arg8[%swap3A_263, %swap3A_264], %swap3A_267 {strides = array<i32>} : memref<2x96xi32, #tpu.memory_space<vmem>>, vector<1x16xi32>,
      %get3A_268 = arith.index_cast %add3A_201 : i32 to index
      %get3A_269 = arith.constant 48 : index
      %get3A_270 = tpu.vector_load %arg6[%get3A_268, %get3A_269] {strides = array<i32>} : memref<106x96xi32, #tpu.memory_space<vmem>>, vector<1x16xi32>,
      %get3A_271 = vector.shape_cast %get3A_270 : vector<1x16xi32> to vector<16xi32>
      %and3A_272 = arith.constant 65535 : i32
      %and3A_273 = vector.broadcast %and3A_272 : i32 to vector<16xi32>
      %and3A_274 = arith.andi %get3A_271, %and3A_273 : vector<16xi32>
      %swap3A_275 = arith.constant 0 : i32
      %swap3A_276 = arith.index_cast %swap3A_275 : i32 to index
      %swap3A_277 = arith.constant 48 : index
      %swap3A_278 = tpu.vector_load %arg8[%swap3A_276, %swap3A_277] {strides = array<i32>} : memref<2x96xi32, #tpu.memory_space<vmem>>, vector<1x16xi32>,
      %swap3A_279 = vector.shape_cast %swap3A_278 : vector<1x16xi32> to vector<16xi32>
      %swap3A_280 = vector.shape_cast %and3A_274 : vector<16xi32> to vector<1x16xi32>
      tpu.vector_store %arg8[%swap3A_276, %swap3A_277], %swap3A_280 {strides = array<i32>} : memref<2x96xi32, #tpu.memory_space<vmem>>, vector<1x16xi32>,
      %shift_right_logical3A_281 = arith.constant 16 : i32
      %shift_right_logical3A_282 = vector.broadcast %shift_right_logical3A_281 : i32 to vector<16xi32>
      %shift_right_logical3A_283 = arith.shrui %get3A_271, %shift_right_logical3A_282 : vector<16xi32>
      %swap3A_284 = arith.constant 1 : i32
      %swap3A_285 = arith.index_cast %swap3A_284 : i32 to index
      %swap3A_286 = arith.constant 48 : index
      %swap3A_287 = tpu.vector_load %arg8[%swap3A_285, %swap3A_286] {strides = array<i32>} : memref<2x96xi32, #tpu.memory_space<vmem>>, vector<1x16xi32>,
      %swap3A_288 = vector.shape_cast %swap3A_287 : vector<1x16xi32> to vector<16xi32>
      %swap3A_289 = vector.shape_cast %shift_right_logical3A_283 : vector<16xi32> to vector<1x16xi32>
      tpu.vector_store %arg8[%swap3A_285, %swap3A_286], %swap3A_289 {strides = array<i32>} : memref<2x96xi32, #tpu.memory_space<vmem>>, vector<1x16xi32>,
      %get3A_290 = arith.index_cast %add3A_201 : i32 to index
      %get3A_291 = arith.constant 64 : index
      %get3A_292 = tpu.vector_load %arg6[%get3A_290, %get3A_291] {strides = array<i32>} : memref<106x96xi32, #tpu.memory_space<vmem>>, vector<1x16xi32>,
      %get3A_293 = vector.shape_cast %get3A_292 : vector<1x16xi32> to vector<16xi32>
      %and3A_294 = arith.constant 65535 : i32
      %and3A_295 = vector.broadcast %and3A_294 : i32 to vector<16xi32>
      %and3A_296 = arith.andi %get3A_293, %and3A_295 : vector<16xi32>
      %swap3A_297 = arith.constant 0 : i32
      %swap3A_298 = arith.index_cast %swap3A_297 : i32 to index
      %swap3A_299 = arith.constant 64 : index
      %swap3A_300 = tpu.vector_load %arg8[%swap3A_298, %swap3A_299] {strides = array<i32>} : memref<2x96xi32, #tpu.memory_space<vmem>>, vector<1x16xi32>,
      %swap3A_301 = vector.shape_cast %swap3A_300 : vector<1x16xi32> to vector<16xi32>
      %swap3A_302 = vector.shape_cast %and3A_296 : vector<16xi32> to vector<1x16xi32>
      tpu.vector_store %arg8[%swap3A_298, %swap3A_299], %swap3A_302 {strides = array<i32>} : memref<2x96xi32, #tpu.memory_space<vmem>>, vector<1x16xi32>,
      %shift_right_logical3A_303 = arith.constant 16 : i32
      %shift_right_logical3A_304 = vector.broadcast %shift_right_logical3A_303 : i32 to vector<16xi32>
      %shift_right_logical3A_305 = arith.shrui %get3A_293, %shift_right_logical3A_304 : vector<16xi32>
      %swap3A_306 = arith.constant 1 : i32
      %swap3A_307 = arith.index_cast %swap3A_306 : i32 to index
      %swap3A_308 = arith.constant 64 : index
      %swap3A_309 = tpu.vector_load %arg8[%swap3A_307, %swap3A_308] {strides = array<i32>} : memref<2x96xi32, #tpu.memory_space<vmem>>, vector<1x16xi32>,
      %swap3A_310 = vector.shape_cast %swap3A_309 : vector<1x16xi32> to vector<16xi32>
      %swap3A_311 = vector.shape_cast %shift_right_logical3A_305 : vector<16xi32> to vector<1x16xi32>
      tpu.vector_store %arg8[%swap3A_307, %swap3A_308], %swap3A_311 {strides = array<i32>} : memref<2x96xi32, #tpu.memory_space<vmem>>, vector<1x16xi32>,
      %get3A_312 = arith.index_cast %add3A_201 : i32 to index
      %get3A_313 = arith.constant 80 : index
      %get3A_314 = tpu.vector_load %arg6[%get3A_312, %get3A_313] {strides = array<i32>} : memref<106x96xi32, #tpu.memory_space<vmem>>, vector<1x16xi32>,
      %get3A_315 = vector.shape_cast %get3A_314 : vector<1x16xi32> to vector<16xi32>
      %and3A_316 = arith.constant 65535 : i32
      %and3A_317 = vector.broadcast %and3A_316 : i32 to vector<16xi32>
      %and3A_318 = arith.andi %get3A_315, %and3A_317 : vector<16xi32>
      %swap3A_319 = arith.constant 0 : i32
      %swap3A_320 = arith.index_cast %swap3A_319 : i32 to index
      %swap3A_321 = arith.constant 80 : index
      %swap3A_322 = tpu.vector_load %arg8[%swap3A_320, %swap3A_321] {strides = array<i32>} : memref<2x96xi32, #tpu.memory_space<vmem>>, vector<1x16xi32>,
      %swap3A_323 = vector.shape_cast %swap3A_322 : vector<1x16xi32> to vector<16xi32>
      %swap3A_324 = vector.shape_cast %and3A_318 : vector<16xi32> to vector<1x16xi32>
      tpu.vector_store %arg8[%swap3A_320, %swap3A_321], %swap3A_324 {strides = array<i32>} : memref<2x96xi32, #tpu.memory_space<vmem>>, vector<1x16xi32>,
      %shift_right_logical3A_325 = arith.constant 16 : i32
      %shift_right_logical3A_326 = vector.broadcast %shift_right_logical3A_325 : i32 to vector<16xi32>
      %shift_right_logical3A_327 = arith.shrui %get3A_315, %shift_right_logical3A_326 : vector<16xi32>
      %swap3A_328 = arith.constant 1 : i32
      %swap3A_329 = arith.index_cast %swap3A_328 : i32 to index
      %swap3A_330 = arith.constant 80 : index
      %swap3A_331 = tpu.vector_load %arg8[%swap3A_329, %swap3A_330] {strides = array<i32>} : memref<2x96xi32, #tpu.memory_space<vmem>>, vector<1x16xi32>,
      %swap3A_332 = vector.shape_cast %swap3A_331 : vector<1x16xi32> to vector<16xi32>
      %swap3A_333 = vector.shape_cast %shift_right_logical3A_327 : vector<16xi32> to vector<1x16xi32>
      tpu.vector_store %arg8[%swap3A_329, %swap3A_330], %swap3A_333 {strides = array<i32>} : memref<2x96xi32, #tpu.memory_space<vmem>>, vector<1x16xi32>,
      %dma_start3A_334 = arith.constant 0 : i32
      %dma_start3A_335 = arith.constant 0 : i32
      %dma_start3A_336 = tpu.memref_slice %arg8[%dma_start3A_334, %dma_start3A_335] : memref<2x96xi32, #tpu.memory_space<vmem>> -> memref<1x96xi32, #tpu.memory_space<vmem>>
      %dma_start3A_337 = tpu.memref_squeeze %dma_start3A_336 : memref<1x96xi32, #tpu.memory_space<vmem>> -> memref<96xi32, #tpu.memory_space<vmem>>
      %dma_start3A_338 = arith.constant 0 : i32
      %dma_start3A_339 = arith.constant 0 : i32
      %dma_start3A_340 = tpu.memref_slice %arg2[%dma_start3A_338, %dma_start3A_339] : memref<10240x128xf32, #tpu.memory_space<hbm>> -> memref<10240x128xf32, #tpu.memory_space<hbm>>
      tpu.enqueue_indirect_dma source(%dma_start3A_340 : memref<10240x128xf32, #tpu.memory_space<hbm>>) target(%arg10 : memref<96x128xf32, #tpu.memory_space<vmem>>) offsets(%dma_start3A_337 : memref<96xi32, #tpu.memory_space<vmem>>) semaphore(%arg12 : memref<!tpu.dma_semaphore, #tpu.memory_space<semaphore_mem>>)
      %dma_wait3A = arith.constant 0 : i32
      %dma_wait3A_341 = arith.constant 0 : i32
      %dma_wait3A_342 = tpu.memref_slice %arg2[%dma_wait3A, %dma_wait3A_341] : memref<10240x128xf32, #tpu.memory_space<hbm>> -> memref<96x128xf32, #tpu.memory_space<hbm>>
      %dma_wait3A_343 = arith.constant 0 : i32
      %dma_wait3A_344 = arith.constant 0 : i32
      %dma_wait3A_345 = tpu.memref_slice %arg2[%dma_wait3A_343, %dma_wait3A_344] : memref<10240x128xf32, #tpu.memory_space<hbm>> -> memref<96x128xf32, #tpu.memory_space<hbm>>
      tpu.wait_dma2 semaphore(%arg11 : memref<!tpu.dma_semaphore, #tpu.memory_space<semaphore_mem>>) src(%dma_wait3A_345 : memref<96x128xf32, #tpu.memory_space<hbm>>) dst(%arg9 : memref<96x128xf32, #tpu.memory_space<vmem>>)
      %run_scoped3A = arith.constant 1 : i32
      "tpu.region"() ({
        %run_scoped3A_356 = tpu.sem_alloc : memref<!tpu.dma_semaphore, #tpu.memory_space<semaphore_mem>>
        %dma_start3A_357 = arith.constant 0 : i32
        %dma_start3A_358 = tpu.memref_slice %arg7[%run_scoped3A, %dma_start3A_357] : memref<2x96xi32, #tpu.memory_space<vmem>> -> memref<1x96xi32, #tpu.memory_space<vmem>>
        %dma_start3A_359 = tpu.memref_squeeze %dma_start3A_358 : memref<1x96xi32, #tpu.memory_space<vmem>> -> memref<96xi32, #tpu.memory_space<vmem>>
        %dma_start3A_360 = arith.constant 0 : i32
        %dma_start3A_361 = arith.constant 0 : i32
        %dma_start3A_362 = tpu.memref_slice %arg5[%dma_start3A_360, %dma_start3A_361] : memref<10240x128xf32, #tpu.memory_space<vmem_shared>> -> memref<10240x128xf32, #tpu.memory_space<vmem_shared>>
        tpu.enqueue_indirect_dma source(%arg9 : memref<96x128xf32, #tpu.memory_space<vmem>>) target(%dma_start3A_362 : memref<10240x128xf32, #tpu.memory_space<vmem_shared>>) offsets(%dma_start3A_359 : memref<96xi32, #tpu.memory_space<vmem>>) semaphore(%run_scoped3A_356 : memref<!tpu.dma_semaphore, #tpu.memory_space<semaphore_mem>>) {add = true}
        %dma_wait3A_363 = arith.constant 0 : i32
        %dma_wait3A_364 = tpu.memref_slice %arg7[%run_scoped3A, %dma_wait3A_363] : memref<2x96xi32, #tpu.memory_space<vmem>> -> memref<1x96xi32, #tpu.memory_space<vmem>>
        %dma_wait3A_365 = tpu.memref_squeeze %dma_wait3A_364 : memref<1x96xi32, #tpu.memory_space<vmem>> -> memref<96xi32, #tpu.memory_space<vmem>>
        %dma_wait3A_366 = arith.constant 0 : i32
        %dma_wait3A_367 = arith.constant 0 : i32
        %dma_wait3A_368 = tpu.memref_slice %arg5[%dma_wait3A_366, %dma_wait3A_367] : memref<10240x128xf32, #tpu.memory_space<vmem_shared>> -> memref<10240x128xf32, #tpu.memory_space<vmem_shared>>
        tpu.wait_indirect_dma semaphore(%run_scoped3A_356 : memref<!tpu.dma_semaphore, #tpu.memory_space<semaphore_mem>>) src(%arg9 : memref<96x128xf32, #tpu.memory_space<vmem>>) dst(%dma_wait3A_368 : memref<10240x128xf32, #tpu.memory_space<vmem_shared>>)
        tpu.yield
      }) : () -> ()
      %lt3A = arith.constant 52 : i32
      %lt3A_346 = arith.cmpi slt, %scan3A_196, %lt3A : i32
      %convert_element_type3A = arith.extui %lt3A_346 : i1 to i32
      %cond3A = arith.constant 0 : i32
      %cond3A_347 = arith.cmpi ne, %convert_element_type3A, %cond3A : i32
      scf.if %cond3A_347 {
        %add3A_356 = arith.constant 2 : i32
        %add3A_357 = arith.addi %mul3A_199, %add3A_356 : i32
        %get3A_358 = arith.index_cast %add3A_357 : i32 to index
        %get3A_359 = arith.constant 0 : index
        %get3A_360 = tpu.vector_load %arg6[%get3A_358, %get3A_359] {strides = array<i32>} : memref<106x96xi32, #tpu.memory_space<vmem>>, vector<1x16xi32>,
        %get3A_361 = vector.shape_cast %get3A_360 : vector<1x16xi32> to vector<16xi32>
        %and3A_362 = arith.constant 65535 : i32
        %and3A_363 = vector.broadcast %and3A_362 : i32 to vector<16xi32>
        %and3A_364 = arith.andi %get3A_361, %and3A_363 : vector<16xi32>
        %swap3A_365 = arith.constant 0 : i32
        %swap3A_366 = arith.index_cast %swap3A_365 : i32 to index
        %swap3A_367 = arith.constant 0 : index
        %swap3A_368 = tpu.vector_load %arg7[%swap3A_366, %swap3A_367] {strides = array<i32>} : memref<2x96xi32, #tpu.memory_space<vmem>>, vector<1x16xi32>,
        %swap3A_369 = vector.shape_cast %swap3A_368 : vector<1x16xi32> to vector<16xi32>
        %swap3A_370 = vector.shape_cast %and3A_364 : vector<16xi32> to vector<1x16xi32>
        tpu.vector_store %arg7[%swap3A_366, %swap3A_367], %swap3A_370 {strides = array<i32>} : memref<2x96xi32, #tpu.memory_space<vmem>>, vector<1x16xi32>,
        %shift_right_logical3A_371 = arith.constant 16 : i32
        %shift_right_logical3A_372 = vector.broadcast %shift_right_logical3A_371 : i32 to vector<16xi32>
        %shift_right_logical3A_373 = arith.shrui %get3A_361, %shift_right_logical3A_372 : vector<16xi32>
        %swap3A_374 = arith.constant 1 : i32
        %swap3A_375 = arith.index_cast %swap3A_374 : i32 to index
        %swap3A_376 = arith.constant 0 : index
        %swap3A_377 = tpu.vector_load %arg7[%swap3A_375, %swap3A_376] {strides = array<i32>} : memref<2x96xi32, #tpu.memory_space<vmem>>, vector<1x16xi32>,
        %swap3A_378 = vector.shape_cast %swap3A_377 : vector<1x16xi32> to vector<16xi32>
        %swap3A_379 = vector.shape_cast %shift_right_logical3A_373 : vector<16xi32> to vector<1x16xi32>
        tpu.vector_store %arg7[%swap3A_375, %swap3A_376], %swap3A_379 {strides = array<i32>} : memref<2x96xi32, #tpu.memory_space<vmem>>, vector<1x16xi32>,
        %get3A_380 = arith.index_cast %add3A_357 : i32 to index
        %get3A_381 = arith.constant 16 : index
        %get3A_382 = tpu.vector_load %arg6[%get3A_380, %get3A_381] {strides = array<i32>} : memref<106x96xi32, #tpu.memory_space<vmem>>, vector<1x16xi32>,
        %get3A_383 = vector.shape_cast %get3A_382 : vector<1x16xi32> to vector<16xi32>
        %and3A_384 = arith.constant 65535 : i32
        %and3A_385 = vector.broadcast %and3A_384 : i32 to vector<16xi32>
        %and3A_386 = arith.andi %get3A_383, %and3A_385 : vector<16xi32>
        %swap3A_387 = arith.constant 0 : i32
        %swap3A_388 = arith.index_cast %swap3A_387 : i32 to index
        %swap3A_389 = arith.constant 16 : index
        %swap3A_390 = tpu.vector_load %arg7[%swap3A_388, %swap3A_389] {strides = array<i32>} : memref<2x96xi32, #tpu.memory_space<vmem>>, vector<1x16xi32>,
        %swap3A_391 = vector.shape_cast %swap3A_390 : vector<1x16xi32> to vector<16xi32>
        %swap3A_392 = vector.shape_cast %and3A_386 : vector<16xi32> to vector<1x16xi32>
        tpu.vector_store %arg7[%swap3A_388, %swap3A_389], %swap3A_392 {strides = array<i32>} : memref<2x96xi32, #tpu.memory_space<vmem>>, vector<1x16xi32>,
        %shift_right_logical3A_393 = arith.constant 16 : i32
        %shift_right_logical3A_394 = vector.broadcast %shift_right_logical3A_393 : i32 to vector<16xi32>
        %shift_right_logical3A_395 = arith.shrui %get3A_383, %shift_right_logical3A_394 : vector<16xi32>
        %swap3A_396 = arith.constant 1 : i32
        %swap3A_397 = arith.index_cast %swap3A_396 : i32 to index
        %swap3A_398 = arith.constant 16 : index
        %swap3A_399 = tpu.vector_load %arg7[%swap3A_397, %swap3A_398] {strides = array<i32>} : memref<2x96xi32, #tpu.memory_space<vmem>>, vector<1x16xi32>,
        %swap3A_400 = vector.shape_cast %swap3A_399 : vector<1x16xi32> to vector<16xi32>
        %swap3A_401 = vector.shape_cast %shift_right_logical3A_395 : vector<16xi32> to vector<1x16xi32>
        tpu.vector_store %arg7[%swap3A_397, %swap3A_398], %swap3A_401 {strides = array<i32>} : memref<2x96xi32, #tpu.memory_space<vmem>>, vector<1x16xi32>,
        %get3A_402 = arith.index_cast %add3A_357 : i32 to index
        %get3A_403 = arith.constant 32 : index
        %get3A_404 = tpu.vector_load %arg6[%get3A_402, %get3A_403] {strides = array<i32>} : memref<106x96xi32, #tpu.memory_space<vmem>>, vector<1x16xi32>,
        %get3A_405 = vector.shape_cast %get3A_404 : vector<1x16xi32> to vector<16xi32>
        %and3A_406 = arith.constant 65535 : i32
        %and3A_407 = vector.broadcast %and3A_406 : i32 to vector<16xi32>
        %and3A_408 = arith.andi %get3A_405, %and3A_407 : vector<16xi32>
        %swap3A_409 = arith.constant 0 : i32
        %swap3A_410 = arith.index_cast %swap3A_409 : i32 to index
        %swap3A_411 = arith.constant 32 : index
        %swap3A_412 = tpu.vector_load %arg7[%swap3A_410, %swap3A_411] {strides = array<i32>} : memref<2x96xi32, #tpu.memory_space<vmem>>, vector<1x16xi32>,
        %swap3A_413 = vector.shape_cast %swap3A_412 : vector<1x16xi32> to vector<16xi32>
        %swap3A_414 = vector.shape_cast %and3A_408 : vector<16xi32> to vector<1x16xi32>
        tpu.vector_store %arg7[%swap3A_410, %swap3A_411], %swap3A_414 {strides = array<i32>} : memref<2x96xi32, #tpu.memory_space<vmem>>, vector<1x16xi32>,
        %shift_right_logical3A_415 = arith.constant 16 : i32
        %shift_right_logical3A_416 = vector.broadcast %shift_right_logical3A_415 : i32 to vector<16xi32>
        %shift_right_logical3A_417 = arith.shrui %get3A_405, %shift_right_logical3A_416 : vector<16xi32>
        %swap3A_418 = arith.constant 1 : i32
        %swap3A_419 = arith.index_cast %swap3A_418 : i32 to index
        %swap3A_420 = arith.constant 32 : index
        %swap3A_421 = tpu.vector_load %arg7[%swap3A_419, %swap3A_420] {strides = array<i32>} : memref<2x96xi32, #tpu.memory_space<vmem>>, vector<1x16xi32>,
        %swap3A_422 = vector.shape_cast %swap3A_421 : vector<1x16xi32> to vector<16xi32>
        %swap3A_423 = vector.shape_cast %shift_right_logical3A_417 : vector<16xi32> to vector<1x16xi32>
        tpu.vector_store %arg7[%swap3A_419, %swap3A_420], %swap3A_423 {strides = array<i32>} : memref<2x96xi32, #tpu.memory_space<vmem>>, vector<1x16xi32>,
        %get3A_424 = arith.index_cast %add3A_357 : i32 to index
        %get3A_425 = arith.constant 48 : index
        %get3A_426 = tpu.vector_load %arg6[%get3A_424, %get3A_425] {strides = array<i32>} : memref<106x96xi32, #tpu.memory_space<vmem>>, vector<1x16xi32>,
        %get3A_427 = vector.shape_cast %get3A_426 : vector<1x16xi32> to vector<16xi32>
        %and3A_428 = arith.constant 65535 : i32
        %and3A_429 = vector.broadcast %and3A_428 : i32 to vector<16xi32>
        %and3A_430 = arith.andi %get3A_427, %and3A_429 : vector<16xi32>
        %swap3A_431 = arith.constant 0 : i32
        %swap3A_432 = arith.index_cast %swap3A_431 : i32 to index
        %swap3A_433 = arith.constant 48 : index
        %swap3A_434 = tpu.vector_load %arg7[%swap3A_432, %swap3A_433] {strides = array<i32>} : memref<2x96xi32, #tpu.memory_space<vmem>>, vector<1x16xi32>,
        %swap3A_435 = vector.shape_cast %swap3A_434 : vector<1x16xi32> to vector<16xi32>
        %swap3A_436 = vector.shape_cast %and3A_430 : vector<16xi32> to vector<1x16xi32>
        tpu.vector_store %arg7[%swap3A_432, %swap3A_433], %swap3A_436 {strides = array<i32>} : memref<2x96xi32, #tpu.memory_space<vmem>>, vector<1x16xi32>,
        %shift_right_logical3A_437 = arith.constant 16 : i32
        %shift_right_logical3A_438 = vector.broadcast %shift_right_logical3A_437 : i32 to vector<16xi32>
        %shift_right_logical3A_439 = arith.shrui %get3A_427, %shift_right_logical3A_438 : vector<16xi32>
        %swap3A_440 = arith.constant 1 : i32
        %swap3A_441 = arith.index_cast %swap3A_440 : i32 to index
        %swap3A_442 = arith.constant 48 : index
        %swap3A_443 = tpu.vector_load %arg7[%swap3A_441, %swap3A_442] {strides = array<i32>} : memref<2x96xi32, #tpu.memory_space<vmem>>, vector<1x16xi32>,
        %swap3A_444 = vector.shape_cast %swap3A_443 : vector<1x16xi32> to vector<16xi32>
        %swap3A_445 = vector.shape_cast %shift_right_logical3A_439 : vector<16xi32> to vector<1x16xi32>
        tpu.vector_store %arg7[%swap3A_441, %swap3A_442], %swap3A_445 {strides = array<i32>} : memref<2x96xi32, #tpu.memory_space<vmem>>, vector<1x16xi32>,
        %get3A_446 = arith.index_cast %add3A_357 : i32 to index
        %get3A_447 = arith.constant 64 : index
        %get3A_448 = tpu.vector_load %arg6[%get3A_446, %get3A_447] {strides = array<i32>} : memref<106x96xi32, #tpu.memory_space<vmem>>, vector<1x16xi32>,
        %get3A_449 = vector.shape_cast %get3A_448 : vector<1x16xi32> to vector<16xi32>
        %and3A_450 = arith.constant 65535 : i32
        %and3A_451 = vector.broadcast %and3A_450 : i32 to vector<16xi32>
        %and3A_452 = arith.andi %get3A_449, %and3A_451 : vector<16xi32>
        %swap3A_453 = arith.constant 0 : i32
        %swap3A_454 = arith.index_cast %swap3A_453 : i32 to index
        %swap3A_455 = arith.constant 64 : index
        %swap3A_456 = tpu.vector_load %arg7[%swap3A_454, %swap3A_455] {strides = array<i32>} : memref<2x96xi32, #tpu.memory_space<vmem>>, vector<1x16xi32>,
        %swap3A_457 = vector.shape_cast %swap3A_456 : vector<1x16xi32> to vector<16xi32>
        %swap3A_458 = vector.shape_cast %and3A_452 : vector<16xi32> to vector<1x16xi32>
        tpu.vector_store %arg7[%swap3A_454, %swap3A_455], %swap3A_458 {strides = array<i32>} : memref<2x96xi32, #tpu.memory_space<vmem>>, vector<1x16xi32>,
        %shift_right_logical3A_459 = arith.constant 16 : i32
        %shift_right_logical3A_460 = vector.broadcast %shift_right_logical3A_459 : i32 to vector<16xi32>
        %shift_right_logical3A_461 = arith.shrui %get3A_449, %shift_right_logical3A_460 : vector<16xi32>
        %swap3A_462 = arith.constant 1 : i32
        %swap3A_463 = arith.index_cast %swap3A_462 : i32 to index
        %swap3A_464 = arith.constant 64 : index
        %swap3A_465 = tpu.vector_load %arg7[%swap3A_463, %swap3A_464] {strides = array<i32>} : memref<2x96xi32, #tpu.memory_space<vmem>>, vector<1x16xi32>,
        %swap3A_466 = vector.shape_cast %swap3A_465 : vector<1x16xi32> to vector<16xi32>
        %swap3A_467 = vector.shape_cast %shift_right_logical3A_461 : vector<16xi32> to vector<1x16xi32>
        tpu.vector_store %arg7[%swap3A_463, %swap3A_464], %swap3A_467 {strides = array<i32>} : memref<2x96xi32, #tpu.memory_space<vmem>>, vector<1x16xi32>,
        %get3A_468 = arith.index_cast %add3A_357 : i32 to index
        %get3A_469 = arith.constant 80 : index
        %get3A_470 = tpu.vector_load %arg6[%get3A_468, %get3A_469] {strides = array<i32>} : memref<106x96xi32, #tpu.memory_space<vmem>>, vector<1x16xi32>,
        %get3A_471 = vector.shape_cast %get3A_470 : vector<1x16xi32> to vector<16xi32>
        %and3A_472 = arith.constant 65535 : i32
        %and3A_473 = vector.broadcast %and3A_472 : i32 to vector<16xi32>
        %and3A_474 = arith.andi %get3A_471, %and3A_473 : vector<16xi32>
        %swap3A_475 = arith.constant 0 : i32
        %swap3A_476 = arith.index_cast %swap3A_475 : i32 to index
        %swap3A_477 = arith.constant 80 : index
        %swap3A_478 = tpu.vector_load %arg7[%swap3A_476, %swap3A_477] {strides = array<i32>} : memref<2x96xi32, #tpu.memory_space<vmem>>, vector<1x16xi32>,
        %swap3A_479 = vector.shape_cast %swap3A_478 : vector<1x16xi32> to vector<16xi32>
        %swap3A_480 = vector.shape_cast %and3A_474 : vector<16xi32> to vector<1x16xi32>
        tpu.vector_store %arg7[%swap3A_476, %swap3A_477], %swap3A_480 {strides = array<i32>} : memref<2x96xi32, #tpu.memory_space<vmem>>, vector<1x16xi32>,
        %shift_right_logical3A_481 = arith.constant 16 : i32
        %shift_right_logical3A_482 = vector.broadcast %shift_right_logical3A_481 : i32 to vector<16xi32>
        %shift_right_logical3A_483 = arith.shrui %get3A_471, %shift_right_logical3A_482 : vector<16xi32>
        %swap3A_484 = arith.constant 1 : i32
        %swap3A_485 = arith.index_cast %swap3A_484 : i32 to index
        %swap3A_486 = arith.constant 80 : index
        %swap3A_487 = tpu.vector_load %arg7[%swap3A_485, %swap3A_486] {strides = array<i32>} : memref<2x96xi32, #tpu.memory_space<vmem>>, vector<1x16xi32>,
        %swap3A_488 = vector.shape_cast %swap3A_487 : vector<1x16xi32> to vector<16xi32>
        %swap3A_489 = vector.shape_cast %shift_right_logical3A_483 : vector<16xi32> to vector<1x16xi32>
        tpu.vector_store %arg7[%swap3A_485, %swap3A_486], %swap3A_489 {strides = array<i32>} : memref<2x96xi32, #tpu.memory_space<vmem>>, vector<1x16xi32>,
        %dma_start3A_490 = arith.constant 0 : i32
        %dma_start3A_491 = arith.constant 0 : i32
        %dma_start3A_492 = tpu.memref_slice %arg7[%dma_start3A_490, %dma_start3A_491] : memref<2x96xi32, #tpu.memory_space<vmem>> -> memref<1x96xi32, #tpu.memory_space<vmem>>
        %dma_start3A_493 = tpu.memref_squeeze %dma_start3A_492 : memref<1x96xi32, #tpu.memory_space<vmem>> -> memref<96xi32, #tpu.memory_space<vmem>>
        %dma_start3A_494 = arith.constant 0 : i32
        %dma_start3A_495 = arith.constant 0 : i32
        %dma_start3A_496 = tpu.memref_slice %arg2[%dma_start3A_494, %dma_start3A_495] : memref<10240x128xf32, #tpu.memory_space<hbm>> -> memref<10240x128xf32, #tpu.memory_space<hbm>>
        tpu.enqueue_indirect_dma source(%dma_start3A_496 : memref<10240x128xf32, #tpu.memory_space<hbm>>) target(%arg9 : memref<96x128xf32, #tpu.memory_space<vmem>>) offsets(%dma_start3A_493 : memref<96xi32, #tpu.memory_space<vmem>>) semaphore(%arg11 : memref<!tpu.dma_semaphore, #tpu.memory_space<semaphore_mem>>)
      } else {
      }
      %dma_wait3A_348 = arith.constant 0 : i32
      %dma_wait3A_349 = arith.constant 0 : i32
      %dma_wait3A_350 = tpu.memref_slice %arg2[%dma_wait3A_348, %dma_wait3A_349] : memref<10240x128xf32, #tpu.memory_space<hbm>> -> memref<96x128xf32, #tpu.memory_space<hbm>>
      %dma_wait3A_351 = arith.constant 0 : i32
      %dma_wait3A_352 = arith.constant 0 : i32
      %dma_wait3A_353 = tpu.memref_slice %arg2[%dma_wait3A_351, %dma_wait3A_352] : memref<10240x128xf32, #tpu.memory_space<hbm>> -> memref<96x128xf32, #tpu.memory_space<hbm>>
      tpu.wait_dma2 semaphore(%arg12 : memref<!tpu.dma_semaphore, #tpu.memory_space<semaphore_mem>>) src(%dma_wait3A_353 : memref<96x128xf32, #tpu.memory_space<hbm>>) dst(%arg10 : memref<96x128xf32, #tpu.memory_space<vmem>>)
      %run_scoped3A_354 = arith.constant 1 : i32
      "tpu.region"() ({
        %run_scoped3A_356 = tpu.sem_alloc : memref<!tpu.dma_semaphore, #tpu.memory_space<semaphore_mem>>
        %dma_start3A_357 = arith.constant 0 : i32
        %dma_start3A_358 = tpu.memref_slice %arg8[%run_scoped3A_354, %dma_start3A_357] : memref<2x96xi32, #tpu.memory_space<vmem>> -> memref<1x96xi32, #tpu.memory_space<vmem>>
        %dma_start3A_359 = tpu.memref_squeeze %dma_start3A_358 : memref<1x96xi32, #tpu.memory_space<vmem>> -> memref<96xi32, #tpu.memory_space<vmem>>
        %dma_start3A_360 = arith.constant 0 : i32
        %dma_start3A_361 = arith.constant 0 : i32
        %dma_start3A_362 = tpu.memref_slice %arg5[%dma_start3A_360, %dma_start3A_361] : memref<10240x128xf32, #tpu.memory_space<vmem_shared>> -> memref<10240x128xf32, #tpu.memory_space<vmem_shared>>
        tpu.enqueue_indirect_dma source(%arg10 : memref<96x128xf32, #tpu.memory_space<vmem>>) target(%dma_start3A_362 : memref<10240x128xf32, #tpu.memory_space<vmem_shared>>) offsets(%dma_start3A_359 : memref<96xi32, #tpu.memory_space<vmem>>) semaphore(%run_scoped3A_356 : memref<!tpu.dma_semaphore, #tpu.memory_space<semaphore_mem>>) {add = true}
        %dma_wait3A_363 = arith.constant 0 : i32
        %dma_wait3A_364 = tpu.memref_slice %arg8[%run_scoped3A_354, %dma_wait3A_363] : memref<2x96xi32, #tpu.memory_space<vmem>> -> memref<1x96xi32, #tpu.memory_space<vmem>>
        %dma_wait3A_365 = tpu.memref_squeeze %dma_wait3A_364 : memref<1x96xi32, #tpu.memory_space<vmem>> -> memref<96xi32, #tpu.memory_space<vmem>>
        %dma_wait3A_366 = arith.constant 0 : i32
        %dma_wait3A_367 = arith.constant 0 : i32
        %dma_wait3A_368 = tpu.memref_slice %arg5[%dma_wait3A_366, %dma_wait3A_367] : memref<10240x128xf32, #tpu.memory_space<vmem_shared>> -> memref<10240x128xf32, #tpu.memory_space<vmem_shared>>
        tpu.wait_indirect_dma semaphore(%run_scoped3A_356 : memref<!tpu.dma_semaphore, #tpu.memory_space<semaphore_mem>>) src(%arg10 : memref<96x128xf32, #tpu.memory_space<vmem>>) dst(%dma_wait3A_368 : memref<10240x128xf32, #tpu.memory_space<vmem_shared>>)
        tpu.yield
      }) : () -> ()
      %scan3A_355 = arith.constant 0 : i32
      scf.yield %scan3A_355 : i32
    }
    %scan3A_190 = arith.constant 53 : i32
    %barrier3A_191 = arith.constant 0 : index
    tpu.barrier barrier_id(%barrier3A_191)
    %mul3A_192 = arith.constant 640 : i32
    %mul3A_193 = arith.muli %arg1, %mul3A_192 : i32
    %mul3A_194 = arith.constant 640 : i32
    %mul3A_195 = arith.muli %arg1, %mul3A_194 : i32
    "tpu.region"() ({
      %run_scoped3A = tpu.sem_alloc : memref<!tpu.dma_semaphore, #tpu.memory_space<semaphore_mem>>
      %dma_start3A_196 = arith.constant 0 : i32
      %dma_start3A_197 = tpu.memref_slice %arg4[%arg0, %mul3A_195, %dma_start3A_196] : memref<2x10240x128xf32, #tpu.memory_space<hbm>> -> memref<1x640x128xf32, #tpu.memory_space<hbm>>
      %dma_start3A_198 = tpu.memref_squeeze %dma_start3A_197 : memref<1x640x128xf32, #tpu.memory_space<hbm>> -> memref<640x128xf32, #tpu.memory_space<hbm>>
      %dma_start3A_199 = arith.constant 0 : i32
      %dma_start3A_200 = tpu.memref_slice %arg5[%mul3A_193, %dma_start3A_199] : memref<10240x128xf32, #tpu.memory_space<vmem_shared>> -> memref<640x128xf32, #tpu.memory_space<vmem_shared>>
      tpu.enqueue_dma source(%dma_start3A_200 : memref<640x128xf32, #tpu.memory_space<vmem_shared>>) target(%dma_start3A_198 : memref<640x128xf32, #tpu.memory_space<hbm>>) target_semaphore(%run_scoped3A : memref<!tpu.dma_semaphore, #tpu.memory_space<semaphore_mem>>)
      %dma_wait3A = arith.constant 0 : i32
      %dma_wait3A_201 = tpu.memref_slice %arg4[%arg0, %mul3A_195, %dma_wait3A] : memref<2x10240x128xf32, #tpu.memory_space<hbm>> -> memref<1x640x128xf32, #tpu.memory_space<hbm>>
      %dma_wait3A_202 = tpu.memref_squeeze %dma_wait3A_201 : memref<1x640x128xf32, #tpu.memory_space<hbm>> -> memref<640x128xf32, #tpu.memory_space<hbm>>
      %dma_wait3A_203 = arith.constant 0 : i32
      %dma_wait3A_204 = tpu.memref_slice %arg5[%mul3A_193, %dma_wait3A_203] : memref<10240x128xf32, #tpu.memory_space<vmem_shared>> -> memref<640x128xf32, #tpu.memory_space<vmem_shared>>
      tpu.wait_dma2 semaphore(%run_scoped3A : memref<!tpu.dma_semaphore, #tpu.memory_space<semaphore_mem>>) src(%dma_wait3A_204 : memref<640x128xf32, #tpu.memory_space<vmem_shared>>) dst(%dma_wait3A_202 : memref<640x128xf32, #tpu.memory_space<hbm>>)
      tpu.yield
    }) : () -> ()
    return
  }
}

module attributes {stable_mosaic.version = 14 : i64} {
  func.func @_pre_body(%arg0: i32, %arg1: memref<1024x128xf32, #tpu.memory_space<vmem>>, %arg2: memref<128x128xf32, #tpu.memory_space<vmem>>, %arg3: memref<1024x1xf32, #tpu.memory_space<vmem>>, %arg4: memref<1024x1xf32, #tpu.memory_space<vmem>>, %arg5: memref<1024x128xf32, #tpu.memory_space<vmem>>, %arg6: memref<1024x1xf32, #tpu.memory_space<vmem>>) attributes {dimension_semantics = [#tpu.dimension_semantics<arbitrary>], iteration_bounds = array<i64: 10>, scalar_prefetch = 0 : i64, scratch_operands = 0 : i64, tpu.core_type = #tpu.core_type<tc>, window_params = [{transform_indices = @transform_0, window_bounds = array<i64: 1024, 128>}, {pipeline_mode = #tpu.pipeline_mode<synchronous>, transform_indices = @transform_1, window_bounds = array<i64: 128, 128>}, {transform_indices = @transform_2, window_bounds = array<i64: 1024, 1>}, {transform_indices = @transform_3, window_bounds = array<i64: 1024, 1>}, {transform_indices = @transform_4, window_bounds = array<i64: 1024, 128>}, {transform_indices = @transform_5, window_bounds = array<i64: 1024, 1>}]} {
    %get3A = arith.constant 0 : index
    %get3A_0 = arith.constant 0 : index
    %get3A_1 = vector.load %arg3[%get3A, %get3A_0] : memref<1024x1xf32, #tpu.memory_space<vmem>>, vector<1024x1xf32>
    %get3A_2 = arith.constant 0 : index
    %get3A_3 = arith.constant 0 : index
    %get3A_4 = vector.load %arg4[%get3A_2, %get3A_3] : memref<1024x1xf32, #tpu.memory_space<vmem>>, vector<1024x1xf32>
    %add3A = arith.addf %get3A_1, %get3A_4 : vector<1024x1xf32>
    %add3A_5 = arith.constant 1.000000e+00 : f32
    %add3A_6 = vector.broadcast %add3A_5 : f32 to vector<1024x1xf32>
    %add3A_7 = arith.addf %add3A, %add3A_6 : vector<1024x1xf32>
    %rsqrt3A = math.rsqrt %add3A_7 : vector<1024x1xf32>
    %get3A_8 = arith.constant 0 : index
    %get3A_9 = arith.constant 0 : index
    %get3A_10 = vector.load %arg1[%get3A_8, %get3A_9] : memref<1024x128xf32, #tpu.memory_space<vmem>>, vector<1024x128xf32>
    %get3A_11 = arith.constant 0 : index
    %get3A_12 = arith.constant 0 : index
    %get3A_13 = vector.load %arg2[%get3A_11, %get3A_12] : memref<128x128xf32, #tpu.memory_space<vmem>>, vector<128x128xf32>
    %dot_general3A = arith.constant dense<0.000000e+00> : vector<1024x128xf32>
    %dot_general3A_14 = tpu.matmul %get3A_10, %get3A_13, %dot_general3A {dimension_numbers = #tpu.dot_dimension_numbers<[1], [0], [0], [1], [0, 0, 1, 1], [], []>, transpose_lhs_hint = false} : vector<1024x128xf32>, vector<128x128xf32>, vector<1024x128xf32> -> vector<1024x128xf32>
    %mul3A = vector.broadcast %rsqrt3A : vector<1024x1xf32> to vector<1024x128xf32>
    %mul3A_15 = arith.mulf %dot_general3A_14, %mul3A : vector<1024x128xf32>
    %swap3A = arith.constant 0 : index
    %swap3A_16 = arith.constant 0 : index
    %swap3A_17 = vector.load %arg5[%swap3A, %swap3A_16] : memref<1024x128xf32, #tpu.memory_space<vmem>>, vector<1024x128xf32>
    tpu.vector_store %arg5[%swap3A, %swap3A_16], %mul3A_15 {strides = array<i32>} : memref<1024x128xf32, #tpu.memory_space<vmem>>, vector<1024x128xf32>,
    %swap3A_18 = arith.constant 0 : index
    %swap3A_19 = arith.constant 0 : index
    %swap3A_20 = vector.load %arg6[%swap3A_18, %swap3A_19] : memref<1024x1xf32, #tpu.memory_space<vmem>>, vector<1024x1xf32>
    tpu.vector_store %arg6[%swap3A_18, %swap3A_19], %rsqrt3A {strides = array<i32>} : memref<1024x1xf32, #tpu.memory_space<vmem>>, vector<1024x1xf32>,
    return
  }
  func.func @transform_0(%arg0: i32) -> (i32, i32) {
    %c0_i32 = arith.constant 0 : i32
    %c0_i32_0 = arith.constant 0 : i32
    return %arg0, %c0_i32 : i32, i32
  }
  func.func @transform_1(%arg0: i32) -> (i32, i32) {
    %c0_i32 = arith.constant 0 : i32
    %c0_i32_0 = arith.constant 0 : i32
    %c0_i32_1 = arith.constant 0 : i32
    return %c0_i32, %c0_i32_0 : i32, i32
  }
  func.func @transform_2(%arg0: i32) -> (i32, i32) {
    %c0_i32 = arith.constant 0 : i32
    %c0_i32_0 = arith.constant 0 : i32
    return %arg0, %c0_i32 : i32, i32
  }
  func.func @transform_3(%arg0: i32) -> (i32, i32) {
    %c0_i32 = arith.constant 0 : i32
    %c0_i32_0 = arith.constant 0 : i32
    return %arg0, %c0_i32 : i32, i32
  }
  func.func @transform_4(%arg0: i32) -> (i32, i32) {
    %c0_i32 = arith.constant 0 : i32
    %c0_i32_0 = arith.constant 0 : i32
    return %arg0, %c0_i32 : i32, i32
  }
  func.func @transform_5(%arg0: i32) -> (i32, i32) {
    %c0_i32 = arith.constant 0 : i32
    %c0_i32_0 = arith.constant 0 : i32
    return %arg0, %c0_i32 : i32, i32
  }
}

module attributes {stable_mosaic.version = 14 : i64} {
  func.func @_mid_body(%arg0: i32, %arg1: memref<1024x128xf32, #tpu.memory_space<vmem>>, %arg2: memref<1024x128xf32, #tpu.memory_space<vmem>>, %arg3: memref<1024x128xf32, #tpu.memory_space<vmem>>, %arg4: memref<1024x1xf32, #tpu.memory_space<vmem>>, %arg5: memref<128x128xf32, #tpu.memory_space<vmem>>, %arg6: memref<1024x128xf32, #tpu.memory_space<vmem>>) attributes {dimension_semantics = [#tpu.dimension_semantics<arbitrary>], iteration_bounds = array<i64: 10>, scalar_prefetch = 0 : i64, scratch_operands = 0 : i64, tpu.core_type = #tpu.core_type<tc>, window_params = [{transform_indices = @transform_0, window_bounds = array<i64: 1024, 128>}, {transform_indices = @transform_1, window_bounds = array<i64: 1024, 128>}, {transform_indices = @transform_2, window_bounds = array<i64: 1024, 128>}, {transform_indices = @transform_3, window_bounds = array<i64: 1024, 1>}, {pipeline_mode = #tpu.pipeline_mode<synchronous>, transform_indices = @transform_4, window_bounds = array<i64: 128, 128>}, {transform_indices = @transform_5, window_bounds = array<i64: 1024, 128>}]} {
    %get3A = arith.constant 0 : index
    %get3A_0 = arith.constant 0 : index
    %get3A_1 = vector.load %arg4[%get3A, %get3A_0] : memref<1024x1xf32, #tpu.memory_space<vmem>>, vector<1024x1xf32>
    %get3A_2 = arith.constant 0 : index
    %get3A_3 = arith.constant 0 : index
    %get3A_4 = vector.load %arg1[%get3A_2, %get3A_3] : memref<1024x128xf32, #tpu.memory_space<vmem>>, vector<1024x128xf32>
    %get3A_5 = arith.constant 0 : index
    %get3A_6 = arith.constant 0 : index
    %get3A_7 = vector.load %arg2[%get3A_5, %get3A_6] : memref<1024x128xf32, #tpu.memory_space<vmem>>, vector<1024x128xf32>
    %add3A = arith.addf %get3A_4, %get3A_7 : vector<1024x128xf32>
    %get3A_8 = arith.constant 0 : index
    %get3A_9 = arith.constant 0 : index
    %get3A_10 = vector.load %arg3[%get3A_8, %get3A_9] : memref<1024x128xf32, #tpu.memory_space<vmem>>, vector<1024x128xf32>
    %add3A_11 = arith.addf %add3A, %get3A_10 : vector<1024x128xf32>
    %mul3A = vector.broadcast %get3A_1 : vector<1024x1xf32> to vector<1024x128xf32>
    %mul3A_12 = arith.mulf %add3A_11, %mul3A : vector<1024x128xf32>
    %max3A = arith.constant 0.000000e+00 : f32
    %max3A_13 = vector.broadcast %max3A : f32 to vector<1024x128xf32>
    %max3A_14 = arith.maximumf %mul3A_12, %max3A_13 : vector<1024x128xf32>
    %get3A_15 = arith.constant 0 : index
    %get3A_16 = arith.constant 0 : index
    %get3A_17 = vector.load %arg5[%get3A_15, %get3A_16] : memref<128x128xf32, #tpu.memory_space<vmem>>, vector<128x128xf32>
    %dot_general3A = arith.constant dense<0.000000e+00> : vector<1024x128xf32>
    %dot_general3A_18 = tpu.matmul %max3A_14, %get3A_17, %dot_general3A {dimension_numbers = #tpu.dot_dimension_numbers<[1], [0], [0], [1], [0, 0, 1, 1], [], []>, transpose_lhs_hint = false} : vector<1024x128xf32>, vector<128x128xf32>, vector<1024x128xf32> -> vector<1024x128xf32>
    %mul3A_19 = vector.broadcast %get3A_1 : vector<1024x1xf32> to vector<1024x128xf32>
    %mul3A_20 = arith.mulf %dot_general3A_18, %mul3A_19 : vector<1024x128xf32>
    %swap3A = arith.constant 0 : index
    %swap3A_21 = arith.constant 0 : index
    %swap3A_22 = vector.load %arg6[%swap3A, %swap3A_21] : memref<1024x128xf32, #tpu.memory_space<vmem>>, vector<1024x128xf32>
    tpu.vector_store %arg6[%swap3A, %swap3A_21], %mul3A_20 {strides = array<i32>} : memref<1024x128xf32, #tpu.memory_space<vmem>>, vector<1024x128xf32>,
    return
  }
  func.func @transform_0(%arg0: i32) -> (i32, i32) {
    %c0_i32 = arith.constant 0 : i32
    %c0_i32_0 = arith.constant 0 : i32
    return %arg0, %c0_i32 : i32, i32
  }
  func.func @transform_1(%arg0: i32) -> (i32, i32) {
    %c0_i32 = arith.constant 0 : i32
    %c0_i32_0 = arith.constant 0 : i32
    return %arg0, %c0_i32 : i32, i32
  }
  func.func @transform_2(%arg0: i32) -> (i32, i32) {
    %c0_i32 = arith.constant 0 : i32
    %c0_i32_0 = arith.constant 0 : i32
    return %arg0, %c0_i32 : i32, i32
  }
  func.func @transform_3(%arg0: i32) -> (i32, i32) {
    %c0_i32 = arith.constant 0 : i32
    %c0_i32_0 = arith.constant 0 : i32
    return %arg0, %c0_i32 : i32, i32
  }
  func.func @transform_4(%arg0: i32) -> (i32, i32) {
    %c0_i32 = arith.constant 0 : i32
    %c0_i32_0 = arith.constant 0 : i32
    %c0_i32_1 = arith.constant 0 : i32
    return %c0_i32, %c0_i32_0 : i32, i32
  }
  func.func @transform_5(%arg0: i32) -> (i32, i32) {
    %c0_i32 = arith.constant 0 : i32
    %c0_i32_0 = arith.constant 0 : i32
    return %arg0, %c0_i32 : i32, i32
  }
}

module attributes {stable_mosaic.version = 14 : i64} {
  func.func @_pool_body(%arg0: i32, %arg1: memref<1024x128xf32, #tpu.memory_space<vmem>>, %arg2: memref<1024x128xf32, #tpu.memory_space<vmem>>, %arg3: memref<1024x128xf32, #tpu.memory_space<vmem>>, %arg4: memref<1024x1xf32, #tpu.memory_space<vmem>>, %arg5: memref<1024x1xi32, #tpu.memory_space<vmem>>, %arg6: memref<128x128xf32, #tpu.memory_space<vmem>>, %arg7: memref<128x128xf32, #tpu.memory_space<vmem>>) attributes {dimension_semantics = [#tpu.dimension_semantics<arbitrary>], iteration_bounds = array<i64: 10>, scalar_prefetch = 0 : i64, scratch_operands = 1 : i64, tpu.core_type = #tpu.core_type<tc>, window_params = [{transform_indices = @transform_0, window_bounds = array<i64: 1024, 128>}, {transform_indices = @transform_1, window_bounds = array<i64: 1024, 128>}, {transform_indices = @transform_2, window_bounds = array<i64: 1024, 128>}, {transform_indices = @transform_3, window_bounds = array<i64: 1024, 1>}, {transform_indices = @transform_4, window_bounds = array<i64: 1024, 1>}, {pipeline_mode = #tpu.pipeline_mode<synchronous>, transform_indices = @transform_5, window_bounds = array<i64: 128, 128>}]} {
    %get3A = arith.constant 0 : index
    %get3A_0 = arith.constant 0 : index
    %get3A_1 = vector.load %arg1[%get3A, %get3A_0] : memref<1024x128xf32, #tpu.memory_space<vmem>>, vector<1024x128xf32>
    %get3A_2 = arith.constant 0 : index
    %get3A_3 = arith.constant 0 : index
    %get3A_4 = vector.load %arg2[%get3A_2, %get3A_3] : memref<1024x128xf32, #tpu.memory_space<vmem>>, vector<1024x128xf32>
    %add3A = arith.addf %get3A_1, %get3A_4 : vector<1024x128xf32>
    %get3A_5 = arith.constant 0 : index
    %get3A_6 = arith.constant 0 : index
    %get3A_7 = vector.load %arg3[%get3A_5, %get3A_6] : memref<1024x128xf32, #tpu.memory_space<vmem>>, vector<1024x128xf32>
    %add3A_8 = arith.addf %add3A, %get3A_7 : vector<1024x128xf32>
    %get3A_9 = arith.constant 0 : index
    %get3A_10 = arith.constant 0 : index
    %get3A_11 = vector.load %arg4[%get3A_9, %get3A_10] : memref<1024x1xf32, #tpu.memory_space<vmem>>, vector<1024x1xf32>
    %mul3A = vector.broadcast %get3A_11 : vector<1024x1xf32> to vector<1024x128xf32>
    %mul3A_12 = arith.mulf %add3A_8, %mul3A : vector<1024x128xf32>
    %max3A = arith.constant 0.000000e+00 : f32
    %max3A_13 = vector.broadcast %max3A : f32 to vector<1024x128xf32>
    %max3A_14 = arith.maximumf %mul3A_12, %max3A_13 : vector<1024x128xf32>
    %get3A_15 = arith.constant 0 : index
    %get3A_16 = arith.constant 0 : index
    %get3A_17 = vector.load %arg5[%get3A_15, %get3A_16] : memref<1024x1xi32, #tpu.memory_space<vmem>>, vector<1024x1xi32>
    %iota3A = tpu.iota {dimensions = array<i32: 1>} : vector<1x128xi32>
    %eq3A = vector.broadcast %get3A_17 : vector<1024x1xi32> to vector<1024x128xi32>
    %eq3A_18 = vector.broadcast %iota3A : vector<1x128xi32> to vector<1024x128xi32>
    %eq3A_19 = arith.cmpi eq, %eq3A, %eq3A_18 : vector<1024x128xi32>
    %convert_element_type3A = arith.extui %eq3A_19 : vector<1024x128xi1> to vector<1024x128xi32>
    %convert_element_type3A_20 = arith.sitofp %convert_element_type3A : vector<1024x128xi32> to vector<1024x128xf32>
    %dot_general3A = arith.constant dense<0.000000e+00> : vector<128x128xf32>
    %dot_general3A_21 = tpu.matmul %convert_element_type3A_20, %max3A_14, %dot_general3A {dimension_numbers = #tpu.dot_dimension_numbers<[0], [0], [1], [1], [0, 1, 1, 1], [], []>, precision = #tpu.contract_precision<fp32>, transpose_lhs_hint = false} : vector<1024x128xf32>, vector<1024x128xf32>, vector<128x128xf32> -> vector<128x128xf32>
    %eq3A_22 = arith.constant 0 : i32
    %eq3A_23 = arith.cmpi eq, %arg0, %eq3A_22 : i32
    %convert_element_type3A_24 = arith.extui %eq3A_23 : i1 to i32
    %cond3A = arith.constant 0 : i32
    %cond3A_25 = arith.cmpi ne, %convert_element_type3A_24, %cond3A : i32
    scf.if %cond3A_25 {
      %swap3A = arith.constant 0 : index
      %swap3A_35 = arith.constant 0 : index
      %swap3A_36 = vector.load %arg7[%swap3A, %swap3A_35] : memref<128x128xf32, #tpu.memory_space<vmem>>, vector<128x128xf32>
      tpu.vector_store %arg7[%swap3A, %swap3A_35], %dot_general3A_21 {strides = array<i32>} : memref<128x128xf32, #tpu.memory_space<vmem>>, vector<128x128xf32>,
    } else {
    }
    %gt3A = arith.constant 0 : i32
    %gt3A_26 = arith.cmpi sgt, %arg0, %gt3A : i32
    %convert_element_type3A_27 = arith.extui %gt3A_26 : i1 to i32
    %cond3A_28 = arith.constant 0 : i32
    %cond3A_29 = arith.cmpi ne, %convert_element_type3A_27, %cond3A_28 : i32
    scf.if %cond3A_29 {
      %get3A_35 = arith.constant 0 : index
      %get3A_36 = arith.constant 0 : index
      %get3A_37 = vector.load %arg7[%get3A_35, %get3A_36] : memref<128x128xf32, #tpu.memory_space<vmem>>, vector<128x128xf32>
      %add3A_38 = arith.addf %get3A_37, %dot_general3A_21 : vector<128x128xf32>
      %swap3A = arith.constant 0 : index
      %swap3A_39 = arith.constant 0 : index
      %swap3A_40 = vector.load %arg7[%swap3A, %swap3A_39] : memref<128x128xf32, #tpu.memory_space<vmem>>, vector<128x128xf32>
      tpu.vector_store %arg7[%swap3A, %swap3A_39], %add3A_38 {strides = array<i32>} : memref<128x128xf32, #tpu.memory_space<vmem>>, vector<128x128xf32>,
    } else {
    }
    %eq3A_30 = arith.constant 9 : i32
    %eq3A_31 = arith.cmpi eq, %arg0, %eq3A_30 : i32
    %convert_element_type3A_32 = arith.extui %eq3A_31 : i1 to i32
    %cond3A_33 = arith.constant 0 : i32
    %cond3A_34 = arith.cmpi ne, %convert_element_type3A_32, %cond3A_33 : i32
    scf.if %cond3A_34 {
      %get3A_35 = arith.constant 0 : index
      %get3A_36 = arith.constant 0 : index
      %get3A_37 = vector.load %arg7[%get3A_35, %get3A_36] : memref<128x128xf32, #tpu.memory_space<vmem>>, vector<128x128xf32>
      %swap3A = arith.constant 0 : index
      %swap3A_38 = arith.constant 0 : index
      %swap3A_39 = vector.load %arg6[%swap3A, %swap3A_38] : memref<128x128xf32, #tpu.memory_space<vmem>>, vector<128x128xf32>
      tpu.vector_store %arg6[%swap3A, %swap3A_38], %get3A_37 {strides = array<i32>} : memref<128x128xf32, #tpu.memory_space<vmem>>, vector<128x128xf32>,
    } else {
    }
    return
  }
  func.func @transform_0(%arg0: i32) -> (i32, i32) {
    %c0_i32 = arith.constant 0 : i32
    %c0_i32_0 = arith.constant 0 : i32
    return %arg0, %c0_i32 : i32, i32
  }
  func.func @transform_1(%arg0: i32) -> (i32, i32) {
    %c0_i32 = arith.constant 0 : i32
    %c0_i32_0 = arith.constant 0 : i32
    return %arg0, %c0_i32 : i32, i32
  }
  func.func @transform_2(%arg0: i32) -> (i32, i32) {
    %c0_i32 = arith.constant 0 : i32
    %c0_i32_0 = arith.constant 0 : i32
    return %arg0, %c0_i32 : i32, i32
  }
  func.func @transform_3(%arg0: i32) -> (i32, i32) {
    %c0_i32 = arith.constant 0 : i32
    %c0_i32_0 = arith.constant 0 : i32
    return %arg0, %c0_i32 : i32, i32
  }
  func.func @transform_4(%arg0: i32) -> (i32, i32) {
    %c0_i32 = arith.constant 0 : i32
    %c0_i32_0 = arith.constant 0 : i32
    return %arg0, %c0_i32 : i32, i32
  }
  func.func @transform_5(%arg0: i32) -> (i32, i32) {
    %c0_i32 = arith.constant 0 : i32
    %c0_i32_0 = arith.constant 0 : i32
    %c0_i32_1 = arith.constant 0 : i32
    return %c0_i32, %c0_i32_0 : i32, i32
  }
}

module attributes {stable_mosaic.version = 14 : i64} {
  func.func @_mlp_body(%arg0: i32, %arg1: memref<128x128xf32, #tpu.memory_space<vmem>>, %arg2: memref<10240x1xi32, #tpu.memory_space<vmem>>, %arg3: memref<128x128xf32, #tpu.memory_space<vmem>>, %arg4: memref<1x128xf32, #tpu.memory_space<vmem>>, %arg5: memref<1x128xf32, #tpu.memory_space<vmem>>, %arg6: memref<1x128xf32, #tpu.memory_space<vmem>>, %arg7: memref<128x64xf32, #tpu.memory_space<vmem>>, %arg8: memref<1x64xf32, #tpu.memory_space<vmem>>, %arg9: memref<128x64xf32, #tpu.memory_space<vmem>>, %arg10: memref<128x64xf32, #tpu.memory_space<vmem>>, %arg11: memref<128x64xf32, #tpu.memory_space<vmem>>) attributes {dimension_semantics = [#tpu.dimension_semantics<arbitrary>], iteration_bounds = array<i64: 1>, scalar_prefetch = 0 : i64, scratch_operands = 0 : i64, tpu.core_type = #tpu.core_type<tc>, window_params = [{pipeline_mode = #tpu.pipeline_mode<synchronous>, transform_indices = @transform_0, window_bounds = array<i64: 128, 128>}, {pipeline_mode = #tpu.pipeline_mode<synchronous>, transform_indices = @transform_1, window_bounds = array<i64: 10240, 1>}, {pipeline_mode = #tpu.pipeline_mode<synchronous>, transform_indices = @transform_2, window_bounds = array<i64: 128, 128>}, {pipeline_mode = #tpu.pipeline_mode<synchronous>, transform_indices = @transform_3, window_bounds = array<i64: 1, 128>}, {pipeline_mode = #tpu.pipeline_mode<synchronous>, transform_indices = @transform_4, window_bounds = array<i64: 1, 128>}, {pipeline_mode = #tpu.pipeline_mode<synchronous>, transform_indices = @transform_5, window_bounds = array<i64: 1, 128>}, {pipeline_mode = #tpu.pipeline_mode<synchronous>, transform_indices = @transform_6, window_bounds = array<i64: 128, 64>}, {pipeline_mode = #tpu.pipeline_mode<synchronous>, transform_indices = @transform_7, window_bounds = array<i64: 1, 64>}, {pipeline_mode = #tpu.pipeline_mode<synchronous>, transform_indices = @transform_8, window_bounds = array<i64: 128, 64>}, {pipeline_mode = #tpu.pipeline_mode<synchronous>, transform_indices = @transform_9, window_bounds = array<i64: 128, 64>}, {pipeline_mode = #tpu.pipeline_mode<synchronous>, transform_indices = @transform_10, window_bounds = array<i64: 128, 64>}]} {
    %get3A = arith.constant 0 : index
    %get3A_0 = arith.constant 0 : index
    %get3A_1 = vector.load %arg2[%get3A, %get3A_0] : memref<10240x1xi32, #tpu.memory_space<vmem>>, vector<10240x1xi32>
    %iota3A = tpu.iota {dimensions = array<i32: 1>} : vector<1x128xi32>
    %eq3A = vector.broadcast %get3A_1 : vector<10240x1xi32> to vector<10240x128xi32>
    %eq3A_2 = vector.broadcast %iota3A : vector<1x128xi32> to vector<10240x128xi32>
    %eq3A_3 = arith.cmpi eq, %eq3A, %eq3A_2 : vector<10240x128xi32>
    %convert_element_type3A = arith.extui %eq3A_3 : vector<10240x128xi1> to vector<10240x128xi32>
    %convert_element_type3A_4 = arith.sitofp %convert_element_type3A : vector<10240x128xi32> to vector<10240x128xf32>
    %broadcast_in_dim3A = arith.constant 1.000000e+00 : f32
    %broadcast_in_dim3A_5 = vector.broadcast %broadcast_in_dim3A : f32 to vector<10240x1xf32>
    %dot_general3A = arith.constant dense<0.000000e+00> : vector<128x1xf32>
    %dot_general3A_6 = tpu.matmul %convert_element_type3A_4, %broadcast_in_dim3A_5, %dot_general3A {dimension_numbers = #tpu.dot_dimension_numbers<[0], [0], [1], [1], [0, 1, 1, 1], [], []>, precision = #tpu.contract_precision<fp32>, transpose_lhs_hint = false} : vector<10240x128xf32>, vector<10240x1xf32>, vector<128x1xf32> -> vector<128x1xf32>
    %get3A_7 = arith.constant 0 : index
    %get3A_8 = arith.constant 0 : index
    %get3A_9 = vector.load %arg1[%get3A_7, %get3A_8] : memref<128x128xf32, #tpu.memory_space<vmem>>, vector<128x128xf32>
    %max3A = arith.constant 1.000000e+00 : f32
    %max3A_10 = vector.broadcast %max3A : f32 to vector<128x1xf32>
    %max3A_11 = arith.maximumf %dot_general3A_6, %max3A_10 : vector<128x1xf32>
    %div3A = vector.broadcast %max3A_11 : vector<128x1xf32> to vector<128x128xf32>
    %div3A_12 = arith.divf %get3A_9, %div3A : vector<128x128xf32>
    %get3A_13 = arith.constant 0 : index
    %get3A_14 = arith.constant 0 : index
    %get3A_15 = vector.load %arg3[%get3A_13, %get3A_14] : memref<128x128xf32, #tpu.memory_space<vmem>>, vector<128x128xf32>
    %dot_general3A_16 = arith.constant dense<0.000000e+00> : vector<128x128xf32>
    %dot_general3A_17 = tpu.matmul %div3A_12, %get3A_15, %dot_general3A_16 {dimension_numbers = #tpu.dot_dimension_numbers<[1], [0], [0], [1], [0, 0, 1, 1], [], []>, transpose_lhs_hint = false} : vector<128x128xf32>, vector<128x128xf32>, vector<128x128xf32> -> vector<128x128xf32>
    %get3A_18 = arith.constant 0 : index
    %get3A_19 = arith.constant 0 : index
    %get3A_20 = vector.load %arg4[%get3A_18, %get3A_19] : memref<1x128xf32, #tpu.memory_space<vmem>>, vector<1x128xf32>
    %add3A = vector.broadcast %get3A_20 : vector<1x128xf32> to vector<128x128xf32>
    %add3A_21 = arith.addf %dot_general3A_17, %add3A : vector<128x128xf32>
    %reduce_sum3A = arith.constant dense<0.000000e+00> : vector<128xf32>
    %reduce_sum3A_22 = vector.multi_reduction <add>, %add3A_21, %reduce_sum3A [0] : vector<128x128xf32> to vector<128xf32>
    %broadcast_in_dim3A_23 = vector.shape_cast %reduce_sum3A_22 : vector<128xf32> to vector<1x128xf32>
    %div3A_24 = arith.constant 1.280000e+02 : f32
    %div3A_25 = vector.broadcast %div3A_24 : f32 to vector<1x128xf32>
    %div3A_26 = arith.divf %broadcast_in_dim3A_23, %div3A_25 : vector<1x128xf32>
    %sub3A = vector.broadcast %div3A_26 : vector<1x128xf32> to vector<128x128xf32>
    %sub3A_27 = arith.subf %add3A_21, %sub3A : vector<128x128xf32>
    %integer_pow3A = arith.mulf %sub3A_27, %sub3A_27 : vector<128x128xf32>
    %reduce_sum3A_28 = arith.constant dense<0.000000e+00> : vector<128xf32>
    %reduce_sum3A_29 = vector.multi_reduction <add>, %integer_pow3A, %reduce_sum3A_28 [0] : vector<128x128xf32> to vector<128xf32>
    %broadcast_in_dim3A_30 = vector.shape_cast %reduce_sum3A_29 : vector<128xf32> to vector<1x128xf32>
    %div3A_31 = arith.constant 1.280000e+02 : f32
    %div3A_32 = vector.broadcast %div3A_31 : f32 to vector<1x128xf32>
    %div3A_33 = arith.divf %broadcast_in_dim3A_30, %div3A_32 : vector<1x128xf32>
    %sub3A_34 = vector.broadcast %div3A_26 : vector<1x128xf32> to vector<128x128xf32>
    %sub3A_35 = arith.subf %add3A_21, %sub3A_34 : vector<128x128xf32>
    %add3A_36 = arith.constant 9.99999974E-6 : f32
    %add3A_37 = vector.broadcast %add3A_36 : f32 to vector<1x128xf32>
    %add3A_38 = arith.addf %div3A_33, %add3A_37 : vector<1x128xf32>
    %sqrt3A = math.sqrt %add3A_38 : vector<1x128xf32>
    %div3A_39 = vector.broadcast %sqrt3A : vector<1x128xf32> to vector<128x128xf32>
    %div3A_40 = arith.divf %sub3A_35, %div3A_39 : vector<128x128xf32>
    %get3A_41 = arith.constant 0 : index
    %get3A_42 = arith.constant 0 : index
    %get3A_43 = vector.load %arg5[%get3A_41, %get3A_42] : memref<1x128xf32, #tpu.memory_space<vmem>>, vector<1x128xf32>
    %mul3A = vector.broadcast %get3A_43 : vector<1x128xf32> to vector<128x128xf32>
    %mul3A_44 = arith.mulf %div3A_40, %mul3A : vector<128x128xf32>
    %get3A_45 = arith.constant 0 : index
    %get3A_46 = arith.constant 0 : index
    %get3A_47 = vector.load %arg6[%get3A_45, %get3A_46] : memref<1x128xf32, #tpu.memory_space<vmem>>, vector<1x128xf32>
    %add3A_48 = vector.broadcast %get3A_47 : vector<1x128xf32> to vector<128x128xf32>
    %add3A_49 = arith.addf %mul3A_44, %add3A_48 : vector<128x128xf32>
    %max3A_50 = arith.constant 0.000000e+00 : f32
    %max3A_51 = vector.broadcast %max3A_50 : f32 to vector<128x128xf32>
    %max3A_52 = arith.maximumf %add3A_49, %max3A_51 : vector<128x128xf32>
    %get3A_53 = arith.constant 0 : index
    %get3A_54 = arith.constant 0 : index
    %get3A_55 = vector.load %arg7[%get3A_53, %get3A_54] : memref<128x64xf32, #tpu.memory_space<vmem>>, vector<128x64xf32>
    %dot_general3A_56 = arith.constant dense<0.000000e+00> : vector<128x64xf32>
    %dot_general3A_57 = tpu.matmul %max3A_52, %get3A_55, %dot_general3A_56 {dimension_numbers = #tpu.dot_dimension_numbers<[1], [0], [0], [1], [0, 0, 1, 1], [], []>, transpose_lhs_hint = false} : vector<128x128xf32>, vector<128x64xf32>, vector<128x64xf32> -> vector<128x64xf32>
    %get3A_58 = arith.constant 0 : index
    %get3A_59 = arith.constant 0 : index
    %get3A_60 = vector.load %arg8[%get3A_58, %get3A_59] : memref<1x64xf32, #tpu.memory_space<vmem>>, vector<1x64xf32>
    %add3A_61 = vector.broadcast %get3A_60 : vector<1x64xf32> to vector<128x64xf32>
    %add3A_62 = arith.addf %dot_general3A_57, %add3A_61 : vector<128x64xf32>
    %reduce_max3A = arith.constant dense<0xFF800000> : vector<128xf32>
    %reduce_max3A_63 = vector.multi_reduction <maximumf>, %add3A_62, %reduce_max3A [1] : vector<128x64xf32> to vector<128xf32>
    %broadcast_in_dim3A_64 = vector.shape_cast %reduce_max3A_63 : vector<128xf32> to vector<128x1xf32>
    %sub3A_65 = vector.broadcast %broadcast_in_dim3A_64 : vector<128x1xf32> to vector<128x64xf32>
    %sub3A_66 = arith.subf %add3A_62, %sub3A_65 : vector<128x64xf32>
    %exp3A = math.exp %sub3A_66 : vector<128x64xf32>
    %reduce_sum3A_67 = arith.constant dense<0.000000e+00> : vector<128xf32>
    %reduce_sum3A_68 = vector.multi_reduction <add>, %exp3A, %reduce_sum3A_67 [1] : vector<128x64xf32> to vector<128xf32>
    %broadcast_in_dim3A_69 = vector.shape_cast %reduce_sum3A_68 : vector<128xf32> to vector<128x1xf32>
    %log3A = math.log %broadcast_in_dim3A_69 : vector<128x1xf32>
    %add3A_70 = arith.addf %log3A, %broadcast_in_dim3A_64 : vector<128x1xf32>
    %sub3A_71 = vector.broadcast %add3A_70 : vector<128x1xf32> to vector<128x64xf32>
    %sub3A_72 = arith.subf %add3A_62, %sub3A_71 : vector<128x64xf32>
    %swap3A = arith.constant 0 : index
    %swap3A_73 = arith.constant 0 : index
    %swap3A_74 = vector.load %arg9[%swap3A, %swap3A_73] : memref<128x64xf32, #tpu.memory_space<vmem>>, vector<128x64xf32>
    tpu.vector_store %arg9[%swap3A, %swap3A_73], %sub3A_72 {strides = array<i32>} : memref<128x64xf32, #tpu.memory_space<vmem>>, vector<128x64xf32>,
    %neg3A = arith.constant 0.000000e+00 : f32
    %neg3A_75 = vector.broadcast %neg3A : f32 to vector<128x64xf32>
    %neg3A_76 = arith.subf %neg3A_75, %add3A_62 : vector<128x64xf32>
    %exp3A_77 = math.exp %neg3A_76 : vector<128x64xf32>
    %add3A_78 = arith.constant 1.000000e+00 : f32
    %add3A_79 = vector.broadcast %add3A_78 : f32 to vector<128x64xf32>
    %add3A_80 = arith.addf %add3A_79, %exp3A_77 : vector<128x64xf32>
    %div3A_81 = arith.constant 1.000000e+00 : f32
    %div3A_82 = vector.broadcast %div3A_81 : f32 to vector<128x64xf32>
    %div3A_83 = arith.divf %div3A_82, %add3A_80 : vector<128x64xf32>
    %swap3A_84 = arith.constant 0 : index
    %swap3A_85 = arith.constant 0 : index
    %swap3A_86 = vector.load %arg10[%swap3A_84, %swap3A_85] : memref<128x64xf32, #tpu.memory_space<vmem>>, vector<128x64xf32>
    tpu.vector_store %arg10[%swap3A_84, %swap3A_85], %div3A_83 {strides = array<i32>} : memref<128x64xf32, #tpu.memory_space<vmem>>, vector<128x64xf32>,
    %swap3A_87 = arith.constant 0 : index
    %swap3A_88 = arith.constant 0 : index
    %swap3A_89 = vector.load %arg11[%swap3A_87, %swap3A_88] : memref<128x64xf32, #tpu.memory_space<vmem>>, vector<128x64xf32>
    tpu.vector_store %arg11[%swap3A_87, %swap3A_88], %add3A_62 {strides = array<i32>} : memref<128x64xf32, #tpu.memory_space<vmem>>, vector<128x64xf32>,
    return
  }
  func.func @transform_0(%arg0: i32) -> (i32, i32) {
    %c0_i32 = arith.constant 0 : i32
    %c0_i32_0 = arith.constant 0 : i32
    %c0_i32_1 = arith.constant 0 : i32
    return %c0_i32, %c0_i32_0 : i32, i32
  }
  func.func @transform_1(%arg0: i32) -> (i32, i32) {
    %c0_i32 = arith.constant 0 : i32
    %c0_i32_0 = arith.constant 0 : i32
    %c0_i32_1 = arith.constant 0 : i32
    return %c0_i32, %c0_i32_0 : i32, i32
  }
  func.func @transform_2(%arg0: i32) -> (i32, i32) {
    %c0_i32 = arith.constant 0 : i32
    %c0_i32_0 = arith.constant 0 : i32
    %c0_i32_1 = arith.constant 0 : i32
    return %c0_i32, %c0_i32_0 : i32, i32
  }
  func.func @transform_3(%arg0: i32) -> (i32, i32) {
    %c0_i32 = arith.constant 0 : i32
    %c0_i32_0 = arith.constant 0 : i32
    %c0_i32_1 = arith.constant 0 : i32
    return %c0_i32, %c0_i32_0 : i32, i32
  }
  func.func @transform_4(%arg0: i32) -> (i32, i32) {
    %c0_i32 = arith.constant 0 : i32
    %c0_i32_0 = arith.constant 0 : i32
    %c0_i32_1 = arith.constant 0 : i32
    return %c0_i32, %c0_i32_0 : i32, i32
  }
  func.func @transform_5(%arg0: i32) -> (i32, i32) {
    %c0_i32 = arith.constant 0 : i32
    %c0_i32_0 = arith.constant 0 : i32
    %c0_i32_1 = arith.constant 0 : i32
    return %c0_i32, %c0_i32_0 : i32, i32
  }
  func.func @transform_6(%arg0: i32) -> (i32, i32) {
    %c0_i32 = arith.constant 0 : i32
    %c0_i32_0 = arith.constant 0 : i32
    %c0_i32_1 = arith.constant 0 : i32
    return %c0_i32, %c0_i32_0 : i32, i32
  }
  func.func @transform_7(%arg0: i32) -> (i32, i32) {
    %c0_i32 = arith.constant 0 : i32
    %c0_i32_0 = arith.constant 0 : i32
    %c0_i32_1 = arith.constant 0 : i32
    return %c0_i32, %c0_i32_0 : i32, i32
  }
  func.func @transform_8(%arg0: i32) -> (i32, i32) {
    %c0_i32 = arith.constant 0 : i32
    %c0_i32_0 = arith.constant 0 : i32
    %c0_i32_1 = arith.constant 0 : i32
    return %c0_i32, %c0_i32_0 : i32, i32
  }
  func.func @transform_9(%arg0: i32) -> (i32, i32) {
    %c0_i32 = arith.constant 0 : i32
    %c0_i32_0 = arith.constant 0 : i32
    %c0_i32_1 = arith.constant 0 : i32
    return %c0_i32, %c0_i32_0 : i32, i32
  }
  func.func @transform_10(%arg0: i32) -> (i32, i32) {
    %c0_i32 = arith.constant 0 : i32
    %c0_i32_0 = arith.constant 0 : i32
    %c0_i32_1 = arith.constant 0 : i32
    return %c0_i32, %c0_i32_0 : i32, i32
  }
}

</mosaic_0001>

<sc_bundles>
// kernel: kernel.11.cloned.1.call-start
scs
__scs_entry_jumppad:
0x0: {  	(pc) =	sbr.rel $0x88, $3  }
0x1: {  	(tag) =	ssettag $0x0;
	lr =	simm.s32 $0x1  }
0x2: {  	[smem:$0x3F95] =	sst lr;
	_ =	strace $0xD0000000  }
0x3: {  	_ = 	snop  }
0x4: {  	_ = 	snop  }
0x5: {  	_ = 	snop  }
0x6: {  	_ = 	snop  }
0x7: {  	_ = 	snop  }
__scs_overlays_trampoline_lowered:
0x8: {  	[smem:$0x3FA4] =	sst s0  }
0x9: {  	[smem:$0x3FA5] =	sst s1  }
0xa: {  	[smem:$0x3FA6] =	sst s2  }
0xb: {  	[smem:$0x3FA7] =	sst s3  }
0xc: {  	[smem:$0x3FA8] =	sst s4  }
0xd: {  	[smem:$0x3FA9] =	sst s5  }
0xe: {  	[smem:$0x3FAA] =	sst s6  }
0xf: {  	[smem:$0x3FAB] =	sst s7  }
0x10: {  	[smem:$0x3FAC] =	sst s8  }
0x11: {  	[smem:$0x3FAD] =	sst s9;
	s0 =	simm.s32 @!p0 $0x0  }
0x12: {  	s1 =	sld [smem:$0x3F93];
	s0 =	simm.s32 @p0 $0x1  }
0x13: {  	[smem:$0x3FAE] =	sst s0;
	s0 =	simm.s32 @!p1 $0x0  }
0x14: {  	s2 =	sld [smem:$0x3F92];
	s0 =	simm.s32 @p1 $0x1  }
0x15: {  	[smem:$0x3FAF] =	sst s0;
	s0 =	simm.s32 @!p2 $0x0  }
0x16: {  	s3 =	sld [smem:$0x3FDB];
	s0 =	simm.s32 @p2 $0x1  }
0x17: {  	s4 =	simm.s32 $0x1BF5;
	[smem:$0x3FB1] =	sst s0  }
0x18: {  	s0 =	sld [smem:$0x3F94];
	_ =	swait.ge [sflag:s4], $0x0  }
0x19: {  	s7 =	sld [smem:$0x3F95]  }
0x1a: {  	s8 =	sadd.s32 $0xFFFFE003, lr  }
0x1b: {  	s9 =	sadd.s32 $0xFFFFFEF7, lr;
	s5 =	simm.s32 $0xFFFFFFFF;
	p2 =	slt.u32 s8, $0xFFFFF086  }
0x1c: {  	p1 =	slt.u32 s9, $0xF7A;
	s5 =	simm.s32 @!p2 $0x0  }
0x1d: {  	s5 =	simm.s32 @p1 $0x1;
	p0 =	seq.s32 s7, s2  }
0x1e: {  	s7 =	smul.u32 @!p0 $0xF7A, s2;
	p2 =	seq.s32 @!p0 s5, $0x0  }
0x1f: {  	s9 =	smul.u32 $0xF7A, s1;
	s8 =	simm.s32 @!p0 $0x1BF5;
	p2 =	por !p2, p0  }
0x20: {  	[sflag:s8] =	ssyncset.s32 @!p0 $0xFFFFF086;
	s6 =	sadd.s32 @!p0 s3, s7;
	s7 =	simm.s32 @!p0 $0x108  }
0x21: {  	s3 =	sadd.s32 s3, s9;
	s6 =	sadd.s32 @!p0 $0x88, s6;
	s7 =	simm.s32 @p2 $0x1082  }
0x22: {  	[simem:s7], [sflag:s8] =	dma.local @!p0 [hbm:s6], $0xF7A  }
0x23: {  	s9 =	sor.u32 $0xD0000000, s2;
	s6 =	simm.s32 $0x108;
	_ =	swait.ge @!p0 [sflag:s8], $0x0  }
0x24: {  	s3 =	sadd.s32 $0x88, s3;
	s6 =	simm.s32 @!p1 $0x1082;
	[sflag:s4] =	ssyncset.s32 $0xFFFFF086  }
0x25: {  	[simem:s6], [sflag:s4] =	dma.local [hbm:s3], $0xF7A  }
0x26: {  	[smem:$0x3F95] =	sst s1;
	(tag) =	ssettag s2;
	_ =	strace s9  }
0x27: {  	s1 =	sld [smem:$0x3FA5]  }
0x28: {  	s2 =	sld [smem:$0x3FA6]  }
0x29: {  	s4 =	sld [smem:$0x3FA8]  }
0x2a: {  	p0 =	seq.s32 s5, $0x0;
	s5 =	sld [smem:$0x3FA9]  }
0x2b: {  	s6 =	sld [smem:$0x3FAA]  }
0x2c: {  	s7 =	sld [smem:$0x3FAB]  }
0x2d: {  	s3 =	simm.s32 $0x108;
	s8 =	sld [smem:$0x3FAC]  }
0x2e: {  	s3 =	simm.s32 @!p0 $0x1082;
	s9 =	sld [smem:$0x3FAD]  }
0x2f: {  	lr =	sadd.s32 s0, s3;
	s0 =	sld [smem:$0x3FA4]  }
0x30: {  	s3 =	sld [smem:$0x3FA7]  }
0x31: {  	[smem:$0x3FB0] =	sst s10  }
0x32: {  	s10 =	sld [smem:$0x3FAE];
	_ =	sdelay $0x3  }
0x33: {  	p0 =	seq.s32 s10, $0x1;
	s10 =	sld [smem:$0x3FB0];
	_ =	sdelay $0x3  }
0x34: {  	[smem:$0x3FB0] =	sst s10  }
0x35: {  	s10 =	sld [smem:$0x3FAF];
	_ =	sdelay $0x3  }
0x36: {  	p1 =	seq.s32 s10, $0x1;
	s10 =	sld [smem:$0x3FB0];
	_ =	sdelay $0x3  }
0x37: {  	[smem:$0x3FB0] =	sst s10  }
0x38: {  	s10 =	sld [smem:$0x3FB1]  }
0x39: {  	_ = 	snop;
	(pc) =	sbr.ind lr, $3  }
0x3a: {  	_ = 	snop  }
0x3b: {  	_ = 	snop  }
0x3c: {  	p2 =	seq.s32 s10, $0x1;
	s10 =	sld [smem:$0x3FB0]  }
0x3d: {  	_ =	shalt  }
0x3e: {  	_ =	shalt  }
0x3f: {  	_ =	shalt  }
0x40: {  	_ =	shalt  }
0x41: {  	_ =	shalt  }
0x42: {  	_ =	shalt  }
0x43: {  	_ =	shalt  }
0x44: {  	_ =	shalt  }
0x45: {  	_ =	shalt  }
0x46: {  	_ =	shalt  }
0x47: {  	_ =	shalt  }
0x48: {  	_ =	shalt  }
0x49: {  	_ =	shalt  }
0x4a: {  	_ =	shalt  }
0x4b: {  	_ =	shalt  }
0x4c: {  	_ =	shalt  }
0x4d: {  	_ =	shalt  }
0x4e: {  	_ =	shalt  }
0x4f: {  	_ =	shalt  }
0x50: {  	_ =	shalt  }
0x51: {  	_ =	shalt  }
0x52: {  	_ =	shalt  }
0x53: {  	_ =	shalt  }
0x54: {  	_ =	shalt  }
0x55: {  	_ =	shalt  }
0x56: {  	_ =	shalt  }
0x57: {  	_ =	shalt  }
0x58: {  	_ =	shalt  }
0x59: {  	_ =	shalt  }
0x5a: {  	_ =	shalt  }
0x5b: {  	_ =	shalt  }
0x5c: {  	_ =	shalt  }
0x5d: {  	_ =	shalt  }
0x5e: {  	_ =	shalt  }
0x5f: {  	_ =	shalt  }
0x60: {  	_ =	shalt  }
0x61: {  	_ =	shalt  }
0x62: {  	_ =	shalt  }
0x63: {  	_ =	shalt  }
0x64: {  	_ =	shalt  }
0x65: {  	_ =	shalt  }
0x66: {  	_ =	shalt  }
0x67: {  	_ =	shalt  }
0x68: {  	_ =	shalt  }
0x69: {  	_ =	shalt  }
0x6a: {  	_ =	shalt  }
0x6b: {  	_ =	shalt  }
0x6c: {  	_ =	shalt  }
0x6d: {  	_ =	shalt  }
0x6e: {  	_ =	shalt  }
0x6f: {  	_ =	shalt  }
0x70: {  	_ =	shalt  }
0x71: {  	_ =	shalt  }
0x72: {  	_ =	shalt  }
0x73: {  	_ =	shalt  }
0x74: {  	_ =	shalt  }
0x75: {  	_ =	shalt  }
0x76: {  	_ =	shalt  }
0x77: {  	_ =	shalt  }
0x78: {  	_ =	shalt  }
0x79: {  	_ =	shalt  }
0x7a: {  	_ =	shalt  }
0x7b: {  	_ =	shalt  }
0x7c: {  	_ =	shalt  }
0x7d: {  	_ =	shalt  }
0x7e: {  	_ =	shalt  }
0x7f: {  	_ =	shalt  }
0x80: {  	_ =	shalt  }
0x81: {  	_ =	shalt  }
0x82: {  	_ =	shalt  }
0x83: {  	_ =	shalt  }
0x84: {  	_ =	shalt  }
0x85: {  	_ =	shalt  }
0x86: {  	_ =	shalt  }
0x87: {  	_ =	shalt  }
.Lfunc_end0:
.L_simem_size_0:
called_computation_lowered:
.L_overlay_start_0:
0x88: {  	s2 =	sld [smem:$0x3FD9]  }
0x89: {  	s3 =	sld [smem:$0x3FFE];
	_ =	sdelay $0x1  }
0x8a: {  	s1 =	srdreg.scid  }
0x8b: {  	s0 =	sand.u32 $0x1, s1  }
0x8c: {  	s16 =	sshll.u32 s0, $0xA;
	s2 =	sadd.s32 s3, s2  }
0x8d: {  	s2 =	sadd.s32 s2, s16  }
0x8e: {  	[smem:$0x3FBC] =	sst s2  }
0x8f: {  	_ = 	snop  }
0x90: {  	(tm) =	ssettm $0x1  }
0x91: {  	s17 =	sld [smem:$0x3FFB];
	_ =	sdelay $0x3  }
0x92: {  	_ =	strace s17  }
0x93: {  	s2 =	sld [smem:$0x3FFC];
	_ =	sdelay $0x3  }
0x94: {  	_ =	strace s2  }
0x95: {  	s2 =	sld [smem:$0x3FFD];
	_ =	sdelay $0x3  }
0x96: {  	_ =	strace s2  }
0x97: {  	_ =	strace $0x8FFFFFFF  }
0x98: {  	s18 =	sld [smem:$0x3FDB];
	_ =	sdelay $0x1  }
0x99: {  	s19 =	simm.s32 $_scs_section_size  }
0x9a: {  	s4 =	simm.s32 $_size__tile_overlayer_lowered;
	s5 =	simm.s32 $_tile_overlayer_lowered  }
0x9b: {  	s22 =	simm.s32 $0x1BFF;
	s21 =	sshll.u32 s5, $0x1;
	s2 =	sadd.s32 s19, s18  }
0x9c: {  	s6 =	simm.s32 $0x0;
	s20 =	sshll.u32 s4, $0x1;
	s4 =	sadd.s32 s21, s2  }
0x9d: {  	[timem:s6], [sflag:s22] =	dma.local [hbm:s4], s20  }
0x9e: {  	_ =	swait.ge [sflag:s22], s20  }
0x9f: {  	s3 =	ssub.s32 $0x0, s20;
	[sflag:s22] =	ssyncset.done $0x0  }
0xa0: {  	[sflag:s22] =	ssyncadd.s32 s3;
	_ =	sdelay $0x1  }
0xa1: {  	s23 =	simm.s32 $0x1B8B  }
0xa2: {  	_ =	swait.ge [sflag:s23], $0x1  }
0xa3: {  	[sflag:s23] =	ssyncset.done $0x0  }
0xa4: {  	s25 =	simm.s32 $0x1B8E;
	s24 =	sld [smem:$0x3FFE];
	[sflag:s23] =	ssyncadd.s32 $0xFFFFFFFF  }
0xa5: {  	s26 =	simm.s32 $execute0_lowered;
	[smem:$0x3FD2] =	sst s25  }
0xa6: {  	s4 =	sshll.u32 s26, $0x1;
	_ =	strace $0x80000046;
	[dreg:$0x1] =	wrdreg $0xFFFFFFFF  }
0xa7: {  	s28 =	simm.s32 $_size_execute0_lowered;
	s2 =	sadd.s32 s2, s4;
	[dreg:$0x0] =	wrdreg $0x0  }
0xa8: {  	s4 =	sshll.u32 s28, $0x1;
	[dreg:$0x2] =	wrdreg s2  }
0xa9: {  	[dreg:$0x3] =	wrdreg s4  }
0xaa: {  	[dreg:$0x4] =	wrdreg $0xC0  }
0xab: {  	_ =	task [dreg:s6], $0x5FFFF  }
0xac: {  	[dreg:$0x1] =	wrdreg $0xFFFFFFFF  }
0xad: {  	[dreg:$0x0] =	wrdreg $0x60  }
0xae: {  	[dreg:$0x2] =	wrdreg s24  }
0xaf: {  	[dreg:$0x3] =	wrdreg $0x0  }
0xb0: {  	[dreg:$0x4] =	wrdreg $0x9  }
0xb1: {  	_ =	task.clear_ibuf [dreg:s6], $0x5FFFF;
	_ =	strace $0x90000046  }
0xb2: {  	s29 =	simm.s32 $0x9;
	_ =	strace $0x80000048  }
0xb3: {  	_ =	swait.ge [sflag:s29], $0x1  }
0xb4: {  	[sflag:s29] =	ssyncadd.s32 $0xFFFFFFFF  }
0xb5: {  	_ =	strace $0x90000048  }
0xb6: {  	_ =	sfence  }
0xb7: {  	s30 =	sld [smem:$0x0];
	_ =	sdelay $0x2  }
0xb8: {  	s31 =	sshll.u32 s1, $0xD;
	s1 =	sshrl.u32 s1, $0x2  }
0xb9: {  	s3 =	sand.u32 $0x4000, s31;
	s1 =	sadd.s32 s1, s30  }
0xba: {  	s0 =	sor.u32 s3, s0;
	s1 =	sshll.u32 s1, $0x11  }
0xbb: {  	s0 =	sor.u32 s1, s0  }
0xbc: {  	s0 =	sadd.s32 $0x8F2B, s0  }
0xbd: {  	[sflag:s0] =	ssyncadd.remote.s32 $0x1  }
0xbe: {  	_ =	sfence.sel $0xFFFF  }
0xbf: {  	[dreg:$0x0] =	wrdreg $0xFFFFFFFF;
	(pc) =	sbr.abs _section_cstart, $3  }
0xc0: {  	[dreg:$0x1] =	wrdreg $0xFFFFFFFF  }
0xc1: {  	_ =	task.clear_ibuf [dreg:s6], $0x2FFFF;
	_ =	strace $0x9FFFFFFF  }
0xc2: {  	(tm) =	ssettm $0x7FFFFFFF  }
0xc3: {  	_ =	shalt  }
tec
execute0_lowered:
.L_overlay_start_1:
0x0: {  	(tag) =	ssettag $0x1  }
0x1: {  	s4 =	rddreg [dreg:$0x0]  }
0x2: {  	s2 =	rddreg [dreg:$0x1]  }
0x3: {  	s0 =	srdreg.scid;
	s1 =	rddreg [dreg:$0x2]  }
0x4: {  	s3 =	simm.s32 $0x0;
	s10 =	simm.s32 $0x3C00;
	s11 =	simm.s32 $0x60  }
0x5: {  	s12 =	simm.s32 $0x3B00;
	s13 =	simm.s32 $0x3B80;
	s5 =	sand.u32 $0x1, s0  }
0x6: {  	s16 =	simm.s32 $0x20;
	s0 =	stileid.u32;
	s6 =	smul.u32 $0x38000, s5  }
0x7: {  	s17 =	simm.s32 $0x10;
	s18 =	simm.s32 $0x0;
	s7 =	smul.u32 $0x3800, s0  }
0x8: {  	[smem:$0x7FF] =	sst s3;
	s8 =	smul.u32 $0x500, s0;
	s28 =	sshll.u32 s5, $0x7  }
0x9: {  	_ =	strace $0x80000047;
	s5 =	ssub.s32 $0x2, s5;
	s14 =	sshll.u32 s0, $0x6  }
0xa: {  	s29 =	smul.u32 $0xA00, s0;
	s30 =	sshrl.u32 s5, $0x1;
	s14 =	sor.u32 $0x1C01, s14  }
0xb: {  	s6 =	sadd.s32 s7, s6;
	s7 =	sor.u32 s28, s8;
	s9 =	ssub.s32 s5, s30  }
0xc: {  	s31 =	sshrl.u32 s29, $0x2;
	s8 =	simm.s32 $0x280;
	s6 =	sshrl.u32 s6, $0x3  }
0xd: {  	s7 =	sshrl.u32 s7, $0x3;
	s5 =	sadd.s32 s31, s2;
	s6 =	sadd.s32 s6, s4  }
0xe: {  	s7 =	sadd.s32 s7, s4;
	s15 =	sshrl.u32 s5, $0x3;
	s4 =	sadd.s32 $0x6000, s6  }
0xf: {  	v0 =	vimm.f32 $0.0e+00;
	v1 =	vimm.f32 $1.000000000e+00;
	s6 =	sadd.s32 $0x14000, s7;
	s7 =	smax.u32 s9, $0x1;
	s9 =	simm.s32 $0x1  }
.LBB2_1:
0x10: {  	[tilespmem:s8], [sflag:$0x1] =	stream.linear.gather [hbm4b:s4+s3], $0x3500, $0x38;
	[tilespmem:$0x3E80] =	vst v63  }
0x11: {  	_ =	swait.ge [sflag:s9], $0x3500  }
0x12: {  	[sflag:s9] =	ssyncset.done $0x0  }
0x13: {  	[sflag:s9] =	ssyncadd.s32 $0xFFFFCB00  }
0x14: {  	[tilespmem:$0x3C00] =	vst v0  }
0x15: {  	[tilespmem:$0x3C10] =	vst v0  }
0x16: {  	[tilespmem:$0x3C20] =	vst v0  }
0x17: {  	[tilespmem:$0x3C30] =	vst v0  }
0x18: {  	[tilespmem:$0x3C40] =	vst v0  }
0x19: {  	[tilespmem:$0x3C50] =	vst v0  }
0x1a: {  	[tilespmem:$0x3C60] =	vst v0  }
0x1b: {  	[tilespmem:$0x3C70] =	vst v0  }
0x1c: {  	[tilespmem:$0x3C80] =	vst v0  }
0x1d: {  	[tilespmem:$0x3C90] =	vst v0  }
0x1e: {  	[tilespmem:$0x3CA0] =	vst v0  }
0x1f: {  	[tilespmem:$0x3CB0] =	vst v0  }
0x20: {  	[tilespmem:$0x3CC0] =	vst v0  }
0x21: {  	[tilespmem:$0x3CD0] =	vst v0  }
0x22: {  	[tilespmem:$0x3CE0] =	vst v0  }
0x23: {  	[tilespmem:$0x3CF0] =	vst v0  }
0x24: {  	[tilespmem:$0x3D00] =	vst v0  }
0x25: {  	[tilespmem:$0x3D10] =	vst v0  }
0x26: {  	[tilespmem:$0x3D20] =	vst v0  }
0x27: {  	[tilespmem:$0x3D30] =	vst v0  }
0x28: {  	[tilespmem:$0x3D40] =	vst v0  }
0x29: {  	[tilespmem:$0x3D50] =	vst v0  }
0x2a: {  	[tilespmem:$0x3D60] =	vst v0  }
0x2b: {  	[tilespmem:$0x3D70] =	vst v0  }
0x2c: {  	[tilespmem:$0x3D80] =	vst v0  }
0x2d: {  	[tilespmem:$0x3D90] =	vst v0  }
0x2e: {  	[tilespmem:$0x3DA0] =	vst v0  }
0x2f: {  	[tilespmem:$0x3DB0] =	vst v0  }
0x30: {  	[tilespmem:$0x3DC0] =	vst v0  }
0x31: {  	[tilespmem:$0x3DD0] =	vst v0  }
0x32: {  	[tilespmem:$0x3DE0] =	vst v0  }
0x33: {  	[tilespmem:$0x3DF0] =	vst v0  }
0x34: {  	[tilespmem:$0x3E00] =	vst v0  }
0x35: {  	[tilespmem:$0x3E10] =	vst v0  }
0x36: {  	[tilespmem:$0x3E20] =	vst v0  }
0x37: {  	[tilespmem:$0x3E30] =	vst v0  }
0x38: {  	[tilespmem:$0x3E40] =	vst v0  }
0x39: {  	[tilespmem:$0x3E50] =	vst v0  }
0x3a: {  	[tilespmem:$0x3E60] =	vst v0  }
0x3b: {  	[tilespmem:$0x3E70] =	vst v0  }
0x3c: {  	[tilespmem:$0x3B80] =	vst v1  }
0x3d: {  	[tilespmem:$0x3B90] =	vst v1  }
0x3e: {  	[tilespmem:$0x3BA0] =	vst v1  }
0x3f: {  	[tilespmem:$0x3BB0] =	vst v1  }
0x40: {  	[tilespmem:$0x3BC0] =	vst v1  }
0x41: {  	[tilespmem:$0x3BD0] =	vst v1  }
0x42: {  	[spmem:s5] =	stream.linear.scatter [tilespmem:s10], [sflag:$0x1], $0x280, $0x38;
	[tilespmem:$0x3E80] =	vst v63  }
0x43: {  	_ =	swait.ge [sflag:s9], $0x280  }
0x44: {  	[sflag:s9] =	ssyncset.done $0x0  }
0x45: {  	[sflag:s9] =	ssyncadd.s32 $0xFFFFFD80  }
0x46: {  	s19 =	simm.s32 $0x0;
	[bflag:$0x0] =	sbarrier.arrive $0xFFFF  }
0x47: {  	v2 =	vld [tilespmem:s19+$0x280];
	_ =	sdelay $0x4  }
0x48: {  	v2 =	vshrl.u32 v2, $0x10  }
0x49: {  	[tilespmem:$0x3B00] =	vst v2  }
0x4a: {  	v2 =	vld [tilespmem:s19+$0x290];
	_ =	sdelay $0x4  }
0x4b: {  	v2 =	vshrl.u32 v2, $0x10  }
0x4c: {  	[tilespmem:$0x3B10] =	vst v2  }
0x4d: {  	v2 =	vld [tilespmem:s19+$0x2A0];
	_ =	sdelay $0x4  }
0x4e: {  	v2 =	vshrl.u32 v2, $0x10  }
0x4f: {  	[tilespmem:$0x3B20] =	vst v2  }
0x50: {  	v2 =	vld [tilespmem:s19+$0x2B0];
	_ =	sdelay $0x4  }
0x51: {  	v2 =	vshrl.u32 v2, $0x10  }
0x52: {  	[tilespmem:$0x3B30] =	vst v2  }
0x53: {  	v2 =	vld [tilespmem:s19+$0x2C0];
	_ =	sdelay $0x4  }
0x54: {  	v2 =	vshrl.u32 v2, $0x10  }
0x55: {  	[tilespmem:$0x3B40] =	vst v2  }
0x56: {  	v2 =	vld [tilespmem:s19+$0x2D0];
	_ =	sdelay $0x4  }
0x57: {  	v2 =	vshrl.u32 v2, $0x10  }
0x58: {  	[tilespmem:$0x3B50] =	vst v2  }
0x59: {  	[spmem:s2] =	stream.indirect.scatter.add.f32 [tilespmem:s13], [sflag:$0x1], $0x1, s12, s11, $0xb8;
	[tilespmem:$0x3E80] =	vst v63  }
0x5a: {  	_ =	swait.ge [sflag:s9], $0x60  }
0x5b: {  	s21 =	simm.s32 $0x400;
	s19 =	simm.s32 $0x200;
	[sflag:s9] =	ssyncset.done $0x0  }
.LBB2_2:
0x5c: {  	s22 =	sshra.s32 s19, $0x2  }
0x5d: {  	[sflag:s9] =	ssyncadd.s32 $0xFFFFFFA0;
	s19 =	smov.u32 s21;
	s20 =	sadd.s32 $0x200, s21  }
0x5e: {  	p0 =	sne.s32 s21, $0xD200;
	v2 =	vld [tilespmem:s22+$0x280];
	_ =	sdelay $0x4  }
0x5f: {  	v2 =	vshrl.u32 v2, $0x10  }
0x60: {  	[tilespmem:$0x3B00] =	vst v2  }
0x61: {  	v2 =	vld [tilespmem:s22+$0x290];
	_ =	sdelay $0x4  }
0x62: {  	v2 =	vshrl.u32 v2, $0x10  }
0x63: {  	[tilespmem:$0x3B10] =	vst v2  }
0x64: {  	v2 =	vld [tilespmem:s22+$0x2A0];
	_ =	sdelay $0x4  }
0x65: {  	v2 =	vshrl.u32 v2, $0x10  }
0x66: {  	[tilespmem:$0x3B20] =	vst v2  }
0x67: {  	v2 =	vld [tilespmem:s22+$0x2B0];
	_ =	sdelay $0x4  }
0x68: {  	v2 =	vshrl.u32 v2, $0x10  }
0x69: {  	[tilespmem:$0x3B30] =	vst v2  }
0x6a: {  	v2 =	vld [tilespmem:s22+$0x2C0];
	_ =	sdelay $0x4  }
0x6b: {  	v2 =	vshrl.u32 v2, $0x10  }
0x6c: {  	[tilespmem:$0x3B40] =	vst v2  }
0x6d: {  	v2 =	vld [tilespmem:s22+$0x2D0];
	_ =	sdelay $0x4  }
.Ltmp0:
0x6e: {  	v2 =	vshrl.u32 v2, $0x10;
	(pc) =	sbr.rel @p0 .LBB2_2-.Ltmp0, $4  }
0x6f: {  	[tilespmem:$0x3B50] =	vst v2  }
0x70: {  	[spmem:s2] =	stream.indirect.scatter.add.f32 [tilespmem:s13], [sflag:$0x1], $0x1, s12, s11, $0xb8;
	[tilespmem:$0x3E80] =	vst v63  }
0x71: {  	_ =	swait.ge [sflag:s9], $0x60  }
0x72: {  	s21 =	smov.u32 s20;
	[sflag:s9] =	ssyncset.done $0x0  }
0x73: {  	s19 =	sshra.s32 s19, $0x2;
	[sflag:s9] =	ssyncadd.s32 $0xFFFFFFA0  }
0x74: {  	v2 =	vld [tilespmem:s19+$0x280];
	_ =	sdelay $0x4  }
0x75: {  	v2 =	vshrl.u32 v2, $0x10  }
0x76: {  	[tilespmem:$0x3B00] =	vst v2  }
0x77: {  	v2 =	vld [tilespmem:s19+$0x290];
	_ =	sdelay $0x4  }
0x78: {  	v2 =	vshrl.u32 v2, $0x10  }
0x79: {  	[tilespmem:$0x3B10] =	vst v2  }
0x7a: {  	v2 =	vld [tilespmem:s19+$0x2A0];
	_ =	sdelay $0x4  }
0x7b: {  	v2 =	vshrl.u32 v2, $0x10  }
0x7c: {  	[tilespmem:$0x3B20] =	vst v2  }
0x7d: {  	v2 =	vld [tilespmem:s19+$0x2B0];
	_ =	sdelay $0x4  }
0x7e: {  	v2 =	vshrl.u32 v2, $0x10  }
0x7f: {  	[tilespmem:$0x3B30] =	vst v2  }
0x80: {  	v2 =	vld [tilespmem:s19+$0x2C0];
	_ =	sdelay $0x4  }
0x81: {  	v2 =	vshrl.u32 v2, $0x10  }
0x82: {  	[tilespmem:$0x3B40] =	vst v2  }
0x83: {  	v2 =	vld [tilespmem:s19+$0x2D0];
	_ =	sdelay $0x4  }
0x84: {  	v2 =	vshrl.u32 v2, $0x10  }
0x85: {  	[tilespmem:$0x3B50] =	vst v2  }
0x86: {  	[spmem:s2] =	stream.indirect.scatter.add.f32 [tilespmem:s13], [sflag:$0x1], $0x1, s12, s11, $0xb8;
	[tilespmem:$0x3E80] =	vst v63  }
0x87: {  	_ =	swait.ge [sflag:s9], $0x60  }
0x88: {  	s18 =	sadd.s32 $0x1, s18;
	[sflag:s9] =	ssyncset.done $0x0  }
0x89: {  	p0 =	sne.s32 s18, s7;
	[sflag:s9] =	ssyncadd.s32 $0xFFFFFFA0  }
.Ltmp1:
0x8a: {  	[bflag:$0x0] =	sbarrier.arrive $0xFFFF;
	(pc) =	sbr.rel @p0 .LBB2_1-.Ltmp1, $4  }
0x8b: {  	[hbm:s6@s16], [sflag:s14] =	dma.strided [spmem:s15@s17], $0x50, s9, $0x10   }
0x8c: {  	_ =	swait.ge [sflag:s9], $0x50  }
0x8d: {  	[sflag:s9] =	ssyncset.done $0x0  }
0x8e: {  	[sflag:s9] =	ssyncadd.s32 $0xFFFFFFB0  }
0x8f: {  	_ =	sfence.sel $0x180000  }
0x90: {  	[bflag:$0x0] =	sbarrier.arrive $0xFFFF  }
0x91: {  	p0 =	sne.s32 s0, $0x0;
	_ =	strace $0x90000047  }
0x92: {  	s0 =	sadd.s32 @!p0 $0x100000, s1;
	[bflag:$0x2] =	sbarrier.arrive $0xFFFF  }
0x93: {  	[sflag:s0] =	ssyncadd.tile.s32 @!p0 $0x1;
	_ =	shalt  }
.Lfunc_end2:
_tile_overlayer_lowered:
.L_overlay_start_2:
0x94: {  	(tag) =	ssettag $0x2  }
0x95: {  	s0 =	rddreg [dreg:$0x0];
	s2 =	stileid.u32  }
0x96: {  	s1 =	rddreg [dreg:$0x1];
	p0 =	sne.s32 s2, $0x0  }
0x97: {  	s3 =	rddreg [dreg:$0x2];
	[bflag:$0x3] =	sbarrier.arrive $0xFFFF;
	s2 =	simm.s32 @!p0 $0x1C01  }
0x98: {  	[timem:s3], [sflag:s2] =	dma.local @!p0 [hbm:s0], s1  }
0x99: {  	s0 =	simm.s32 @!p0 $0x1  }
0x9a: {  	_ =	swait.ge @!p0 [sflag:s0], s1  }
0x9b: {  	s1 =	ssub.s32 @!p0 $0x0, s1;
	[sflag:s0] =	ssyncset.done @!p0 $0x0  }
0x9c: {  	[sflag:s0] =	ssyncadd.s32 @!p0 s1  }
0x9d: {  	[bflag:$0x3] =	sbarrier.arrive $0xFFFF  }
0x9e: {  	_ =	shalt  }

// kernel: kernel.14.cloned.1.call-start
scs
__scs_entry_jumppad:
0x0: {  	(pc) =	sbr.rel $0x88, $3  }
0x1: {  	(tag) =	ssettag $0x0;
	lr =	simm.s32 $0x1  }
0x2: {  	[smem:$0x3F95] =	sst lr;
	_ =	strace $0xD0000000  }
0x3: {  	_ = 	snop  }
0x4: {  	_ = 	snop  }
0x5: {  	_ = 	snop  }
0x6: {  	_ = 	snop  }
0x7: {  	_ = 	snop  }
__scs_overlays_trampoline_lowered:
0x8: {  	[smem:$0x3FA4] =	sst s0  }
0x9: {  	[smem:$0x3FA5] =	sst s1  }
0xa: {  	[smem:$0x3FA6] =	sst s2  }
0xb: {  	[smem:$0x3FA7] =	sst s3  }
0xc: {  	[smem:$0x3FA8] =	sst s4  }
0xd: {  	[smem:$0x3FA9] =	sst s5  }
0xe: {  	[smem:$0x3FAA] =	sst s6  }
0xf: {  	[smem:$0x3FAB] =	sst s7  }
0x10: {  	[smem:$0x3FAC] =	sst s8  }
0x11: {  	[smem:$0x3FAD] =	sst s9;
	s0 =	simm.s32 @!p0 $0x0  }
0x12: {  	s1 =	sld [smem:$0x3F93];
	s0 =	simm.s32 @p0 $0x1  }
0x13: {  	[smem:$0x3FAE] =	sst s0;
	s0 =	simm.s32 @!p1 $0x0  }
0x14: {  	s2 =	sld [smem:$0x3F92];
	s0 =	simm.s32 @p1 $0x1  }
0x15: {  	[smem:$0x3FAF] =	sst s0;
	s0 =	simm.s32 @!p2 $0x0  }
0x16: {  	s3 =	sld [smem:$0x3FDB];
	s0 =	simm.s32 @p2 $0x1  }
0x17: {  	s4 =	simm.s32 $0x1BF5;
	[smem:$0x3FB1] =	sst s0  }
0x18: {  	s0 =	sld [smem:$0x3F94];
	_ =	swait.ge [sflag:s4], $0x0  }
0x19: {  	s7 =	sld [smem:$0x3F95]  }
0x1a: {  	s8 =	sadd.s32 $0xFFFFE003, lr  }
0x1b: {  	s9 =	sadd.s32 $0xFFFFFEF7, lr;
	s5 =	simm.s32 $0xFFFFFFFF;
	p2 =	slt.u32 s8, $0xFFFFF086  }
0x1c: {  	p1 =	slt.u32 s9, $0xF7A;
	s5 =	simm.s32 @!p2 $0x0  }
0x1d: {  	s5 =	simm.s32 @p1 $0x1;
	p0 =	seq.s32 s7, s2  }
0x1e: {  	s7 =	smul.u32 @!p0 $0xF7A, s2;
	p2 =	seq.s32 @!p0 s5, $0x0  }
0x1f: {  	s9 =	smul.u32 $0xF7A, s1;
	s8 =	simm.s32 @!p0 $0x1BF5;
	p2 =	por !p2, p0  }
0x20: {  	[sflag:s8] =	ssyncset.s32 @!p0 $0xFFFFF086;
	s6 =	sadd.s32 @!p0 s3, s7;
	s7 =	simm.s32 @!p0 $0x108  }
0x21: {  	s3 =	sadd.s32 s3, s9;
	s6 =	sadd.s32 @!p0 $0x88, s6;
	s7 =	simm.s32 @p2 $0x1082  }
0x22: {  	[simem:s7], [sflag:s8] =	dma.local @!p0 [hbm:s6], $0xF7A  }
0x23: {  	s9 =	sor.u32 $0xD0000000, s2;
	s6 =	simm.s32 $0x108;
	_ =	swait.ge @!p0 [sflag:s8], $0x0  }
0x24: {  	s3 =	sadd.s32 $0x88, s3;
	s6 =	simm.s32 @!p1 $0x1082;
	[sflag:s4] =	ssyncset.s32 $0xFFFFF086  }
0x25: {  	[simem:s6], [sflag:s4] =	dma.local [hbm:s3], $0xF7A  }
0x26: {  	[smem:$0x3F95] =	sst s1;
	(tag) =	ssettag s2;
	_ =	strace s9  }
0x27: {  	s1 =	sld [smem:$0x3FA5]  }
0x28: {  	s2 =	sld [smem:$0x3FA6]  }
0x29: {  	s4 =	sld [smem:$0x3FA8]  }
0x2a: {  	p0 =	seq.s32 s5, $0x0;
	s5 =	sld [smem:$0x3FA9]  }
0x2b: {  	s6 =	sld [smem:$0x3FAA]  }
0x2c: {  	s7 =	sld [smem:$0x3FAB]  }
0x2d: {  	s3 =	simm.s32 $0x108;
	s8 =	sld [smem:$0x3FAC]  }
0x2e: {  	s3 =	simm.s32 @!p0 $0x1082;
	s9 =	sld [smem:$0x3FAD]  }
0x2f: {  	lr =	sadd.s32 s0, s3;
	s0 =	sld [smem:$0x3FA4]  }
0x30: {  	s3 =	sld [smem:$0x3FA7]  }
0x31: {  	[smem:$0x3FB0] =	sst s10  }
0x32: {  	s10 =	sld [smem:$0x3FAE];
	_ =	sdelay $0x3  }
0x33: {  	p0 =	seq.s32 s10, $0x1;
	s10 =	sld [smem:$0x3FB0];
	_ =	sdelay $0x3  }
0x34: {  	[smem:$0x3FB0] =	sst s10  }
0x35: {  	s10 =	sld [smem:$0x3FAF];
	_ =	sdelay $0x3  }
0x36: {  	p1 =	seq.s32 s10, $0x1;
	s10 =	sld [smem:$0x3FB0];
	_ =	sdelay $0x3  }
0x37: {  	[smem:$0x3FB0] =	sst s10  }
0x38: {  	s10 =	sld [smem:$0x3FB1]  }
0x39: {  	_ = 	snop;
	(pc) =	sbr.ind lr, $3  }
0x3a: {  	_ = 	snop  }
0x3b: {  	_ = 	snop  }
0x3c: {  	p2 =	seq.s32 s10, $0x1;
	s10 =	sld [smem:$0x3FB0]  }
0x3d: {  	_ =	shalt  }
0x3e: {  	_ =	shalt  }
0x3f: {  	_ =	shalt  }
0x40: {  	_ =	shalt  }
0x41: {  	_ =	shalt  }
0x42: {  	_ =	shalt  }
0x43: {  	_ =	shalt  }
0x44: {  	_ =	shalt  }
0x45: {  	_ =	shalt  }
0x46: {  	_ =	shalt  }
0x47: {  	_ =	shalt  }
0x48: {  	_ =	shalt  }
0x49: {  	_ =	shalt  }
0x4a: {  	_ =	shalt  }
0x4b: {  	_ =	shalt  }
0x4c: {  	_ =	shalt  }
0x4d: {  	_ =	shalt  }
0x4e: {  	_ =	shalt  }
0x4f: {  	_ =	shalt  }
0x50: {  	_ =	shalt  }
0x51: {  	_ =	shalt  }
0x52: {  	_ =	shalt  }
0x53: {  	_ =	shalt  }
0x54: {  	_ =	shalt  }
0x55: {  	_ =	shalt  }
0x56: {  	_ =	shalt  }
0x57: {  	_ =	shalt  }
0x58: {  	_ =	shalt  }
0x59: {  	_ =	shalt  }
0x5a: {  	_ =	shalt  }
0x5b: {  	_ =	shalt  }
0x5c: {  	_ =	shalt  }
0x5d: {  	_ =	shalt  }
0x5e: {  	_ =	shalt  }
0x5f: {  	_ =	shalt  }
0x60: {  	_ =	shalt  }
0x61: {  	_ =	shalt  }
0x62: {  	_ =	shalt  }
0x63: {  	_ =	shalt  }
0x64: {  	_ =	shalt  }
0x65: {  	_ =	shalt  }
0x66: {  	_ =	shalt  }
0x67: {  	_ =	shalt  }
0x68: {  	_ =	shalt  }
0x69: {  	_ =	shalt  }
0x6a: {  	_ =	shalt  }
0x6b: {  	_ =	shalt  }
0x6c: {  	_ =	shalt  }
0x6d: {  	_ =	shalt  }
0x6e: {  	_ =	shalt  }
0x6f: {  	_ =	shalt  }
0x70: {  	_ =	shalt  }
0x71: {  	_ =	shalt  }
0x72: {  	_ =	shalt  }
0x73: {  	_ =	shalt  }
0x74: {  	_ =	shalt  }
0x75: {  	_ =	shalt  }
0x76: {  	_ =	shalt  }
0x77: {  	_ =	shalt  }
0x78: {  	_ =	shalt  }
0x79: {  	_ =	shalt  }
0x7a: {  	_ =	shalt  }
0x7b: {  	_ =	shalt  }
0x7c: {  	_ =	shalt  }
0x7d: {  	_ =	shalt  }
0x7e: {  	_ =	shalt  }
0x7f: {  	_ =	shalt  }
0x80: {  	_ =	shalt  }
0x81: {  	_ =	shalt  }
0x82: {  	_ =	shalt  }
0x83: {  	_ =	shalt  }
0x84: {  	_ =	shalt  }
0x85: {  	_ =	shalt  }
0x86: {  	_ =	shalt  }
0x87: {  	_ =	shalt  }
.Lfunc_end0:
.L_simem_size_0:
called_computation.1_lowered:
.L_overlay_start_0:
0x88: {  	s2 =	sld [smem:$0x3FD9]  }
0x89: {  	s3 =	sld [smem:$0x3FFE];
	_ =	sdelay $0x1  }
0x8a: {  	s1 =	srdreg.scid  }
0x8b: {  	s0 =	sand.u32 $0x1, s1  }
0x8c: {  	s16 =	sshll.u32 s0, $0xA;
	s2 =	sadd.s32 s3, s2  }
0x8d: {  	s2 =	sadd.s32 s2, s16  }
0x8e: {  	[smem:$0x3FBC] =	sst s2  }
0x8f: {  	_ = 	snop  }
0x90: {  	(tm) =	ssettm $0x1  }
0x91: {  	s17 =	sld [smem:$0x3FFB];
	_ =	sdelay $0x3  }
0x92: {  	_ =	strace s17  }
0x93: {  	s2 =	sld [smem:$0x3FFC];
	_ =	sdelay $0x3  }
0x94: {  	_ =	strace s2  }
0x95: {  	s2 =	sld [smem:$0x3FFD];
	_ =	sdelay $0x3  }
0x96: {  	_ =	strace s2  }
0x97: {  	_ =	strace $0x8FFFFFFF  }
0x98: {  	s18 =	sld [smem:$0x3FDB];
	_ =	sdelay $0x1  }
0x99: {  	s19 =	simm.s32 $_scs_section_size  }
0x9a: {  	s4 =	simm.s32 $_size__tile_overlayer_lowered;
	s5 =	simm.s32 $_tile_overlayer_lowered  }
0x9b: {  	s22 =	simm.s32 $0x1BFF;
	s21 =	sshll.u32 s5, $0x1;
	s2 =	sadd.s32 s19, s18  }
0x9c: {  	s6 =	simm.s32 $0x0;
	s20 =	sshll.u32 s4, $0x1;
	s4 =	sadd.s32 s21, s2  }
0x9d: {  	[timem:s6], [sflag:s22] =	dma.local [hbm:s4], s20  }
0x9e: {  	_ =	swait.ge [sflag:s22], s20  }
0x9f: {  	s3 =	ssub.s32 $0x0, s20;
	[sflag:s22] =	ssyncset.done $0x0  }
0xa0: {  	[sflag:s22] =	ssyncadd.s32 s3;
	_ =	sdelay $0x1  }
0xa1: {  	s23 =	simm.s32 $0x1B8B  }
0xa2: {  	_ =	swait.ge [sflag:s23], $0x1  }
0xa3: {  	[sflag:s23] =	ssyncset.done $0x0  }
0xa4: {  	s25 =	simm.s32 $0x1B8E;
	s24 =	sld [smem:$0x3FFE];
	[sflag:s23] =	ssyncadd.s32 $0xFFFFFFFF  }
0xa5: {  	s26 =	simm.s32 $execute0_lowered;
	[smem:$0x3FD2] =	sst s25  }
0xa6: {  	s4 =	sshll.u32 s26, $0x1;
	_ =	strace $0x80000049;
	[dreg:$0x1] =	wrdreg $0xFFFFFFFF  }
0xa7: {  	s28 =	simm.s32 $_size_execute0_lowered;
	s2 =	sadd.s32 s2, s4;
	[dreg:$0x0] =	wrdreg $0x0  }
0xa8: {  	s4 =	sshll.u32 s28, $0x1;
	[dreg:$0x2] =	wrdreg s2  }
0xa9: {  	[dreg:$0x3] =	wrdreg s4  }
0xaa: {  	[dreg:$0x4] =	wrdreg $0xC0  }
0xab: {  	_ =	task [dreg:s6], $0x5FFFF  }
0xac: {  	[dreg:$0x1] =	wrdreg $0xFFFFFFFF  }
0xad: {  	[dreg:$0x0] =	wrdreg $0x60  }
0xae: {  	[dreg:$0x2] =	wrdreg s24  }
0xaf: {  	[dreg:$0x3] =	wrdreg $0x0  }
0xb0: {  	[dreg:$0x4] =	wrdreg $0x9  }
0xb1: {  	_ =	task.clear_ibuf [dreg:s6], $0x5FFFF;
	_ =	strace $0x90000049  }
0xb2: {  	s29 =	simm.s32 $0x9;
	_ =	strace $0x8000004B  }
0xb3: {  	_ =	swait.ge [sflag:s29], $0x1  }
0xb4: {  	[sflag:s29] =	ssyncadd.s32 $0xFFFFFFFF  }
0xb5: {  	_ =	strace $0x9000004B  }
0xb6: {  	_ =	sfence  }
0xb7: {  	s30 =	sld [smem:$0x0];
	_ =	sdelay $0x2  }
0xb8: {  	s31 =	sshll.u32 s1, $0xD;
	s1 =	sshrl.u32 s1, $0x2  }
0xb9: {  	s3 =	sand.u32 $0x4000, s31;
	s1 =	sadd.s32 s1, s30  }
0xba: {  	s0 =	sor.u32 s3, s0;
	s1 =	sshll.u32 s1, $0x11  }
0xbb: {  	s0 =	sor.u32 s1, s0  }
0xbc: {  	s0 =	sadd.s32 $0x8F2B, s0  }
0xbd: {  	[sflag:s0] =	ssyncadd.remote.s32 $0x1  }
0xbe: {  	_ =	sfence.sel $0xFFFF  }
0xbf: {  	[dreg:$0x0] =	wrdreg $0xFFFFFFFF;
	(pc) =	sbr.abs _section_cstart, $3  }
0xc0: {  	[dreg:$0x1] =	wrdreg $0xFFFFFFFF  }
0xc1: {  	_ =	task.clear_ibuf [dreg:s6], $0x2FFFF;
	_ =	strace $0x9FFFFFFF  }
0xc2: {  	(tm) =	ssettm $0x7FFFFFFF  }
0xc3: {  	_ =	shalt  }
tec
execute0_lowered:
.L_overlay_start_1:
0x0: {  	(tag) =	ssettag $0x1  }
0x1: {  	s0 =	rddreg [dreg:$0x0];
	s1 =	srdreg.scid  }
0x2: {  	s2 =	rddreg [dreg:$0x1];
	s6 =	simm.s32 $0x0;
	s3 =	sand.u32 $0x1, s1  }
0x3: {  	s19 =	simm.s32 $0x3;
	s1 =	stileid.u32;
	s4 =	smul.u32 $0x38000, s3  }
0x4: {  	s20 =	simm.s32 $0x17A00;
	s21 =	simm.s32 $0x60;
	s5 =	smul.u32 $0x3800, s1  }
0x5: {  	s23 =	simm.s32 $0x17900;
	s28 =	simm.s32 $0x2;
	s24 =	smul.u32 $0x140000, s3  }
0x6: {  	s29 =	simm.s32 $0x17980;
	s30 =	simm.s32 $0x0;
	s7 =	smul.u32 $0x14000, s1  }
0x7: {  	[smem:$0x7FF] =	sst s6;
	s8 =	smul.u32 $0x50000, s1;
	s3 =	ssub.s32 $0x2, s3  }
0x8: {  	_ =	strace $0x8000004A;
	s26 =	sshrl.u32 s3, $0x1;
	s5 =	sadd.s32 s5, s4  }
0x9: {  	s4 =	sadd.s32 $0x14000, s0;
	s25 =	sadd.s32 s7, s24;
	s31 =	sshrl.u32 s8, $0x2  }
0xa: {  	s3 =	ssub.s32 s3, s26;
	s24 =	simm.s32 $0x1AA00;
	s5 =	sshrl.u32 s5, $0x3  }
0xb: {  	s26 =	simm.s32 $0x17880;
	s9 =	sadd.s32 s5, s0;
	s5 =	sshrl.u32 s25, $0x3  }
0xc: {  	s17 =	smax.u32 s3, $0x1;
	s0 =	sadd.s32 s5, s0;
	s5 =	sadd.s32 s31, s2  }
0xd: {  	s25 =	simm.s32 $0x1;
	s6 =	sadd.s32 $0x6000, s9;
	s7 =	sadd.s32 $0x2000, s5  }
0xe: {  	s8 =	sadd.s32 $0x4000, s5;
	s9 =	sadd.s32 $0x6000, s5;
	s10 =	sadd.s32 $0x8000, s5  }
0xf: {  	s11 =	sadd.s32 $0xA000, s5;
	s12 =	sadd.s32 $0xC000, s5;
	s13 =	sadd.s32 $0xE000, s5  }
0x10: {  	v0 =	vimm.f32 $0.0e+00;
	s14 =	sadd.s32 $0x10000, s5;
	s15 =	sadd.s32 $0x12000, s5;
	s16 =	sadd.s32 $0x64000, s0  }
.LBB2_1:
0x11: {  	s0 =	simm.s32 $0x0;
	s3 =	simm.s32 $0x14000  }
0x12: {  	[tilespmem:s3], [sflag:$0x3] =	stream.linear.gather [hbm4b:s6+s0], $0x3500, $0x38;
	[tilespmem:$0x1DA00] =	vst v63  }
0x13: {  	_ =	swait.ge [sflag:s19], $0x3500  }
0x14: {  	[sflag:s19] =	ssyncset.done $0x0  }
0x15: {  	s0 =	simm.s32 $0x0;
	s3 =	simm.s32 $0x200;
	[sflag:s19] =	ssyncadd.s32 $0xFFFFCB00  }
.LBB2_2:
0x16: {  	p0 =	sne.s32 s3, $0x7E00;
	[tilespmem:s0+$0x17A70] =	vst v0  }
0x17: {  	[tilespmem:s0+$0x17A00] =	vst v0  }
0x18: {  	[tilespmem:s0+$0x17A10] =	vst v0  }
.Ltmp0:
0x19: {  	[tilespmem:s0+$0x17A20] =	vst v0;
	(pc) =	sbr.rel @p0 .LBB2_2-.Ltmp0, $4  }
0x1a: {  	[tilespmem:s0+$0x17A30] =	vst v0  }
0x1b: {  	[tilespmem:s0+$0x17A40] =	vst v0  }
0x1c: {  	[tilespmem:s0+$0x17A50] =	vst v0  }
0x1d: {  	[tilespmem:s0+$0x17A60] =	vst v0;
	s0 =	sshra.s32 s3, $0x2;
	s3 =	sadd.s32 $0x200, s3  }
0x1e: {  	[tilespmem:s0+$0x17A70] =	vst v0  }
0x1f: {  	[tilespmem:s0+$0x17A00] =	vst v0  }
0x20: {  	[tilespmem:s0+$0x17A10] =	vst v0  }
0x21: {  	[tilespmem:s0+$0x17A20] =	vst v0  }
0x22: {  	[tilespmem:s0+$0x17A30] =	vst v0  }
0x23: {  	[tilespmem:s0+$0x17A40] =	vst v0  }
0x24: {  	[tilespmem:s0+$0x17A50] =	vst v0  }
0x25: {  	[tilespmem:s0+$0x17A60] =	vst v0  }
0x26: {  	[spmem:s5] =	stream.linear.scatter [tilespmem:s20], [sflag:$0x3], $0x2000, $0x38;
	[tilespmem:$0x1DA00] =	vst v63  }
0x27: {  	_ =	swait.ge [sflag:s19], $0x2000  }
0x28: {  	[sflag:s19] =	ssyncset.done $0x0  }
0x29: {  	[sflag:s19] =	ssyncadd.s32 $0xFFFFE000  }
0x2a: {  	[spmem:s7] =	stream.linear.scatter [tilespmem:s20], [sflag:$0x3], $0x2000, $0x38;
	[tilespmem:$0x1DA00] =	vst v63  }
0x2b: {  	_ =	swait.ge [sflag:s19], $0x2000  }
0x2c: {  	[sflag:s19] =	ssyncset.done $0x0  }
0x2d: {  	[sflag:s19] =	ssyncadd.s32 $0xFFFFE000  }
0x2e: {  	[spmem:s8] =	stream.linear.scatter [tilespmem:s20], [sflag:$0x3], $0x2000, $0x38;
	[tilespmem:$0x1DA00] =	vst v63  }
0x2f: {  	_ =	swait.ge [sflag:s19], $0x2000  }
0x30: {  	[sflag:s19] =	ssyncset.done $0x0  }
0x31: {  	[sflag:s19] =	ssyncadd.s32 $0xFFFFE000  }
0x32: {  	[spmem:s9] =	stream.linear.scatter [tilespmem:s20], [sflag:$0x3], $0x2000, $0x38;
	[tilespmem:$0x1DA00] =	vst v63  }
0x33: {  	_ =	swait.ge [sflag:s19], $0x2000  }
0x34: {  	[sflag:s19] =	ssyncset.done $0x0  }
0x35: {  	[sflag:s19] =	ssyncadd.s32 $0xFFFFE000  }
0x36: {  	[spmem:s10] =	stream.linear.scatter [tilespmem:s20], [sflag:$0x3], $0x2000, $0x38;
	[tilespmem:$0x1DA00] =	vst v63  }
0x37: {  	_ =	swait.ge [sflag:s19], $0x2000  }
0x38: {  	[sflag:s19] =	ssyncset.done $0x0  }
0x39: {  	[sflag:s19] =	ssyncadd.s32 $0xFFFFE000  }
0x3a: {  	[spmem:s11] =	stream.linear.scatter [tilespmem:s20], [sflag:$0x3], $0x2000, $0x38;
	[tilespmem:$0x1DA00] =	vst v63  }
0x3b: {  	_ =	swait.ge [sflag:s19], $0x2000  }
0x3c: {  	[sflag:s19] =	ssyncset.done $0x0  }
0x3d: {  	[sflag:s19] =	ssyncadd.s32 $0xFFFFE000  }
0x3e: {  	[spmem:s12] =	stream.linear.scatter [tilespmem:s20], [sflag:$0x3], $0x2000, $0x38;
	[tilespmem:$0x1DA00] =	vst v63  }
0x3f: {  	_ =	swait.ge [sflag:s19], $0x2000  }
0x40: {  	[sflag:s19] =	ssyncset.done $0x0  }
0x41: {  	[sflag:s19] =	ssyncadd.s32 $0xFFFFE000  }
0x42: {  	[spmem:s13] =	stream.linear.scatter [tilespmem:s20], [sflag:$0x3], $0x2000, $0x38;
	[tilespmem:$0x1DA00] =	vst v63  }
0x43: {  	_ =	swait.ge [sflag:s19], $0x2000  }
0x44: {  	[sflag:s19] =	ssyncset.done $0x0  }
0x45: {  	[sflag:s19] =	ssyncadd.s32 $0xFFFFE000  }
0x46: {  	[spmem:s14] =	stream.linear.scatter [tilespmem:s20], [sflag:$0x3], $0x2000, $0x38;
	[tilespmem:$0x1DA00] =	vst v63  }
0x47: {  	_ =	swait.ge [sflag:s19], $0x2000  }
0x48: {  	[sflag:s19] =	ssyncset.done $0x0  }
0x49: {  	[sflag:s19] =	ssyncadd.s32 $0xFFFFE000  }
0x4a: {  	[spmem:s15] =	stream.linear.scatter [tilespmem:s20], [sflag:$0x3], $0x2000, $0x38;
	[tilespmem:$0x1DA00] =	vst v63  }
0x4b: {  	_ =	swait.ge [sflag:s19], $0x2000  }
0x4c: {  	[sflag:s19] =	ssyncset.done $0x0  }
0x4d: {  	[sflag:s19] =	ssyncadd.s32 $0xFFFFE000  }
0x4e: {  	[bflag:$0x0] =	sbarrier.arrive $0xFFFF  }
0x4f: {  	v1 =	vld [tilespmem:$0x14000];
	_ =	sdelay $0x1  }
0x50: {  	v2 =	vld [tilespmem:$0x14010];
	_ =	sdelay $0x1  }
0x51: {  	v3 =	vld [tilespmem:$0x14020]  }
0x52: {  	v4 =	vand.u32 $0xFFFF, v1  }
0x53: {  	v63 =	vld [tilespmem:$0x14030];
	v1 =	vshrl.u32 v1, $0x10;
	[tilespmem:$0x17800] =	vst v4  }
0x54: {  	[tilespmem:$0x17880] =	vst v1;
	v1 =	vand.u32 $0xFFFF, v2  }
0x55: {  	[tilespmem:$0x17810] =	vst v1;
	v1 =	vshrl.u32 v2, $0x10;
	v2 =	vld [tilespmem:$0x14040]  }
0x56: {  	[tilespmem:$0x17890] =	vst v1;
	v1 =	vand.u32 $0xFFFF, v3  }
0x57: {  	[tilespmem:$0x17820] =	vst v1;
	v1 =	vshrl.u32 v3, $0x10;
	v3 =	vld [tilespmem:$0x14050]  }
0x58: {  	[tilespmem:$0x178A0] =	vst v1;
	v1 =	vand.u32 $0xFFFF, v63  }
0x59: {  	[tilespmem:$0x17830] =	vst v1;
	v1 =	vshrl.u32 v63, $0x10  }
0x5a: {  	[tilespmem:$0x178B0] =	vst v1;
	v1 =	vand.u32 $0xFFFF, v2  }
0x5b: {  	[tilespmem:$0x17840] =	vst v1;
	v1 =	vshrl.u32 v2, $0x10  }
0x5c: {  	[tilespmem:$0x178C0] =	vst v1;
	v1 =	vand.u32 $0xFFFF, v3  }
0x5d: {  	[tilespmem:$0x17850] =	vst v1;
	v1 =	vshrl.u32 v3, $0x10  }
0x5e: {  	s18 =	simm.s32 $0x17800;
	s22 =	simm.s32 $0x0;
	[tilespmem:$0x178D0] =	vst v1  }
0x5f: {  	[tilespmem:s20], [sflag:$0x1] =	stream.indirect.gather [hbm4b:s4+s21], $0x80, s18, s21, $0xb8;
	[tilespmem:$0x1DA00] =	vst v63  }
0x60: {  	v1 =	vld [tilespmem:s22+$0x14080];
	_ =	sdelay $0x4  }
0x61: {  	v2 =	vand.u32 $0xFFFF, v1  }
0x62: {  	v1 =	vshrl.u32 v1, $0x10;
	[tilespmem:$0x17900] =	vst v2  }
0x63: {  	[tilespmem:$0x17980] =	vst v1  }
0x64: {  	v1 =	vld [tilespmem:s22+$0x14090];
	_ =	sdelay $0x4  }
0x65: {  	v2 =	vand.u32 $0xFFFF, v1  }
0x66: {  	v1 =	vshrl.u32 v1, $0x10;
	[tilespmem:$0x17910] =	vst v2  }
0x67: {  	[tilespmem:$0x17990] =	vst v1  }
0x68: {  	v1 =	vld [tilespmem:s22+$0x140A0];
	_ =	sdelay $0x4  }
0x69: {  	v2 =	vand.u32 $0xFFFF, v1  }
0x6a: {  	v1 =	vshrl.u32 v1, $0x10;
	[tilespmem:$0x17920] =	vst v2  }
0x6b: {  	[tilespmem:$0x179A0] =	vst v1  }
0x6c: {  	v1 =	vld [tilespmem:s22+$0x140B0];
	_ =	sdelay $0x4  }
0x6d: {  	v2 =	vand.u32 $0xFFFF, v1  }
0x6e: {  	v1 =	vshrl.u32 v1, $0x10;
	[tilespmem:$0x17930] =	vst v2  }
0x6f: {  	[tilespmem:$0x179B0] =	vst v1  }
0x70: {  	v1 =	vld [tilespmem:s22+$0x140C0];
	_ =	sdelay $0x4  }
0x71: {  	v2 =	vand.u32 $0xFFFF, v1  }
0x72: {  	v1 =	vshrl.u32 v1, $0x10;
	[tilespmem:$0x17940] =	vst v2  }
0x73: {  	[tilespmem:$0x179C0] =	vst v1  }
0x74: {  	v1 =	vld [tilespmem:s22+$0x140D0];
	_ =	sdelay $0x4  }
0x75: {  	v2 =	vand.u32 $0xFFFF, v1  }
0x76: {  	v1 =	vshrl.u32 v1, $0x10;
	[tilespmem:$0x17950] =	vst v2  }
0x77: {  	[tilespmem:$0x179D0] =	vst v1  }
0x78: {  	[tilespmem:s24], [sflag:$0x2] =	stream.indirect.gather [hbm4b:s4+s21], $0x80, s23, s21, $0xb8;
	[tilespmem:$0x1DA00] =	vst v63  }
0x79: {  	_ =	swait.ge [sflag:s25], $0x3000  }
0x7a: {  	[sflag:s25] =	ssyncset.done $0x0  }
0x7b: {  	[sflag:s25] =	ssyncadd.s32 $0xFFFFD000  }
0x7c: {  	[spmem:s2] =	stream.indirect.scatter.add.f32 [tilespmem:s20], [sflag:$0x3], $0x80, s26, s21, $0xb8;
	[tilespmem:$0x1DA00] =	vst v63  }
0x7d: {  	_ =	swait.ge [sflag:s19], $0x3000  }
0x7e: {  	p1 =	por $0x0, $0x0;
	[sflag:s19] =	ssyncset.done $0x0  }
0x7f: {  	s0 =	simm.s32 @!p1 $0x0;
	[sflag:s19] =	ssyncadd.s32 $0xFFFFD000  }
0x80: {  	v1 =	vld @!p1 [tilespmem:s0+$0x14100];
	_ =	sdelay $0x4  }
0x81: {  	v2 =	vand.u32 @!p1 $0xFFFF, v1  }
0x82: {  	v1 =	vshrl.u32 @!p1 v1, $0x10;
	[tilespmem:$0x17800] =	vst @!p1 v2  }
0x83: {  	[tilespmem:$0x17880] =	vst @!p1 v1  }
0x84: {  	v1 =	vld @!p1 [tilespmem:s0+$0x14110];
	_ =	sdelay $0x4  }
0x85: {  	v2 =	vand.u32 @!p1 $0xFFFF, v1  }
0x86: {  	v1 =	vshrl.u32 @!p1 v1, $0x10;
	[tilespmem:$0x17810] =	vst @!p1 v2  }
0x87: {  	[tilespmem:$0x17890] =	vst @!p1 v1  }
0x88: {  	v1 =	vld @!p1 [tilespmem:s0+$0x14120];
	_ =	sdelay $0x4  }
0x89: {  	v2 =	vand.u32 @!p1 $0xFFFF, v1  }
0x8a: {  	v1 =	vshrl.u32 @!p1 v1, $0x10;
	[tilespmem:$0x17820] =	vst @!p1 v2  }
0x8b: {  	[tilespmem:$0x178A0] =	vst @!p1 v1  }
0x8c: {  	v1 =	vld @!p1 [tilespmem:s0+$0x14130];
	_ =	sdelay $0x4  }
0x8d: {  	v2 =	vand.u32 @!p1 $0xFFFF, v1  }
0x8e: {  	v1 =	vshrl.u32 @!p1 v1, $0x10;
	[tilespmem:$0x17830] =	vst @!p1 v2  }
0x8f: {  	[tilespmem:$0x178B0] =	vst @!p1 v1  }
0x90: {  	v1 =	vld @!p1 [tilespmem:s0+$0x14140];
	_ =	sdelay $0x4  }
0x91: {  	v2 =	vand.u32 @!p1 $0xFFFF, v1  }
0x92: {  	v1 =	vshrl.u32 @!p1 v1, $0x10;
	[tilespmem:$0x17840] =	vst @!p1 v2  }
0x93: {  	s31 =	simm.s32 $0x400;
	[tilespmem:$0x178C0] =	vst @!p1 v1  }
0x94: {  	s3 =	simm.s32 @!p1 $0x60;
	s18 =	simm.s32 @!p1 $0x17800;
	s22 =	simm.s32 @!p1 $0x17A00;
	v1 =	vld @!p1 [tilespmem:s0+$0x14150]  }
.LBB2_4:
0x95: {  	_ =	sdelay $0x1  }
0x96: {  	s0 =	smov.u32 s31;
	s31 =	sadd.s32 $0x400, s31  }
0x97: {  	p0 =	sne.s32 s31, $0xD400  }
0x98: {  	v2 =	vand.u32 @!p1 $0xFFFF, v1;
	v1 =	vshrl.u32 @!p1 v1, $0x10  }
0x99: {  	[tilespmem:$0x17850] =	vst @!p1 v2  }
0x9a: {  	[tilespmem:$0x178D0] =	vst @!p1 v1  }
0x9b: {  	[tilespmem:s22], [sflag:$0x1] =	stream.indirect.gather @!p1 [hbm4b:s4+s3], $0x80, s18, s3, $0xb8;
	[tilespmem:$0x1DA00] =	vst v63  }
0x9c: {  	_ =	swait.ge [sflag:s28], $0x3000  }
0x9d: {  	[sflag:s28] =	ssyncset.done $0x0  }
0x9e: {  	[sflag:s28] =	ssyncadd.s32 $0xFFFFD000  }
0x9f: {  	[spmem:s2] =	stream.indirect.scatter.add.f32 [tilespmem:s24], [sflag:$0x3], $0x80, s29, s21, $0xb8;
	[tilespmem:$0x1DA00] =	vst v63  }
0xa0: {  	_ =	swait.ge [sflag:s19], $0x3000  }
0xa1: {  	[sflag:s19] =	ssyncset.done $0x0  }
0xa2: {  	s3 =	sshra.s32 s0, $0x2;
	[sflag:s19] =	ssyncadd.s32 $0xFFFFD000  }
0xa3: {  	v1 =	vld [tilespmem:s3+$0x14080];
	_ =	sdelay $0x4  }
0xa4: {  	v2 =	vand.u32 $0xFFFF, v1;
	v1 =	vshrl.u32 v1, $0x10  }
0xa5: {  	[tilespmem:$0x17900] =	vst v2  }
0xa6: {  	[tilespmem:$0x17980] =	vst v1  }
0xa7: {  	v1 =	vld [tilespmem:s3+$0x14090];
	_ =	sdelay $0x4  }
0xa8: {  	v2 =	vand.u32 $0xFFFF, v1;
	v1 =	vshrl.u32 v1, $0x10  }
0xa9: {  	[tilespmem:$0x17910] =	vst v2  }
0xaa: {  	[tilespmem:$0x17990] =	vst v1  }
0xab: {  	v1 =	vld [tilespmem:s3+$0x140A0];
	_ =	sdelay $0x4  }
0xac: {  	v2 =	vand.u32 $0xFFFF, v1;
	v1 =	vshrl.u32 v1, $0x10  }
0xad: {  	[tilespmem:$0x17920] =	vst v2  }
0xae: {  	[tilespmem:$0x179A0] =	vst v1  }
0xaf: {  	v1 =	vld [tilespmem:s3+$0x140B0];
	_ =	sdelay $0x4  }
0xb0: {  	v2 =	vand.u32 $0xFFFF, v1;
	v1 =	vshrl.u32 v1, $0x10  }
0xb1: {  	[tilespmem:$0x17930] =	vst v2  }
0xb2: {  	[tilespmem:$0x179B0] =	vst v1  }
0xb3: {  	v1 =	vld [tilespmem:s3+$0x140C0];
	_ =	sdelay $0x4  }
0xb4: {  	v2 =	vand.u32 $0xFFFF, v1;
	v1 =	vshrl.u32 v1, $0x10  }
0xb5: {  	[tilespmem:$0x17940] =	vst v2  }
0xb6: {  	[tilespmem:$0x179C0] =	vst v1  }
0xb7: {  	v1 =	vld [tilespmem:s3+$0x140D0];
	_ =	sdelay $0x4  }
0xb8: {  	v2 =	vand.u32 $0xFFFF, v1;
	v1 =	vshrl.u32 v1, $0x10  }
0xb9: {  	[tilespmem:$0x17950] =	vst v2  }
0xba: {  	p1 =	seq.s32 s0, $0xD000;
	[tilespmem:$0x179D0] =	vst v1  }
0xbb: {  	[tilespmem:s24], [sflag:$0x2] =	stream.indirect.gather [hbm4b:s4+s21], $0x80, s23, s21, $0xb8;
	[tilespmem:$0x1DA00] =	vst v63  }
0xbc: {  	s0 =	sshra.s32 @!p1 s0, $0x2;
	_ =	swait.ge [sflag:s25], $0x3000  }
0xbd: {  	[sflag:s25] =	ssyncset.done $0x0  }
0xbe: {  	[sflag:s25] =	ssyncadd.s32 $0xFFFFD000  }
0xbf: {  	[spmem:s2] =	stream.indirect.scatter.add.f32 [tilespmem:s20], [sflag:$0x3], $0x80, s26, s21, $0xb8;
	[tilespmem:$0x1DA00] =	vst v63  }
0xc0: {  	_ =	swait.ge [sflag:s19], $0x3000  }
0xc1: {  	[sflag:s19] =	ssyncset.done $0x0  }
0xc2: {  	[sflag:s19] =	ssyncadd.s32 $0xFFFFD000  }
0xc3: {  	v1 =	vld @!p1 [tilespmem:s0+$0x14100];
	_ =	sdelay $0x4  }
0xc4: {  	v2 =	vand.u32 @!p1 $0xFFFF, v1;
	v1 =	vshrl.u32 @!p1 v1, $0x10  }
0xc5: {  	[tilespmem:$0x17800] =	vst @!p1 v2  }
0xc6: {  	[tilespmem:$0x17880] =	vst @!p1 v1  }
0xc7: {  	v1 =	vld @!p1 [tilespmem:s0+$0x14110];
	_ =	sdelay $0x4  }
0xc8: {  	v2 =	vand.u32 @!p1 $0xFFFF, v1;
	v1 =	vshrl.u32 @!p1 v1, $0x10  }
0xc9: {  	[tilespmem:$0x17810] =	vst @!p1 v2  }
0xca: {  	[tilespmem:$0x17890] =	vst @!p1 v1  }
0xcb: {  	v1 =	vld @!p1 [tilespmem:s0+$0x14120];
	_ =	sdelay $0x4  }
0xcc: {  	v2 =	vand.u32 @!p1 $0xFFFF, v1;
	v1 =	vshrl.u32 @!p1 v1, $0x10  }
0xcd: {  	[tilespmem:$0x17820] =	vst @!p1 v2  }
0xce: {  	[tilespmem:$0x178A0] =	vst @!p1 v1  }
0xcf: {  	v1 =	vld @!p1 [tilespmem:s0+$0x14130];
	_ =	sdelay $0x4  }
0xd0: {  	v2 =	vand.u32 @!p1 $0xFFFF, v1;
	v1 =	vshrl.u32 @!p1 v1, $0x10  }
0xd1: {  	[tilespmem:$0x17830] =	vst @!p1 v2  }
0xd2: {  	[tilespmem:$0x178B0] =	vst @!p1 v1  }
0xd3: {  	v1 =	vld @!p1 [tilespmem:s0+$0x14140];
	_ =	sdelay $0x2  }
0xd4: {  	s18 =	simm.s32 @!p1 $0x17800;
	s22 =	simm.s32 @!p1 $0x17A00;
	s3 =	simm.s32 @!p1 $0x60  }
.Ltmp1:
0xd5: {  	(pc) =	sbr.rel @p0 .LBB2_4-.Ltmp1, $4  }
0xd6: {  	v2 =	vand.u32 @!p1 $0xFFFF, v1;
	v1 =	vshrl.u32 @!p1 v1, $0x10  }
0xd7: {  	[tilespmem:$0x17840] =	vst @!p1 v2  }
0xd8: {  	[tilespmem:$0x178C0] =	vst @!p1 v1  }
0xd9: {  	v1 =	vld @!p1 [tilespmem:s0+$0x14150]  }
0xda: {  	_ =	sdelay $0x3  }
0xdb: {  	v2 =	vand.u32 @!p1 $0xFFFF, v1  }
0xdc: {  	v1 =	vshrl.u32 @!p1 v1, $0x10;
	[tilespmem:$0x17850] =	vst @!p1 v2  }
0xdd: {  	[tilespmem:$0x178D0] =	vst @!p1 v1  }
0xde: {  	[tilespmem:s22], [sflag:$0x1] =	stream.indirect.gather @!p1 [hbm4b:s4+s3], $0x80, s18, s3, $0xb8;
	[tilespmem:$0x1DA00] =	vst v63  }
0xdf: {  	_ =	swait.ge [sflag:s28], $0x3000  }
0xe0: {  	[sflag:s28] =	ssyncset.done $0x0  }
0xe1: {  	[sflag:s28] =	ssyncadd.s32 $0xFFFFD000  }
0xe2: {  	[spmem:s2] =	stream.indirect.scatter.add.f32 [tilespmem:s24], [sflag:$0x3], $0x80, s29, s21, $0xb8;
	[tilespmem:$0x1DA00] =	vst v63  }
0xe3: {  	_ =	swait.ge [sflag:s19], $0x3000  }
0xe4: {  	s0 =	sshll.u32 s1, $0x6;
	s30 =	sadd.s32 $0x1, s30;
	[sflag:s19] =	ssyncset.done $0x0  }
0xe5: {  	s31 =	sshrl.u32 s5, $0x3;
	p0 =	sne.s32 s30, s17;
	[sflag:s19] =	ssyncadd.s32 $0xFFFFD000  }
.Ltmp2:
0xe6: {  	s0 =	sor.u32 $0x1C03, s0;
	[bflag:$0x0] =	sbarrier.arrive $0xFFFF;
	(pc) =	sbr.rel @p0 .LBB2_1-.Ltmp2, $4  }
0xe7: {  	[hbm:s16], [sflag:s0] =	dma.local [spmem:s31], $0x2800  }
0xe8: {  	_ =	swait.ge [sflag:s19], $0x2800  }
0xe9: {  	[sflag:s19] =	ssyncset.done $0x0  }
0xea: {  	[sflag:s19] =	ssyncadd.s32 $0xFFFFD800  }
0xeb: {  	_ =	sfence.sel $0x180000  }
0xec: {  	[bflag:$0x0] =	sbarrier.arrive $0xFFFF  }
0xed: {  	_ =	strace $0x9000004A  }
0xee: {  	[bflag:$0x2] =	sbarrier.arrive $0xFFFF  }
0xef: {  	p0 =	sne.s32 s1, $0x0;
	s0 =	rddreg [dreg:$0x2]  }
0xf0: {  	s0 =	sadd.s32 @!p0 $0x100000, s0  }
0xf1: {  	[sflag:s0] =	ssyncadd.tile.s32 @!p0 $0x1;
	_ =	shalt  }
.Lfunc_end2:
_tile_overlayer_lowered:
.L_overlay_start_2:
0xf2: {  	(tag) =	ssettag $0x2  }
0xf3: {  	s0 =	rddreg [dreg:$0x0];
	s2 =	stileid.u32  }
0xf4: {  	s1 =	rddreg [dreg:$0x1];
	p0 =	sne.s32 s2, $0x0  }
0xf5: {  	s3 =	rddreg [dreg:$0x2];
	[bflag:$0x3] =	sbarrier.arrive $0xFFFF;
	s2 =	simm.s32 @!p0 $0x1C03  }
0xf6: {  	[timem:s3], [sflag:s2] =	dma.local @!p0 [hbm:s0], s1  }
0xf7: {  	s0 =	simm.s32 @!p0 $0x3  }
0xf8: {  	_ =	swait.ge @!p0 [sflag:s0], s1  }
0xf9: {  	s1 =	ssub.s32 @!p0 $0x0, s1;
	[sflag:s0] =	ssyncset.done @!p0 $0x0  }
0xfa: {  	[sflag:s0] =	ssyncadd.s32 @!p0 s1  }
0xfb: {  	[bflag:$0x3] =	sbarrier.arrive $0xFFFF  }
0xfc: {  	_ =	shalt  }

// kernel: kernel.17.cloned.1.call-start
scs
__scs_entry_jumppad:
0x0: {  	(pc) =	sbr.rel $0x88, $3  }
0x1: {  	(tag) =	ssettag $0x0;
	lr =	simm.s32 $0x1  }
0x2: {  	[smem:$0x3F95] =	sst lr;
	_ =	strace $0xD0000000  }
0x3: {  	_ = 	snop  }
0x4: {  	_ = 	snop  }
0x5: {  	_ = 	snop  }
0x6: {  	_ = 	snop  }
0x7: {  	_ = 	snop  }
__scs_overlays_trampoline_lowered:
0x8: {  	[smem:$0x3FA4] =	sst s0  }
0x9: {  	[smem:$0x3FA5] =	sst s1  }
0xa: {  	[smem:$0x3FA6] =	sst s2  }
0xb: {  	[smem:$0x3FA7] =	sst s3  }
0xc: {  	[smem:$0x3FA8] =	sst s4  }
0xd: {  	[smem:$0x3FA9] =	sst s5  }
0xe: {  	[smem:$0x3FAA] =	sst s6  }
0xf: {  	[smem:$0x3FAB] =	sst s7  }
0x10: {  	[smem:$0x3FAC] =	sst s8  }
0x11: {  	[smem:$0x3FAD] =	sst s9;
	s0 =	simm.s32 @!p0 $0x0  }
0x12: {  	s1 =	sld [smem:$0x3F93];
	s0 =	simm.s32 @p0 $0x1  }
0x13: {  	[smem:$0x3FAE] =	sst s0;
	s0 =	simm.s32 @!p1 $0x0  }
0x14: {  	s2 =	sld [smem:$0x3F92];
	s0 =	simm.s32 @p1 $0x1  }
0x15: {  	[smem:$0x3FAF] =	sst s0;
	s0 =	simm.s32 @!p2 $0x0  }
0x16: {  	s3 =	sld [smem:$0x3FDB];
	s0 =	simm.s32 @p2 $0x1  }
0x17: {  	s4 =	simm.s32 $0x1BF5;
	[smem:$0x3FB1] =	sst s0  }
0x18: {  	s0 =	sld [smem:$0x3F94];
	_ =	swait.ge [sflag:s4], $0x0  }
0x19: {  	s7 =	sld [smem:$0x3F95]  }
0x1a: {  	s8 =	sadd.s32 $0xFFFFE003, lr  }
0x1b: {  	s9 =	sadd.s32 $0xFFFFFEF7, lr;
	s5 =	simm.s32 $0xFFFFFFFF;
	p2 =	slt.u32 s8, $0xFFFFF086  }
0x1c: {  	p1 =	slt.u32 s9, $0xF7A;
	s5 =	simm.s32 @!p2 $0x0  }
0x1d: {  	s5 =	simm.s32 @p1 $0x1;
	p0 =	seq.s32 s7, s2  }
0x1e: {  	s7 =	smul.u32 @!p0 $0xF7A, s2;
	p2 =	seq.s32 @!p0 s5, $0x0  }
0x1f: {  	s9 =	smul.u32 $0xF7A, s1;
	s8 =	simm.s32 @!p0 $0x1BF5;
	p2 =	por !p2, p0  }
0x20: {  	[sflag:s8] =	ssyncset.s32 @!p0 $0xFFFFF086;
	s6 =	sadd.s32 @!p0 s3, s7;
	s7 =	simm.s32 @!p0 $0x108  }
0x21: {  	s3 =	sadd.s32 s3, s9;
	s6 =	sadd.s32 @!p0 $0x88, s6;
	s7 =	simm.s32 @p2 $0x1082  }
0x22: {  	[simem:s7], [sflag:s8] =	dma.local @!p0 [hbm:s6], $0xF7A  }
0x23: {  	s9 =	sor.u32 $0xD0000000, s2;
	s6 =	simm.s32 $0x108;
	_ =	swait.ge @!p0 [sflag:s8], $0x0  }
0x24: {  	s3 =	sadd.s32 $0x88, s3;
	s6 =	simm.s32 @!p1 $0x1082;
	[sflag:s4] =	ssyncset.s32 $0xFFFFF086  }
0x25: {  	[simem:s6], [sflag:s4] =	dma.local [hbm:s3], $0xF7A  }
0x26: {  	[smem:$0x3F95] =	sst s1;
	(tag) =	ssettag s2;
	_ =	strace s9  }
0x27: {  	s1 =	sld [smem:$0x3FA5]  }
0x28: {  	s2 =	sld [smem:$0x3FA6]  }
0x29: {  	s4 =	sld [smem:$0x3FA8]  }
0x2a: {  	p0 =	seq.s32 s5, $0x0;
	s5 =	sld [smem:$0x3FA9]  }
0x2b: {  	s6 =	sld [smem:$0x3FAA]  }
0x2c: {  	s7 =	sld [smem:$0x3FAB]  }
0x2d: {  	s3 =	simm.s32 $0x108;
	s8 =	sld [smem:$0x3FAC]  }
0x2e: {  	s3 =	simm.s32 @!p0 $0x1082;
	s9 =	sld [smem:$0x3FAD]  }
0x2f: {  	lr =	sadd.s32 s0, s3;
	s0 =	sld [smem:$0x3FA4]  }
0x30: {  	s3 =	sld [smem:$0x3FA7]  }
0x31: {  	[smem:$0x3FB0] =	sst s10  }
0x32: {  	s10 =	sld [smem:$0x3FAE];
	_ =	sdelay $0x3  }
0x33: {  	p0 =	seq.s32 s10, $0x1;
	s10 =	sld [smem:$0x3FB0];
	_ =	sdelay $0x3  }
0x34: {  	[smem:$0x3FB0] =	sst s10  }
0x35: {  	s10 =	sld [smem:$0x3FAF];
	_ =	sdelay $0x3  }
0x36: {  	p1 =	seq.s32 s10, $0x1;
	s10 =	sld [smem:$0x3FB0];
	_ =	sdelay $0x3  }
0x37: {  	[smem:$0x3FB0] =	sst s10  }
0x38: {  	s10 =	sld [smem:$0x3FB1]  }
0x39: {  	_ = 	snop;
	(pc) =	sbr.ind lr, $3  }
0x3a: {  	_ = 	snop  }
0x3b: {  	_ = 	snop  }
0x3c: {  	p2 =	seq.s32 s10, $0x1;
	s10 =	sld [smem:$0x3FB0]  }
0x3d: {  	_ =	shalt  }
0x3e: {  	_ =	shalt  }
0x3f: {  	_ =	shalt  }
0x40: {  	_ =	shalt  }
0x41: {  	_ =	shalt  }
0x42: {  	_ =	shalt  }
0x43: {  	_ =	shalt  }
0x44: {  	_ =	shalt  }
0x45: {  	_ =	shalt  }
0x46: {  	_ =	shalt  }
0x47: {  	_ =	shalt  }
0x48: {  	_ =	shalt  }
0x49: {  	_ =	shalt  }
0x4a: {  	_ =	shalt  }
0x4b: {  	_ =	shalt  }
0x4c: {  	_ =	shalt  }
0x4d: {  	_ =	shalt  }
0x4e: {  	_ =	shalt  }
0x4f: {  	_ =	shalt  }
0x50: {  	_ =	shalt  }
0x51: {  	_ =	shalt  }
0x52: {  	_ =	shalt  }
0x53: {  	_ =	shalt  }
0x54: {  	_ =	shalt  }
0x55: {  	_ =	shalt  }
0x56: {  	_ =	shalt  }
0x57: {  	_ =	shalt  }
0x58: {  	_ =	shalt  }
0x59: {  	_ =	shalt  }
0x5a: {  	_ =	shalt  }
0x5b: {  	_ =	shalt  }
0x5c: {  	_ =	shalt  }
0x5d: {  	_ =	shalt  }
0x5e: {  	_ =	shalt  }
0x5f: {  	_ =	shalt  }
0x60: {  	_ =	shalt  }
0x61: {  	_ =	shalt  }
0x62: {  	_ =	shalt  }
0x63: {  	_ =	shalt  }
0x64: {  	_ =	shalt  }
0x65: {  	_ =	shalt  }
0x66: {  	_ =	shalt  }
0x67: {  	_ =	shalt  }
0x68: {  	_ =	shalt  }
0x69: {  	_ =	shalt  }
0x6a: {  	_ =	shalt  }
0x6b: {  	_ =	shalt  }
0x6c: {  	_ =	shalt  }
0x6d: {  	_ =	shalt  }
0x6e: {  	_ =	shalt  }
0x6f: {  	_ =	shalt  }
0x70: {  	_ =	shalt  }
0x71: {  	_ =	shalt  }
0x72: {  	_ =	shalt  }
0x73: {  	_ =	shalt  }
0x74: {  	_ =	shalt  }
0x75: {  	_ =	shalt  }
0x76: {  	_ =	shalt  }
0x77: {  	_ =	shalt  }
0x78: {  	_ =	shalt  }
0x79: {  	_ =	shalt  }
0x7a: {  	_ =	shalt  }
0x7b: {  	_ =	shalt  }
0x7c: {  	_ =	shalt  }
0x7d: {  	_ =	shalt  }
0x7e: {  	_ =	shalt  }
0x7f: {  	_ =	shalt  }
0x80: {  	_ =	shalt  }
0x81: {  	_ =	shalt  }
0x82: {  	_ =	shalt  }
0x83: {  	_ =	shalt  }
0x84: {  	_ =	shalt  }
0x85: {  	_ =	shalt  }
0x86: {  	_ =	shalt  }
0x87: {  	_ =	shalt  }
.Lfunc_end0:
.L_simem_size_0:
called_computation.2_lowered:
.L_overlay_start_0:
0x88: {  	s2 =	sld [smem:$0x3FD9]  }
0x89: {  	s3 =	sld [smem:$0x3FFE];
	_ =	sdelay $0x1  }
0x8a: {  	s1 =	srdreg.scid  }
0x8b: {  	s0 =	sand.u32 $0x1, s1  }
0x8c: {  	s16 =	sshll.u32 s0, $0xA;
	s2 =	sadd.s32 s3, s2  }
0x8d: {  	s2 =	sadd.s32 s2, s16  }
0x8e: {  	[smem:$0x3FBC] =	sst s2  }
0x8f: {  	_ = 	snop  }
0x90: {  	(tm) =	ssettm $0x1  }
0x91: {  	s17 =	sld [smem:$0x3FFB];
	_ =	sdelay $0x3  }
0x92: {  	_ =	strace s17  }
0x93: {  	s2 =	sld [smem:$0x3FFC];
	_ =	sdelay $0x3  }
0x94: {  	_ =	strace s2  }
0x95: {  	s2 =	sld [smem:$0x3FFD];
	_ =	sdelay $0x3  }
0x96: {  	_ =	strace s2  }
0x97: {  	_ =	strace $0x8FFFFFFF  }
0x98: {  	s18 =	sld [smem:$0x3FDB];
	_ =	sdelay $0x1  }
0x99: {  	s19 =	simm.s32 $_scs_section_size  }
0x9a: {  	s4 =	simm.s32 $_size__tile_overlayer_lowered;
	s5 =	simm.s32 $_tile_overlayer_lowered  }
0x9b: {  	s22 =	simm.s32 $0x1BFF;
	s21 =	sshll.u32 s5, $0x1;
	s2 =	sadd.s32 s19, s18  }
0x9c: {  	s6 =	simm.s32 $0x0;
	s20 =	sshll.u32 s4, $0x1;
	s4 =	sadd.s32 s21, s2  }
0x9d: {  	[timem:s6], [sflag:s22] =	dma.local [hbm:s4], s20  }
0x9e: {  	_ =	swait.ge [sflag:s22], s20  }
0x9f: {  	s3 =	ssub.s32 $0x0, s20;
	[sflag:s22] =	ssyncset.done $0x0  }
0xa0: {  	[sflag:s22] =	ssyncadd.s32 s3;
	_ =	sdelay $0x1  }
0xa1: {  	s23 =	simm.s32 $0x1B8B  }
0xa2: {  	_ =	swait.ge [sflag:s23], $0x1  }
0xa3: {  	[sflag:s23] =	ssyncset.done $0x0  }
0xa4: {  	s25 =	simm.s32 $0x1B8E;
	s24 =	sld [smem:$0x3FFE];
	[sflag:s23] =	ssyncadd.s32 $0xFFFFFFFF  }
0xa5: {  	s26 =	simm.s32 $execute0_lowered;
	[smem:$0x3FD2] =	sst s25  }
0xa6: {  	s4 =	sshll.u32 s26, $0x1;
	_ =	strace $0x8000004C;
	[dreg:$0x1] =	wrdreg $0xFFFFFFFF  }
0xa7: {  	s28 =	simm.s32 $_size_execute0_lowered;
	s2 =	sadd.s32 s2, s4;
	[dreg:$0x0] =	wrdreg $0x0  }
0xa8: {  	s4 =	sshll.u32 s28, $0x1;
	[dreg:$0x2] =	wrdreg s2  }
0xa9: {  	[dreg:$0x3] =	wrdreg s4  }
0xaa: {  	[dreg:$0x4] =	wrdreg $0xC0  }
0xab: {  	_ =	task [dreg:s6], $0x5FFFF  }
0xac: {  	[dreg:$0x1] =	wrdreg $0xFFFFFFFF  }
0xad: {  	[dreg:$0x0] =	wrdreg $0x60  }
0xae: {  	[dreg:$0x2] =	wrdreg s24  }
0xaf: {  	[dreg:$0x3] =	wrdreg $0x0  }
0xb0: {  	[dreg:$0x4] =	wrdreg $0x9  }
0xb1: {  	_ =	task.clear_ibuf [dreg:s6], $0x5FFFF;
	_ =	strace $0x9000004C  }
0xb2: {  	s29 =	simm.s32 $0x9;
	_ =	strace $0x8000004E  }
0xb3: {  	_ =	swait.ge [sflag:s29], $0x1  }
0xb4: {  	[sflag:s29] =	ssyncadd.s32 $0xFFFFFFFF  }
0xb5: {  	_ =	strace $0x9000004E  }
0xb6: {  	_ =	sfence  }
0xb7: {  	s30 =	sld [smem:$0x0];
	_ =	sdelay $0x2  }
0xb8: {  	s31 =	sshll.u32 s1, $0xD;
	s1 =	sshrl.u32 s1, $0x2  }
0xb9: {  	s3 =	sand.u32 $0x4000, s31;
	s1 =	sadd.s32 s1, s30  }
0xba: {  	s0 =	sor.u32 s3, s0;
	s1 =	sshll.u32 s1, $0x11  }
0xbb: {  	s0 =	sor.u32 s1, s0  }
0xbc: {  	s0 =	sadd.s32 $0x8F2B, s0  }
0xbd: {  	[sflag:s0] =	ssyncadd.remote.s32 $0x1  }
0xbe: {  	_ =	sfence.sel $0xFFFF  }
0xbf: {  	[dreg:$0x0] =	wrdreg $0xFFFFFFFF;
	(pc) =	sbr.abs _section_cstart, $3  }
0xc0: {  	[dreg:$0x1] =	wrdreg $0xFFFFFFFF  }
0xc1: {  	_ =	task.clear_ibuf [dreg:s6], $0x2FFFF;
	_ =	strace $0x9FFFFFFF  }
0xc2: {  	(tm) =	ssettm $0x7FFFFFFF  }
0xc3: {  	_ =	shalt  }
tec
execute0_lowered:
.L_overlay_start_1:
0x0: {  	(tag) =	ssettag $0x1  }
0x1: {  	s0 =	rddreg [dreg:$0x0];
	s1 =	srdreg.scid  }
0x2: {  	s2 =	rddreg [dreg:$0x1];
	s6 =	simm.s32 $0x0;
	s3 =	sand.u32 $0x1, s1  }
0x3: {  	s19 =	simm.s32 $0x3;
	s1 =	stileid.u32;
	s4 =	smul.u32 $0x38000, s3  }
0x4: {  	s20 =	simm.s32 $0x17A00;
	s21 =	simm.s32 $0x60;
	s5 =	smul.u32 $0x3800, s1  }
0x5: {  	s23 =	simm.s32 $0x17900;
	s28 =	simm.s32 $0x2;
	s24 =	smul.u32 $0x140000, s3  }
0x6: {  	s29 =	simm.s32 $0x17980;
	s30 =	simm.s32 $0x0;
	s7 =	smul.u32 $0x14000, s1  }
0x7: {  	[smem:$0x7FF] =	sst s6;
	s8 =	smul.u32 $0x50000, s1;
	s3 =	ssub.s32 $0x2, s3  }
0x8: {  	_ =	strace $0x8000004D;
	s26 =	sshrl.u32 s3, $0x1;
	s5 =	sadd.s32 s5, s4  }
0x9: {  	s4 =	sadd.s32 $0x14000, s0;
	s25 =	sadd.s32 s7, s24;
	s31 =	sshrl.u32 s8, $0x2  }
0xa: {  	s3 =	ssub.s32 s3, s26;
	s24 =	simm.s32 $0x1AA00;
	s5 =	sshrl.u32 s5, $0x3  }
0xb: {  	s26 =	simm.s32 $0x17880;
	s9 =	sadd.s32 s5, s0;
	s5 =	sshrl.u32 s25, $0x3  }
0xc: {  	s17 =	smax.u32 s3, $0x1;
	s0 =	sadd.s32 s5, s0;
	s5 =	sadd.s32 s31, s2  }
0xd: {  	s25 =	simm.s32 $0x1;
	s6 =	sadd.s32 $0x6000, s9;
	s7 =	sadd.s32 $0x2000, s5  }
0xe: {  	s8 =	sadd.s32 $0x4000, s5;
	s9 =	sadd.s32 $0x6000, s5;
	s10 =	sadd.s32 $0x8000, s5  }
0xf: {  	s11 =	sadd.s32 $0xA000, s5;
	s12 =	sadd.s32 $0xC000, s5;
	s13 =	sadd.s32 $0xE000, s5  }
0x10: {  	v0 =	vimm.f32 $0.0e+00;
	s14 =	sadd.s32 $0x10000, s5;
	s15 =	sadd.s32 $0x12000, s5;
	s16 =	sadd.s32 $0x64000, s0  }
.LBB2_1:
0x11: {  	s0 =	simm.s32 $0x0;
	s3 =	simm.s32 $0x14000  }
0x12: {  	[tilespmem:s3], [sflag:$0x3] =	stream.linear.gather [hbm4b:s6+s0], $0x3500, $0x38;
	[tilespmem:$0x1DA00] =	vst v63  }
0x13: {  	_ =	swait.ge [sflag:s19], $0x3500  }
0x14: {  	[sflag:s19] =	ssyncset.done $0x0  }
0x15: {  	s0 =	simm.s32 $0x0;
	s3 =	simm.s32 $0x200;
	[sflag:s19] =	ssyncadd.s32 $0xFFFFCB00  }
.LBB2_2:
0x16: {  	p0 =	sne.s32 s3, $0x7E00;
	[tilespmem:s0+$0x17A70] =	vst v0  }
0x17: {  	[tilespmem:s0+$0x17A00] =	vst v0  }
0x18: {  	[tilespmem:s0+$0x17A10] =	vst v0  }
.Ltmp0:
0x19: {  	[tilespmem:s0+$0x17A20] =	vst v0;
	(pc) =	sbr.rel @p0 .LBB2_2-.Ltmp0, $4  }
0x1a: {  	[tilespmem:s0+$0x17A30] =	vst v0  }
0x1b: {  	[tilespmem:s0+$0x17A40] =	vst v0  }
0x1c: {  	[tilespmem:s0+$0x17A50] =	vst v0  }
0x1d: {  	[tilespmem:s0+$0x17A60] =	vst v0;
	s0 =	sshra.s32 s3, $0x2;
	s3 =	sadd.s32 $0x200, s3  }
0x1e: {  	[tilespmem:s0+$0x17A70] =	vst v0  }
0x1f: {  	[tilespmem:s0+$0x17A00] =	vst v0  }
0x20: {  	[tilespmem:s0+$0x17A10] =	vst v0  }
0x21: {  	[tilespmem:s0+$0x17A20] =	vst v0  }
0x22: {  	[tilespmem:s0+$0x17A30] =	vst v0  }
0x23: {  	[tilespmem:s0+$0x17A40] =	vst v0  }
0x24: {  	[tilespmem:s0+$0x17A50] =	vst v0  }
0x25: {  	[tilespmem:s0+$0x17A60] =	vst v0  }
0x26: {  	[spmem:s5] =	stream.linear.scatter [tilespmem:s20], [sflag:$0x3], $0x2000, $0x38;
	[tilespmem:$0x1DA00] =	vst v63  }
0x27: {  	_ =	swait.ge [sflag:s19], $0x2000  }
0x28: {  	[sflag:s19] =	ssyncset.done $0x0  }
0x29: {  	[sflag:s19] =	ssyncadd.s32 $0xFFFFE000  }
0x2a: {  	[spmem:s7] =	stream.linear.scatter [tilespmem:s20], [sflag:$0x3], $0x2000, $0x38;
	[tilespmem:$0x1DA00] =	vst v63  }
0x2b: {  	_ =	swait.ge [sflag:s19], $0x2000  }
0x2c: {  	[sflag:s19] =	ssyncset.done $0x0  }
0x2d: {  	[sflag:s19] =	ssyncadd.s32 $0xFFFFE000  }
0x2e: {  	[spmem:s8] =	stream.linear.scatter [tilespmem:s20], [sflag:$0x3], $0x2000, $0x38;
	[tilespmem:$0x1DA00] =	vst v63  }
0x2f: {  	_ =	swait.ge [sflag:s19], $0x2000  }
0x30: {  	[sflag:s19] =	ssyncset.done $0x0  }
0x31: {  	[sflag:s19] =	ssyncadd.s32 $0xFFFFE000  }
0x32: {  	[spmem:s9] =	stream.linear.scatter [tilespmem:s20], [sflag:$0x3], $0x2000, $0x38;
	[tilespmem:$0x1DA00] =	vst v63  }
0x33: {  	_ =	swait.ge [sflag:s19], $0x2000  }
0x34: {  	[sflag:s19] =	ssyncset.done $0x0  }
0x35: {  	[sflag:s19] =	ssyncadd.s32 $0xFFFFE000  }
0x36: {  	[spmem:s10] =	stream.linear.scatter [tilespmem:s20], [sflag:$0x3], $0x2000, $0x38;
	[tilespmem:$0x1DA00] =	vst v63  }
0x37: {  	_ =	swait.ge [sflag:s19], $0x2000  }
0x38: {  	[sflag:s19] =	ssyncset.done $0x0  }
0x39: {  	[sflag:s19] =	ssyncadd.s32 $0xFFFFE000  }
0x3a: {  	[spmem:s11] =	stream.linear.scatter [tilespmem:s20], [sflag:$0x3], $0x2000, $0x38;
	[tilespmem:$0x1DA00] =	vst v63  }
0x3b: {  	_ =	swait.ge [sflag:s19], $0x2000  }
0x3c: {  	[sflag:s19] =	ssyncset.done $0x0  }
0x3d: {  	[sflag:s19] =	ssyncadd.s32 $0xFFFFE000  }
0x3e: {  	[spmem:s12] =	stream.linear.scatter [tilespmem:s20], [sflag:$0x3], $0x2000, $0x38;
	[tilespmem:$0x1DA00] =	vst v63  }
0x3f: {  	_ =	swait.ge [sflag:s19], $0x2000  }
0x40: {  	[sflag:s19] =	ssyncset.done $0x0  }
0x41: {  	[sflag:s19] =	ssyncadd.s32 $0xFFFFE000  }
0x42: {  	[spmem:s13] =	stream.linear.scatter [tilespmem:s20], [sflag:$0x3], $0x2000, $0x38;
	[tilespmem:$0x1DA00] =	vst v63  }
0x43: {  	_ =	swait.ge [sflag:s19], $0x2000  }
0x44: {  	[sflag:s19] =	ssyncset.done $0x0  }
0x45: {  	[sflag:s19] =	ssyncadd.s32 $0xFFFFE000  }
0x46: {  	[spmem:s14] =	stream.linear.scatter [tilespmem:s20], [sflag:$0x3], $0x2000, $0x38;
	[tilespmem:$0x1DA00] =	vst v63  }
0x47: {  	_ =	swait.ge [sflag:s19], $0x2000  }
0x48: {  	[sflag:s19] =	ssyncset.done $0x0  }
0x49: {  	[sflag:s19] =	ssyncadd.s32 $0xFFFFE000  }
0x4a: {  	[spmem:s15] =	stream.linear.scatter [tilespmem:s20], [sflag:$0x3], $0x2000, $0x38;
	[tilespmem:$0x1DA00] =	vst v63  }
0x4b: {  	_ =	swait.ge [sflag:s19], $0x2000  }
0x4c: {  	[sflag:s19] =	ssyncset.done $0x0  }
0x4d: {  	[sflag:s19] =	ssyncadd.s32 $0xFFFFE000  }
0x4e: {  	[bflag:$0x0] =	sbarrier.arrive $0xFFFF  }
0x4f: {  	v1 =	vld [tilespmem:$0x14000];
	_ =	sdelay $0x1  }
0x50: {  	v2 =	vld [tilespmem:$0x14010];
	_ =	sdelay $0x1  }
0x51: {  	v3 =	vld [tilespmem:$0x14020]  }
0x52: {  	v4 =	vand.u32 $0xFFFF, v1  }
0x53: {  	v63 =	vld [tilespmem:$0x14030];
	v1 =	vshrl.u32 v1, $0x10;
	[tilespmem:$0x17800] =	vst v4  }
0x54: {  	[tilespmem:$0x17880] =	vst v1;
	v1 =	vand.u32 $0xFFFF, v2  }
0x55: {  	[tilespmem:$0x17810] =	vst v1;
	v1 =	vshrl.u32 v2, $0x10;
	v2 =	vld [tilespmem:$0x14040]  }
0x56: {  	[tilespmem:$0x17890] =	vst v1;
	v1 =	vand.u32 $0xFFFF, v3  }
0x57: {  	[tilespmem:$0x17820] =	vst v1;
	v1 =	vshrl.u32 v3, $0x10;
	v3 =	vld [tilespmem:$0x14050]  }
0x58: {  	[tilespmem:$0x178A0] =	vst v1;
	v1 =	vand.u32 $0xFFFF, v63  }
0x59: {  	[tilespmem:$0x17830] =	vst v1;
	v1 =	vshrl.u32 v63, $0x10  }
0x5a: {  	[tilespmem:$0x178B0] =	vst v1;
	v1 =	vand.u32 $0xFFFF, v2  }
0x5b: {  	[tilespmem:$0x17840] =	vst v1;
	v1 =	vshrl.u32 v2, $0x10  }
0x5c: {  	[tilespmem:$0x178C0] =	vst v1;
	v1 =	vand.u32 $0xFFFF, v3  }
0x5d: {  	[tilespmem:$0x17850] =	vst v1;
	v1 =	vshrl.u32 v3, $0x10  }
0x5e: {  	s18 =	simm.s32 $0x17800;
	s22 =	simm.s32 $0x0;
	[tilespmem:$0x178D0] =	vst v1  }
0x5f: {  	[tilespmem:s20], [sflag:$0x1] =	stream.indirect.gather [hbm4b:s4+s21], $0x80, s18, s21, $0xb8;
	[tilespmem:$0x1DA00] =	vst v63  }
0x60: {  	v1 =	vld [tilespmem:s22+$0x14080];
	_ =	sdelay $0x4  }
0x61: {  	v2 =	vand.u32 $0xFFFF, v1  }
0x62: {  	v1 =	vshrl.u32 v1, $0x10;
	[tilespmem:$0x17900] =	vst v2  }
0x63: {  	[tilespmem:$0x17980] =	vst v1  }
0x64: {  	v1 =	vld [tilespmem:s22+$0x14090];
	_ =	sdelay $0x4  }
0x65: {  	v2 =	vand.u32 $0xFFFF, v1  }
0x66: {  	v1 =	vshrl.u32 v1, $0x10;
	[tilespmem:$0x17910] =	vst v2  }
0x67: {  	[tilespmem:$0x17990] =	vst v1  }
0x68: {  	v1 =	vld [tilespmem:s22+$0x140A0];
	_ =	sdelay $0x4  }
0x69: {  	v2 =	vand.u32 $0xFFFF, v1  }
0x6a: {  	v1 =	vshrl.u32 v1, $0x10;
	[tilespmem:$0x17920] =	vst v2  }
0x6b: {  	[tilespmem:$0x179A0] =	vst v1  }
0x6c: {  	v1 =	vld [tilespmem:s22+$0x140B0];
	_ =	sdelay $0x4  }
0x6d: {  	v2 =	vand.u32 $0xFFFF, v1  }
0x6e: {  	v1 =	vshrl.u32 v1, $0x10;
	[tilespmem:$0x17930] =	vst v2  }
0x6f: {  	[tilespmem:$0x179B0] =	vst v1  }
0x70: {  	v1 =	vld [tilespmem:s22+$0x140C0];
	_ =	sdelay $0x4  }
0x71: {  	v2 =	vand.u32 $0xFFFF, v1  }
0x72: {  	v1 =	vshrl.u32 v1, $0x10;
	[tilespmem:$0x17940] =	vst v2  }
0x73: {  	[tilespmem:$0x179C0] =	vst v1  }
0x74: {  	v1 =	vld [tilespmem:s22+$0x140D0];
	_ =	sdelay $0x4  }
0x75: {  	v2 =	vand.u32 $0xFFFF, v1  }
0x76: {  	v1 =	vshrl.u32 v1, $0x10;
	[tilespmem:$0x17950] =	vst v2  }
0x77: {  	[tilespmem:$0x179D0] =	vst v1  }
0x78: {  	[tilespmem:s24], [sflag:$0x2] =	stream.indirect.gather [hbm4b:s4+s21], $0x80, s23, s21, $0xb8;
	[tilespmem:$0x1DA00] =	vst v63  }
0x79: {  	_ =	swait.ge [sflag:s25], $0x3000  }
0x7a: {  	[sflag:s25] =	ssyncset.done $0x0  }
0x7b: {  	[sflag:s25] =	ssyncadd.s32 $0xFFFFD000  }
0x7c: {  	[spmem:s2] =	stream.indirect.scatter.add.f32 [tilespmem:s20], [sflag:$0x3], $0x80, s26, s21, $0xb8;
	[tilespmem:$0x1DA00] =	vst v63  }
0x7d: {  	_ =	swait.ge [sflag:s19], $0x3000  }
0x7e: {  	p1 =	por $0x0, $0x0;
	[sflag:s19] =	ssyncset.done $0x0  }
0x7f: {  	s0 =	simm.s32 @!p1 $0x0;
	[sflag:s19] =	ssyncadd.s32 $0xFFFFD000  }
0x80: {  	v1 =	vld @!p1 [tilespmem:s0+$0x14100];
	_ =	sdelay $0x4  }
0x81: {  	v2 =	vand.u32 @!p1 $0xFFFF, v1  }
0x82: {  	v1 =	vshrl.u32 @!p1 v1, $0x10;
	[tilespmem:$0x17800] =	vst @!p1 v2  }
0x83: {  	[tilespmem:$0x17880] =	vst @!p1 v1  }
0x84: {  	v1 =	vld @!p1 [tilespmem:s0+$0x14110];
	_ =	sdelay $0x4  }
0x85: {  	v2 =	vand.u32 @!p1 $0xFFFF, v1  }
0x86: {  	v1 =	vshrl.u32 @!p1 v1, $0x10;
	[tilespmem:$0x17810] =	vst @!p1 v2  }
0x87: {  	[tilespmem:$0x17890] =	vst @!p1 v1  }
0x88: {  	v1 =	vld @!p1 [tilespmem:s0+$0x14120];
	_ =	sdelay $0x4  }
0x89: {  	v2 =	vand.u32 @!p1 $0xFFFF, v1  }
0x8a: {  	v1 =	vshrl.u32 @!p1 v1, $0x10;
	[tilespmem:$0x17820] =	vst @!p1 v2  }
0x8b: {  	[tilespmem:$0x178A0] =	vst @!p1 v1  }
0x8c: {  	v1 =	vld @!p1 [tilespmem:s0+$0x14130];
	_ =	sdelay $0x4  }
0x8d: {  	v2 =	vand.u32 @!p1 $0xFFFF, v1  }
0x8e: {  	v1 =	vshrl.u32 @!p1 v1, $0x10;
	[tilespmem:$0x17830] =	vst @!p1 v2  }
0x8f: {  	[tilespmem:$0x178B0] =	vst @!p1 v1  }
0x90: {  	v1 =	vld @!p1 [tilespmem:s0+$0x14140];
	_ =	sdelay $0x4  }
0x91: {  	v2 =	vand.u32 @!p1 $0xFFFF, v1  }
0x92: {  	v1 =	vshrl.u32 @!p1 v1, $0x10;
	[tilespmem:$0x17840] =	vst @!p1 v2  }
0x93: {  	s31 =	simm.s32 $0x400;
	[tilespmem:$0x178C0] =	vst @!p1 v1  }
0x94: {  	s3 =	simm.s32 @!p1 $0x60;
	s18 =	simm.s32 @!p1 $0x17800;
	s22 =	simm.s32 @!p1 $0x17A00;
	v1 =	vld @!p1 [tilespmem:s0+$0x14150]  }
.LBB2_4:
0x95: {  	_ =	sdelay $0x1  }
0x96: {  	s0 =	smov.u32 s31;
	s31 =	sadd.s32 $0x400, s31  }
0x97: {  	p0 =	sne.s32 s31, $0xD400  }
0x98: {  	v2 =	vand.u32 @!p1 $0xFFFF, v1;
	v1 =	vshrl.u32 @!p1 v1, $0x10  }
0x99: {  	[tilespmem:$0x17850] =	vst @!p1 v2  }
0x9a: {  	[tilespmem:$0x178D0] =	vst @!p1 v1  }
0x9b: {  	[tilespmem:s22], [sflag:$0x1] =	stream.indirect.gather @!p1 [hbm4b:s4+s3], $0x80, s18, s3, $0xb8;
	[tilespmem:$0x1DA00] =	vst v63  }
0x9c: {  	_ =	swait.ge [sflag:s28], $0x3000  }
0x9d: {  	[sflag:s28] =	ssyncset.done $0x0  }
0x9e: {  	[sflag:s28] =	ssyncadd.s32 $0xFFFFD000  }
0x9f: {  	[spmem:s2] =	stream.indirect.scatter.add.f32 [tilespmem:s24], [sflag:$0x3], $0x80, s29, s21, $0xb8;
	[tilespmem:$0x1DA00] =	vst v63  }
0xa0: {  	_ =	swait.ge [sflag:s19], $0x3000  }
0xa1: {  	[sflag:s19] =	ssyncset.done $0x0  }
0xa2: {  	s3 =	sshra.s32 s0, $0x2;
	[sflag:s19] =	ssyncadd.s32 $0xFFFFD000  }
0xa3: {  	v1 =	vld [tilespmem:s3+$0x14080];
	_ =	sdelay $0x4  }
0xa4: {  	v2 =	vand.u32 $0xFFFF, v1;
	v1 =	vshrl.u32 v1, $0x10  }
0xa5: {  	[tilespmem:$0x17900] =	vst v2  }
0xa6: {  	[tilespmem:$0x17980] =	vst v1  }
0xa7: {  	v1 =	vld [tilespmem:s3+$0x14090];
	_ =	sdelay $0x4  }
0xa8: {  	v2 =	vand.u32 $0xFFFF, v1;
	v1 =	vshrl.u32 v1, $0x10  }
0xa9: {  	[tilespmem:$0x17910] =	vst v2  }
0xaa: {  	[tilespmem:$0x17990] =	vst v1  }
0xab: {  	v1 =	vld [tilespmem:s3+$0x140A0];
	_ =	sdelay $0x4  }
0xac: {  	v2 =	vand.u32 $0xFFFF, v1;
	v1 =	vshrl.u32 v1, $0x10  }
0xad: {  	[tilespmem:$0x17920] =	vst v2  }
0xae: {  	[tilespmem:$0x179A0] =	vst v1  }
0xaf: {  	v1 =	vld [tilespmem:s3+$0x140B0];
	_ =	sdelay $0x4  }
0xb0: {  	v2 =	vand.u32 $0xFFFF, v1;
	v1 =	vshrl.u32 v1, $0x10  }
0xb1: {  	[tilespmem:$0x17930] =	vst v2  }
0xb2: {  	[tilespmem:$0x179B0] =	vst v1  }
0xb3: {  	v1 =	vld [tilespmem:s3+$0x140C0];
	_ =	sdelay $0x4  }
0xb4: {  	v2 =	vand.u32 $0xFFFF, v1;
	v1 =	vshrl.u32 v1, $0x10  }
0xb5: {  	[tilespmem:$0x17940] =	vst v2  }
0xb6: {  	[tilespmem:$0x179C0] =	vst v1  }
0xb7: {  	v1 =	vld [tilespmem:s3+$0x140D0];
	_ =	sdelay $0x4  }
0xb8: {  	v2 =	vand.u32 $0xFFFF, v1;
	v1 =	vshrl.u32 v1, $0x10  }
0xb9: {  	[tilespmem:$0x17950] =	vst v2  }
0xba: {  	p1 =	seq.s32 s0, $0xD000;
	[tilespmem:$0x179D0] =	vst v1  }
0xbb: {  	[tilespmem:s24], [sflag:$0x2] =	stream.indirect.gather [hbm4b:s4+s21], $0x80, s23, s21, $0xb8;
	[tilespmem:$0x1DA00] =	vst v63  }
0xbc: {  	s0 =	sshra.s32 @!p1 s0, $0x2;
	_ =	swait.ge [sflag:s25], $0x3000  }
0xbd: {  	[sflag:s25] =	ssyncset.done $0x0  }
0xbe: {  	[sflag:s25] =	ssyncadd.s32 $0xFFFFD000  }
0xbf: {  	[spmem:s2] =	stream.indirect.scatter.add.f32 [tilespmem:s20], [sflag:$0x3], $0x80, s26, s21, $0xb8;
	[tilespmem:$0x1DA00] =	vst v63  }
0xc0: {  	_ =	swait.ge [sflag:s19], $0x3000  }
0xc1: {  	[sflag:s19] =	ssyncset.done $0x0  }
0xc2: {  	[sflag:s19] =	ssyncadd.s32 $0xFFFFD000  }
0xc3: {  	v1 =	vld @!p1 [tilespmem:s0+$0x14100];
	_ =	sdelay $0x4  }
0xc4: {  	v2 =	vand.u32 @!p1 $0xFFFF, v1;
	v1 =	vshrl.u32 @!p1 v1, $0x10  }
0xc5: {  	[tilespmem:$0x17800] =	vst @!p1 v2  }
0xc6: {  	[tilespmem:$0x17880] =	vst @!p1 v1  }
0xc7: {  	v1 =	vld @!p1 [tilespmem:s0+$0x14110];
	_ =	sdelay $0x4  }
0xc8: {  	v2 =	vand.u32 @!p1 $0xFFFF, v1;
	v1 =	vshrl.u32 @!p1 v1, $0x10  }
0xc9: {  	[tilespmem:$0x17810] =	vst @!p1 v2  }
0xca: {  	[tilespmem:$0x17890] =	vst @!p1 v1  }
0xcb: {  	v1 =	vld @!p1 [tilespmem:s0+$0x14120];
	_ =	sdelay $0x4  }
0xcc: {  	v2 =	vand.u32 @!p1 $0xFFFF, v1;
	v1 =	vshrl.u32 @!p1 v1, $0x10  }
0xcd: {  	[tilespmem:$0x17820] =	vst @!p1 v2  }
0xce: {  	[tilespmem:$0x178A0] =	vst @!p1 v1  }
0xcf: {  	v1 =	vld @!p1 [tilespmem:s0+$0x14130];
	_ =	sdelay $0x4  }
0xd0: {  	v2 =	vand.u32 @!p1 $0xFFFF, v1;
	v1 =	vshrl.u32 @!p1 v1, $0x10  }
0xd1: {  	[tilespmem:$0x17830] =	vst @!p1 v2  }
0xd2: {  	[tilespmem:$0x178B0] =	vst @!p1 v1  }
0xd3: {  	v1 =	vld @!p1 [tilespmem:s0+$0x14140];
	_ =	sdelay $0x2  }
0xd4: {  	s18 =	simm.s32 @!p1 $0x17800;
	s22 =	simm.s32 @!p1 $0x17A00;
	s3 =	simm.s32 @!p1 $0x60  }
.Ltmp1:
0xd5: {  	(pc) =	sbr.rel @p0 .LBB2_4-.Ltmp1, $4  }
0xd6: {  	v2 =	vand.u32 @!p1 $0xFFFF, v1;
	v1 =	vshrl.u32 @!p1 v1, $0x10  }
0xd7: {  	[tilespmem:$0x17840] =	vst @!p1 v2  }
0xd8: {  	[tilespmem:$0x178C0] =	vst @!p1 v1  }
0xd9: {  	v1 =	vld @!p1 [tilespmem:s0+$0x14150]  }
0xda: {  	_ =	sdelay $0x3  }
0xdb: {  	v2 =	vand.u32 @!p1 $0xFFFF, v1  }
0xdc: {  	v1 =	vshrl.u32 @!p1 v1, $0x10;
	[tilespmem:$0x17850] =	vst @!p1 v2  }
0xdd: {  	[tilespmem:$0x178D0] =	vst @!p1 v1  }
0xde: {  	[tilespmem:s22], [sflag:$0x1] =	stream.indirect.gather @!p1 [hbm4b:s4+s3], $0x80, s18, s3, $0xb8;
	[tilespmem:$0x1DA00] =	vst v63  }
0xdf: {  	_ =	swait.ge [sflag:s28], $0x3000  }
0xe0: {  	[sflag:s28] =	ssyncset.done $0x0  }
0xe1: {  	[sflag:s28] =	ssyncadd.s32 $0xFFFFD000  }
0xe2: {  	[spmem:s2] =	stream.indirect.scatter.add.f32 [tilespmem:s24], [sflag:$0x3], $0x80, s29, s21, $0xb8;
	[tilespmem:$0x1DA00] =	vst v63  }
0xe3: {  	_ =	swait.ge [sflag:s19], $0x3000  }
0xe4: {  	s0 =	sshll.u32 s1, $0x6;
	s30 =	sadd.s32 $0x1, s30;
	[sflag:s19] =	ssyncset.done $0x0  }
0xe5: {  	s31 =	sshrl.u32 s5, $0x3;
	p0 =	sne.s32 s30, s17;
	[sflag:s19] =	ssyncadd.s32 $0xFFFFD000  }
.Ltmp2:
0xe6: {  	s0 =	sor.u32 $0x1C03, s0;
	[bflag:$0x0] =	sbarrier.arrive $0xFFFF;
	(pc) =	sbr.rel @p0 .LBB2_1-.Ltmp2, $4  }
0xe7: {  	[hbm:s16], [sflag:s0] =	dma.local [spmem:s31], $0x2800  }
0xe8: {  	_ =	swait.ge [sflag:s19], $0x2800  }
0xe9: {  	[sflag:s19] =	ssyncset.done $0x0  }
0xea: {  	[sflag:s19] =	ssyncadd.s32 $0xFFFFD800  }
0xeb: {  	_ =	sfence.sel $0x180000  }
0xec: {  	[bflag:$0x0] =	sbarrier.arrive $0xFFFF  }
0xed: {  	_ =	strace $0x9000004D  }
0xee: {  	[bflag:$0x2] =	sbarrier.arrive $0xFFFF  }
0xef: {  	p0 =	sne.s32 s1, $0x0;
	s0 =	rddreg [dreg:$0x2]  }
0xf0: {  	s0 =	sadd.s32 @!p0 $0x100000, s0  }
0xf1: {  	[sflag:s0] =	ssyncadd.tile.s32 @!p0 $0x1;
	_ =	shalt  }
.Lfunc_end2:
_tile_overlayer_lowered:
.L_overlay_start_2:
0xf2: {  	(tag) =	ssettag $0x2  }
0xf3: {  	s0 =	rddreg [dreg:$0x0];
	s2 =	stileid.u32  }
0xf4: {  	s1 =	rddreg [dreg:$0x1];
	p0 =	sne.s32 s2, $0x0  }
0xf5: {  	s3 =	rddreg [dreg:$0x2];
	[bflag:$0x3] =	sbarrier.arrive $0xFFFF;
	s2 =	simm.s32 @!p0 $0x1C03  }
0xf6: {  	[timem:s3], [sflag:s2] =	dma.local @!p0 [hbm:s0], s1  }
0xf7: {  	s0 =	simm.s32 @!p0 $0x3  }
0xf8: {  	_ =	swait.ge @!p0 [sflag:s0], s1  }
0xf9: {  	s1 =	ssub.s32 @!p0 $0x0, s1;
	[sflag:s0] =	ssyncset.done @!p0 $0x0  }
0xfa: {  	[sflag:s0] =	ssyncadd.s32 @!p0 s1  }
0xfb: {  	[bflag:$0x3] =	sbarrier.arrive $0xFFFF  }
0xfc: {  	_ =	shalt  }

// kernel: kernel.20.cloned.1.call-start
scs
__scs_entry_jumppad:
0x0: {  	(pc) =	sbr.rel $0x88, $3  }
0x1: {  	(tag) =	ssettag $0x0;
	lr =	simm.s32 $0x1  }
0x2: {  	[smem:$0x3F95] =	sst lr;
	_ =	strace $0xD0000000  }
0x3: {  	_ = 	snop  }
0x4: {  	_ = 	snop  }
0x5: {  	_ = 	snop  }
0x6: {  	_ = 	snop  }
0x7: {  	_ = 	snop  }
__scs_overlays_trampoline_lowered:
0x8: {  	[smem:$0x3FA4] =	sst s0  }
0x9: {  	[smem:$0x3FA5] =	sst s1  }
0xa: {  	[smem:$0x3FA6] =	sst s2  }
0xb: {  	[smem:$0x3FA7] =	sst s3  }
0xc: {  	[smem:$0x3FA8] =	sst s4  }
0xd: {  	[smem:$0x3FA9] =	sst s5  }
0xe: {  	[smem:$0x3FAA] =	sst s6  }
0xf: {  	[smem:$0x3FAB] =	sst s7  }
0x10: {  	[smem:$0x3FAC] =	sst s8  }
0x11: {  	[smem:$0x3FAD] =	sst s9;
	s0 =	simm.s32 @!p0 $0x0  }
0x12: {  	s1 =	sld [smem:$0x3F93];
	s0 =	simm.s32 @p0 $0x1  }
0x13: {  	[smem:$0x3FAE] =	sst s0;
	s0 =	simm.s32 @!p1 $0x0  }
0x14: {  	s2 =	sld [smem:$0x3F92];
	s0 =	simm.s32 @p1 $0x1  }
0x15: {  	[smem:$0x3FAF] =	sst s0;
	s0 =	simm.s32 @!p2 $0x0  }
0x16: {  	s3 =	sld [smem:$0x3FDB];
	s0 =	simm.s32 @p2 $0x1  }
0x17: {  	s4 =	simm.s32 $0x1BF5;
	[smem:$0x3FB1] =	sst s0  }
0x18: {  	s0 =	sld [smem:$0x3F94];
	_ =	swait.ge [sflag:s4], $0x0  }
0x19: {  	s7 =	sld [smem:$0x3F95]  }
0x1a: {  	s8 =	sadd.s32 $0xFFFFE003, lr  }
0x1b: {  	s9 =	sadd.s32 $0xFFFFFEF7, lr;
	s5 =	simm.s32 $0xFFFFFFFF;
	p2 =	slt.u32 s8, $0xFFFFF086  }
0x1c: {  	p1 =	slt.u32 s9, $0xF7A;
	s5 =	simm.s32 @!p2 $0x0  }
0x1d: {  	s5 =	simm.s32 @p1 $0x1;
	p0 =	seq.s32 s7, s2  }
0x1e: {  	s7 =	smul.u32 @!p0 $0xF7A, s2;
	p2 =	seq.s32 @!p0 s5, $0x0  }
0x1f: {  	s9 =	smul.u32 $0xF7A, s1;
	s8 =	simm.s32 @!p0 $0x1BF5;
	p2 =	por !p2, p0  }
0x20: {  	[sflag:s8] =	ssyncset.s32 @!p0 $0xFFFFF086;
	s6 =	sadd.s32 @!p0 s3, s7;
	s7 =	simm.s32 @!p0 $0x108  }
0x21: {  	s3 =	sadd.s32 s3, s9;
	s6 =	sadd.s32 @!p0 $0x88, s6;
	s7 =	simm.s32 @p2 $0x1082  }
0x22: {  	[simem:s7], [sflag:s8] =	dma.local @!p0 [hbm:s6], $0xF7A  }
0x23: {  	s9 =	sor.u32 $0xD0000000, s2;
	s6 =	simm.s32 $0x108;
	_ =	swait.ge @!p0 [sflag:s8], $0x0  }
0x24: {  	s3 =	sadd.s32 $0x88, s3;
	s6 =	simm.s32 @!p1 $0x1082;
	[sflag:s4] =	ssyncset.s32 $0xFFFFF086  }
0x25: {  	[simem:s6], [sflag:s4] =	dma.local [hbm:s3], $0xF7A  }
0x26: {  	[smem:$0x3F95] =	sst s1;
	(tag) =	ssettag s2;
	_ =	strace s9  }
0x27: {  	s1 =	sld [smem:$0x3FA5]  }
0x28: {  	s2 =	sld [smem:$0x3FA6]  }
0x29: {  	s4 =	sld [smem:$0x3FA8]  }
0x2a: {  	p0 =	seq.s32 s5, $0x0;
	s5 =	sld [smem:$0x3FA9]  }
0x2b: {  	s6 =	sld [smem:$0x3FAA]  }
0x2c: {  	s7 =	sld [smem:$0x3FAB]  }
0x2d: {  	s3 =	simm.s32 $0x108;
	s8 =	sld [smem:$0x3FAC]  }
0x2e: {  	s3 =	simm.s32 @!p0 $0x1082;
	s9 =	sld [smem:$0x3FAD]  }
0x2f: {  	lr =	sadd.s32 s0, s3;
	s0 =	sld [smem:$0x3FA4]  }
0x30: {  	s3 =	sld [smem:$0x3FA7]  }
0x31: {  	[smem:$0x3FB0] =	sst s10  }
0x32: {  	s10 =	sld [smem:$0x3FAE];
	_ =	sdelay $0x3  }
0x33: {  	p0 =	seq.s32 s10, $0x1;
	s10 =	sld [smem:$0x3FB0];
	_ =	sdelay $0x3  }
0x34: {  	[smem:$0x3FB0] =	sst s10  }
0x35: {  	s10 =	sld [smem:$0x3FAF];
	_ =	sdelay $0x3  }
0x36: {  	p1 =	seq.s32 s10, $0x1;
	s10 =	sld [smem:$0x3FB0];
	_ =	sdelay $0x3  }
0x37: {  	[smem:$0x3FB0] =	sst s10  }
0x38: {  	s10 =	sld [smem:$0x3FB1]  }
0x39: {  	_ = 	snop;
	(pc) =	sbr.ind lr, $3  }
0x3a: {  	_ = 	snop  }
0x3b: {  	_ = 	snop  }
0x3c: {  	p2 =	seq.s32 s10, $0x1;
	s10 =	sld [smem:$0x3FB0]  }
0x3d: {  	_ =	shalt  }
0x3e: {  	_ =	shalt  }
0x3f: {  	_ =	shalt  }
0x40: {  	_ =	shalt  }
0x41: {  	_ =	shalt  }
0x42: {  	_ =	shalt  }
0x43: {  	_ =	shalt  }
0x44: {  	_ =	shalt  }
0x45: {  	_ =	shalt  }
0x46: {  	_ =	shalt  }
0x47: {  	_ =	shalt  }
0x48: {  	_ =	shalt  }
0x49: {  	_ =	shalt  }
0x4a: {  	_ =	shalt  }
0x4b: {  	_ =	shalt  }
0x4c: {  	_ =	shalt  }
0x4d: {  	_ =	shalt  }
0x4e: {  	_ =	shalt  }
0x4f: {  	_ =	shalt  }
0x50: {  	_ =	shalt  }
0x51: {  	_ =	shalt  }
0x52: {  	_ =	shalt  }
0x53: {  	_ =	shalt  }
0x54: {  	_ =	shalt  }
0x55: {  	_ =	shalt  }
0x56: {  	_ =	shalt  }
0x57: {  	_ =	shalt  }
0x58: {  	_ =	shalt  }
0x59: {  	_ =	shalt  }
0x5a: {  	_ =	shalt  }
0x5b: {  	_ =	shalt  }
0x5c: {  	_ =	shalt  }
0x5d: {  	_ =	shalt  }
0x5e: {  	_ =	shalt  }
0x5f: {  	_ =	shalt  }
0x60: {  	_ =	shalt  }
0x61: {  	_ =	shalt  }
0x62: {  	_ =	shalt  }
0x63: {  	_ =	shalt  }
0x64: {  	_ =	shalt  }
0x65: {  	_ =	shalt  }
0x66: {  	_ =	shalt  }
0x67: {  	_ =	shalt  }
0x68: {  	_ =	shalt  }
0x69: {  	_ =	shalt  }
0x6a: {  	_ =	shalt  }
0x6b: {  	_ =	shalt  }
0x6c: {  	_ =	shalt  }
0x6d: {  	_ =	shalt  }
0x6e: {  	_ =	shalt  }
0x6f: {  	_ =	shalt  }
0x70: {  	_ =	shalt  }
0x71: {  	_ =	shalt  }
0x72: {  	_ =	shalt  }
0x73: {  	_ =	shalt  }
0x74: {  	_ =	shalt  }
0x75: {  	_ =	shalt  }
0x76: {  	_ =	shalt  }
0x77: {  	_ =	shalt  }
0x78: {  	_ =	shalt  }
0x79: {  	_ =	shalt  }
0x7a: {  	_ =	shalt  }
0x7b: {  	_ =	shalt  }
0x7c: {  	_ =	shalt  }
0x7d: {  	_ =	shalt  }
0x7e: {  	_ =	shalt  }
0x7f: {  	_ =	shalt  }
0x80: {  	_ =	shalt  }
0x81: {  	_ =	shalt  }
0x82: {  	_ =	shalt  }
0x83: {  	_ =	shalt  }
0x84: {  	_ =	shalt  }
0x85: {  	_ =	shalt  }
0x86: {  	_ =	shalt  }
0x87: {  	_ =	shalt  }
.Lfunc_end0:
.L_simem_size_0:
called_computation.3_lowered:
.L_overlay_start_0:
0x88: {  	s2 =	sld [smem:$0x3FD9]  }
0x89: {  	s3 =	sld [smem:$0x3FFE];
	_ =	sdelay $0x1  }
0x8a: {  	s1 =	srdreg.scid  }
0x8b: {  	s0 =	sand.u32 $0x1, s1  }
0x8c: {  	s16 =	sshll.u32 s0, $0xA;
	s2 =	sadd.s32 s3, s2  }
0x8d: {  	s2 =	sadd.s32 s2, s16  }
0x8e: {  	[smem:$0x3FBC] =	sst s2  }
0x8f: {  	_ = 	snop  }
0x90: {  	(tm) =	ssettm $0x1  }
0x91: {  	s17 =	sld [smem:$0x3FFB];
	_ =	sdelay $0x3  }
0x92: {  	_ =	strace s17  }
0x93: {  	s2 =	sld [smem:$0x3FFC];
	_ =	sdelay $0x3  }
0x94: {  	_ =	strace s2  }
0x95: {  	s2 =	sld [smem:$0x3FFD];
	_ =	sdelay $0x3  }
0x96: {  	_ =	strace s2  }
0x97: {  	_ =	strace $0x8FFFFFFF  }
0x98: {  	s18 =	sld [smem:$0x3FDB];
	_ =	sdelay $0x1  }
0x99: {  	s19 =	simm.s32 $_scs_section_size  }
0x9a: {  	s4 =	simm.s32 $_size__tile_overlayer_lowered;
	s5 =	simm.s32 $_tile_overlayer_lowered  }
0x9b: {  	s22 =	simm.s32 $0x1BFF;
	s21 =	sshll.u32 s5, $0x1;
	s2 =	sadd.s32 s19, s18  }
0x9c: {  	s6 =	simm.s32 $0x0;
	s20 =	sshll.u32 s4, $0x1;
	s4 =	sadd.s32 s21, s2  }
0x9d: {  	[timem:s6], [sflag:s22] =	dma.local [hbm:s4], s20  }
0x9e: {  	_ =	swait.ge [sflag:s22], s20  }
0x9f: {  	s3 =	ssub.s32 $0x0, s20;
	[sflag:s22] =	ssyncset.done $0x0  }
0xa0: {  	[sflag:s22] =	ssyncadd.s32 s3;
	_ =	sdelay $0x1  }
0xa1: {  	s23 =	simm.s32 $0x1B8B  }
0xa2: {  	_ =	swait.ge [sflag:s23], $0x1  }
0xa3: {  	[sflag:s23] =	ssyncset.done $0x0  }
0xa4: {  	s25 =	simm.s32 $0x1B8E;
	s24 =	sld [smem:$0x3FFE];
	[sflag:s23] =	ssyncadd.s32 $0xFFFFFFFF  }
0xa5: {  	s26 =	simm.s32 $execute0_lowered;
	[smem:$0x3FD2] =	sst s25  }
0xa6: {  	s4 =	sshll.u32 s26, $0x1;
	_ =	strace $0x8000004F;
	[dreg:$0x1] =	wrdreg $0xFFFFFFFF  }
0xa7: {  	s28 =	simm.s32 $_size_execute0_lowered;
	s2 =	sadd.s32 s2, s4;
	[dreg:$0x0] =	wrdreg $0x0  }
0xa8: {  	s4 =	sshll.u32 s28, $0x1;
	[dreg:$0x2] =	wrdreg s2  }
0xa9: {  	[dreg:$0x3] =	wrdreg s4  }
0xaa: {  	[dreg:$0x4] =	wrdreg $0xC0  }
0xab: {  	_ =	task [dreg:s6], $0x5FFFF  }
0xac: {  	[dreg:$0x1] =	wrdreg $0xFFFFFFFF  }
0xad: {  	[dreg:$0x0] =	wrdreg $0x60  }
0xae: {  	[dreg:$0x2] =	wrdreg s24  }
0xaf: {  	[dreg:$0x3] =	wrdreg $0x0  }
0xb0: {  	[dreg:$0x4] =	wrdreg $0x9  }
0xb1: {  	_ =	task.clear_ibuf [dreg:s6], $0x5FFFF;
	_ =	strace $0x9000004F  }
0xb2: {  	s29 =	simm.s32 $0x9;
	_ =	strace $0x80000051  }
0xb3: {  	_ =	swait.ge [sflag:s29], $0x1  }
0xb4: {  	[sflag:s29] =	ssyncadd.s32 $0xFFFFFFFF  }
0xb5: {  	_ =	strace $0x90000051  }
0xb6: {  	_ =	sfence  }
0xb7: {  	s30 =	sld [smem:$0x0];
	_ =	sdelay $0x2  }
0xb8: {  	s31 =	sshll.u32 s1, $0xD;
	s1 =	sshrl.u32 s1, $0x2  }
0xb9: {  	s3 =	sand.u32 $0x4000, s31;
	s1 =	sadd.s32 s1, s30  }
0xba: {  	s0 =	sor.u32 s3, s0;
	s1 =	sshll.u32 s1, $0x11  }
0xbb: {  	s0 =	sor.u32 s1, s0  }
0xbc: {  	s0 =	sadd.s32 $0x8F2B, s0  }
0xbd: {  	[sflag:s0] =	ssyncadd.remote.s32 $0x1  }
0xbe: {  	_ =	sfence.sel $0xFFFF  }
0xbf: {  	[dreg:$0x0] =	wrdreg $0xFFFFFFFF;
	(pc) =	sbr.abs _section_cstart, $3  }
0xc0: {  	[dreg:$0x1] =	wrdreg $0xFFFFFFFF  }
0xc1: {  	_ =	task.clear_ibuf [dreg:s6], $0x2FFFF;
	_ =	strace $0x9FFFFFFF  }
0xc2: {  	(tm) =	ssettm $0x7FFFFFFF  }
0xc3: {  	_ =	shalt  }
tec
execute0_lowered:
.L_overlay_start_1:
0x0: {  	(tag) =	ssettag $0x1  }
0x1: {  	s0 =	rddreg [dreg:$0x0];
	s1 =	srdreg.scid  }
0x2: {  	s2 =	rddreg [dreg:$0x1];
	s6 =	simm.s32 $0x0;
	s3 =	sand.u32 $0x1, s1  }
0x3: {  	s19 =	simm.s32 $0x3;
	s1 =	stileid.u32;
	s4 =	smul.u32 $0x38000, s3  }
0x4: {  	s20 =	simm.s32 $0x17A00;
	s21 =	simm.s32 $0x60;
	s5 =	smul.u32 $0x3800, s1  }
0x5: {  	s23 =	simm.s32 $0x17900;
	s28 =	simm.s32 $0x2;
	s24 =	smul.u32 $0x140000, s3  }
0x6: {  	s29 =	simm.s32 $0x17980;
	s30 =	simm.s32 $0x0;
	s7 =	smul.u32 $0x14000, s1  }
0x7: {  	[smem:$0x7FF] =	sst s6;
	s8 =	smul.u32 $0x50000, s1;
	s3 =	ssub.s32 $0x2, s3  }
0x8: {  	_ =	strace $0x80000050;
	s26 =	sshrl.u32 s3, $0x1;
	s5 =	sadd.s32 s5, s4  }
0x9: {  	s4 =	sadd.s32 $0x14000, s0;
	s25 =	sadd.s32 s7, s24;
	s31 =	sshrl.u32 s8, $0x2  }
0xa: {  	s3 =	ssub.s32 s3, s26;
	s24 =	simm.s32 $0x1AA00;
	s5 =	sshrl.u32 s5, $0x3  }
0xb: {  	s26 =	simm.s32 $0x17880;
	s9 =	sadd.s32 s5, s0;
	s5 =	sshrl.u32 s25, $0x3  }
0xc: {  	s17 =	smax.u32 s3, $0x1;
	s0 =	sadd.s32 s5, s0;
	s5 =	sadd.s32 s31, s2  }
0xd: {  	s25 =	simm.s32 $0x1;
	s6 =	sadd.s32 $0x6000, s9;
	s7 =	sadd.s32 $0x2000, s5  }
0xe: {  	s8 =	sadd.s32 $0x4000, s5;
	s9 =	sadd.s32 $0x6000, s5;
	s10 =	sadd.s32 $0x8000, s5  }
0xf: {  	s11 =	sadd.s32 $0xA000, s5;
	s12 =	sadd.s32 $0xC000, s5;
	s13 =	sadd.s32 $0xE000, s5  }
0x10: {  	v0 =	vimm.f32 $0.0e+00;
	s14 =	sadd.s32 $0x10000, s5;
	s15 =	sadd.s32 $0x12000, s5;
	s16 =	sadd.s32 $0x64000, s0  }
.LBB2_1:
0x11: {  	s0 =	simm.s32 $0x0;
	s3 =	simm.s32 $0x14000  }
0x12: {  	[tilespmem:s3], [sflag:$0x3] =	stream.linear.gather [hbm4b:s6+s0], $0x3500, $0x38;
	[tilespmem:$0x1DA00] =	vst v63  }
0x13: {  	_ =	swait.ge [sflag:s19], $0x3500  }
0x14: {  	[sflag:s19] =	ssyncset.done $0x0  }
0x15: {  	s0 =	simm.s32 $0x0;
	s3 =	simm.s32 $0x200;
	[sflag:s19] =	ssyncadd.s32 $0xFFFFCB00  }
.LBB2_2:
0x16: {  	p0 =	sne.s32 s3, $0x7E00;
	[tilespmem:s0+$0x17A70] =	vst v0  }
0x17: {  	[tilespmem:s0+$0x17A00] =	vst v0  }
0x18: {  	[tilespmem:s0+$0x17A10] =	vst v0  }
.Ltmp0:
0x19: {  	[tilespmem:s0+$0x17A20] =	vst v0;
	(pc) =	sbr.rel @p0 .LBB2_2-.Ltmp0, $4  }
0x1a: {  	[tilespmem:s0+$0x17A30] =	vst v0  }
0x1b: {  	[tilespmem:s0+$0x17A40] =	vst v0  }
0x1c: {  	[tilespmem:s0+$0x17A50] =	vst v0  }
0x1d: {  	[tilespmem:s0+$0x17A60] =	vst v0;
	s0 =	sshra.s32 s3, $0x2;
	s3 =	sadd.s32 $0x200, s3  }
0x1e: {  	[tilespmem:s0+$0x17A70] =	vst v0  }
0x1f: {  	[tilespmem:s0+$0x17A00] =	vst v0  }
0x20: {  	[tilespmem:s0+$0x17A10] =	vst v0  }
0x21: {  	[tilespmem:s0+$0x17A20] =	vst v0  }
0x22: {  	[tilespmem:s0+$0x17A30] =	vst v0  }
0x23: {  	[tilespmem:s0+$0x17A40] =	vst v0  }
0x24: {  	[tilespmem:s0+$0x17A50] =	vst v0  }
0x25: {  	[tilespmem:s0+$0x17A60] =	vst v0  }
0x26: {  	[spmem:s5] =	stream.linear.scatter [tilespmem:s20], [sflag:$0x3], $0x2000, $0x38;
	[tilespmem:$0x1DA00] =	vst v63  }
0x27: {  	_ =	swait.ge [sflag:s19], $0x2000  }
0x28: {  	[sflag:s19] =	ssyncset.done $0x0  }
0x29: {  	[sflag:s19] =	ssyncadd.s32 $0xFFFFE000  }
0x2a: {  	[spmem:s7] =	stream.linear.scatter [tilespmem:s20], [sflag:$0x3], $0x2000, $0x38;
	[tilespmem:$0x1DA00] =	vst v63  }
0x2b: {  	_ =	swait.ge [sflag:s19], $0x2000  }
0x2c: {  	[sflag:s19] =	ssyncset.done $0x0  }
0x2d: {  	[sflag:s19] =	ssyncadd.s32 $0xFFFFE000  }
0x2e: {  	[spmem:s8] =	stream.linear.scatter [tilespmem:s20], [sflag:$0x3], $0x2000, $0x38;
	[tilespmem:$0x1DA00] =	vst v63  }
0x2f: {  	_ =	swait.ge [sflag:s19], $0x2000  }
0x30: {  	[sflag:s19] =	ssyncset.done $0x0  }
0x31: {  	[sflag:s19] =	ssyncadd.s32 $0xFFFFE000  }
0x32: {  	[spmem:s9] =	stream.linear.scatter [tilespmem:s20], [sflag:$0x3], $0x2000, $0x38;
	[tilespmem:$0x1DA00] =	vst v63  }
0x33: {  	_ =	swait.ge [sflag:s19], $0x2000  }
0x34: {  	[sflag:s19] =	ssyncset.done $0x0  }
0x35: {  	[sflag:s19] =	ssyncadd.s32 $0xFFFFE000  }
0x36: {  	[spmem:s10] =	stream.linear.scatter [tilespmem:s20], [sflag:$0x3], $0x2000, $0x38;
	[tilespmem:$0x1DA00] =	vst v63  }
0x37: {  	_ =	swait.ge [sflag:s19], $0x2000  }
0x38: {  	[sflag:s19] =	ssyncset.done $0x0  }
0x39: {  	[sflag:s19] =	ssyncadd.s32 $0xFFFFE000  }
0x3a: {  	[spmem:s11] =	stream.linear.scatter [tilespmem:s20], [sflag:$0x3], $0x2000, $0x38;
	[tilespmem:$0x1DA00] =	vst v63  }
0x3b: {  	_ =	swait.ge [sflag:s19], $0x2000  }
0x3c: {  	[sflag:s19] =	ssyncset.done $0x0  }
0x3d: {  	[sflag:s19] =	ssyncadd.s32 $0xFFFFE000  }
0x3e: {  	[spmem:s12] =	stream.linear.scatter [tilespmem:s20], [sflag:$0x3], $0x2000, $0x38;
	[tilespmem:$0x1DA00] =	vst v63  }
0x3f: {  	_ =	swait.ge [sflag:s19], $0x2000  }
0x40: {  	[sflag:s19] =	ssyncset.done $0x0  }
0x41: {  	[sflag:s19] =	ssyncadd.s32 $0xFFFFE000  }
0x42: {  	[spmem:s13] =	stream.linear.scatter [tilespmem:s20], [sflag:$0x3], $0x2000, $0x38;
	[tilespmem:$0x1DA00] =	vst v63  }
0x43: {  	_ =	swait.ge [sflag:s19], $0x2000  }
0x44: {  	[sflag:s19] =	ssyncset.done $0x0  }
0x45: {  	[sflag:s19] =	ssyncadd.s32 $0xFFFFE000  }
0x46: {  	[spmem:s14] =	stream.linear.scatter [tilespmem:s20], [sflag:$0x3], $0x2000, $0x38;
	[tilespmem:$0x1DA00] =	vst v63  }
0x47: {  	_ =	swait.ge [sflag:s19], $0x2000  }
0x48: {  	[sflag:s19] =	ssyncset.done $0x0  }
0x49: {  	[sflag:s19] =	ssyncadd.s32 $0xFFFFE000  }
0x4a: {  	[spmem:s15] =	stream.linear.scatter [tilespmem:s20], [sflag:$0x3], $0x2000, $0x38;
	[tilespmem:$0x1DA00] =	vst v63  }
0x4b: {  	_ =	swait.ge [sflag:s19], $0x2000  }
0x4c: {  	[sflag:s19] =	ssyncset.done $0x0  }
0x4d: {  	[sflag:s19] =	ssyncadd.s32 $0xFFFFE000  }
0x4e: {  	[bflag:$0x0] =	sbarrier.arrive $0xFFFF  }
0x4f: {  	v1 =	vld [tilespmem:$0x14000];
	_ =	sdelay $0x1  }
0x50: {  	v2 =	vld [tilespmem:$0x14010];
	_ =	sdelay $0x1  }
0x51: {  	v3 =	vld [tilespmem:$0x14020]  }
0x52: {  	v4 =	vand.u32 $0xFFFF, v1  }
0x53: {  	v63 =	vld [tilespmem:$0x14030];
	v1 =	vshrl.u32 v1, $0x10;
	[tilespmem:$0x17800] =	vst v4  }
0x54: {  	[tilespmem:$0x17880] =	vst v1;
	v1 =	vand.u32 $0xFFFF, v2  }
0x55: {  	[tilespmem:$0x17810] =	vst v1;
	v1 =	vshrl.u32 v2, $0x10;
	v2 =	vld [tilespmem:$0x14040]  }
0x56: {  	[tilespmem:$0x17890] =	vst v1;
	v1 =	vand.u32 $0xFFFF, v3  }
0x57: {  	[tilespmem:$0x17820] =	vst v1;
	v1 =	vshrl.u32 v3, $0x10;
	v3 =	vld [tilespmem:$0x14050]  }
0x58: {  	[tilespmem:$0x178A0] =	vst v1;
	v1 =	vand.u32 $0xFFFF, v63  }
0x59: {  	[tilespmem:$0x17830] =	vst v1;
	v1 =	vshrl.u32 v63, $0x10  }
0x5a: {  	[tilespmem:$0x178B0] =	vst v1;
	v1 =	vand.u32 $0xFFFF, v2  }
0x5b: {  	[tilespmem:$0x17840] =	vst v1;
	v1 =	vshrl.u32 v2, $0x10  }
0x5c: {  	[tilespmem:$0x178C0] =	vst v1;
	v1 =	vand.u32 $0xFFFF, v3  }
0x5d: {  	[tilespmem:$0x17850] =	vst v1;
	v1 =	vshrl.u32 v3, $0x10  }
0x5e: {  	s18 =	simm.s32 $0x17800;
	s22 =	simm.s32 $0x0;
	[tilespmem:$0x178D0] =	vst v1  }
0x5f: {  	[tilespmem:s20], [sflag:$0x1] =	stream.indirect.gather [hbm4b:s4+s21], $0x80, s18, s21, $0xb8;
	[tilespmem:$0x1DA00] =	vst v63  }
0x60: {  	v1 =	vld [tilespmem:s22+$0x14080];
	_ =	sdelay $0x4  }
0x61: {  	v2 =	vand.u32 $0xFFFF, v1  }
0x62: {  	v1 =	vshrl.u32 v1, $0x10;
	[tilespmem:$0x17900] =	vst v2  }
0x63: {  	[tilespmem:$0x17980] =	vst v1  }
0x64: {  	v1 =	vld [tilespmem:s22+$0x14090];
	_ =	sdelay $0x4  }
0x65: {  	v2 =	vand.u32 $0xFFFF, v1  }
0x66: {  	v1 =	vshrl.u32 v1, $0x10;
	[tilespmem:$0x17910] =	vst v2  }
0x67: {  	[tilespmem:$0x17990] =	vst v1  }
0x68: {  	v1 =	vld [tilespmem:s22+$0x140A0];
	_ =	sdelay $0x4  }
0x69: {  	v2 =	vand.u32 $0xFFFF, v1  }
0x6a: {  	v1 =	vshrl.u32 v1, $0x10;
	[tilespmem:$0x17920] =	vst v2  }
0x6b: {  	[tilespmem:$0x179A0] =	vst v1  }
0x6c: {  	v1 =	vld [tilespmem:s22+$0x140B0];
	_ =	sdelay $0x4  }
0x6d: {  	v2 =	vand.u32 $0xFFFF, v1  }
0x6e: {  	v1 =	vshrl.u32 v1, $0x10;
	[tilespmem:$0x17930] =	vst v2  }
0x6f: {  	[tilespmem:$0x179B0] =	vst v1  }
0x70: {  	v1 =	vld [tilespmem:s22+$0x140C0];
	_ =	sdelay $0x4  }
0x71: {  	v2 =	vand.u32 $0xFFFF, v1  }
0x72: {  	v1 =	vshrl.u32 v1, $0x10;
	[tilespmem:$0x17940] =	vst v2  }
0x73: {  	[tilespmem:$0x179C0] =	vst v1  }
0x74: {  	v1 =	vld [tilespmem:s22+$0x140D0];
	_ =	sdelay $0x4  }
0x75: {  	v2 =	vand.u32 $0xFFFF, v1  }
0x76: {  	v1 =	vshrl.u32 v1, $0x10;
	[tilespmem:$0x17950] =	vst v2  }
0x77: {  	[tilespmem:$0x179D0] =	vst v1  }
0x78: {  	[tilespmem:s24], [sflag:$0x2] =	stream.indirect.gather [hbm4b:s4+s21], $0x80, s23, s21, $0xb8;
	[tilespmem:$0x1DA00] =	vst v63  }
0x79: {  	_ =	swait.ge [sflag:s25], $0x3000  }
0x7a: {  	[sflag:s25] =	ssyncset.done $0x0  }
0x7b: {  	[sflag:s25] =	ssyncadd.s32 $0xFFFFD000  }
0x7c: {  	[spmem:s2] =	stream.indirect.scatter.add.f32 [tilespmem:s20], [sflag:$0x3], $0x80, s26, s21, $0xb8;
	[tilespmem:$0x1DA00] =	vst v63  }
0x7d: {  	_ =	swait.ge [sflag:s19], $0x3000  }
0x7e: {  	p1 =	por $0x0, $0x0;
	[sflag:s19] =	ssyncset.done $0x0  }
0x7f: {  	s0 =	simm.s32 @!p1 $0x0;
	[sflag:s19] =	ssyncadd.s32 $0xFFFFD000  }
0x80: {  	v1 =	vld @!p1 [tilespmem:s0+$0x14100];
	_ =	sdelay $0x4  }
0x81: {  	v2 =	vand.u32 @!p1 $0xFFFF, v1  }
0x82: {  	v1 =	vshrl.u32 @!p1 v1, $0x10;
	[tilespmem:$0x17800] =	vst @!p1 v2  }
0x83: {  	[tilespmem:$0x17880] =	vst @!p1 v1  }
0x84: {  	v1 =	vld @!p1 [tilespmem:s0+$0x14110];
	_ =	sdelay $0x4  }
0x85: {  	v2 =	vand.u32 @!p1 $0xFFFF, v1  }
0x86: {  	v1 =	vshrl.u32 @!p1 v1, $0x10;
	[tilespmem:$0x17810] =	vst @!p1 v2  }
0x87: {  	[tilespmem:$0x17890] =	vst @!p1 v1  }
0x88: {  	v1 =	vld @!p1 [tilespmem:s0+$0x14120];
	_ =	sdelay $0x4  }
0x89: {  	v2 =	vand.u32 @!p1 $0xFFFF, v1  }
0x8a: {  	v1 =	vshrl.u32 @!p1 v1, $0x10;
	[tilespmem:$0x17820] =	vst @!p1 v2  }
0x8b: {  	[tilespmem:$0x178A0] =	vst @!p1 v1  }
0x8c: {  	v1 =	vld @!p1 [tilespmem:s0+$0x14130];
	_ =	sdelay $0x4  }
0x8d: {  	v2 =	vand.u32 @!p1 $0xFFFF, v1  }
0x8e: {  	v1 =	vshrl.u32 @!p1 v1, $0x10;
	[tilespmem:$0x17830] =	vst @!p1 v2  }
0x8f: {  	[tilespmem:$0x178B0] =	vst @!p1 v1  }
0x90: {  	v1 =	vld @!p1 [tilespmem:s0+$0x14140];
	_ =	sdelay $0x4  }
0x91: {  	v2 =	vand.u32 @!p1 $0xFFFF, v1  }
0x92: {  	v1 =	vshrl.u32 @!p1 v1, $0x10;
	[tilespmem:$0x17840] =	vst @!p1 v2  }
0x93: {  	s31 =	simm.s32 $0x400;
	[tilespmem:$0x178C0] =	vst @!p1 v1  }
0x94: {  	s3 =	simm.s32 @!p1 $0x60;
	s18 =	simm.s32 @!p1 $0x17800;
	s22 =	simm.s32 @!p1 $0x17A00;
	v1 =	vld @!p1 [tilespmem:s0+$0x14150]  }
.LBB2_4:
0x95: {  	_ =	sdelay $0x1  }
0x96: {  	s0 =	smov.u32 s31;
	s31 =	sadd.s32 $0x400, s31  }
0x97: {  	p0 =	sne.s32 s31, $0xD400  }
0x98: {  	v2 =	vand.u32 @!p1 $0xFFFF, v1;
	v1 =	vshrl.u32 @!p1 v1, $0x10  }
0x99: {  	[tilespmem:$0x17850] =	vst @!p1 v2  }
0x9a: {  	[tilespmem:$0x178D0] =	vst @!p1 v1  }
0x9b: {  	[tilespmem:s22], [sflag:$0x1] =	stream.indirect.gather @!p1 [hbm4b:s4+s3], $0x80, s18, s3, $0xb8;
	[tilespmem:$0x1DA00] =	vst v63  }
0x9c: {  	_ =	swait.ge [sflag:s28], $0x3000  }
0x9d: {  	[sflag:s28] =	ssyncset.done $0x0  }
0x9e: {  	[sflag:s28] =	ssyncadd.s32 $0xFFFFD000  }
0x9f: {  	[spmem:s2] =	stream.indirect.scatter.add.f32 [tilespmem:s24], [sflag:$0x3], $0x80, s29, s21, $0xb8;
	[tilespmem:$0x1DA00] =	vst v63  }
0xa0: {  	_ =	swait.ge [sflag:s19], $0x3000  }
0xa1: {  	[sflag:s19] =	ssyncset.done $0x0  }
0xa2: {  	s3 =	sshra.s32 s0, $0x2;
	[sflag:s19] =	ssyncadd.s32 $0xFFFFD000  }
0xa3: {  	v1 =	vld [tilespmem:s3+$0x14080];
	_ =	sdelay $0x4  }
0xa4: {  	v2 =	vand.u32 $0xFFFF, v1;
	v1 =	vshrl.u32 v1, $0x10  }
0xa5: {  	[tilespmem:$0x17900] =	vst v2  }
0xa6: {  	[tilespmem:$0x17980] =	vst v1  }
0xa7: {  	v1 =	vld [tilespmem:s3+$0x14090];
	_ =	sdelay $0x4  }
0xa8: {  	v2 =	vand.u32 $0xFFFF, v1;
	v1 =	vshrl.u32 v1, $0x10  }
0xa9: {  	[tilespmem:$0x17910] =	vst v2  }
0xaa: {  	[tilespmem:$0x17990] =	vst v1  }
0xab: {  	v1 =	vld [tilespmem:s3+$0x140A0];
	_ =	sdelay $0x4  }
0xac: {  	v2 =	vand.u32 $0xFFFF, v1;
	v1 =	vshrl.u32 v1, $0x10  }
0xad: {  	[tilespmem:$0x17920] =	vst v2  }
0xae: {  	[tilespmem:$0x179A0] =	vst v1  }
0xaf: {  	v1 =	vld [tilespmem:s3+$0x140B0];
	_ =	sdelay $0x4  }
0xb0: {  	v2 =	vand.u32 $0xFFFF, v1;
	v1 =	vshrl.u32 v1, $0x10  }
0xb1: {  	[tilespmem:$0x17930] =	vst v2  }
0xb2: {  	[tilespmem:$0x179B0] =	vst v1  }
0xb3: {  	v1 =	vld [tilespmem:s3+$0x140C0];
	_ =	sdelay $0x4  }
0xb4: {  	v2 =	vand.u32 $0xFFFF, v1;
	v1 =	vshrl.u32 v1, $0x10  }
0xb5: {  	[tilespmem:$0x17940] =	vst v2  }
0xb6: {  	[tilespmem:$0x179C0] =	vst v1  }
0xb7: {  	v1 =	vld [tilespmem:s3+$0x140D0];
	_ =	sdelay $0x4  }
0xb8: {  	v2 =	vand.u32 $0xFFFF, v1;
	v1 =	vshrl.u32 v1, $0x10  }
0xb9: {  	[tilespmem:$0x17950] =	vst v2  }
0xba: {  	p1 =	seq.s32 s0, $0xD000;
	[tilespmem:$0x179D0] =	vst v1  }
0xbb: {  	[tilespmem:s24], [sflag:$0x2] =	stream.indirect.gather [hbm4b:s4+s21], $0x80, s23, s21, $0xb8;
	[tilespmem:$0x1DA00] =	vst v63  }
0xbc: {  	s0 =	sshra.s32 @!p1 s0, $0x2;
	_ =	swait.ge [sflag:s25], $0x3000  }
0xbd: {  	[sflag:s25] =	ssyncset.done $0x0  }
0xbe: {  	[sflag:s25] =	ssyncadd.s32 $0xFFFFD000  }
0xbf: {  	[spmem:s2] =	stream.indirect.scatter.add.f32 [tilespmem:s20], [sflag:$0x3], $0x80, s26, s21, $0xb8;
	[tilespmem:$0x1DA00] =	vst v63  }
0xc0: {  	_ =	swait.ge [sflag:s19], $0x3000  }
0xc1: {  	[sflag:s19] =	ssyncset.done $0x0  }
0xc2: {  	[sflag:s19] =	ssyncadd.s32 $0xFFFFD000  }
0xc3: {  	v1 =	vld @!p1 [tilespmem:s0+$0x14100];
	_ =	sdelay $0x4  }
0xc4: {  	v2 =	vand.u32 @!p1 $0xFFFF, v1;
	v1 =	vshrl.u32 @!p1 v1, $0x10  }
0xc5: {  	[tilespmem:$0x17800] =	vst @!p1 v2  }
0xc6: {  	[tilespmem:$0x17880] =	vst @!p1 v1  }
0xc7: {  	v1 =	vld @!p1 [tilespmem:s0+$0x14110];
	_ =	sdelay $0x4  }
0xc8: {  	v2 =	vand.u32 @!p1 $0xFFFF, v1;
	v1 =	vshrl.u32 @!p1 v1, $0x10  }
0xc9: {  	[tilespmem:$0x17810] =	vst @!p1 v2  }
0xca: {  	[tilespmem:$0x17890] =	vst @!p1 v1  }
0xcb: {  	v1 =	vld @!p1 [tilespmem:s0+$0x14120];
	_ =	sdelay $0x4  }
0xcc: {  	v2 =	vand.u32 @!p1 $0xFFFF, v1;
	v1 =	vshrl.u32 @!p1 v1, $0x10  }
0xcd: {  	[tilespmem:$0x17820] =	vst @!p1 v2  }
0xce: {  	[tilespmem:$0x178A0] =	vst @!p1 v1  }
0xcf: {  	v1 =	vld @!p1 [tilespmem:s0+$0x14130];
	_ =	sdelay $0x4  }
0xd0: {  	v2 =	vand.u32 @!p1 $0xFFFF, v1;
	v1 =	vshrl.u32 @!p1 v1, $0x10  }
0xd1: {  	[tilespmem:$0x17830] =	vst @!p1 v2  }
0xd2: {  	[tilespmem:$0x178B0] =	vst @!p1 v1  }
0xd3: {  	v1 =	vld @!p1 [tilespmem:s0+$0x14140];
	_ =	sdelay $0x2  }
0xd4: {  	s18 =	simm.s32 @!p1 $0x17800;
	s22 =	simm.s32 @!p1 $0x17A00;
	s3 =	simm.s32 @!p1 $0x60  }
.Ltmp1:
0xd5: {  	(pc) =	sbr.rel @p0 .LBB2_4-.Ltmp1, $4  }
0xd6: {  	v2 =	vand.u32 @!p1 $0xFFFF, v1;
	v1 =	vshrl.u32 @!p1 v1, $0x10  }
0xd7: {  	[tilespmem:$0x17840] =	vst @!p1 v2  }
0xd8: {  	[tilespmem:$0x178C0] =	vst @!p1 v1  }
0xd9: {  	v1 =	vld @!p1 [tilespmem:s0+$0x14150]  }
0xda: {  	_ =	sdelay $0x3  }
0xdb: {  	v2 =	vand.u32 @!p1 $0xFFFF, v1  }
0xdc: {  	v1 =	vshrl.u32 @!p1 v1, $0x10;
	[tilespmem:$0x17850] =	vst @!p1 v2  }
0xdd: {  	[tilespmem:$0x178D0] =	vst @!p1 v1  }
0xde: {  	[tilespmem:s22], [sflag:$0x1] =	stream.indirect.gather @!p1 [hbm4b:s4+s3], $0x80, s18, s3, $0xb8;
	[tilespmem:$0x1DA00] =	vst v63  }
0xdf: {  	_ =	swait.ge [sflag:s28], $0x3000  }
0xe0: {  	[sflag:s28] =	ssyncset.done $0x0  }
0xe1: {  	[sflag:s28] =	ssyncadd.s32 $0xFFFFD000  }
0xe2: {  	[spmem:s2] =	stream.indirect.scatter.add.f32 [tilespmem:s24], [sflag:$0x3], $0x80, s29, s21, $0xb8;
	[tilespmem:$0x1DA00] =	vst v63  }
0xe3: {  	_ =	swait.ge [sflag:s19], $0x3000  }
0xe4: {  	s0 =	sshll.u32 s1, $0x6;
	s30 =	sadd.s32 $0x1, s30;
	[sflag:s19] =	ssyncset.done $0x0  }
0xe5: {  	s31 =	sshrl.u32 s5, $0x3;
	p0 =	sne.s32 s30, s17;
	[sflag:s19] =	ssyncadd.s32 $0xFFFFD000  }
.Ltmp2:
0xe6: {  	s0 =	sor.u32 $0x1C03, s0;
	[bflag:$0x0] =	sbarrier.arrive $0xFFFF;
	(pc) =	sbr.rel @p0 .LBB2_1-.Ltmp2, $4  }
0xe7: {  	[hbm:s16], [sflag:s0] =	dma.local [spmem:s31], $0x2800  }
0xe8: {  	_ =	swait.ge [sflag:s19], $0x2800  }
0xe9: {  	[sflag:s19] =	ssyncset.done $0x0  }
0xea: {  	[sflag:s19] =	ssyncadd.s32 $0xFFFFD800  }
0xeb: {  	_ =	sfence.sel $0x180000  }
0xec: {  	[bflag:$0x0] =	sbarrier.arrive $0xFFFF  }
0xed: {  	_ =	strace $0x90000050  }
0xee: {  	[bflag:$0x2] =	sbarrier.arrive $0xFFFF  }
0xef: {  	p0 =	sne.s32 s1, $0x0;
	s0 =	rddreg [dreg:$0x2]  }
0xf0: {  	s0 =	sadd.s32 @!p0 $0x100000, s0  }
0xf1: {  	[sflag:s0] =	ssyncadd.tile.s32 @!p0 $0x1;
	_ =	shalt  }
.Lfunc_end2:
_tile_overlayer_lowered:
.L_overlay_start_2:
0xf2: {  	(tag) =	ssettag $0x2  }
0xf3: {  	s0 =	rddreg [dreg:$0x0];
	s2 =	stileid.u32  }
0xf4: {  	s1 =	rddreg [dreg:$0x1];
	p0 =	sne.s32 s2, $0x0  }
0xf5: {  	s3 =	rddreg [dreg:$0x2];
	[bflag:$0x3] =	sbarrier.arrive $0xFFFF;
	s2 =	simm.s32 @!p0 $0x1C03  }
0xf6: {  	[timem:s3], [sflag:s2] =	dma.local @!p0 [hbm:s0], s1  }
0xf7: {  	s0 =	simm.s32 @!p0 $0x3  }
0xf8: {  	_ =	swait.ge @!p0 [sflag:s0], s1  }
0xf9: {  	s1 =	ssub.s32 @!p0 $0x0, s1;
	[sflag:s0] =	ssyncset.done @!p0 $0x0  }
0xfa: {  	[sflag:s0] =	ssyncadd.s32 @!p0 s1  }
0xfb: {  	[bflag:$0x3] =	sbarrier.arrive $0xFFFF  }
0xfc: {  	_ =	shalt  }

</sc_bundles>
